<compile_context>
chip_gen: v7x
topology: tpu7x:2x2x1
jax: 0.10.2.dev20260603
libtpu: 0.0.44.dev20260713+nightly
codegen_flags: <defaults>
</compile_context>

<pallas_src>
import functools

import jax
import jax.numpy as jnp
from jax import lax
from jax.experimental import pallas as pl
from jax.experimental.pallas import tpu as pltpu
from jax.experimental.pallas import tpu_sc as plsc

N = 10000
E = 320000
NC, NS, LANES = 2, 16, 16
NW = NC * NS
CH = 128
E_PAD = 327680
E_ROWS = E_PAD // CH
CPT32 = E_ROWS // NW
CPT16 = E_ROWS // NS
N_SP = 10112
RPT = N_SP // NS
HPT = 320
H_PAD = HPT * NW

_f32 = jnp.float32
_i32 = jnp.int32


def _mesh():
    return plsc.VectorSubcoreMesh(
        core_axis_name="c", subcore_axis_name="s", num_cores=NC, num_subcores=NS
    )


_SC_PARAMS = pltpu.CompilerParams(use_tc_tiling_on_sc=False)


def _deg_call(dst2d, zeros16, ones16):
    @functools.partial(
        pl.kernel,
        out_type=jax.ShapeDtypeStruct((NC, N_SP, 16), _f32),
        mesh=_mesh(),
        compiler_params=_SC_PARAMS,
        scratch_types=(
            pltpu.VMEM((CPT32, CH), _i32),
            pltpu.VMEM((CH, 16), _f32),
            pltpu.VMEM_SHARED((N_SP, 16), _f32),
            pltpu.SemaphoreType.DMA,
        ),
    )
    def k(dst_h, zer_h, one_h, out_h, dst_v, ones_v, z_sp, ssem):
        c = lax.axis_index("c")
        s = lax.axis_index("s")
        wid = s * NC + c
        row0 = pl.multiple_of(s * RPT, 8)
        pltpu.sync_copy(zer_h.at[pl.ds(row0, RPT)], z_sp.at[pl.ds(row0, RPT)])
        pltpu.sync_copy(dst_h.at[pl.ds(pl.multiple_of(wid * CPT32, 16), CPT32)], dst_v)
        pltpu.sync_copy(one_h, ones_v)
        plsc.subcore_barrier()

        @pl.loop(0, CPT32)
        def _fire(j):
            pltpu.async_copy(ones_v, z_sp.at[dst_v.at[j]], ssem, add=True)

        @pl.loop(0, CPT32)
        def _drain(j):
            pltpu.make_async_copy(ones_v, z_sp.at[dst_v.at[0]], ssem).wait()

        plsc.subcore_barrier()
        pltpu.sync_copy(z_sp.at[pl.ds(row0, RPT)], out_h.at[c, pl.ds(row0, RPT)])

    return k(dst2d, zeros16, ones16)


def _agg_split_call(src2d, dst2d, y2x, zeros64):
    NB = 4

    @functools.partial(
        pl.kernel,
        out_type=jax.ShapeDtypeStruct((NC, N_SP, 64), _f32),
        mesh=_mesh(),
        compiler_params=_SC_PARAMS,
        scratch_types=(
            pltpu.VMEM((CPT16, CH), _i32),
            pltpu.VMEM((CPT16, CH), _i32),
            pltpu.VMEM((NB, CH, 64), _f32),
            pltpu.VMEM_SHARED((N_SP, 64), _f32),
            pltpu.SemaphoreType.DMA((NB,)),
            pltpu.SemaphoreType.DMA((NB,)),
        ),
    )
    def k(src_h, dst_h, y_h, zer_h, out_h, src_v, dst_v, bufs, z_sp, gsem, ssem):
        c = lax.axis_index("c")
        s = lax.axis_index("s")
        row0 = pl.multiple_of(s * RPT, 8)
        pltpu.sync_copy(zer_h.at[pl.ds(row0, RPT)], z_sp.at[pl.ds(row0, RPT)])
        base = pl.multiple_of(s * CPT16, 16)
        pltpu.sync_copy(src_h.at[pl.ds(base, CPT16)], src_v)
        pltpu.sync_copy(dst_h.at[pl.ds(base, CPT16)], dst_v)

        @pl.loop(0, CPT16)
        def _xf(r):
            for u in range(CH // LANES):
                sl = pl.ds(u * LANES, LANES)
                src_v[r, sl] = src_v[r, sl] * 2 + c

        plsc.subcore_barrier()

        for b in range(NB):
            pltpu.async_copy(y_h.at[src_v.at[b]], bufs.at[b], gsem.at[b])

        @pl.loop(0, CPT16, step=NB)
        def _step(i):
            for b in range(NB):
                j = i + b
                pltpu.make_async_copy(y_h.at[src_v.at[0]], bufs.at[b], gsem.at[b]).wait()
                pltpu.async_copy(bufs.at[b], z_sp.at[dst_v.at[j]], ssem.at[b], add=True)
                nxt = j + NB

                @pl.when(nxt < CPT16)
                def _():
                    pltpu.make_async_copy(bufs.at[b], z_sp.at[dst_v.at[0]], ssem.at[b]).wait()
                    pltpu.async_copy(y_h.at[src_v.at[nxt]], bufs.at[b], gsem.at[b])

        for b in range(NB):
            pltpu.make_async_copy(bufs.at[b], z_sp.at[dst_v.at[0]], ssem.at[b]).wait()
        plsc.subcore_barrier()
        pltpu.sync_copy(z_sp.at[pl.ds(row0, RPT)], out_h.at[c, pl.ds(row0, RPT)])

    return k(src2d, dst2d, y2x, zeros64)


def _agg_call(src2d, dst2d, y, zeros64):
    NB = 4

    @functools.partial(
        pl.kernel,
        out_type=jax.ShapeDtypeStruct((NC, N_SP, 64), _f32),
        mesh=_mesh(),
        compiler_params=_SC_PARAMS,
        scratch_types=(
            pltpu.VMEM((CPT32, CH), _i32),
            pltpu.VMEM((CPT32, CH), _i32),
            pltpu.VMEM((NB, CH, 64), _f32),
            pltpu.VMEM_SHARED((N_SP, 64), _f32),
            pltpu.SemaphoreType.DMA((NB,)),
            pltpu.SemaphoreType.DMA((NB,)),
        ),
    )
    def k(src_h, dst_h, y_h, zer_h, out_h, src_v, dst_v, bufs, z_sp, gsem, ssem):
        c = lax.axis_index("c")
        s = lax.axis_index("s")
        wid = s * NC + c
        row0 = pl.multiple_of(s * RPT, 8)
        pltpu.sync_copy(zer_h.at[pl.ds(row0, RPT)], z_sp.at[pl.ds(row0, RPT)])
        base = pl.multiple_of(wid * CPT32, 16)
        pltpu.sync_copy(src_h.at[pl.ds(base, CPT32)], src_v)
        pltpu.sync_copy(dst_h.at[pl.ds(base, CPT32)], dst_v)
        plsc.subcore_barrier()

        for b in range(NB):
            pltpu.async_copy(y_h.at[src_v.at[b]], bufs.at[b], gsem.at[b])

        @pl.loop(0, CPT32, step=NB)
        def _step(i):
            for b in range(NB):
                j = i + b
                pltpu.make_async_copy(y_h.at[src_v.at[0]], bufs.at[b], gsem.at[b]).wait()
                pltpu.async_copy(bufs.at[b], z_sp.at[dst_v.at[j]], ssem.at[b], add=True)
                nxt = j + NB

                @pl.when(nxt < CPT32)
                def _():
                    pltpu.make_async_copy(bufs.at[b], z_sp.at[dst_v.at[0]], ssem.at[b]).wait()
                    pltpu.async_copy(y_h.at[src_v.at[nxt]], bufs.at[b], gsem.at[b])

        for b in range(NB):
            pltpu.make_async_copy(bufs.at[b], z_sp.at[dst_v.at[0]], ssem.at[b]).wait()
        plsc.subcore_barrier()
        pltpu.sync_copy(z_sp.at[pl.ds(row0, RPT)], out_h.at[c, pl.ds(row0, RPT)])

    return k(src2d, dst2d, y, zeros64)


def _head_call(emb, x1p, x2p, scal):
    HCH = HPT // LANES
    d = emb.shape[1]

    @functools.partial(
        pl.kernel,
        out_type=(
            jax.ShapeDtypeStruct((H_PAD,), _f32),
            jax.ShapeDtypeStruct((H_PAD,), _f32),
        ),
        mesh=_mesh(),
        compiler_params=pltpu.CompilerParams(
            use_tc_tiling_on_sc=False, needs_layout_passes=False
        ),
        scratch_types=(
            pltpu.VMEM((HPT,), _i32),
            pltpu.VMEM((HPT,), _i32),
            pltpu.VMEM((2, LANES, 64), _f32),
            pltpu.VMEM((2, LANES, 64), _f32),
            pltpu.VMEM((4, 16), _f32),
            pltpu.VMEM((HPT,), _f32),
            pltpu.VMEM((HPT,), _f32),
            pltpu.SemaphoreType.DMA((2,)),
            pltpu.SemaphoreType.DMA((2,)),
        ),
    )
    def k(emb_h, x1_h, x2_h, sc_h, op_h, of_h,
          x1_v, x2_v, e1_v, e2_v, sc_v, op_v, of_v, sem1, sem2):
        c = lax.axis_index("c")
        s = lax.axis_index("s")
        wid = s * NC + c
        base = pl.multiple_of(wid * HPT, 16)
        pltpu.sync_copy(x1_h.at[pl.ds(base, HPT)], x1_v)
        pltpu.sync_copy(x2_h.at[pl.ds(base, HPT)], x2_v)
        pltpu.sync_copy(sc_h, sc_v)
        a_p = jnp.exp(sc_v[0, :])
        a_f = jnp.exp(sc_v[1, :])
        b_pv = sc_v[2, :]
        b_fv = sc_v[3, :]
        iota = lax.iota(_i32, LANES)

        def fire(kk, b):
            off = pl.multiple_of(kk * LANES, 16)
            pltpu.async_copy(emb_h.at[x1_v.at[pl.ds(off, LANES)]], e1_v.at[b], sem1.at[b])
            pltpu.async_copy(emb_h.at[x2_v.at[pl.ds(off, LANES)]], e2_v.at[b], sem2.at[b])

        for b in range(2):
            fire(b, b)

        @pl.loop(0, HCH, step=2)
        def _step(i):
            for b in range(2):
                kk = i + b
                pltpu.make_async_copy(emb_h.at[x1_v.at[pl.ds(0, LANES)]], e1_v.at[b], sem1.at[b]).wait()
                pltpu.make_async_copy(emb_h.at[x2_v.at[pl.ds(0, LANES)]], e2_v.at[b], sem2.at[b]).wait()
                acc = jnp.zeros((LANES,), _f32)
                for j in range(64):
                    col = jnp.full((LANES,), j, _i32)
                    v1 = plsc.load_gather(e1_v.at[b], [iota, col])
                    v2 = plsc.load_gather(e2_v.at[b], [iota, col])
                    dd = v1 - v2
                    acc = acc + dd * dd
                off = pl.multiple_of(kk * LANES, 16)
                op_v[pl.ds(off, LANES)] = 1.0 / (1.0 + jnp.exp(a_p * acc - b_pv))
                of_v[pl.ds(off, LANES)] = 1.0 / (1.0 + jnp.exp(a_f * acc - b_fv))

                @pl.when(kk + 2 < HCH)
                def _():
                    fire(kk + 2, b)

        pltpu.sync_copy(op_v, op_h.at[pl.ds(base, HPT)])
        pltpu.sync_copy(of_v, of_h.at[pl.ds(base, HPT)])

    return k(emb, x1p, x2p, scal)


_BLK = 1000
_GRID = N // _BLK


def _scale_mm_call(degp, graph, W1):
    def body(dp_ref, x_ref, w_ref, y_ref, dinv_ref):
        deg = dp_ref[0] + dp_ref[1]
        dinv = lax.rsqrt(deg[:, 0:1] + 1.0)
        dinv_ref[...] = dinv
        xw = jnp.dot(x_ref[...], w_ref[...], preferred_element_type=_f32)
        y_ref[...] = dinv * xw

    return pl.pallas_call(
        body,
        grid=(_GRID,),
        in_specs=[
            pl.BlockSpec((2, _BLK, 16), lambda i: (0, i, 0)),
            pl.BlockSpec((_BLK, 128), lambda i: (i, 0)),
            pl.BlockSpec((128, 128), lambda i: (0, 0)),
        ],
        out_specs=[
            pl.BlockSpec((_BLK, 128), lambda i: (i, 0)),
            pl.BlockSpec((_BLK, 1), lambda i: (i, 0)),
        ],
        out_shape=[
            jax.ShapeDtypeStruct((N, 128), _f32),
            jax.ShapeDtypeStruct((N, 1), _f32),
        ],
    )(degp, graph, W1)


def _layer2_call(z1p, y1, dinv, b1r, W2):
    def body(za_ref, zb_ref, y1_ref, dv_ref, b_ref, w_ref, y2_ref):
        dv = dv_ref[...]
        z1 = jnp.concatenate([za_ref[0], zb_ref[0]], axis=1)
        h = dv * (z1 + y1_ref[...]) + b_ref[...]
        h = jnp.maximum(h, 0.0)
        y2_ref[...] = dv * jnp.dot(h, w_ref[...], preferred_element_type=_f32)

    return pl.pallas_call(
        body,
        grid=(_GRID,),
        in_specs=[
            pl.BlockSpec((1, _BLK, 64), lambda i: (0, i, 0)),
            pl.BlockSpec((1, _BLK, 64), lambda i: (1, i, 0)),
            pl.BlockSpec((_BLK, 128), lambda i: (i, 0)),
            pl.BlockSpec((_BLK, 1), lambda i: (i, 0)),
            pl.BlockSpec((1, 128), lambda i: (0, 0)),
            pl.BlockSpec((128, 64), lambda i: (0, 0)),
        ],
        out_specs=pl.BlockSpec((_BLK, 64), lambda i: (i, 0)),
        out_shape=jax.ShapeDtypeStruct((N, 64), _f32),
    )(z1p, z1p, y1, dinv, b1r, W2)


def _emb_call(z2p, y2, dinv, b2r):
    def body(za_ref, zb_ref, y2_ref, dv_ref, b_ref, e_ref):
        e_ref[...] = dv_ref[...] * (za_ref[0] + zb_ref[0] + y2_ref[...]) + b_ref[...]

    return pl.pallas_call(
        body,
        grid=(_GRID,),
        in_specs=[
            pl.BlockSpec((1, _BLK, 64), lambda i: (0, i, 0)),
            pl.BlockSpec((1, _BLK, 64), lambda i: (1, i, 0)),
            pl.BlockSpec((_BLK, 64), lambda i: (i, 0)),
            pl.BlockSpec((_BLK, 1), lambda i: (i, 0)),
            pl.BlockSpec((1, 64), lambda i: (0, 0)),
        ],
        out_specs=pl.BlockSpec((_BLK, 64), lambda i: (i, 0)),
        out_shape=jax.ShapeDtypeStruct((N, 64), _f32),
    )(z2p, z2p, y2, dinv, b2r)


def kernel(graph, edge_index, x_1, x_2, W1, b1, W2, b2, log_a, log_a_f, b_p, b_f):
    src = edge_index[0].astype(_i32)
    dst = edge_index[1].astype(_i32)
    pad = E_PAD - E
    src2d = jnp.concatenate([src, jnp.zeros((pad,), _i32)]).reshape(E_ROWS, CH)
    dst2d = jnp.concatenate([dst, jnp.full((pad,), N, _i32)]).reshape(E_ROWS, CH)

    zeros16 = jnp.zeros((N_SP, 16), _f32)
    ones16 = jnp.ones((CH, 16), _f32)
    zeros64 = jnp.zeros((N_SP, 64), _f32)

    degp = _deg_call(dst2d, zeros16, ones16)
    y1, dinv = _scale_mm_call(degp, graph, W1)
    z1p = _agg_split_call(src2d, dst2d, y1.reshape(2 * N, 64), zeros64)
    y2 = _layer2_call(z1p, y1, dinv, b1.reshape(1, 128), W2)
    z2p = _agg_call(src2d, dst2d, y2, zeros64)
    emb = _emb_call(z2p, y2, dinv, b2.reshape(1, 64))

    hpad = H_PAD - N
    x1p = jnp.concatenate([x_1.astype(_i32), jnp.zeros((hpad,), _i32)])
    x2p = jnp.concatenate([x_2.astype(_i32), jnp.zeros((hpad,), _i32)])
    scal = jnp.stack([
        jnp.broadcast_to(log_a.astype(_f32), (16,)),
        jnp.broadcast_to(log_a_f.astype(_f32), (16,)),
        jnp.broadcast_to(b_p.astype(_f32), (16,)),
        jnp.broadcast_to(b_f.astype(_f32), (16,)),
    ])
    pp, pf = _head_call(emb, x1p, x2p, scal)
    return (pp[:N], pf[:N])

# --- scband reference (transcript-rebuilt; emitter-appended) ---
"""Pipeline reference for scband-vib-61168924230423 (READ-ONLY COPY).

The authoritative reference and input builder live on the scoring server;
editing this copy changes nothing except your own understanding.
"""

import jax, jax.numpy as jnp
import numpy as np

N_NODES = 10000
N_EDGES = 320000
D_IN = 128
H0 = 128
H1_OUT = 64  # int(H0 / 2), output dim of final GCNConv


def gcn_conv(x, src, dst, dinv, W, b):
    # PyG GCNConv: x' = D^-1/2 (A + I) D^-1/2 (x W) + b
    xw = x @ W
    norm = dinv[src] * dinv[dst]
    out = jnp.zeros((x.shape[0], W.shape[1]), dtype=x.dtype)
    out = out.at[dst].add(norm[:, None] * xw[src])
    return out + b


def setup_inputs(seed: int = 0) -> dict:
    key = jax.random.key(seed)
    ks = jax.random.split(key, 10)
    graph = jax.random.normal(ks[0], (N_NODES, D_IN), dtype=jnp.float32)
    edge_index = jax.random.randint(ks[1], (2, N_EDGES), 0, N_NODES, dtype=jnp.int64 if jax.config.jax_enable_x64 else jnp.int32)
    x_1 = jax.random.randint(ks[2], (N_NODES,), 0, N_NODES)
    x_2 = jax.random.randint(ks[3], (N_NODES,), 0, N_NODES)
    # GCN layer 1: in=D_IN, out=H0 ; GCN layer 2: in=H0, out=H0//2
    W1 = jax.random.normal(ks[4], (D_IN, H0), dtype=jnp.float32) * (1.0 / np.sqrt(D_IN))
    b1 = jnp.zeros((H0,), dtype=jnp.float32)
    W2 = jax.random.normal(ks[5], (H0, H1_OUT), dtype=jnp.float32) * (1.0 / np.sqrt(H0))
    b2 = jnp.zeros((H1_OUT,), dtype=jnp.float32)
    log_a = jnp.zeros((1,), dtype=jnp.float32)
    log_a_f = jnp.zeros((1,), dtype=jnp.float32)
    b_p = jax.random.uniform(ks[6], (1,), dtype=jnp.float32)
    b_f = jax.random.uniform(ks[7], (1,), dtype=jnp.float32)
    return {"graph": graph, "edge_index": edge_index, "x_1": x_1, "x_2": x_2,
            "W1": W1, "b1": b1, "W2": W2, "b2": b2,
            "log_a": log_a, "log_a_f": log_a_f, "b_p": b_p, "b_f": b_f}


def reference(graph, edge_index, x_1, x_2, W1, b1, W2, b2, log_a, log_a_f, b_p, b_f):
    N = graph.shape[0]
    loops = jnp.arange(N, dtype=edge_index.dtype)
    src = jnp.concatenate([edge_index[0], loops])
    dst = jnp.concatenate([edge_index[1], loops])
    deg = jnp.zeros((N,), dtype=graph.dtype).at[dst].add(1.0)
    dinv = jnp.where(deg > 0, deg ** -0.5, 0.0)
    # GCN forward (dropout is identity at inference)
    h = gcn_conv(graph, src, dst, dinv, W1, b1)
    h = jax.nn.relu(h)
    emb = gcn_conv(h, src, dst, dinv, W2, b2)
    e1 = emb[x_1]
    e2 = emb[x_2]
    dist = jnp.sum(jnp.square(e1 - e2), axis=1)
    proba_p = jax.nn.sigmoid(-jnp.exp(log_a) * dist + b_p)
    proba_f = jax.nn.sigmoid(-jnp.exp(log_a_f) * dist + b_f)
    return (proba_p, proba_f)

if __name__ == "__main__":
    import jax
    _d = setup_inputs()
    print(jax.jit(kernel)(*tuple(_d.values())))

</pallas_src>

<mosaic_0001>
#map = affine_map<(d0, d1) -> (0, 0)>
#map1 = affine_map<(d0, d1) -> (0, 0, 0)>
module attributes {stable_mosaic.version = 14 : i64} {
  func.func @k(%arg0: i32, %arg1: i32, %arg2: memref<2560x128xi32, #tpu.memory_space<hbm>>, %arg3: memref<2560x128xi32, #tpu.memory_space<hbm>>, %arg4: memref<20000x64xf32, #tpu.memory_space<hbm>>, %arg5: memref<10112x64xf32, #tpu.memory_space<hbm>>, %arg6: memref<2x10112x64xf32, #tpu.memory_space<hbm>>, %arg7: memref<160x128xi32, #tpu.memory_space<vmem>>, %arg8: memref<160x128xi32, #tpu.memory_space<vmem>>, %arg9: memref<4x128x64xf32, #tpu.memory_space<vmem>>, %arg10: memref<10112x64xf32, #tpu.memory_space<vmem_shared>>, %arg11: memref<4x!tpu.dma_semaphore, #tpu.memory_space<semaphore_mem>>, %arg12: memref<4x!tpu.dma_semaphore, #tpu.memory_space<semaphore_mem>>) attributes {dimension_semantics = [#tpu.dimension_semantics<core_parallel>, #tpu.dimension_semantics<subcore_parallel>], iteration_bounds = array<i64: 2, 16>, scalar_prefetch = 0 : i64, scratch_operands = 6 : i64, tpu.core_type = #tpu.core_type<sc_vector_subcore>, window_params = [{transform_indices = #map}, {transform_indices = #map}, {transform_indices = #map}, {transform_indices = #map}, {transform_indices = #map1}]} {
    %mul3A = arith.constant 632 : i32
    %mul3A_0 = arith.muli %arg1, %mul3A : i32
    %multiple_of3A = tpu.assume_multiple %mul3A_0, 8 : i32
    "tpu.region"() ({
      %run_scoped3A = tpu.sem_alloc : memref<!tpu.dma_semaphore, #tpu.memory_space<semaphore_mem>>
      %dma_start3A_132 = arith.constant 0 : i32
      %dma_start3A_133 = tpu.memref_slice %arg10[%multiple_of3A, %dma_start3A_132] : memref<10112x64xf32, #tpu.memory_space<vmem_shared>> -> memref<632x64xf32, #tpu.memory_space<vmem_shared>>
      %dma_start3A_134 = arith.constant 0 : i32
      %dma_start3A_135 = tpu.memref_slice %arg5[%multiple_of3A, %dma_start3A_134] : memref<10112x64xf32, #tpu.memory_space<hbm>> -> memref<632x64xf32, #tpu.memory_space<hbm>>
      tpu.enqueue_dma source(%dma_start3A_135 : memref<632x64xf32, #tpu.memory_space<hbm>>) target(%dma_start3A_133 : memref<632x64xf32, #tpu.memory_space<vmem_shared>>) target_semaphore(%run_scoped3A : memref<!tpu.dma_semaphore, #tpu.memory_space<semaphore_mem>>)
      %dma_wait3A_136 = arith.constant 0 : i32
      %dma_wait3A_137 = tpu.memref_slice %arg10[%multiple_of3A, %dma_wait3A_136] : memref<10112x64xf32, #tpu.memory_space<vmem_shared>> -> memref<632x64xf32, #tpu.memory_space<vmem_shared>>
      %dma_wait3A_138 = arith.constant 0 : i32
      %dma_wait3A_139 = tpu.memref_slice %arg5[%multiple_of3A, %dma_wait3A_138] : memref<10112x64xf32, #tpu.memory_space<hbm>> -> memref<632x64xf32, #tpu.memory_space<hbm>>
      tpu.wait_dma2 semaphore(%run_scoped3A : memref<!tpu.dma_semaphore, #tpu.memory_space<semaphore_mem>>) src(%dma_wait3A_139 : memref<632x64xf32, #tpu.memory_space<hbm>>) dst(%dma_wait3A_137 : memref<632x64xf32, #tpu.memory_space<vmem_shared>>)
      tpu.yield
    }) : () -> ()
    %mul3A_1 = arith.constant 160 : i32
    %mul3A_2 = arith.muli %arg1, %mul3A_1 : i32
    %multiple_of3A_3 = tpu.assume_multiple %mul3A_2, 16 : i32
    "tpu.region"() ({
      %run_scoped3A = tpu.sem_alloc : memref<!tpu.dma_semaphore, #tpu.memory_space<semaphore_mem>>
      %dma_start3A_132 = arith.constant 0 : i32
      %dma_start3A_133 = tpu.memref_slice %arg2[%multiple_of3A_3, %dma_start3A_132] : memref<2560x128xi32, #tpu.memory_space<hbm>> -> memref<160x128xi32, #tpu.memory_space<hbm>>
      %dma_start3A_134 = arith.constant 0 : i32
      %dma_start3A_135 = tpu.memref_slice %arg2[%multiple_of3A_3, %dma_start3A_134] : memref<2560x128xi32, #tpu.memory_space<hbm>> -> memref<160x128xi32, #tpu.memory_space<hbm>>
      tpu.enqueue_dma source(%dma_start3A_135 : memref<160x128xi32, #tpu.memory_space<hbm>>) target(%arg7 : memref<160x128xi32, #tpu.memory_space<vmem>>) target_semaphore(%run_scoped3A : memref<!tpu.dma_semaphore, #tpu.memory_space<semaphore_mem>>)
      %dma_wait3A_136 = arith.constant 0 : i32
      %dma_wait3A_137 = tpu.memref_slice %arg2[%multiple_of3A_3, %dma_wait3A_136] : memref<2560x128xi32, #tpu.memory_space<hbm>> -> memref<160x128xi32, #tpu.memory_space<hbm>>
      %dma_wait3A_138 = arith.constant 0 : i32
      %dma_wait3A_139 = tpu.memref_slice %arg2[%multiple_of3A_3, %dma_wait3A_138] : memref<2560x128xi32, #tpu.memory_space<hbm>> -> memref<160x128xi32, #tpu.memory_space<hbm>>
      tpu.wait_dma2 semaphore(%run_scoped3A : memref<!tpu.dma_semaphore, #tpu.memory_space<semaphore_mem>>) src(%dma_wait3A_139 : memref<160x128xi32, #tpu.memory_space<hbm>>) dst(%arg7 : memref<160x128xi32, #tpu.memory_space<vmem>>)
      tpu.yield
    }) : () -> ()
    "tpu.region"() ({
      %run_scoped3A = tpu.sem_alloc : memref<!tpu.dma_semaphore, #tpu.memory_space<semaphore_mem>>
      %dma_start3A_132 = arith.constant 0 : i32
      %dma_start3A_133 = tpu.memref_slice %arg3[%multiple_of3A_3, %dma_start3A_132] : memref<2560x128xi32, #tpu.memory_space<hbm>> -> memref<160x128xi32, #tpu.memory_space<hbm>>
      %dma_start3A_134 = arith.constant 0 : i32
      %dma_start3A_135 = tpu.memref_slice %arg3[%multiple_of3A_3, %dma_start3A_134] : memref<2560x128xi32, #tpu.memory_space<hbm>> -> memref<160x128xi32, #tpu.memory_space<hbm>>
      tpu.enqueue_dma source(%dma_start3A_135 : memref<160x128xi32, #tpu.memory_space<hbm>>) target(%arg8 : memref<160x128xi32, #tpu.memory_space<vmem>>) target_semaphore(%run_scoped3A : memref<!tpu.dma_semaphore, #tpu.memory_space<semaphore_mem>>)
      %dma_wait3A_136 = arith.constant 0 : i32
      %dma_wait3A_137 = tpu.memref_slice %arg3[%multiple_of3A_3, %dma_wait3A_136] : memref<2560x128xi32, #tpu.memory_space<hbm>> -> memref<160x128xi32, #tpu.memory_space<hbm>>
      %dma_wait3A_138 = arith.constant 0 : i32
      %dma_wait3A_139 = tpu.memref_slice %arg3[%multiple_of3A_3, %dma_wait3A_138] : memref<2560x128xi32, #tpu.memory_space<hbm>> -> memref<160x128xi32, #tpu.memory_space<hbm>>
      tpu.wait_dma2 semaphore(%run_scoped3A : memref<!tpu.dma_semaphore, #tpu.memory_space<semaphore_mem>>) src(%dma_wait3A_139 : memref<160x128xi32, #tpu.memory_space<hbm>>) dst(%arg8 : memref<160x128xi32, #tpu.memory_space<vmem>>)
      tpu.yield
    }) : () -> ()
    %scan3A = arith.constant 0 : i32
    %scan3A_4 = arith.constant 160 : i32
    %scan3A_5 = arith.addi %scan3A, %scan3A_4 : i32
    %scan3A_6 = arith.constant 1 : i32
    scf.for %scan3A_132 = %scan3A to %scan3A_5 step %scan3A_6  : i32 {
      %mul3A_133 = arith.constant 1 : i32
      %mul3A_134 = arith.muli %scan3A_132, %mul3A_133 : i32
      %add3A = arith.constant 0 : i32
      %add3A_135 = arith.addi %add3A, %mul3A_134 : i32
      %get3A = arith.index_cast %add3A_135 : i32 to index
      %get3A_136 = arith.constant 0 : index
      %get3A_137 = tpu.vector_load %arg7[%get3A, %get3A_136] {strides = array<i32>} : memref<160x128xi32, #tpu.memory_space<vmem>>, vector<1x16xi32>,
      %get3A_138 = vector.shape_cast %get3A_137 : vector<1x16xi32> to vector<16xi32>
      %mul3A_139 = arith.constant 2 : i32
      %mul3A_140 = vector.broadcast %mul3A_139 : i32 to vector<16xi32>
      %mul3A_141 = arith.muli %get3A_138, %mul3A_140 : vector<16xi32>
      %add3A_142 = vector.broadcast %arg0 : i32 to vector<16xi32>
      %add3A_143 = arith.addi %mul3A_141, %add3A_142 : vector<16xi32>
      %swap3A = arith.index_cast %add3A_135 : i32 to index
      %swap3A_144 = arith.constant 0 : index
      %swap3A_145 = tpu.vector_load %arg7[%swap3A, %swap3A_144] {strides = array<i32>} : memref<160x128xi32, #tpu.memory_space<vmem>>, vector<1x16xi32>,
      %swap3A_146 = vector.shape_cast %swap3A_145 : vector<1x16xi32> to vector<16xi32>
      %swap3A_147 = vector.shape_cast %add3A_143 : vector<16xi32> to vector<1x16xi32>
      tpu.vector_store %arg7[%swap3A, %swap3A_144], %swap3A_147 {strides = array<i32>} : memref<160x128xi32, #tpu.memory_space<vmem>>, vector<1x16xi32>,
      %get3A_148 = arith.index_cast %add3A_135 : i32 to index
      %get3A_149 = arith.constant 16 : index
      %get3A_150 = tpu.vector_load %arg7[%get3A_148, %get3A_149] {strides = array<i32>} : memref<160x128xi32, #tpu.memory_space<vmem>>, vector<1x16xi32>,
      %get3A_151 = vector.shape_cast %get3A_150 : vector<1x16xi32> to vector<16xi32>
      %mul3A_152 = arith.constant 2 : i32
      %mul3A_153 = vector.broadcast %mul3A_152 : i32 to vector<16xi32>
      %mul3A_154 = arith.muli %get3A_151, %mul3A_153 : vector<16xi32>
      %add3A_155 = vector.broadcast %arg0 : i32 to vector<16xi32>
      %add3A_156 = arith.addi %mul3A_154, %add3A_155 : vector<16xi32>
      %swap3A_157 = arith.index_cast %add3A_135 : i32 to index
      %swap3A_158 = arith.constant 16 : index
      %swap3A_159 = tpu.vector_load %arg7[%swap3A_157, %swap3A_158] {strides = array<i32>} : memref<160x128xi32, #tpu.memory_space<vmem>>, vector<1x16xi32>,
      %swap3A_160 = vector.shape_cast %swap3A_159 : vector<1x16xi32> to vector<16xi32>
      %swap3A_161 = vector.shape_cast %add3A_156 : vector<16xi32> to vector<1x16xi32>
      tpu.vector_store %arg7[%swap3A_157, %swap3A_158], %swap3A_161 {strides = array<i32>} : memref<160x128xi32, #tpu.memory_space<vmem>>, vector<1x16xi32>,
      %get3A_162 = arith.index_cast %add3A_135 : i32 to index
      %get3A_163 = arith.constant 32 : index
      %get3A_164 = tpu.vector_load %arg7[%get3A_162, %get3A_163] {strides = array<i32>} : memref<160x128xi32, #tpu.memory_space<vmem>>, vector<1x16xi32>,
      %get3A_165 = vector.shape_cast %get3A_164 : vector<1x16xi32> to vector<16xi32>
      %mul3A_166 = arith.constant 2 : i32
      %mul3A_167 = vector.broadcast %mul3A_166 : i32 to vector<16xi32>
      %mul3A_168 = arith.muli %get3A_165, %mul3A_167 : vector<16xi32>
      %add3A_169 = vector.broadcast %arg0 : i32 to vector<16xi32>
      %add3A_170 = arith.addi %mul3A_168, %add3A_169 : vector<16xi32>
      %swap3A_171 = arith.index_cast %add3A_135 : i32 to index
      %swap3A_172 = arith.constant 32 : index
      %swap3A_173 = tpu.vector_load %arg7[%swap3A_171, %swap3A_172] {strides = array<i32>} : memref<160x128xi32, #tpu.memory_space<vmem>>, vector<1x16xi32>,
      %swap3A_174 = vector.shape_cast %swap3A_173 : vector<1x16xi32> to vector<16xi32>
      %swap3A_175 = vector.shape_cast %add3A_170 : vector<16xi32> to vector<1x16xi32>
      tpu.vector_store %arg7[%swap3A_171, %swap3A_172], %swap3A_175 {strides = array<i32>} : memref<160x128xi32, #tpu.memory_space<vmem>>, vector<1x16xi32>,
      %get3A_176 = arith.index_cast %add3A_135 : i32 to index
      %get3A_177 = arith.constant 48 : index
      %get3A_178 = tpu.vector_load %arg7[%get3A_176, %get3A_177] {strides = array<i32>} : memref<160x128xi32, #tpu.memory_space<vmem>>, vector<1x16xi32>,
      %get3A_179 = vector.shape_cast %get3A_178 : vector<1x16xi32> to vector<16xi32>
      %mul3A_180 = arith.constant 2 : i32
      %mul3A_181 = vector.broadcast %mul3A_180 : i32 to vector<16xi32>
      %mul3A_182 = arith.muli %get3A_179, %mul3A_181 : vector<16xi32>
      %add3A_183 = vector.broadcast %arg0 : i32 to vector<16xi32>
      %add3A_184 = arith.addi %mul3A_182, %add3A_183 : vector<16xi32>
      %swap3A_185 = arith.index_cast %add3A_135 : i32 to index
      %swap3A_186 = arith.constant 48 : index
      %swap3A_187 = tpu.vector_load %arg7[%swap3A_185, %swap3A_186] {strides = array<i32>} : memref<160x128xi32, #tpu.memory_space<vmem>>, vector<1x16xi32>,
      %swap3A_188 = vector.shape_cast %swap3A_187 : vector<1x16xi32> to vector<16xi32>
      %swap3A_189 = vector.shape_cast %add3A_184 : vector<16xi32> to vector<1x16xi32>
      tpu.vector_store %arg7[%swap3A_185, %swap3A_186], %swap3A_189 {strides = array<i32>} : memref<160x128xi32, #tpu.memory_space<vmem>>, vector<1x16xi32>,
      %get3A_190 = arith.index_cast %add3A_135 : i32 to index
      %get3A_191 = arith.constant 64 : index
      %get3A_192 = tpu.vector_load %arg7[%get3A_190, %get3A_191] {strides = array<i32>} : memref<160x128xi32, #tpu.memory_space<vmem>>, vector<1x16xi32>,
      %get3A_193 = vector.shape_cast %get3A_192 : vector<1x16xi32> to vector<16xi32>
      %mul3A_194 = arith.constant 2 : i32
      %mul3A_195 = vector.broadcast %mul3A_194 : i32 to vector<16xi32>
      %mul3A_196 = arith.muli %get3A_193, %mul3A_195 : vector<16xi32>
      %add3A_197 = vector.broadcast %arg0 : i32 to vector<16xi32>
      %add3A_198 = arith.addi %mul3A_196, %add3A_197 : vector<16xi32>
      %swap3A_199 = arith.index_cast %add3A_135 : i32 to index
      %swap3A_200 = arith.constant 64 : index
      %swap3A_201 = tpu.vector_load %arg7[%swap3A_199, %swap3A_200] {strides = array<i32>} : memref<160x128xi32, #tpu.memory_space<vmem>>, vector<1x16xi32>,
      %swap3A_202 = vector.shape_cast %swap3A_201 : vector<1x16xi32> to vector<16xi32>
      %swap3A_203 = vector.shape_cast %add3A_198 : vector<16xi32> to vector<1x16xi32>
      tpu.vector_store %arg7[%swap3A_199, %swap3A_200], %swap3A_203 {strides = array<i32>} : memref<160x128xi32, #tpu.memory_space<vmem>>, vector<1x16xi32>,
      %get3A_204 = arith.index_cast %add3A_135 : i32 to index
      %get3A_205 = arith.constant 80 : index
      %get3A_206 = tpu.vector_load %arg7[%get3A_204, %get3A_205] {strides = array<i32>} : memref<160x128xi32, #tpu.memory_space<vmem>>, vector<1x16xi32>,
      %get3A_207 = vector.shape_cast %get3A_206 : vector<1x16xi32> to vector<16xi32>
      %mul3A_208 = arith.constant 2 : i32
      %mul3A_209 = vector.broadcast %mul3A_208 : i32 to vector<16xi32>
      %mul3A_210 = arith.muli %get3A_207, %mul3A_209 : vector<16xi32>
      %add3A_211 = vector.broadcast %arg0 : i32 to vector<16xi32>
      %add3A_212 = arith.addi %mul3A_210, %add3A_211 : vector<16xi32>
      %swap3A_213 = arith.index_cast %add3A_135 : i32 to index
      %swap3A_214 = arith.constant 80 : index
      %swap3A_215 = tpu.vector_load %arg7[%swap3A_213, %swap3A_214] {strides = array<i32>} : memref<160x128xi32, #tpu.memory_space<vmem>>, vector<1x16xi32>,
      %swap3A_216 = vector.shape_cast %swap3A_215 : vector<1x16xi32> to vector<16xi32>
      %swap3A_217 = vector.shape_cast %add3A_212 : vector<16xi32> to vector<1x16xi32>
      tpu.vector_store %arg7[%swap3A_213, %swap3A_214], %swap3A_217 {strides = array<i32>} : memref<160x128xi32, #tpu.memory_space<vmem>>, vector<1x16xi32>,
      %get3A_218 = arith.index_cast %add3A_135 : i32 to index
      %get3A_219 = arith.constant 96 : index
      %get3A_220 = tpu.vector_load %arg7[%get3A_218, %get3A_219] {strides = array<i32>} : memref<160x128xi32, #tpu.memory_space<vmem>>, vector<1x16xi32>,
      %get3A_221 = vector.shape_cast %get3A_220 : vector<1x16xi32> to vector<16xi32>
      %mul3A_222 = arith.constant 2 : i32
      %mul3A_223 = vector.broadcast %mul3A_222 : i32 to vector<16xi32>
      %mul3A_224 = arith.muli %get3A_221, %mul3A_223 : vector<16xi32>
      %add3A_225 = vector.broadcast %arg0 : i32 to vector<16xi32>
      %add3A_226 = arith.addi %mul3A_224, %add3A_225 : vector<16xi32>
      %swap3A_227 = arith.index_cast %add3A_135 : i32 to index
      %swap3A_228 = arith.constant 96 : index
      %swap3A_229 = tpu.vector_load %arg7[%swap3A_227, %swap3A_228] {strides = array<i32>} : memref<160x128xi32, #tpu.memory_space<vmem>>, vector<1x16xi32>,
      %swap3A_230 = vector.shape_cast %swap3A_229 : vector<1x16xi32> to vector<16xi32>
      %swap3A_231 = vector.shape_cast %add3A_226 : vector<16xi32> to vector<1x16xi32>
      tpu.vector_store %arg7[%swap3A_227, %swap3A_228], %swap3A_231 {strides = array<i32>} : memref<160x128xi32, #tpu.memory_space<vmem>>, vector<1x16xi32>,
      %get3A_232 = arith.index_cast %add3A_135 : i32 to index
      %get3A_233 = arith.constant 112 : index
      %get3A_234 = tpu.vector_load %arg7[%get3A_232, %get3A_233] {strides = array<i32>} : memref<160x128xi32, #tpu.memory_space<vmem>>, vector<1x16xi32>,
      %get3A_235 = vector.shape_cast %get3A_234 : vector<1x16xi32> to vector<16xi32>
      %mul3A_236 = arith.constant 2 : i32
      %mul3A_237 = vector.broadcast %mul3A_236 : i32 to vector<16xi32>
      %mul3A_238 = arith.muli %get3A_235, %mul3A_237 : vector<16xi32>
      %add3A_239 = vector.broadcast %arg0 : i32 to vector<16xi32>
      %add3A_240 = arith.addi %mul3A_238, %add3A_239 : vector<16xi32>
      %swap3A_241 = arith.index_cast %add3A_135 : i32 to index
      %swap3A_242 = arith.constant 112 : index
      %swap3A_243 = tpu.vector_load %arg7[%swap3A_241, %swap3A_242] {strides = array<i32>} : memref<160x128xi32, #tpu.memory_space<vmem>>, vector<1x16xi32>,
      %swap3A_244 = vector.shape_cast %swap3A_243 : vector<1x16xi32> to vector<16xi32>
      %swap3A_245 = vector.shape_cast %add3A_240 : vector<16xi32> to vector<1x16xi32>
      tpu.vector_store %arg7[%swap3A_241, %swap3A_242], %swap3A_245 {strides = array<i32>} : memref<160x128xi32, #tpu.memory_space<vmem>>, vector<1x16xi32>,
    }
    %scan3A_7 = arith.constant 160 : i32
    %barrier3A = arith.constant 0 : index
    tpu.barrier barrier_id(%barrier3A)
    %dma_start3A = arith.constant 0 : i32
    %dma_start3A_8 = arith.constant 0 : i32
    %dma_start3A_9 = arith.constant 0 : i32
    %dma_start3A_10 = arith.constant 0 : i32
    %dma_start3A_11 = arith.constant 0 : i32
    %dma_start3A_12 = tpu.memref_slice %arg9[%dma_start3A_8, %dma_start3A_10, %dma_start3A_11] : memref<4x128x64xf32, #tpu.memory_space<vmem>> -> memref<1x128x64xf32, #tpu.memory_space<vmem>>
    %dma_start3A_13 = tpu.memref_squeeze %dma_start3A_12 : memref<1x128x64xf32, #tpu.memory_space<vmem>> -> memref<128x64xf32, #tpu.memory_space<vmem>>
    %dma_start3A_14 = arith.constant 0 : i32
    %dma_start3A_15 = tpu.memref_slice %arg7[%dma_start3A, %dma_start3A_14] : memref<160x128xi32, #tpu.memory_space<vmem>> -> memref<1x128xi32, #tpu.memory_space<vmem>>
    %dma_start3A_16 = tpu.memref_squeeze %dma_start3A_15 : memref<1x128xi32, #tpu.memory_space<vmem>> -> memref<128xi32, #tpu.memory_space<vmem>>
    %dma_start3A_17 = arith.constant 0 : i32
    %dma_start3A_18 = arith.constant 0 : i32
    %dma_start3A_19 = tpu.memref_slice %arg4[%dma_start3A_17, %dma_start3A_18] : memref<20000x64xf32, #tpu.memory_space<hbm>> -> memref<20000x64xf32, #tpu.memory_space<hbm>>
    %dma_start3A_20 = tpu.memref_slice %arg11[%dma_start3A_9] : memref<4x!tpu.dma_semaphore, #tpu.memory_space<semaphore_mem>> -> memref<1x!tpu.dma_semaphore, #tpu.memory_space<semaphore_mem>>
    %dma_start3A_21 = tpu.memref_squeeze %dma_start3A_20 : memref<1x!tpu.dma_semaphore, #tpu.memory_space<semaphore_mem>> -> memref<!tpu.dma_semaphore, #tpu.memory_space<semaphore_mem>>
    tpu.enqueue_indirect_dma source(%dma_start3A_19 : memref<20000x64xf32, #tpu.memory_space<hbm>>) target(%dma_start3A_13 : memref<128x64xf32, #tpu.memory_space<vmem>>) offsets(%dma_start3A_16 : memref<128xi32, #tpu.memory_space<vmem>>) semaphore(%dma_start3A_21 : memref<!tpu.dma_semaphore, #tpu.memory_space<semaphore_mem>>)
    %dma_start3A_22 = arith.constant 1 : i32
    %dma_start3A_23 = arith.constant 1 : i32
    %dma_start3A_24 = arith.constant 1 : i32
    %dma_start3A_25 = arith.constant 0 : i32
    %dma_start3A_26 = arith.constant 0 : i32
    %dma_start3A_27 = tpu.memref_slice %arg9[%dma_start3A_23, %dma_start3A_25, %dma_start3A_26] : memref<4x128x64xf32, #tpu.memory_space<vmem>> -> memref<1x128x64xf32, #tpu.memory_space<vmem>>
    %dma_start3A_28 = tpu.memref_squeeze %dma_start3A_27 : memref<1x128x64xf32, #tpu.memory_space<vmem>> -> memref<128x64xf32, #tpu.memory_space<vmem>>
    %dma_start3A_29 = arith.constant 0 : i32
    %dma_start3A_30 = tpu.memref_slice %arg7[%dma_start3A_22, %dma_start3A_29] : memref<160x128xi32, #tpu.memory_space<vmem>> -> memref<1x128xi32, #tpu.memory_space<vmem>>
    %dma_start3A_31 = tpu.memref_squeeze %dma_start3A_30 : memref<1x128xi32, #tpu.memory_space<vmem>> -> memref<128xi32, #tpu.memory_space<vmem>>
    %dma_start3A_32 = arith.constant 0 : i32
    %dma_start3A_33 = arith.constant 0 : i32
    %dma_start3A_34 = tpu.memref_slice %arg4[%dma_start3A_32, %dma_start3A_33] : memref<20000x64xf32, #tpu.memory_space<hbm>> -> memref<20000x64xf32, #tpu.memory_space<hbm>>
    %dma_start3A_35 = tpu.memref_slice %arg11[%dma_start3A_24] : memref<4x!tpu.dma_semaphore, #tpu.memory_space<semaphore_mem>> -> memref<1x!tpu.dma_semaphore, #tpu.memory_space<semaphore_mem>>
    %dma_start3A_36 = tpu.memref_squeeze %dma_start3A_35 : memref<1x!tpu.dma_semaphore, #tpu.memory_space<semaphore_mem>> -> memref<!tpu.dma_semaphore, #tpu.memory_space<semaphore_mem>>
    tpu.enqueue_indirect_dma source(%dma_start3A_34 : memref<20000x64xf32, #tpu.memory_space<hbm>>) target(%dma_start3A_28 : memref<128x64xf32, #tpu.memory_space<vmem>>) offsets(%dma_start3A_31 : memref<128xi32, #tpu.memory_space<vmem>>) semaphore(%dma_start3A_36 : memref<!tpu.dma_semaphore, #tpu.memory_space<semaphore_mem>>)
    %dma_start3A_37 = arith.constant 2 : i32
    %dma_start3A_38 = arith.constant 2 : i32
    %dma_start3A_39 = arith.constant 2 : i32
    %dma_start3A_40 = arith.constant 0 : i32
    %dma_start3A_41 = arith.constant 0 : i32
    %dma_start3A_42 = tpu.memref_slice %arg9[%dma_start3A_38, %dma_start3A_40, %dma_start3A_41] : memref<4x128x64xf32, #tpu.memory_space<vmem>> -> memref<1x128x64xf32, #tpu.memory_space<vmem>>
    %dma_start3A_43 = tpu.memref_squeeze %dma_start3A_42 : memref<1x128x64xf32, #tpu.memory_space<vmem>> -> memref<128x64xf32, #tpu.memory_space<vmem>>
    %dma_start3A_44 = arith.constant 0 : i32
    %dma_start3A_45 = tpu.memref_slice %arg7[%dma_start3A_37, %dma_start3A_44] : memref<160x128xi32, #tpu.memory_space<vmem>> -> memref<1x128xi32, #tpu.memory_space<vmem>>
    %dma_start3A_46 = tpu.memref_squeeze %dma_start3A_45 : memref<1x128xi32, #tpu.memory_space<vmem>> -> memref<128xi32, #tpu.memory_space<vmem>>
    %dma_start3A_47 = arith.constant 0 : i32
    %dma_start3A_48 = arith.constant 0 : i32
    %dma_start3A_49 = tpu.memref_slice %arg4[%dma_start3A_47, %dma_start3A_48] : memref<20000x64xf32, #tpu.memory_space<hbm>> -> memref<20000x64xf32, #tpu.memory_space<hbm>>
    %dma_start3A_50 = tpu.memref_slice %arg11[%dma_start3A_39] : memref<4x!tpu.dma_semaphore, #tpu.memory_space<semaphore_mem>> -> memref<1x!tpu.dma_semaphore, #tpu.memory_space<semaphore_mem>>
    %dma_start3A_51 = tpu.memref_squeeze %dma_start3A_50 : memref<1x!tpu.dma_semaphore, #tpu.memory_space<semaphore_mem>> -> memref<!tpu.dma_semaphore, #tpu.memory_space<semaphore_mem>>
    tpu.enqueue_indirect_dma source(%dma_start3A_49 : memref<20000x64xf32, #tpu.memory_space<hbm>>) target(%dma_start3A_43 : memref<128x64xf32, #tpu.memory_space<vmem>>) offsets(%dma_start3A_46 : memref<128xi32, #tpu.memory_space<vmem>>) semaphore(%dma_start3A_51 : memref<!tpu.dma_semaphore, #tpu.memory_space<semaphore_mem>>)
    %dma_start3A_52 = arith.constant 3 : i32
    %dma_start3A_53 = arith.constant 3 : i32
    %dma_start3A_54 = arith.constant 3 : i32
    %dma_start3A_55 = arith.constant 0 : i32
    %dma_start3A_56 = arith.constant 0 : i32
    %dma_start3A_57 = tpu.memref_slice %arg9[%dma_start3A_53, %dma_start3A_55, %dma_start3A_56] : memref<4x128x64xf32, #tpu.memory_space<vmem>> -> memref<1x128x64xf32, #tpu.memory_space<vmem>>
    %dma_start3A_58 = tpu.memref_squeeze %dma_start3A_57 : memref<1x128x64xf32, #tpu.memory_space<vmem>> -> memref<128x64xf32, #tpu.memory_space<vmem>>
    %dma_start3A_59 = arith.constant 0 : i32
    %dma_start3A_60 = tpu.memref_slice %arg7[%dma_start3A_52, %dma_start3A_59] : memref<160x128xi32, #tpu.memory_space<vmem>> -> memref<1x128xi32, #tpu.memory_space<vmem>>
    %dma_start3A_61 = tpu.memref_squeeze %dma_start3A_60 : memref<1x128xi32, #tpu.memory_space<vmem>> -> memref<128xi32, #tpu.memory_space<vmem>>
    %dma_start3A_62 = arith.constant 0 : i32
    %dma_start3A_63 = arith.constant 0 : i32
    %dma_start3A_64 = tpu.memref_slice %arg4[%dma_start3A_62, %dma_start3A_63] : memref<20000x64xf32, #tpu.memory_space<hbm>> -> memref<20000x64xf32, #tpu.memory_space<hbm>>
    %dma_start3A_65 = tpu.memref_slice %arg11[%dma_start3A_54] : memref<4x!tpu.dma_semaphore, #tpu.memory_space<semaphore_mem>> -> memref<1x!tpu.dma_semaphore, #tpu.memory_space<semaphore_mem>>
    %dma_start3A_66 = tpu.memref_squeeze %dma_start3A_65 : memref<1x!tpu.dma_semaphore, #tpu.memory_space<semaphore_mem>> -> memref<!tpu.dma_semaphore, #tpu.memory_space<semaphore_mem>>
    tpu.enqueue_indirect_dma source(%dma_start3A_64 : memref<20000x64xf32, #tpu.memory_space<hbm>>) target(%dma_start3A_58 : memref<128x64xf32, #tpu.memory_space<vmem>>) offsets(%dma_start3A_61 : memref<128xi32, #tpu.memory_space<vmem>>) semaphore(%dma_start3A_66 : memref<!tpu.dma_semaphore, #tpu.memory_space<semaphore_mem>>)
    %scan3A_67 = arith.constant 0 : i32
    %scan3A_68 = arith.constant 40 : i32
    %scan3A_69 = arith.addi %scan3A_67, %scan3A_68 : i32
    %scan3A_70 = arith.constant 1 : i32
    scf.for %scan3A_132 = %scan3A_67 to %scan3A_69 step %scan3A_70  : i32 {
      %mul3A_133 = arith.constant 4 : i32
      %mul3A_134 = arith.muli %scan3A_132, %mul3A_133 : i32
      %add3A = arith.constant 0 : i32
      %add3A_135 = arith.addi %add3A, %mul3A_134 : i32
      %add3A_136 = arith.constant 0 : i32
      %add3A_137 = arith.addi %add3A_135, %add3A_136 : i32
      %dma_wait3A_138 = arith.constant 0 : i32
      %dma_wait3A_139 = arith.constant 0 : i32
      %dma_wait3A_140 = arith.constant 0 : i32
      %dma_wait3A_141 = arith.constant 0 : i32
      %dma_wait3A_142 = arith.constant 0 : i32
      %dma_wait3A_143 = tpu.memref_slice %arg9[%dma_wait3A_139, %dma_wait3A_141, %dma_wait3A_142] : memref<4x128x64xf32, #tpu.memory_space<vmem>> -> memref<1x128x64xf32, #tpu.memory_space<vmem>>
      %dma_wait3A_144 = tpu.memref_squeeze %dma_wait3A_143 : memref<1x128x64xf32, #tpu.memory_space<vmem>> -> memref<128x64xf32, #tpu.memory_space<vmem>>
      %dma_wait3A_145 = arith.constant 0 : i32
      %dma_wait3A_146 = tpu.memref_slice %arg7[%dma_wait3A_138, %dma_wait3A_145] : memref<160x128xi32, #tpu.memory_space<vmem>> -> memref<1x128xi32, #tpu.memory_space<vmem>>
      %dma_wait3A_147 = tpu.memref_squeeze %dma_wait3A_146 : memref<1x128xi32, #tpu.memory_space<vmem>> -> memref<128xi32, #tpu.memory_space<vmem>>
      %dma_wait3A_148 = arith.constant 0 : i32
      %dma_wait3A_149 = arith.constant 0 : i32
      %dma_wait3A_150 = tpu.memref_slice %arg4[%dma_wait3A_148, %dma_wait3A_149] : memref<20000x64xf32, #tpu.memory_space<hbm>> -> memref<20000x64xf32, #tpu.memory_space<hbm>>
      %dma_wait3A_151 = tpu.memref_slice %arg11[%dma_wait3A_140] : memref<4x!tpu.dma_semaphore, #tpu.memory_space<semaphore_mem>> -> memref<1x!tpu.dma_semaphore, #tpu.memory_space<semaphore_mem>>
      %dma_wait3A_152 = tpu.memref_squeeze %dma_wait3A_151 : memref<1x!tpu.dma_semaphore, #tpu.memory_space<semaphore_mem>> -> memref<!tpu.dma_semaphore, #tpu.memory_space<semaphore_mem>>
      tpu.wait_indirect_dma semaphore(%dma_wait3A_152 : memref<!tpu.dma_semaphore, #tpu.memory_space<semaphore_mem>>) src(%dma_wait3A_150 : memref<20000x64xf32, #tpu.memory_space<hbm>>) dst(%dma_wait3A_144 : memref<128x64xf32, #tpu.memory_space<vmem>>)
      %dma_start3A_153 = arith.constant 0 : i32
      %dma_start3A_154 = arith.constant 0 : i32
      %dma_start3A_155 = arith.constant 0 : i32
      %dma_start3A_156 = arith.constant 0 : i32
      %dma_start3A_157 = tpu.memref_slice %arg9[%dma_start3A_153, %dma_start3A_155, %dma_start3A_156] : memref<4x128x64xf32, #tpu.memory_space<vmem>> -> memref<1x128x64xf32, #tpu.memory_space<vmem>>
      %dma_start3A_158 = tpu.memref_squeeze %dma_start3A_157 : memref<1x128x64xf32, #tpu.memory_space<vmem>> -> memref<128x64xf32, #tpu.memory_space<vmem>>
      %dma_start3A_159 = arith.constant 0 : i32
      %dma_start3A_160 = tpu.memref_slice %arg8[%add3A_137, %dma_start3A_159] : memref<160x128xi32, #tpu.memory_space<vmem>> -> memref<1x128xi32, #tpu.memory_space<vmem>>
      %dma_start3A_161 = tpu.memref_squeeze %dma_start3A_160 : memref<1x128xi32, #tpu.memory_space<vmem>> -> memref<128xi32, #tpu.memory_space<vmem>>
      %dma_start3A_162 = arith.constant 0 : i32
      %dma_start3A_163 = arith.constant 0 : i32
      %dma_start3A_164 = tpu.memref_slice %arg10[%dma_start3A_162, %dma_start3A_163] : memref<10112x64xf32, #tpu.memory_space<vmem_shared>> -> memref<10112x64xf32, #tpu.memory_space<vmem_shared>>
      %dma_start3A_165 = tpu.memref_slice %arg12[%dma_start3A_154] : memref<4x!tpu.dma_semaphore, #tpu.memory_space<semaphore_mem>> -> memref<1x!tpu.dma_semaphore, #tpu.memory_space<semaphore_mem>>
      %dma_start3A_166 = tpu.memref_squeeze %dma_start3A_165 : memref<1x!tpu.dma_semaphore, #tpu.memory_space<semaphore_mem>> -> memref<!tpu.dma_semaphore, #tpu.memory_space<semaphore_mem>>
      tpu.enqueue_indirect_dma source(%dma_start3A_158 : memref<128x64xf32, #tpu.memory_space<vmem>>) target(%dma_start3A_164 : memref<10112x64xf32, #tpu.memory_space<vmem_shared>>) offsets(%dma_start3A_161 : memref<128xi32, #tpu.memory_space<vmem>>) semaphore(%dma_start3A_166 : memref<!tpu.dma_semaphore, #tpu.memory_space<semaphore_mem>>) {add = true}
      %add3A_167 = arith.constant 4 : i32
      %add3A_168 = arith.addi %add3A_137, %add3A_167 : i32
      %lt3A = arith.constant 160 : i32
      %lt3A_169 = arith.cmpi slt, %add3A_168, %lt3A : i32
      %convert_element_type3A = arith.extui %lt3A_169 : i1 to i32
      %cond3A = arith.constant 0 : i32
      %cond3A_170 = arith.cmpi ne, %convert_element_type3A, %cond3A : i32
      scf.if %cond3A_170 {
        %dma_wait3A_285 = arith.constant 0 : i32
        %dma_wait3A_286 = arith.constant 0 : i32
        %dma_wait3A_287 = arith.constant 0 : i32
        %dma_wait3A_288 = arith.constant 0 : i32
        %dma_wait3A_289 = arith.constant 0 : i32
        %dma_wait3A_290 = tpu.memref_slice %arg9[%dma_wait3A_285, %dma_wait3A_288, %dma_wait3A_289] : memref<4x128x64xf32, #tpu.memory_space<vmem>> -> memref<1x128x64xf32, #tpu.memory_space<vmem>>
        %dma_wait3A_291 = tpu.memref_squeeze %dma_wait3A_290 : memref<1x128x64xf32, #tpu.memory_space<vmem>> -> memref<128x64xf32, #tpu.memory_space<vmem>>
        %dma_wait3A_292 = arith.constant 0 : i32
        %dma_wait3A_293 = tpu.memref_slice %arg8[%dma_wait3A_286, %dma_wait3A_292] : memref<160x128xi32, #tpu.memory_space<vmem>> -> memref<1x128xi32, #tpu.memory_space<vmem>>
        %dma_wait3A_294 = tpu.memref_squeeze %dma_wait3A_293 : memref<1x128xi32, #tpu.memory_space<vmem>> -> memref<128xi32, #tpu.memory_space<vmem>>
        %dma_wait3A_295 = arith.constant 0 : i32
        %dma_wait3A_296 = arith.constant 0 : i32
        %dma_wait3A_297 = tpu.memref_slice %arg10[%dma_wait3A_295, %dma_wait3A_296] : memref<10112x64xf32, #tpu.memory_space<vmem_shared>> -> memref<10112x64xf32, #tpu.memory_space<vmem_shared>>
        %dma_wait3A_298 = tpu.memref_slice %arg12[%dma_wait3A_287] : memref<4x!tpu.dma_semaphore, #tpu.memory_space<semaphore_mem>> -> memref<1x!tpu.dma_semaphore, #tpu.memory_space<semaphore_mem>>
        %dma_wait3A_299 = tpu.memref_squeeze %dma_wait3A_298 : memref<1x!tpu.dma_semaphore, #tpu.memory_space<semaphore_mem>> -> memref<!tpu.dma_semaphore, #tpu.memory_space<semaphore_mem>>
        tpu.wait_indirect_dma semaphore(%dma_wait3A_299 : memref<!tpu.dma_semaphore, #tpu.memory_space<semaphore_mem>>) src(%dma_wait3A_291 : memref<128x64xf32, #tpu.memory_space<vmem>>) dst(%dma_wait3A_297 : memref<10112x64xf32, #tpu.memory_space<vmem_shared>>)
        %dma_start3A_300 = arith.constant 0 : i32
        %dma_start3A_301 = arith.constant 0 : i32
        %dma_start3A_302 = arith.constant 0 : i32
        %dma_start3A_303 = arith.constant 0 : i32
        %dma_start3A_304 = tpu.memref_slice %arg9[%dma_start3A_300, %dma_start3A_302, %dma_start3A_303] : memref<4x128x64xf32, #tpu.memory_space<vmem>> -> memref<1x128x64xf32, #tpu.memory_space<vmem>>
        %dma_start3A_305 = tpu.memref_squeeze %dma_start3A_304 : memref<1x128x64xf32, #tpu.memory_space<vmem>> -> memref<128x64xf32, #tpu.memory_space<vmem>>
        %dma_start3A_306 = arith.constant 0 : i32
        %dma_start3A_307 = tpu.memref_slice %arg7[%add3A_168, %dma_start3A_306] : memref<160x128xi32, #tpu.memory_space<vmem>> -> memref<1x128xi32, #tpu.memory_space<vmem>>
        %dma_start3A_308 = tpu.memref_squeeze %dma_start3A_307 : memref<1x128xi32, #tpu.memory_space<vmem>> -> memref<128xi32, #tpu.memory_space<vmem>>
        %dma_start3A_309 = arith.constant 0 : i32
        %dma_start3A_310 = arith.constant 0 : i32
        %dma_start3A_311 = tpu.memref_slice %arg4[%dma_start3A_309, %dma_start3A_310] : memref<20000x64xf32, #tpu.memory_space<hbm>> -> memref<20000x64xf32, #tpu.memory_space<hbm>>
        %dma_start3A_312 = tpu.memref_slice %arg11[%dma_start3A_301] : memref<4x!tpu.dma_semaphore, #tpu.memory_space<semaphore_mem>> -> memref<1x!tpu.dma_semaphore, #tpu.memory_space<semaphore_mem>>
        %dma_start3A_313 = tpu.memref_squeeze %dma_start3A_312 : memref<1x!tpu.dma_semaphore, #tpu.memory_space<semaphore_mem>> -> memref<!tpu.dma_semaphore, #tpu.memory_space<semaphore_mem>>
        tpu.enqueue_indirect_dma source(%dma_start3A_311 : memref<20000x64xf32, #tpu.memory_space<hbm>>) target(%dma_start3A_305 : memref<128x64xf32, #tpu.memory_space<vmem>>) offsets(%dma_start3A_308 : memref<128xi32, #tpu.memory_space<vmem>>) semaphore(%dma_start3A_313 : memref<!tpu.dma_semaphore, #tpu.memory_space<semaphore_mem>>)
      } else {
      }
      %add3A_171 = arith.constant 1 : i32
      %add3A_172 = arith.addi %add3A_135, %add3A_171 : i32
      %dma_wait3A_173 = arith.constant 0 : i32
      %dma_wait3A_174 = arith.constant 1 : i32
      %dma_wait3A_175 = arith.constant 1 : i32
      %dma_wait3A_176 = arith.constant 0 : i32
      %dma_wait3A_177 = arith.constant 0 : i32
      %dma_wait3A_178 = tpu.memref_slice %arg9[%dma_wait3A_174, %dma_wait3A_176, %dma_wait3A_177] : memref<4x128x64xf32, #tpu.memory_space<vmem>> -> memref<1x128x64xf32, #tpu.memory_space<vmem>>
      %dma_wait3A_179 = tpu.memref_squeeze %dma_wait3A_178 : memref<1x128x64xf32, #tpu.memory_space<vmem>> -> memref<128x64xf32, #tpu.memory_space<vmem>>
      %dma_wait3A_180 = arith.constant 0 : i32
      %dma_wait3A_181 = tpu.memref_slice %arg7[%dma_wait3A_173, %dma_wait3A_180] : memref<160x128xi32, #tpu.memory_space<vmem>> -> memref<1x128xi32, #tpu.memory_space<vmem>>
      %dma_wait3A_182 = tpu.memref_squeeze %dma_wait3A_181 : memref<1x128xi32, #tpu.memory_space<vmem>> -> memref<128xi32, #tpu.memory_space<vmem>>
      %dma_wait3A_183 = arith.constant 0 : i32
      %dma_wait3A_184 = arith.constant 0 : i32
      %dma_wait3A_185 = tpu.memref_slice %arg4[%dma_wait3A_183, %dma_wait3A_184] : memref<20000x64xf32, #tpu.memory_space<hbm>> -> memref<20000x64xf32, #tpu.memory_space<hbm>>
      %dma_wait3A_186 = tpu.memref_slice %arg11[%dma_wait3A_175] : memref<4x!tpu.dma_semaphore, #tpu.memory_space<semaphore_mem>> -> memref<1x!tpu.dma_semaphore, #tpu.memory_space<semaphore_mem>>
      %dma_wait3A_187 = tpu.memref_squeeze %dma_wait3A_186 : memref<1x!tpu.dma_semaphore, #tpu.memory_space<semaphore_mem>> -> memref<!tpu.dma_semaphore, #tpu.memory_space<semaphore_mem>>
      tpu.wait_indirect_dma semaphore(%dma_wait3A_187 : memref<!tpu.dma_semaphore, #tpu.memory_space<semaphore_mem>>) src(%dma_wait3A_185 : memref<20000x64xf32, #tpu.memory_space<hbm>>) dst(%dma_wait3A_179 : memref<128x64xf32, #tpu.memory_space<vmem>>)
      %dma_start3A_188 = arith.constant 1 : i32
      %dma_start3A_189 = arith.constant 1 : i32
      %dma_start3A_190 = arith.constant 0 : i32
      %dma_start3A_191 = arith.constant 0 : i32
      %dma_start3A_192 = tpu.memref_slice %arg9[%dma_start3A_188, %dma_start3A_190, %dma_start3A_191] : memref<4x128x64xf32, #tpu.memory_space<vmem>> -> memref<1x128x64xf32, #tpu.memory_space<vmem>>
      %dma_start3A_193 = tpu.memref_squeeze %dma_start3A_192 : memref<1x128x64xf32, #tpu.memory_space<vmem>> -> memref<128x64xf32, #tpu.memory_space<vmem>>
      %dma_start3A_194 = arith.constant 0 : i32
      %dma_start3A_195 = tpu.memref_slice %arg8[%add3A_172, %dma_start3A_194] : memref<160x128xi32, #tpu.memory_space<vmem>> -> memref<1x128xi32, #tpu.memory_space<vmem>>
      %dma_start3A_196 = tpu.memref_squeeze %dma_start3A_195 : memref<1x128xi32, #tpu.memory_space<vmem>> -> memref<128xi32, #tpu.memory_space<vmem>>
      %dma_start3A_197 = arith.constant 0 : i32
      %dma_start3A_198 = arith.constant 0 : i32
      %dma_start3A_199 = tpu.memref_slice %arg10[%dma_start3A_197, %dma_start3A_198] : memref<10112x64xf32, #tpu.memory_space<vmem_shared>> -> memref<10112x64xf32, #tpu.memory_space<vmem_shared>>
      %dma_start3A_200 = tpu.memref_slice %arg12[%dma_start3A_189] : memref<4x!tpu.dma_semaphore, #tpu.memory_space<semaphore_mem>> -> memref<1x!tpu.dma_semaphore, #tpu.memory_space<semaphore_mem>>
      %dma_start3A_201 = tpu.memref_squeeze %dma_start3A_200 : memref<1x!tpu.dma_semaphore, #tpu.memory_space<semaphore_mem>> -> memref<!tpu.dma_semaphore, #tpu.memory_space<semaphore_mem>>
      tpu.enqueue_indirect_dma source(%dma_start3A_193 : memref<128x64xf32, #tpu.memory_space<vmem>>) target(%dma_start3A_199 : memref<10112x64xf32, #tpu.memory_space<vmem_shared>>) offsets(%dma_start3A_196 : memref<128xi32, #tpu.memory_space<vmem>>) semaphore(%dma_start3A_201 : memref<!tpu.dma_semaphore, #tpu.memory_space<semaphore_mem>>) {add = true}
      %add3A_202 = arith.constant 4 : i32
      %add3A_203 = arith.addi %add3A_172, %add3A_202 : i32
      %lt3A_204 = arith.constant 160 : i32
      %lt3A_205 = arith.cmpi slt, %add3A_203, %lt3A_204 : i32
      %convert_element_type3A_206 = arith.extui %lt3A_205 : i1 to i32
      %cond3A_207 = arith.constant 0 : i32
      %cond3A_208 = arith.cmpi ne, %convert_element_type3A_206, %cond3A_207 : i32
      scf.if %cond3A_208 {
        %dma_wait3A_285 = arith.constant 1 : i32
        %dma_wait3A_286 = arith.constant 0 : i32
        %dma_wait3A_287 = arith.constant 1 : i32
        %dma_wait3A_288 = arith.constant 0 : i32
        %dma_wait3A_289 = arith.constant 0 : i32
        %dma_wait3A_290 = tpu.memref_slice %arg9[%dma_wait3A_285, %dma_wait3A_288, %dma_wait3A_289] : memref<4x128x64xf32, #tpu.memory_space<vmem>> -> memref<1x128x64xf32, #tpu.memory_space<vmem>>
        %dma_wait3A_291 = tpu.memref_squeeze %dma_wait3A_290 : memref<1x128x64xf32, #tpu.memory_space<vmem>> -> memref<128x64xf32, #tpu.memory_space<vmem>>
        %dma_wait3A_292 = arith.constant 0 : i32
        %dma_wait3A_293 = tpu.memref_slice %arg8[%dma_wait3A_286, %dma_wait3A_292] : memref<160x128xi32, #tpu.memory_space<vmem>> -> memref<1x128xi32, #tpu.memory_space<vmem>>
        %dma_wait3A_294 = tpu.memref_squeeze %dma_wait3A_293 : memref<1x128xi32, #tpu.memory_space<vmem>> -> memref<128xi32, #tpu.memory_space<vmem>>
        %dma_wait3A_295 = arith.constant 0 : i32
        %dma_wait3A_296 = arith.constant 0 : i32
        %dma_wait3A_297 = tpu.memref_slice %arg10[%dma_wait3A_295, %dma_wait3A_296] : memref<10112x64xf32, #tpu.memory_space<vmem_shared>> -> memref<10112x64xf32, #tpu.memory_space<vmem_shared>>
        %dma_wait3A_298 = tpu.memref_slice %arg12[%dma_wait3A_287] : memref<4x!tpu.dma_semaphore, #tpu.memory_space<semaphore_mem>> -> memref<1x!tpu.dma_semaphore, #tpu.memory_space<semaphore_mem>>
        %dma_wait3A_299 = tpu.memref_squeeze %dma_wait3A_298 : memref<1x!tpu.dma_semaphore, #tpu.memory_space<semaphore_mem>> -> memref<!tpu.dma_semaphore, #tpu.memory_space<semaphore_mem>>
        tpu.wait_indirect_dma semaphore(%dma_wait3A_299 : memref<!tpu.dma_semaphore, #tpu.memory_space<semaphore_mem>>) src(%dma_wait3A_291 : memref<128x64xf32, #tpu.memory_space<vmem>>) dst(%dma_wait3A_297 : memref<10112x64xf32, #tpu.memory_space<vmem_shared>>)
        %dma_start3A_300 = arith.constant 1 : i32
        %dma_start3A_301 = arith.constant 1 : i32
        %dma_start3A_302 = arith.constant 0 : i32
        %dma_start3A_303 = arith.constant 0 : i32
        %dma_start3A_304 = tpu.memref_slice %arg9[%dma_start3A_300, %dma_start3A_302, %dma_start3A_303] : memref<4x128x64xf32, #tpu.memory_space<vmem>> -> memref<1x128x64xf32, #tpu.memory_space<vmem>>
        %dma_start3A_305 = tpu.memref_squeeze %dma_start3A_304 : memref<1x128x64xf32, #tpu.memory_space<vmem>> -> memref<128x64xf32, #tpu.memory_space<vmem>>
        %dma_start3A_306 = arith.constant 0 : i32
        %dma_start3A_307 = tpu.memref_slice %arg7[%add3A_203, %dma_start3A_306] : memref<160x128xi32, #tpu.memory_space<vmem>> -> memref<1x128xi32, #tpu.memory_space<vmem>>
        %dma_start3A_308 = tpu.memref_squeeze %dma_start3A_307 : memref<1x128xi32, #tpu.memory_space<vmem>> -> memref<128xi32, #tpu.memory_space<vmem>>
        %dma_start3A_309 = arith.constant 0 : i32
        %dma_start3A_310 = arith.constant 0 : i32
        %dma_start3A_311 = tpu.memref_slice %arg4[%dma_start3A_309, %dma_start3A_310] : memref<20000x64xf32, #tpu.memory_space<hbm>> -> memref<20000x64xf32, #tpu.memory_space<hbm>>
        %dma_start3A_312 = tpu.memref_slice %arg11[%dma_start3A_301] : memref<4x!tpu.dma_semaphore, #tpu.memory_space<semaphore_mem>> -> memref<1x!tpu.dma_semaphore, #tpu.memory_space<semaphore_mem>>
        %dma_start3A_313 = tpu.memref_squeeze %dma_start3A_312 : memref<1x!tpu.dma_semaphore, #tpu.memory_space<semaphore_mem>> -> memref<!tpu.dma_semaphore, #tpu.memory_space<semaphore_mem>>
        tpu.enqueue_indirect_dma source(%dma_start3A_311 : memref<20000x64xf32, #tpu.memory_space<hbm>>) target(%dma_start3A_305 : memref<128x64xf32, #tpu.memory_space<vmem>>) offsets(%dma_start3A_308 : memref<128xi32, #tpu.memory_space<vmem>>) semaphore(%dma_start3A_313 : memref<!tpu.dma_semaphore, #tpu.memory_space<semaphore_mem>>)
      } else {
      }
      %add3A_209 = arith.constant 2 : i32
      %add3A_210 = arith.addi %add3A_135, %add3A_209 : i32
      %dma_wait3A_211 = arith.constant 0 : i32
      %dma_wait3A_212 = arith.constant 2 : i32
      %dma_wait3A_213 = arith.constant 2 : i32
      %dma_wait3A_214 = arith.constant 0 : i32
      %dma_wait3A_215 = arith.constant 0 : i32
      %dma_wait3A_216 = tpu.memref_slice %arg9[%dma_wait3A_212, %dma_wait3A_214, %dma_wait3A_215] : memref<4x128x64xf32, #tpu.memory_space<vmem>> -> memref<1x128x64xf32, #tpu.memory_space<vmem>>
      %dma_wait3A_217 = tpu.memref_squeeze %dma_wait3A_216 : memref<1x128x64xf32, #tpu.memory_space<vmem>> -> memref<128x64xf32, #tpu.memory_space<vmem>>
      %dma_wait3A_218 = arith.constant 0 : i32
      %dma_wait3A_219 = tpu.memref_slice %arg7[%dma_wait3A_211, %dma_wait3A_218] : memref<160x128xi32, #tpu.memory_space<vmem>> -> memref<1x128xi32, #tpu.memory_space<vmem>>
      %dma_wait3A_220 = tpu.memref_squeeze %dma_wait3A_219 : memref<1x128xi32, #tpu.memory_space<vmem>> -> memref<128xi32, #tpu.memory_space<vmem>>
      %dma_wait3A_221 = arith.constant 0 : i32
      %dma_wait3A_222 = arith.constant 0 : i32
      %dma_wait3A_223 = tpu.memref_slice %arg4[%dma_wait3A_221, %dma_wait3A_222] : memref<20000x64xf32, #tpu.memory_space<hbm>> -> memref<20000x64xf32, #tpu.memory_space<hbm>>
      %dma_wait3A_224 = tpu.memref_slice %arg11[%dma_wait3A_213] : memref<4x!tpu.dma_semaphore, #tpu.memory_space<semaphore_mem>> -> memref<1x!tpu.dma_semaphore, #tpu.memory_space<semaphore_mem>>
      %dma_wait3A_225 = tpu.memref_squeeze %dma_wait3A_224 : memref<1x!tpu.dma_semaphore, #tpu.memory_space<semaphore_mem>> -> memref<!tpu.dma_semaphore, #tpu.memory_space<semaphore_mem>>
      tpu.wait_indirect_dma semaphore(%dma_wait3A_225 : memref<!tpu.dma_semaphore, #tpu.memory_space<semaphore_mem>>) src(%dma_wait3A_223 : memref<20000x64xf32, #tpu.memory_space<hbm>>) dst(%dma_wait3A_217 : memref<128x64xf32, #tpu.memory_space<vmem>>)
      %dma_start3A_226 = arith.constant 2 : i32
      %dma_start3A_227 = arith.constant 2 : i32
      %dma_start3A_228 = arith.constant 0 : i32
      %dma_start3A_229 = arith.constant 0 : i32
      %dma_start3A_230 = tpu.memref_slice %arg9[%dma_start3A_226, %dma_start3A_228, %dma_start3A_229] : memref<4x128x64xf32, #tpu.memory_space<vmem>> -> memref<1x128x64xf32, #tpu.memory_space<vmem>>
      %dma_start3A_231 = tpu.memref_squeeze %dma_start3A_230 : memref<1x128x64xf32, #tpu.memory_space<vmem>> -> memref<128x64xf32, #tpu.memory_space<vmem>>
      %dma_start3A_232 = arith.constant 0 : i32
      %dma_start3A_233 = tpu.memref_slice %arg8[%add3A_210, %dma_start3A_232] : memref<160x128xi32, #tpu.memory_space<vmem>> -> memref<1x128xi32, #tpu.memory_space<vmem>>
      %dma_start3A_234 = tpu.memref_squeeze %dma_start3A_233 : memref<1x128xi32, #tpu.memory_space<vmem>> -> memref<128xi32, #tpu.memory_space<vmem>>
      %dma_start3A_235 = arith.constant 0 : i32
      %dma_start3A_236 = arith.constant 0 : i32
      %dma_start3A_237 = tpu.memref_slice %arg10[%dma_start3A_235, %dma_start3A_236] : memref<10112x64xf32, #tpu.memory_space<vmem_shared>> -> memref<10112x64xf32, #tpu.memory_space<vmem_shared>>
      %dma_start3A_238 = tpu.memref_slice %arg12[%dma_start3A_227] : memref<4x!tpu.dma_semaphore, #tpu.memory_space<semaphore_mem>> -> memref<1x!tpu.dma_semaphore, #tpu.memory_space<semaphore_mem>>
      %dma_start3A_239 = tpu.memref_squeeze %dma_start3A_238 : memref<1x!tpu.dma_semaphore, #tpu.memory_space<semaphore_mem>> -> memref<!tpu.dma_semaphore, #tpu.memory_space<semaphore_mem>>
      tpu.enqueue_indirect_dma source(%dma_start3A_231 : memref<128x64xf32, #tpu.memory_space<vmem>>) target(%dma_start3A_237 : memref<10112x64xf32, #tpu.memory_space<vmem_shared>>) offsets(%dma_start3A_234 : memref<128xi32, #tpu.memory_space<vmem>>) semaphore(%dma_start3A_239 : memref<!tpu.dma_semaphore, #tpu.memory_space<semaphore_mem>>) {add = true}
      %add3A_240 = arith.constant 4 : i32
      %add3A_241 = arith.addi %add3A_210, %add3A_240 : i32
      %lt3A_242 = arith.constant 160 : i32
      %lt3A_243 = arith.cmpi slt, %add3A_241, %lt3A_242 : i32
      %convert_element_type3A_244 = arith.extui %lt3A_243 : i1 to i32
      %cond3A_245 = arith.constant 0 : i32
      %cond3A_246 = arith.cmpi ne, %convert_element_type3A_244, %cond3A_245 : i32
      scf.if %cond3A_246 {
        %dma_wait3A_285 = arith.constant 2 : i32
        %dma_wait3A_286 = arith.constant 0 : i32
        %dma_wait3A_287 = arith.constant 2 : i32
        %dma_wait3A_288 = arith.constant 0 : i32
        %dma_wait3A_289 = arith.constant 0 : i32
        %dma_wait3A_290 = tpu.memref_slice %arg9[%dma_wait3A_285, %dma_wait3A_288, %dma_wait3A_289] : memref<4x128x64xf32, #tpu.memory_space<vmem>> -> memref<1x128x64xf32, #tpu.memory_space<vmem>>
        %dma_wait3A_291 = tpu.memref_squeeze %dma_wait3A_290 : memref<1x128x64xf32, #tpu.memory_space<vmem>> -> memref<128x64xf32, #tpu.memory_space<vmem>>
        %dma_wait3A_292 = arith.constant 0 : i32
        %dma_wait3A_293 = tpu.memref_slice %arg8[%dma_wait3A_286, %dma_wait3A_292] : memref<160x128xi32, #tpu.memory_space<vmem>> -> memref<1x128xi32, #tpu.memory_space<vmem>>
        %dma_wait3A_294 = tpu.memref_squeeze %dma_wait3A_293 : memref<1x128xi32, #tpu.memory_space<vmem>> -> memref<128xi32, #tpu.memory_space<vmem>>
        %dma_wait3A_295 = arith.constant 0 : i32
        %dma_wait3A_296 = arith.constant 0 : i32
        %dma_wait3A_297 = tpu.memref_slice %arg10[%dma_wait3A_295, %dma_wait3A_296] : memref<10112x64xf32, #tpu.memory_space<vmem_shared>> -> memref<10112x64xf32, #tpu.memory_space<vmem_shared>>
        %dma_wait3A_298 = tpu.memref_slice %arg12[%dma_wait3A_287] : memref<4x!tpu.dma_semaphore, #tpu.memory_space<semaphore_mem>> -> memref<1x!tpu.dma_semaphore, #tpu.memory_space<semaphore_mem>>
        %dma_wait3A_299 = tpu.memref_squeeze %dma_wait3A_298 : memref<1x!tpu.dma_semaphore, #tpu.memory_space<semaphore_mem>> -> memref<!tpu.dma_semaphore, #tpu.memory_space<semaphore_mem>>
        tpu.wait_indirect_dma semaphore(%dma_wait3A_299 : memref<!tpu.dma_semaphore, #tpu.memory_space<semaphore_mem>>) src(%dma_wait3A_291 : memref<128x64xf32, #tpu.memory_space<vmem>>) dst(%dma_wait3A_297 : memref<10112x64xf32, #tpu.memory_space<vmem_shared>>)
        %dma_start3A_300 = arith.constant 2 : i32
        %dma_start3A_301 = arith.constant 2 : i32
        %dma_start3A_302 = arith.constant 0 : i32
        %dma_start3A_303 = arith.constant 0 : i32
        %dma_start3A_304 = tpu.memref_slice %arg9[%dma_start3A_300, %dma_start3A_302, %dma_start3A_303] : memref<4x128x64xf32, #tpu.memory_space<vmem>> -> memref<1x128x64xf32, #tpu.memory_space<vmem>>
        %dma_start3A_305 = tpu.memref_squeeze %dma_start3A_304 : memref<1x128x64xf32, #tpu.memory_space<vmem>> -> memref<128x64xf32, #tpu.memory_space<vmem>>
        %dma_start3A_306 = arith.constant 0 : i32
        %dma_start3A_307 = tpu.memref_slice %arg7[%add3A_241, %dma_start3A_306] : memref<160x128xi32, #tpu.memory_space<vmem>> -> memref<1x128xi32, #tpu.memory_space<vmem>>
        %dma_start3A_308 = tpu.memref_squeeze %dma_start3A_307 : memref<1x128xi32, #tpu.memory_space<vmem>> -> memref<128xi32, #tpu.memory_space<vmem>>
        %dma_start3A_309 = arith.constant 0 : i32
        %dma_start3A_310 = arith.constant 0 : i32
        %dma_start3A_311 = tpu.memref_slice %arg4[%dma_start3A_309, %dma_start3A_310] : memref<20000x64xf32, #tpu.memory_space<hbm>> -> memref<20000x64xf32, #tpu.memory_space<hbm>>
        %dma_start3A_312 = tpu.memref_slice %arg11[%dma_start3A_301] : memref<4x!tpu.dma_semaphore, #tpu.memory_space<semaphore_mem>> -> memref<1x!tpu.dma_semaphore, #tpu.memory_space<semaphore_mem>>
        %dma_start3A_313 = tpu.memref_squeeze %dma_start3A_312 : memref<1x!tpu.dma_semaphore, #tpu.memory_space<semaphore_mem>> -> memref<!tpu.dma_semaphore, #tpu.memory_space<semaphore_mem>>
        tpu.enqueue_indirect_dma source(%dma_start3A_311 : memref<20000x64xf32, #tpu.memory_space<hbm>>) target(%dma_start3A_305 : memref<128x64xf32, #tpu.memory_space<vmem>>) offsets(%dma_start3A_308 : memref<128xi32, #tpu.memory_space<vmem>>) semaphore(%dma_start3A_313 : memref<!tpu.dma_semaphore, #tpu.memory_space<semaphore_mem>>)
      } else {
      }
      %add3A_247 = arith.constant 3 : i32
      %add3A_248 = arith.addi %add3A_135, %add3A_247 : i32
      %dma_wait3A_249 = arith.constant 0 : i32
      %dma_wait3A_250 = arith.constant 3 : i32
      %dma_wait3A_251 = arith.constant 3 : i32
      %dma_wait3A_252 = arith.constant 0 : i32
      %dma_wait3A_253 = arith.constant 0 : i32
      %dma_wait3A_254 = tpu.memref_slice %arg9[%dma_wait3A_250, %dma_wait3A_252, %dma_wait3A_253] : memref<4x128x64xf32, #tpu.memory_space<vmem>> -> memref<1x128x64xf32, #tpu.memory_space<vmem>>
      %dma_wait3A_255 = tpu.memref_squeeze %dma_wait3A_254 : memref<1x128x64xf32, #tpu.memory_space<vmem>> -> memref<128x64xf32, #tpu.memory_space<vmem>>
      %dma_wait3A_256 = arith.constant 0 : i32
      %dma_wait3A_257 = tpu.memref_slice %arg7[%dma_wait3A_249, %dma_wait3A_256] : memref<160x128xi32, #tpu.memory_space<vmem>> -> memref<1x128xi32, #tpu.memory_space<vmem>>
      %dma_wait3A_258 = tpu.memref_squeeze %dma_wait3A_257 : memref<1x128xi32, #tpu.memory_space<vmem>> -> memref<128xi32, #tpu.memory_space<vmem>>
      %dma_wait3A_259 = arith.constant 0 : i32
      %dma_wait3A_260 = arith.constant 0 : i32
      %dma_wait3A_261 = tpu.memref_slice %arg4[%dma_wait3A_259, %dma_wait3A_260] : memref<20000x64xf32, #tpu.memory_space<hbm>> -> memref<20000x64xf32, #tpu.memory_space<hbm>>
      %dma_wait3A_262 = tpu.memref_slice %arg11[%dma_wait3A_251] : memref<4x!tpu.dma_semaphore, #tpu.memory_space<semaphore_mem>> -> memref<1x!tpu.dma_semaphore, #tpu.memory_space<semaphore_mem>>
      %dma_wait3A_263 = tpu.memref_squeeze %dma_wait3A_262 : memref<1x!tpu.dma_semaphore, #tpu.memory_space<semaphore_mem>> -> memref<!tpu.dma_semaphore, #tpu.memory_space<semaphore_mem>>
      tpu.wait_indirect_dma semaphore(%dma_wait3A_263 : memref<!tpu.dma_semaphore, #tpu.memory_space<semaphore_mem>>) src(%dma_wait3A_261 : memref<20000x64xf32, #tpu.memory_space<hbm>>) dst(%dma_wait3A_255 : memref<128x64xf32, #tpu.memory_space<vmem>>)
      %dma_start3A_264 = arith.constant 3 : i32
      %dma_start3A_265 = arith.constant 3 : i32
      %dma_start3A_266 = arith.constant 0 : i32
      %dma_start3A_267 = arith.constant 0 : i32
      %dma_start3A_268 = tpu.memref_slice %arg9[%dma_start3A_264, %dma_start3A_266, %dma_start3A_267] : memref<4x128x64xf32, #tpu.memory_space<vmem>> -> memref<1x128x64xf32, #tpu.memory_space<vmem>>
      %dma_start3A_269 = tpu.memref_squeeze %dma_start3A_268 : memref<1x128x64xf32, #tpu.memory_space<vmem>> -> memref<128x64xf32, #tpu.memory_space<vmem>>
      %dma_start3A_270 = arith.constant 0 : i32
      %dma_start3A_271 = tpu.memref_slice %arg8[%add3A_248, %dma_start3A_270] : memref<160x128xi32, #tpu.memory_space<vmem>> -> memref<1x128xi32, #tpu.memory_space<vmem>>
      %dma_start3A_272 = tpu.memref_squeeze %dma_start3A_271 : memref<1x128xi32, #tpu.memory_space<vmem>> -> memref<128xi32, #tpu.memory_space<vmem>>
      %dma_start3A_273 = arith.constant 0 : i32
      %dma_start3A_274 = arith.constant 0 : i32
      %dma_start3A_275 = tpu.memref_slice %arg10[%dma_start3A_273, %dma_start3A_274] : memref<10112x64xf32, #tpu.memory_space<vmem_shared>> -> memref<10112x64xf32, #tpu.memory_space<vmem_shared>>
      %dma_start3A_276 = tpu.memref_slice %arg12[%dma_start3A_265] : memref<4x!tpu.dma_semaphore, #tpu.memory_space<semaphore_mem>> -> memref<1x!tpu.dma_semaphore, #tpu.memory_space<semaphore_mem>>
      %dma_start3A_277 = tpu.memref_squeeze %dma_start3A_276 : memref<1x!tpu.dma_semaphore, #tpu.memory_space<semaphore_mem>> -> memref<!tpu.dma_semaphore, #tpu.memory_space<semaphore_mem>>
      tpu.enqueue_indirect_dma source(%dma_start3A_269 : memref<128x64xf32, #tpu.memory_space<vmem>>) target(%dma_start3A_275 : memref<10112x64xf32, #tpu.memory_space<vmem_shared>>) offsets(%dma_start3A_272 : memref<128xi32, #tpu.memory_space<vmem>>) semaphore(%dma_start3A_277 : memref<!tpu.dma_semaphore, #tpu.memory_space<semaphore_mem>>) {add = true}
      %add3A_278 = arith.constant 4 : i32
      %add3A_279 = arith.addi %add3A_248, %add3A_278 : i32
      %lt3A_280 = arith.constant 160 : i32
      %lt3A_281 = arith.cmpi slt, %add3A_279, %lt3A_280 : i32
      %convert_element_type3A_282 = arith.extui %lt3A_281 : i1 to i32
      %cond3A_283 = arith.constant 0 : i32
      %cond3A_284 = arith.cmpi ne, %convert_element_type3A_282, %cond3A_283 : i32
      scf.if %cond3A_284 {
        %dma_wait3A_285 = arith.constant 3 : i32
        %dma_wait3A_286 = arith.constant 0 : i32
        %dma_wait3A_287 = arith.constant 3 : i32
        %dma_wait3A_288 = arith.constant 0 : i32
        %dma_wait3A_289 = arith.constant 0 : i32
        %dma_wait3A_290 = tpu.memref_slice %arg9[%dma_wait3A_285, %dma_wait3A_288, %dma_wait3A_289] : memref<4x128x64xf32, #tpu.memory_space<vmem>> -> memref<1x128x64xf32, #tpu.memory_space<vmem>>
        %dma_wait3A_291 = tpu.memref_squeeze %dma_wait3A_290 : memref<1x128x64xf32, #tpu.memory_space<vmem>> -> memref<128x64xf32, #tpu.memory_space<vmem>>
        %dma_wait3A_292 = arith.constant 0 : i32
        %dma_wait3A_293 = tpu.memref_slice %arg8[%dma_wait3A_286, %dma_wait3A_292] : memref<160x128xi32, #tpu.memory_space<vmem>> -> memref<1x128xi32, #tpu.memory_space<vmem>>
        %dma_wait3A_294 = tpu.memref_squeeze %dma_wait3A_293 : memref<1x128xi32, #tpu.memory_space<vmem>> -> memref<128xi32, #tpu.memory_space<vmem>>
        %dma_wait3A_295 = arith.constant 0 : i32
        %dma_wait3A_296 = arith.constant 0 : i32
        %dma_wait3A_297 = tpu.memref_slice %arg10[%dma_wait3A_295, %dma_wait3A_296] : memref<10112x64xf32, #tpu.memory_space<vmem_shared>> -> memref<10112x64xf32, #tpu.memory_space<vmem_shared>>
        %dma_wait3A_298 = tpu.memref_slice %arg12[%dma_wait3A_287] : memref<4x!tpu.dma_semaphore, #tpu.memory_space<semaphore_mem>> -> memref<1x!tpu.dma_semaphore, #tpu.memory_space<semaphore_mem>>
        %dma_wait3A_299 = tpu.memref_squeeze %dma_wait3A_298 : memref<1x!tpu.dma_semaphore, #tpu.memory_space<semaphore_mem>> -> memref<!tpu.dma_semaphore, #tpu.memory_space<semaphore_mem>>
        tpu.wait_indirect_dma semaphore(%dma_wait3A_299 : memref<!tpu.dma_semaphore, #tpu.memory_space<semaphore_mem>>) src(%dma_wait3A_291 : memref<128x64xf32, #tpu.memory_space<vmem>>) dst(%dma_wait3A_297 : memref<10112x64xf32, #tpu.memory_space<vmem_shared>>)
        %dma_start3A_300 = arith.constant 3 : i32
        %dma_start3A_301 = arith.constant 3 : i32
        %dma_start3A_302 = arith.constant 0 : i32
        %dma_start3A_303 = arith.constant 0 : i32
        %dma_start3A_304 = tpu.memref_slice %arg9[%dma_start3A_300, %dma_start3A_302, %dma_start3A_303] : memref<4x128x64xf32, #tpu.memory_space<vmem>> -> memref<1x128x64xf32, #tpu.memory_space<vmem>>
        %dma_start3A_305 = tpu.memref_squeeze %dma_start3A_304 : memref<1x128x64xf32, #tpu.memory_space<vmem>> -> memref<128x64xf32, #tpu.memory_space<vmem>>
        %dma_start3A_306 = arith.constant 0 : i32
        %dma_start3A_307 = tpu.memref_slice %arg7[%add3A_279, %dma_start3A_306] : memref<160x128xi32, #tpu.memory_space<vmem>> -> memref<1x128xi32, #tpu.memory_space<vmem>>
        %dma_start3A_308 = tpu.memref_squeeze %dma_start3A_307 : memref<1x128xi32, #tpu.memory_space<vmem>> -> memref<128xi32, #tpu.memory_space<vmem>>
        %dma_start3A_309 = arith.constant 0 : i32
        %dma_start3A_310 = arith.constant 0 : i32
        %dma_start3A_311 = tpu.memref_slice %arg4[%dma_start3A_309, %dma_start3A_310] : memref<20000x64xf32, #tpu.memory_space<hbm>> -> memref<20000x64xf32, #tpu.memory_space<hbm>>
        %dma_start3A_312 = tpu.memref_slice %arg11[%dma_start3A_301] : memref<4x!tpu.dma_semaphore, #tpu.memory_space<semaphore_mem>> -> memref<1x!tpu.dma_semaphore, #tpu.memory_space<semaphore_mem>>
        %dma_start3A_313 = tpu.memref_squeeze %dma_start3A_312 : memref<1x!tpu.dma_semaphore, #tpu.memory_space<semaphore_mem>> -> memref<!tpu.dma_semaphore, #tpu.memory_space<semaphore_mem>>
        tpu.enqueue_indirect_dma source(%dma_start3A_311 : memref<20000x64xf32, #tpu.memory_space<hbm>>) target(%dma_start3A_305 : memref<128x64xf32, #tpu.memory_space<vmem>>) offsets(%dma_start3A_308 : memref<128xi32, #tpu.memory_space<vmem>>) semaphore(%dma_start3A_313 : memref<!tpu.dma_semaphore, #tpu.memory_space<semaphore_mem>>)
      } else {
      }
    }
    %scan3A_71 = arith.constant 40 : i32
    %dma_wait3A = arith.constant 0 : i32
    %dma_wait3A_72 = arith.constant 0 : i32
    %dma_wait3A_73 = arith.constant 0 : i32
    %dma_wait3A_74 = arith.constant 0 : i32
    %dma_wait3A_75 = arith.constant 0 : i32
    %dma_wait3A_76 = tpu.memref_slice %arg9[%dma_wait3A, %dma_wait3A_74, %dma_wait3A_75] : memref<4x128x64xf32, #tpu.memory_space<vmem>> -> memref<1x128x64xf32, #tpu.memory_space<vmem>>
    %dma_wait3A_77 = tpu.memref_squeeze %dma_wait3A_76 : memref<1x128x64xf32, #tpu.memory_space<vmem>> -> memref<128x64xf32, #tpu.memory_space<vmem>>
    %dma_wait3A_78 = arith.constant 0 : i32
    %dma_wait3A_79 = tpu.memref_slice %arg8[%dma_wait3A_72, %dma_wait3A_78] : memref<160x128xi32, #tpu.memory_space<vmem>> -> memref<1x128xi32, #tpu.memory_space<vmem>>
    %dma_wait3A_80 = tpu.memref_squeeze %dma_wait3A_79 : memref<1x128xi32, #tpu.memory_space<vmem>> -> memref<128xi32, #tpu.memory_space<vmem>>
    %dma_wait3A_81 = arith.constant 0 : i32
    %dma_wait3A_82 = arith.constant 0 : i32
    %dma_wait3A_83 = tpu.memref_slice %arg10[%dma_wait3A_81, %dma_wait3A_82] : memref<10112x64xf32, #tpu.memory_space<vmem_shared>> -> memref<10112x64xf32, #tpu.memory_space<vmem_shared>>
    %dma_wait3A_84 = tpu.memref_slice %arg12[%dma_wait3A_73] : memref<4x!tpu.dma_semaphore, #tpu.memory_space<semaphore_mem>> -> memref<1x!tpu.dma_semaphore, #tpu.memory_space<semaphore_mem>>
    %dma_wait3A_85 = tpu.memref_squeeze %dma_wait3A_84 : memref<1x!tpu.dma_semaphore, #tpu.memory_space<semaphore_mem>> -> memref<!tpu.dma_semaphore, #tpu.memory_space<semaphore_mem>>
    tpu.wait_indirect_dma semaphore(%dma_wait3A_85 : memref<!tpu.dma_semaphore, #tpu.memory_space<semaphore_mem>>) src(%dma_wait3A_77 : memref<128x64xf32, #tpu.memory_space<vmem>>) dst(%dma_wait3A_83 : memref<10112x64xf32, #tpu.memory_space<vmem_shared>>)
    %dma_wait3A_86 = arith.constant 1 : i32
    %dma_wait3A_87 = arith.constant 0 : i32
    %dma_wait3A_88 = arith.constant 1 : i32
    %dma_wait3A_89 = arith.constant 0 : i32
    %dma_wait3A_90 = arith.constant 0 : i32
    %dma_wait3A_91 = tpu.memref_slice %arg9[%dma_wait3A_86, %dma_wait3A_89, %dma_wait3A_90] : memref<4x128x64xf32, #tpu.memory_space<vmem>> -> memref<1x128x64xf32, #tpu.memory_space<vmem>>
    %dma_wait3A_92 = tpu.memref_squeeze %dma_wait3A_91 : memref<1x128x64xf32, #tpu.memory_space<vmem>> -> memref<128x64xf32, #tpu.memory_space<vmem>>
    %dma_wait3A_93 = arith.constant 0 : i32
    %dma_wait3A_94 = tpu.memref_slice %arg8[%dma_wait3A_87, %dma_wait3A_93] : memref<160x128xi32, #tpu.memory_space<vmem>> -> memref<1x128xi32, #tpu.memory_space<vmem>>
    %dma_wait3A_95 = tpu.memref_squeeze %dma_wait3A_94 : memref<1x128xi32, #tpu.memory_space<vmem>> -> memref<128xi32, #tpu.memory_space<vmem>>
    %dma_wait3A_96 = arith.constant 0 : i32
    %dma_wait3A_97 = arith.constant 0 : i32
    %dma_wait3A_98 = tpu.memref_slice %arg10[%dma_wait3A_96, %dma_wait3A_97] : memref<10112x64xf32, #tpu.memory_space<vmem_shared>> -> memref<10112x64xf32, #tpu.memory_space<vmem_shared>>
    %dma_wait3A_99 = tpu.memref_slice %arg12[%dma_wait3A_88] : memref<4x!tpu.dma_semaphore, #tpu.memory_space<semaphore_mem>> -> memref<1x!tpu.dma_semaphore, #tpu.memory_space<semaphore_mem>>
    %dma_wait3A_100 = tpu.memref_squeeze %dma_wait3A_99 : memref<1x!tpu.dma_semaphore, #tpu.memory_space<semaphore_mem>> -> memref<!tpu.dma_semaphore, #tpu.memory_space<semaphore_mem>>
    tpu.wait_indirect_dma semaphore(%dma_wait3A_100 : memref<!tpu.dma_semaphore, #tpu.memory_space<semaphore_mem>>) src(%dma_wait3A_92 : memref<128x64xf32, #tpu.memory_space<vmem>>) dst(%dma_wait3A_98 : memref<10112x64xf32, #tpu.memory_space<vmem_shared>>)
    %dma_wait3A_101 = arith.constant 2 : i32
    %dma_wait3A_102 = arith.constant 0 : i32
    %dma_wait3A_103 = arith.constant 2 : i32
    %dma_wait3A_104 = arith.constant 0 : i32
    %dma_wait3A_105 = arith.constant 0 : i32
    %dma_wait3A_106 = tpu.memref_slice %arg9[%dma_wait3A_101, %dma_wait3A_104, %dma_wait3A_105] : memref<4x128x64xf32, #tpu.memory_space<vmem>> -> memref<1x128x64xf32, #tpu.memory_space<vmem>>
    %dma_wait3A_107 = tpu.memref_squeeze %dma_wait3A_106 : memref<1x128x64xf32, #tpu.memory_space<vmem>> -> memref<128x64xf32, #tpu.memory_space<vmem>>
    %dma_wait3A_108 = arith.constant 0 : i32
    %dma_wait3A_109 = tpu.memref_slice %arg8[%dma_wait3A_102, %dma_wait3A_108] : memref<160x128xi32, #tpu.memory_space<vmem>> -> memref<1x128xi32, #tpu.memory_space<vmem>>
    %dma_wait3A_110 = tpu.memref_squeeze %dma_wait3A_109 : memref<1x128xi32, #tpu.memory_space<vmem>> -> memref<128xi32, #tpu.memory_space<vmem>>
    %dma_wait3A_111 = arith.constant 0 : i32
    %dma_wait3A_112 = arith.constant 0 : i32
    %dma_wait3A_113 = tpu.memref_slice %arg10[%dma_wait3A_111, %dma_wait3A_112] : memref<10112x64xf32, #tpu.memory_space<vmem_shared>> -> memref<10112x64xf32, #tpu.memory_space<vmem_shared>>
    %dma_wait3A_114 = tpu.memref_slice %arg12[%dma_wait3A_103] : memref<4x!tpu.dma_semaphore, #tpu.memory_space<semaphore_mem>> -> memref<1x!tpu.dma_semaphore, #tpu.memory_space<semaphore_mem>>
    %dma_wait3A_115 = tpu.memref_squeeze %dma_wait3A_114 : memref<1x!tpu.dma_semaphore, #tpu.memory_space<semaphore_mem>> -> memref<!tpu.dma_semaphore, #tpu.memory_space<semaphore_mem>>
    tpu.wait_indirect_dma semaphore(%dma_wait3A_115 : memref<!tpu.dma_semaphore, #tpu.memory_space<semaphore_mem>>) src(%dma_wait3A_107 : memref<128x64xf32, #tpu.memory_space<vmem>>) dst(%dma_wait3A_113 : memref<10112x64xf32, #tpu.memory_space<vmem_shared>>)
    %dma_wait3A_116 = arith.constant 3 : i32
    %dma_wait3A_117 = arith.constant 0 : i32
    %dma_wait3A_118 = arith.constant 3 : i32
    %dma_wait3A_119 = arith.constant 0 : i32
    %dma_wait3A_120 = arith.constant 0 : i32
    %dma_wait3A_121 = tpu.memref_slice %arg9[%dma_wait3A_116, %dma_wait3A_119, %dma_wait3A_120] : memref<4x128x64xf32, #tpu.memory_space<vmem>> -> memref<1x128x64xf32, #tpu.memory_space<vmem>>
    %dma_wait3A_122 = tpu.memref_squeeze %dma_wait3A_121 : memref<1x128x64xf32, #tpu.memory_space<vmem>> -> memref<128x64xf32, #tpu.memory_space<vmem>>
    %dma_wait3A_123 = arith.constant 0 : i32
    %dma_wait3A_124 = tpu.memref_slice %arg8[%dma_wait3A_117, %dma_wait3A_123] : memref<160x128xi32, #tpu.memory_space<vmem>> -> memref<1x128xi32, #tpu.memory_space<vmem>>
    %dma_wait3A_125 = tpu.memref_squeeze %dma_wait3A_124 : memref<1x128xi32, #tpu.memory_space<vmem>> -> memref<128xi32, #tpu.memory_space<vmem>>
    %dma_wait3A_126 = arith.constant 0 : i32
    %dma_wait3A_127 = arith.constant 0 : i32
    %dma_wait3A_128 = tpu.memref_slice %arg10[%dma_wait3A_126, %dma_wait3A_127] : memref<10112x64xf32, #tpu.memory_space<vmem_shared>> -> memref<10112x64xf32, #tpu.memory_space<vmem_shared>>
    %dma_wait3A_129 = tpu.memref_slice %arg12[%dma_wait3A_118] : memref<4x!tpu.dma_semaphore, #tpu.memory_space<semaphore_mem>> -> memref<1x!tpu.dma_semaphore, #tpu.memory_space<semaphore_mem>>
    %dma_wait3A_130 = tpu.memref_squeeze %dma_wait3A_129 : memref<1x!tpu.dma_semaphore, #tpu.memory_space<semaphore_mem>> -> memref<!tpu.dma_semaphore, #tpu.memory_space<semaphore_mem>>
    tpu.wait_indirect_dma semaphore(%dma_wait3A_130 : memref<!tpu.dma_semaphore, #tpu.memory_space<semaphore_mem>>) src(%dma_wait3A_122 : memref<128x64xf32, #tpu.memory_space<vmem>>) dst(%dma_wait3A_128 : memref<10112x64xf32, #tpu.memory_space<vmem_shared>>)
    %barrier3A_131 = arith.constant 0 : index
    tpu.barrier barrier_id(%barrier3A_131)
    "tpu.region"() ({
      %run_scoped3A = tpu.sem_alloc : memref<!tpu.dma_semaphore, #tpu.memory_space<semaphore_mem>>
      %dma_start3A_132 = arith.constant 0 : i32
      %dma_start3A_133 = tpu.memref_slice %arg6[%arg0, %multiple_of3A, %dma_start3A_132] : memref<2x10112x64xf32, #tpu.memory_space<hbm>> -> memref<1x632x64xf32, #tpu.memory_space<hbm>>
      %dma_start3A_134 = tpu.memref_squeeze %dma_start3A_133 : memref<1x632x64xf32, #tpu.memory_space<hbm>> -> memref<632x64xf32, #tpu.memory_space<hbm>>
      %dma_start3A_135 = arith.constant 0 : i32
      %dma_start3A_136 = tpu.memref_slice %arg10[%multiple_of3A, %dma_start3A_135] : memref<10112x64xf32, #tpu.memory_space<vmem_shared>> -> memref<632x64xf32, #tpu.memory_space<vmem_shared>>
      tpu.enqueue_dma source(%dma_start3A_136 : memref<632x64xf32, #tpu.memory_space<vmem_shared>>) target(%dma_start3A_134 : memref<632x64xf32, #tpu.memory_space<hbm>>) target_semaphore(%run_scoped3A : memref<!tpu.dma_semaphore, #tpu.memory_space<semaphore_mem>>)
      %dma_wait3A_137 = arith.constant 0 : i32
      %dma_wait3A_138 = tpu.memref_slice %arg6[%arg0, %multiple_of3A, %dma_wait3A_137] : memref<2x10112x64xf32, #tpu.memory_space<hbm>> -> memref<1x632x64xf32, #tpu.memory_space<hbm>>
      %dma_wait3A_139 = tpu.memref_squeeze %dma_wait3A_138 : memref<1x632x64xf32, #tpu.memory_space<hbm>> -> memref<632x64xf32, #tpu.memory_space<hbm>>
      %dma_wait3A_140 = arith.constant 0 : i32
      %dma_wait3A_141 = tpu.memref_slice %arg10[%multiple_of3A, %dma_wait3A_140] : memref<10112x64xf32, #tpu.memory_space<vmem_shared>> -> memref<632x64xf32, #tpu.memory_space<vmem_shared>>
      tpu.wait_dma2 semaphore(%run_scoped3A : memref<!tpu.dma_semaphore, #tpu.memory_space<semaphore_mem>>) src(%dma_wait3A_141 : memref<632x64xf32, #tpu.memory_space<vmem_shared>>) dst(%dma_wait3A_139 : memref<632x64xf32, #tpu.memory_space<hbm>>)
      tpu.yield
    }) : () -> ()
    return
  }
}

#map = affine_map<(d0, d1) -> (0, 0)>
#map1 = affine_map<(d0, d1) -> (0, 0, 0)>
module attributes {stable_mosaic.version = 14 : i64} {
  func.func @k(%arg0: i32, %arg1: i32, %arg2: memref<2560x128xi32, #tpu.memory_space<hbm>>, %arg3: memref<10112x16xf32, #tpu.memory_space<hbm>>, %arg4: memref<128x16xf32, #tpu.memory_space<hbm>>, %arg5: memref<2x10112x16xf32, #tpu.memory_space<hbm>>, %arg6: memref<80x128xi32, #tpu.memory_space<vmem>>, %arg7: memref<128x16xf32, #tpu.memory_space<vmem>>, %arg8: memref<10112x16xf32, #tpu.memory_space<vmem_shared>>, %arg9: memref<!tpu.dma_semaphore, #tpu.memory_space<semaphore_mem>>) attributes {dimension_semantics = [#tpu.dimension_semantics<core_parallel>, #tpu.dimension_semantics<subcore_parallel>], iteration_bounds = array<i64: 2, 16>, scalar_prefetch = 0 : i64, scratch_operands = 4 : i64, tpu.core_type = #tpu.core_type<sc_vector_subcore>, window_params = [{transform_indices = #map}, {transform_indices = #map}, {transform_indices = #map}, {transform_indices = #map1}]} {
    %mul3A = arith.constant 2 : i32
    %mul3A_0 = arith.muli %arg1, %mul3A : i32
    %add3A = arith.addi %mul3A_0, %arg0 : i32
    %mul3A_1 = arith.constant 632 : i32
    %mul3A_2 = arith.muli %arg1, %mul3A_1 : i32
    %multiple_of3A = tpu.assume_multiple %mul3A_2, 8 : i32
    "tpu.region"() ({
      %run_scoped3A = tpu.sem_alloc : memref<!tpu.dma_semaphore, #tpu.memory_space<semaphore_mem>>
      %dma_start3A = arith.constant 0 : i32
      %dma_start3A_16 = tpu.memref_slice %arg8[%multiple_of3A, %dma_start3A] : memref<10112x16xf32, #tpu.memory_space<vmem_shared>> -> memref<632x16xf32, #tpu.memory_space<vmem_shared>>
      %dma_start3A_17 = arith.constant 0 : i32
      %dma_start3A_18 = tpu.memref_slice %arg3[%multiple_of3A, %dma_start3A_17] : memref<10112x16xf32, #tpu.memory_space<hbm>> -> memref<632x16xf32, #tpu.memory_space<hbm>>
      tpu.enqueue_dma source(%dma_start3A_18 : memref<632x16xf32, #tpu.memory_space<hbm>>) target(%dma_start3A_16 : memref<632x16xf32, #tpu.memory_space<vmem_shared>>) target_semaphore(%run_scoped3A : memref<!tpu.dma_semaphore, #tpu.memory_space<semaphore_mem>>)
      %dma_wait3A = arith.constant 0 : i32
      %dma_wait3A_19 = tpu.memref_slice %arg8[%multiple_of3A, %dma_wait3A] : memref<10112x16xf32, #tpu.memory_space<vmem_shared>> -> memref<632x16xf32, #tpu.memory_space<vmem_shared>>
      %dma_wait3A_20 = arith.constant 0 : i32
      %dma_wait3A_21 = tpu.memref_slice %arg3[%multiple_of3A, %dma_wait3A_20] : memref<10112x16xf32, #tpu.memory_space<hbm>> -> memref<632x16xf32, #tpu.memory_space<hbm>>
      tpu.wait_dma2 semaphore(%run_scoped3A : memref<!tpu.dma_semaphore, #tpu.memory_space<semaphore_mem>>) src(%dma_wait3A_21 : memref<632x16xf32, #tpu.memory_space<hbm>>) dst(%dma_wait3A_19 : memref<632x16xf32, #tpu.memory_space<vmem_shared>>)
      tpu.yield
    }) : () -> ()
    %mul3A_3 = arith.constant 80 : i32
    %mul3A_4 = arith.muli %add3A, %mul3A_3 : i32
    %multiple_of3A_5 = tpu.assume_multiple %mul3A_4, 16 : i32
    "tpu.region"() ({
      %run_scoped3A = tpu.sem_alloc : memref<!tpu.dma_semaphore, #tpu.memory_space<semaphore_mem>>
      %dma_start3A = arith.constant 0 : i32
      %dma_start3A_16 = tpu.memref_slice %arg2[%multiple_of3A_5, %dma_start3A] : memref<2560x128xi32, #tpu.memory_space<hbm>> -> memref<80x128xi32, #tpu.memory_space<hbm>>
      %dma_start3A_17 = arith.constant 0 : i32
      %dma_start3A_18 = tpu.memref_slice %arg2[%multiple_of3A_5, %dma_start3A_17] : memref<2560x128xi32, #tpu.memory_space<hbm>> -> memref<80x128xi32, #tpu.memory_space<hbm>>
      tpu.enqueue_dma source(%dma_start3A_18 : memref<80x128xi32, #tpu.memory_space<hbm>>) target(%arg6 : memref<80x128xi32, #tpu.memory_space<vmem>>) target_semaphore(%run_scoped3A : memref<!tpu.dma_semaphore, #tpu.memory_space<semaphore_mem>>)
      %dma_wait3A = arith.constant 0 : i32
      %dma_wait3A_19 = tpu.memref_slice %arg2[%multiple_of3A_5, %dma_wait3A] : memref<2560x128xi32, #tpu.memory_space<hbm>> -> memref<80x128xi32, #tpu.memory_space<hbm>>
      %dma_wait3A_20 = arith.constant 0 : i32
      %dma_wait3A_21 = tpu.memref_slice %arg2[%multiple_of3A_5, %dma_wait3A_20] : memref<2560x128xi32, #tpu.memory_space<hbm>> -> memref<80x128xi32, #tpu.memory_space<hbm>>
      tpu.wait_dma2 semaphore(%run_scoped3A : memref<!tpu.dma_semaphore, #tpu.memory_space<semaphore_mem>>) src(%dma_wait3A_21 : memref<80x128xi32, #tpu.memory_space<hbm>>) dst(%arg6 : memref<80x128xi32, #tpu.memory_space<vmem>>)
      tpu.yield
    }) : () -> ()
    "tpu.region"() ({
      %run_scoped3A = tpu.sem_alloc : memref<!tpu.dma_semaphore, #tpu.memory_space<semaphore_mem>>
      tpu.enqueue_dma source(%arg4 : memref<128x16xf32, #tpu.memory_space<hbm>>) target(%arg7 : memref<128x16xf32, #tpu.memory_space<vmem>>) target_semaphore(%run_scoped3A : memref<!tpu.dma_semaphore, #tpu.memory_space<semaphore_mem>>)
      tpu.wait_dma2 semaphore(%run_scoped3A : memref<!tpu.dma_semaphore, #tpu.memory_space<semaphore_mem>>) src(%arg4 : memref<128x16xf32, #tpu.memory_space<hbm>>) dst(%arg7 : memref<128x16xf32, #tpu.memory_space<vmem>>)
      tpu.yield
    }) : () -> ()
    %barrier3A = arith.constant 0 : index
    tpu.barrier barrier_id(%barrier3A)
    %scan3A = arith.constant 0 : i32
    %scan3A_6 = arith.constant 80 : i32
    %scan3A_7 = arith.addi %scan3A, %scan3A_6 : i32
    %scan3A_8 = arith.constant 1 : i32
    scf.for %scan3A_16 = %scan3A to %scan3A_7 step %scan3A_8  : i32 {
      %mul3A_17 = arith.constant 1 : i32
      %mul3A_18 = arith.muli %scan3A_16, %mul3A_17 : i32
      %add3A_19 = arith.constant 0 : i32
      %add3A_20 = arith.addi %add3A_19, %mul3A_18 : i32
      %dma_start3A = arith.constant 0 : i32
      %dma_start3A_21 = tpu.memref_slice %arg6[%add3A_20, %dma_start3A] : memref<80x128xi32, #tpu.memory_space<vmem>> -> memref<1x128xi32, #tpu.memory_space<vmem>>
      %dma_start3A_22 = tpu.memref_squeeze %dma_start3A_21 : memref<1x128xi32, #tpu.memory_space<vmem>> -> memref<128xi32, #tpu.memory_space<vmem>>
      %dma_start3A_23 = arith.constant 0 : i32
      %dma_start3A_24 = arith.constant 0 : i32
      %dma_start3A_25 = tpu.memref_slice %arg8[%dma_start3A_23, %dma_start3A_24] : memref<10112x16xf32, #tpu.memory_space<vmem_shared>> -> memref<10112x16xf32, #tpu.memory_space<vmem_shared>>
      tpu.enqueue_indirect_dma source(%arg7 : memref<128x16xf32, #tpu.memory_space<vmem>>) target(%dma_start3A_25 : memref<10112x16xf32, #tpu.memory_space<vmem_shared>>) offsets(%dma_start3A_22 : memref<128xi32, #tpu.memory_space<vmem>>) semaphore(%arg9 : memref<!tpu.dma_semaphore, #tpu.memory_space<semaphore_mem>>) {add = true}
    }
    %scan3A_9 = arith.constant 80 : i32
    %scan3A_10 = arith.constant 0 : i32
    %scan3A_11 = arith.constant 80 : i32
    %scan3A_12 = arith.addi %scan3A_10, %scan3A_11 : i32
    %scan3A_13 = arith.constant 1 : i32
    scf.for %scan3A_16 = %scan3A_10 to %scan3A_12 step %scan3A_13  : i32 {
      %mul3A_17 = arith.constant 1 : i32
      %mul3A_18 = arith.muli %scan3A_16, %mul3A_17 : i32
      %add3A_19 = arith.constant 0 : i32
      %add3A_20 = arith.addi %add3A_19, %mul3A_18 : i32
      %dma_wait3A = arith.constant 0 : i32
      %dma_wait3A_21 = arith.constant 0 : i32
      %dma_wait3A_22 = tpu.memref_slice %arg6[%dma_wait3A, %dma_wait3A_21] : memref<80x128xi32, #tpu.memory_space<vmem>> -> memref<1x128xi32, #tpu.memory_space<vmem>>
      %dma_wait3A_23 = tpu.memref_squeeze %dma_wait3A_22 : memref<1x128xi32, #tpu.memory_space<vmem>> -> memref<128xi32, #tpu.memory_space<vmem>>
      %dma_wait3A_24 = arith.constant 0 : i32
      %dma_wait3A_25 = arith.constant 0 : i32
      %dma_wait3A_26 = tpu.memref_slice %arg8[%dma_wait3A_24, %dma_wait3A_25] : memref<10112x16xf32, #tpu.memory_space<vmem_shared>> -> memref<10112x16xf32, #tpu.memory_space<vmem_shared>>
      tpu.wait_indirect_dma semaphore(%arg9 : memref<!tpu.dma_semaphore, #tpu.memory_space<semaphore_mem>>) src(%arg7 : memref<128x16xf32, #tpu.memory_space<vmem>>) dst(%dma_wait3A_26 : memref<10112x16xf32, #tpu.memory_space<vmem_shared>>)
    }
    %scan3A_14 = arith.constant 80 : i32
    %barrier3A_15 = arith.constant 0 : index
    tpu.barrier barrier_id(%barrier3A_15)
    "tpu.region"() ({
      %run_scoped3A = tpu.sem_alloc : memref<!tpu.dma_semaphore, #tpu.memory_space<semaphore_mem>>
      %dma_start3A = arith.constant 0 : i32
      %dma_start3A_16 = tpu.memref_slice %arg5[%arg0, %multiple_of3A, %dma_start3A] : memref<2x10112x16xf32, #tpu.memory_space<hbm>> -> memref<1x632x16xf32, #tpu.memory_space<hbm>>
      %dma_start3A_17 = tpu.memref_squeeze %dma_start3A_16 : memref<1x632x16xf32, #tpu.memory_space<hbm>> -> memref<632x16xf32, #tpu.memory_space<hbm>>
      %dma_start3A_18 = arith.constant 0 : i32
      %dma_start3A_19 = tpu.memref_slice %arg8[%multiple_of3A, %dma_start3A_18] : memref<10112x16xf32, #tpu.memory_space<vmem_shared>> -> memref<632x16xf32, #tpu.memory_space<vmem_shared>>
      tpu.enqueue_dma source(%dma_start3A_19 : memref<632x16xf32, #tpu.memory_space<vmem_shared>>) target(%dma_start3A_17 : memref<632x16xf32, #tpu.memory_space<hbm>>) target_semaphore(%run_scoped3A : memref<!tpu.dma_semaphore, #tpu.memory_space<semaphore_mem>>)
      %dma_wait3A = arith.constant 0 : i32
      %dma_wait3A_20 = tpu.memref_slice %arg5[%arg0, %multiple_of3A, %dma_wait3A] : memref<2x10112x16xf32, #tpu.memory_space<hbm>> -> memref<1x632x16xf32, #tpu.memory_space<hbm>>
      %dma_wait3A_21 = tpu.memref_squeeze %dma_wait3A_20 : memref<1x632x16xf32, #tpu.memory_space<hbm>> -> memref<632x16xf32, #tpu.memory_space<hbm>>
      %dma_wait3A_22 = arith.constant 0 : i32
      %dma_wait3A_23 = tpu.memref_slice %arg8[%multiple_of3A, %dma_wait3A_22] : memref<10112x16xf32, #tpu.memory_space<vmem_shared>> -> memref<632x16xf32, #tpu.memory_space<vmem_shared>>
      tpu.wait_dma2 semaphore(%run_scoped3A : memref<!tpu.dma_semaphore, #tpu.memory_space<semaphore_mem>>) src(%dma_wait3A_23 : memref<632x16xf32, #tpu.memory_space<vmem_shared>>) dst(%dma_wait3A_21 : memref<632x16xf32, #tpu.memory_space<hbm>>)
      tpu.yield
    }) : () -> ()
    return
  }
}

#map = affine_map<(d0, d1) -> (0, 0)>
#map1 = affine_map<(d0, d1) -> (0, 0, 0)>
module attributes {stable_mosaic.version = 14 : i64} {
  func.func @k(%arg0: i32, %arg1: i32, %arg2: memref<2560x128xi32, #tpu.memory_space<hbm>>, %arg3: memref<2560x128xi32, #tpu.memory_space<hbm>>, %arg4: memref<10000x64xf32, #tpu.memory_space<hbm>>, %arg5: memref<10112x64xf32, #tpu.memory_space<hbm>>, %arg6: memref<2x10112x64xf32, #tpu.memory_space<hbm>>, %arg7: memref<80x128xi32, #tpu.memory_space<vmem>>, %arg8: memref<80x128xi32, #tpu.memory_space<vmem>>, %arg9: memref<4x128x64xf32, #tpu.memory_space<vmem>>, %arg10: memref<10112x64xf32, #tpu.memory_space<vmem_shared>>, %arg11: memref<4x!tpu.dma_semaphore, #tpu.memory_space<semaphore_mem>>, %arg12: memref<4x!tpu.dma_semaphore, #tpu.memory_space<semaphore_mem>>) attributes {dimension_semantics = [#tpu.dimension_semantics<core_parallel>, #tpu.dimension_semantics<subcore_parallel>], iteration_bounds = array<i64: 2, 16>, scalar_prefetch = 0 : i64, scratch_operands = 6 : i64, tpu.core_type = #tpu.core_type<sc_vector_subcore>, window_params = [{transform_indices = #map}, {transform_indices = #map}, {transform_indices = #map}, {transform_indices = #map}, {transform_indices = #map1}]} {
    %mul3A = arith.constant 2 : i32
    %mul3A_0 = arith.muli %arg1, %mul3A : i32
    %add3A = arith.addi %mul3A_0, %arg0 : i32
    %mul3A_1 = arith.constant 632 : i32
    %mul3A_2 = arith.muli %arg1, %mul3A_1 : i32
    %multiple_of3A = tpu.assume_multiple %mul3A_2, 8 : i32
    "tpu.region"() ({
      %run_scoped3A = tpu.sem_alloc : memref<!tpu.dma_semaphore, #tpu.memory_space<semaphore_mem>>
      %dma_start3A_129 = arith.constant 0 : i32
      %dma_start3A_130 = tpu.memref_slice %arg10[%multiple_of3A, %dma_start3A_129] : memref<10112x64xf32, #tpu.memory_space<vmem_shared>> -> memref<632x64xf32, #tpu.memory_space<vmem_shared>>
      %dma_start3A_131 = arith.constant 0 : i32
      %dma_start3A_132 = tpu.memref_slice %arg5[%multiple_of3A, %dma_start3A_131] : memref<10112x64xf32, #tpu.memory_space<hbm>> -> memref<632x64xf32, #tpu.memory_space<hbm>>
      tpu.enqueue_dma source(%dma_start3A_132 : memref<632x64xf32, #tpu.memory_space<hbm>>) target(%dma_start3A_130 : memref<632x64xf32, #tpu.memory_space<vmem_shared>>) target_semaphore(%run_scoped3A : memref<!tpu.dma_semaphore, #tpu.memory_space<semaphore_mem>>)
      %dma_wait3A_133 = arith.constant 0 : i32
      %dma_wait3A_134 = tpu.memref_slice %arg10[%multiple_of3A, %dma_wait3A_133] : memref<10112x64xf32, #tpu.memory_space<vmem_shared>> -> memref<632x64xf32, #tpu.memory_space<vmem_shared>>
      %dma_wait3A_135 = arith.constant 0 : i32
      %dma_wait3A_136 = tpu.memref_slice %arg5[%multiple_of3A, %dma_wait3A_135] : memref<10112x64xf32, #tpu.memory_space<hbm>> -> memref<632x64xf32, #tpu.memory_space<hbm>>
      tpu.wait_dma2 semaphore(%run_scoped3A : memref<!tpu.dma_semaphore, #tpu.memory_space<semaphore_mem>>) src(%dma_wait3A_136 : memref<632x64xf32, #tpu.memory_space<hbm>>) dst(%dma_wait3A_134 : memref<632x64xf32, #tpu.memory_space<vmem_shared>>)
      tpu.yield
    }) : () -> ()
    %mul3A_3 = arith.constant 80 : i32
    %mul3A_4 = arith.muli %add3A, %mul3A_3 : i32
    %multiple_of3A_5 = tpu.assume_multiple %mul3A_4, 16 : i32
    "tpu.region"() ({
      %run_scoped3A = tpu.sem_alloc : memref<!tpu.dma_semaphore, #tpu.memory_space<semaphore_mem>>
      %dma_start3A_129 = arith.constant 0 : i32
      %dma_start3A_130 = tpu.memref_slice %arg2[%multiple_of3A_5, %dma_start3A_129] : memref<2560x128xi32, #tpu.memory_space<hbm>> -> memref<80x128xi32, #tpu.memory_space<hbm>>
      %dma_start3A_131 = arith.constant 0 : i32
      %dma_start3A_132 = tpu.memref_slice %arg2[%multiple_of3A_5, %dma_start3A_131] : memref<2560x128xi32, #tpu.memory_space<hbm>> -> memref<80x128xi32, #tpu.memory_space<hbm>>
      tpu.enqueue_dma source(%dma_start3A_132 : memref<80x128xi32, #tpu.memory_space<hbm>>) target(%arg7 : memref<80x128xi32, #tpu.memory_space<vmem>>) target_semaphore(%run_scoped3A : memref<!tpu.dma_semaphore, #tpu.memory_space<semaphore_mem>>)
      %dma_wait3A_133 = arith.constant 0 : i32
      %dma_wait3A_134 = tpu.memref_slice %arg2[%multiple_of3A_5, %dma_wait3A_133] : memref<2560x128xi32, #tpu.memory_space<hbm>> -> memref<80x128xi32, #tpu.memory_space<hbm>>
      %dma_wait3A_135 = arith.constant 0 : i32
      %dma_wait3A_136 = tpu.memref_slice %arg2[%multiple_of3A_5, %dma_wait3A_135] : memref<2560x128xi32, #tpu.memory_space<hbm>> -> memref<80x128xi32, #tpu.memory_space<hbm>>
      tpu.wait_dma2 semaphore(%run_scoped3A : memref<!tpu.dma_semaphore, #tpu.memory_space<semaphore_mem>>) src(%dma_wait3A_136 : memref<80x128xi32, #tpu.memory_space<hbm>>) dst(%arg7 : memref<80x128xi32, #tpu.memory_space<vmem>>)
      tpu.yield
    }) : () -> ()
    "tpu.region"() ({
      %run_scoped3A = tpu.sem_alloc : memref<!tpu.dma_semaphore, #tpu.memory_space<semaphore_mem>>
      %dma_start3A_129 = arith.constant 0 : i32
      %dma_start3A_130 = tpu.memref_slice %arg3[%multiple_of3A_5, %dma_start3A_129] : memref<2560x128xi32, #tpu.memory_space<hbm>> -> memref<80x128xi32, #tpu.memory_space<hbm>>
      %dma_start3A_131 = arith.constant 0 : i32
      %dma_start3A_132 = tpu.memref_slice %arg3[%multiple_of3A_5, %dma_start3A_131] : memref<2560x128xi32, #tpu.memory_space<hbm>> -> memref<80x128xi32, #tpu.memory_space<hbm>>
      tpu.enqueue_dma source(%dma_start3A_132 : memref<80x128xi32, #tpu.memory_space<hbm>>) target(%arg8 : memref<80x128xi32, #tpu.memory_space<vmem>>) target_semaphore(%run_scoped3A : memref<!tpu.dma_semaphore, #tpu.memory_space<semaphore_mem>>)
      %dma_wait3A_133 = arith.constant 0 : i32
      %dma_wait3A_134 = tpu.memref_slice %arg3[%multiple_of3A_5, %dma_wait3A_133] : memref<2560x128xi32, #tpu.memory_space<hbm>> -> memref<80x128xi32, #tpu.memory_space<hbm>>
      %dma_wait3A_135 = arith.constant 0 : i32
      %dma_wait3A_136 = tpu.memref_slice %arg3[%multiple_of3A_5, %dma_wait3A_135] : memref<2560x128xi32, #tpu.memory_space<hbm>> -> memref<80x128xi32, #tpu.memory_space<hbm>>
      tpu.wait_dma2 semaphore(%run_scoped3A : memref<!tpu.dma_semaphore, #tpu.memory_space<semaphore_mem>>) src(%dma_wait3A_136 : memref<80x128xi32, #tpu.memory_space<hbm>>) dst(%arg8 : memref<80x128xi32, #tpu.memory_space<vmem>>)
      tpu.yield
    }) : () -> ()
    %barrier3A = arith.constant 0 : index
    tpu.barrier barrier_id(%barrier3A)
    %dma_start3A = arith.constant 0 : i32
    %dma_start3A_6 = arith.constant 0 : i32
    %dma_start3A_7 = arith.constant 0 : i32
    %dma_start3A_8 = arith.constant 0 : i32
    %dma_start3A_9 = arith.constant 0 : i32
    %dma_start3A_10 = tpu.memref_slice %arg9[%dma_start3A_6, %dma_start3A_8, %dma_start3A_9] : memref<4x128x64xf32, #tpu.memory_space<vmem>> -> memref<1x128x64xf32, #tpu.memory_space<vmem>>
    %dma_start3A_11 = tpu.memref_squeeze %dma_start3A_10 : memref<1x128x64xf32, #tpu.memory_space<vmem>> -> memref<128x64xf32, #tpu.memory_space<vmem>>
    %dma_start3A_12 = arith.constant 0 : i32
    %dma_start3A_13 = tpu.memref_slice %arg7[%dma_start3A, %dma_start3A_12] : memref<80x128xi32, #tpu.memory_space<vmem>> -> memref<1x128xi32, #tpu.memory_space<vmem>>
    %dma_start3A_14 = tpu.memref_squeeze %dma_start3A_13 : memref<1x128xi32, #tpu.memory_space<vmem>> -> memref<128xi32, #tpu.memory_space<vmem>>
    %dma_start3A_15 = arith.constant 0 : i32
    %dma_start3A_16 = arith.constant 0 : i32
    %dma_start3A_17 = tpu.memref_slice %arg4[%dma_start3A_15, %dma_start3A_16] : memref<10000x64xf32, #tpu.memory_space<hbm>> -> memref<10000x64xf32, #tpu.memory_space<hbm>>
    %dma_start3A_18 = tpu.memref_slice %arg11[%dma_start3A_7] : memref<4x!tpu.dma_semaphore, #tpu.memory_space<semaphore_mem>> -> memref<1x!tpu.dma_semaphore, #tpu.memory_space<semaphore_mem>>
    %dma_start3A_19 = tpu.memref_squeeze %dma_start3A_18 : memref<1x!tpu.dma_semaphore, #tpu.memory_space<semaphore_mem>> -> memref<!tpu.dma_semaphore, #tpu.memory_space<semaphore_mem>>
    tpu.enqueue_indirect_dma source(%dma_start3A_17 : memref<10000x64xf32, #tpu.memory_space<hbm>>) target(%dma_start3A_11 : memref<128x64xf32, #tpu.memory_space<vmem>>) offsets(%dma_start3A_14 : memref<128xi32, #tpu.memory_space<vmem>>) semaphore(%dma_start3A_19 : memref<!tpu.dma_semaphore, #tpu.memory_space<semaphore_mem>>)
    %dma_start3A_20 = arith.constant 1 : i32
    %dma_start3A_21 = arith.constant 1 : i32
    %dma_start3A_22 = arith.constant 1 : i32
    %dma_start3A_23 = arith.constant 0 : i32
    %dma_start3A_24 = arith.constant 0 : i32
    %dma_start3A_25 = tpu.memref_slice %arg9[%dma_start3A_21, %dma_start3A_23, %dma_start3A_24] : memref<4x128x64xf32, #tpu.memory_space<vmem>> -> memref<1x128x64xf32, #tpu.memory_space<vmem>>
    %dma_start3A_26 = tpu.memref_squeeze %dma_start3A_25 : memref<1x128x64xf32, #tpu.memory_space<vmem>> -> memref<128x64xf32, #tpu.memory_space<vmem>>
    %dma_start3A_27 = arith.constant 0 : i32
    %dma_start3A_28 = tpu.memref_slice %arg7[%dma_start3A_20, %dma_start3A_27] : memref<80x128xi32, #tpu.memory_space<vmem>> -> memref<1x128xi32, #tpu.memory_space<vmem>>
    %dma_start3A_29 = tpu.memref_squeeze %dma_start3A_28 : memref<1x128xi32, #tpu.memory_space<vmem>> -> memref<128xi32, #tpu.memory_space<vmem>>
    %dma_start3A_30 = arith.constant 0 : i32
    %dma_start3A_31 = arith.constant 0 : i32
    %dma_start3A_32 = tpu.memref_slice %arg4[%dma_start3A_30, %dma_start3A_31] : memref<10000x64xf32, #tpu.memory_space<hbm>> -> memref<10000x64xf32, #tpu.memory_space<hbm>>
    %dma_start3A_33 = tpu.memref_slice %arg11[%dma_start3A_22] : memref<4x!tpu.dma_semaphore, #tpu.memory_space<semaphore_mem>> -> memref<1x!tpu.dma_semaphore, #tpu.memory_space<semaphore_mem>>
    %dma_start3A_34 = tpu.memref_squeeze %dma_start3A_33 : memref<1x!tpu.dma_semaphore, #tpu.memory_space<semaphore_mem>> -> memref<!tpu.dma_semaphore, #tpu.memory_space<semaphore_mem>>
    tpu.enqueue_indirect_dma source(%dma_start3A_32 : memref<10000x64xf32, #tpu.memory_space<hbm>>) target(%dma_start3A_26 : memref<128x64xf32, #tpu.memory_space<vmem>>) offsets(%dma_start3A_29 : memref<128xi32, #tpu.memory_space<vmem>>) semaphore(%dma_start3A_34 : memref<!tpu.dma_semaphore, #tpu.memory_space<semaphore_mem>>)
    %dma_start3A_35 = arith.constant 2 : i32
    %dma_start3A_36 = arith.constant 2 : i32
    %dma_start3A_37 = arith.constant 2 : i32
    %dma_start3A_38 = arith.constant 0 : i32
    %dma_start3A_39 = arith.constant 0 : i32
    %dma_start3A_40 = tpu.memref_slice %arg9[%dma_start3A_36, %dma_start3A_38, %dma_start3A_39] : memref<4x128x64xf32, #tpu.memory_space<vmem>> -> memref<1x128x64xf32, #tpu.memory_space<vmem>>
    %dma_start3A_41 = tpu.memref_squeeze %dma_start3A_40 : memref<1x128x64xf32, #tpu.memory_space<vmem>> -> memref<128x64xf32, #tpu.memory_space<vmem>>
    %dma_start3A_42 = arith.constant 0 : i32
    %dma_start3A_43 = tpu.memref_slice %arg7[%dma_start3A_35, %dma_start3A_42] : memref<80x128xi32, #tpu.memory_space<vmem>> -> memref<1x128xi32, #tpu.memory_space<vmem>>
    %dma_start3A_44 = tpu.memref_squeeze %dma_start3A_43 : memref<1x128xi32, #tpu.memory_space<vmem>> -> memref<128xi32, #tpu.memory_space<vmem>>
    %dma_start3A_45 = arith.constant 0 : i32
    %dma_start3A_46 = arith.constant 0 : i32
    %dma_start3A_47 = tpu.memref_slice %arg4[%dma_start3A_45, %dma_start3A_46] : memref<10000x64xf32, #tpu.memory_space<hbm>> -> memref<10000x64xf32, #tpu.memory_space<hbm>>
    %dma_start3A_48 = tpu.memref_slice %arg11[%dma_start3A_37] : memref<4x!tpu.dma_semaphore, #tpu.memory_space<semaphore_mem>> -> memref<1x!tpu.dma_semaphore, #tpu.memory_space<semaphore_mem>>
    %dma_start3A_49 = tpu.memref_squeeze %dma_start3A_48 : memref<1x!tpu.dma_semaphore, #tpu.memory_space<semaphore_mem>> -> memref<!tpu.dma_semaphore, #tpu.memory_space<semaphore_mem>>
    tpu.enqueue_indirect_dma source(%dma_start3A_47 : memref<10000x64xf32, #tpu.memory_space<hbm>>) target(%dma_start3A_41 : memref<128x64xf32, #tpu.memory_space<vmem>>) offsets(%dma_start3A_44 : memref<128xi32, #tpu.memory_space<vmem>>) semaphore(%dma_start3A_49 : memref<!tpu.dma_semaphore, #tpu.memory_space<semaphore_mem>>)
    %dma_start3A_50 = arith.constant 3 : i32
    %dma_start3A_51 = arith.constant 3 : i32
    %dma_start3A_52 = arith.constant 3 : i32
    %dma_start3A_53 = arith.constant 0 : i32
    %dma_start3A_54 = arith.constant 0 : i32
    %dma_start3A_55 = tpu.memref_slice %arg9[%dma_start3A_51, %dma_start3A_53, %dma_start3A_54] : memref<4x128x64xf32, #tpu.memory_space<vmem>> -> memref<1x128x64xf32, #tpu.memory_space<vmem>>
    %dma_start3A_56 = tpu.memref_squeeze %dma_start3A_55 : memref<1x128x64xf32, #tpu.memory_space<vmem>> -> memref<128x64xf32, #tpu.memory_space<vmem>>
    %dma_start3A_57 = arith.constant 0 : i32
    %dma_start3A_58 = tpu.memref_slice %arg7[%dma_start3A_50, %dma_start3A_57] : memref<80x128xi32, #tpu.memory_space<vmem>> -> memref<1x128xi32, #tpu.memory_space<vmem>>
    %dma_start3A_59 = tpu.memref_squeeze %dma_start3A_58 : memref<1x128xi32, #tpu.memory_space<vmem>> -> memref<128xi32, #tpu.memory_space<vmem>>
    %dma_start3A_60 = arith.constant 0 : i32
    %dma_start3A_61 = arith.constant 0 : i32
    %dma_start3A_62 = tpu.memref_slice %arg4[%dma_start3A_60, %dma_start3A_61] : memref<10000x64xf32, #tpu.memory_space<hbm>> -> memref<10000x64xf32, #tpu.memory_space<hbm>>
    %dma_start3A_63 = tpu.memref_slice %arg11[%dma_start3A_52] : memref<4x!tpu.dma_semaphore, #tpu.memory_space<semaphore_mem>> -> memref<1x!tpu.dma_semaphore, #tpu.memory_space<semaphore_mem>>
    %dma_start3A_64 = tpu.memref_squeeze %dma_start3A_63 : memref<1x!tpu.dma_semaphore, #tpu.memory_space<semaphore_mem>> -> memref<!tpu.dma_semaphore, #tpu.memory_space<semaphore_mem>>
    tpu.enqueue_indirect_dma source(%dma_start3A_62 : memref<10000x64xf32, #tpu.memory_space<hbm>>) target(%dma_start3A_56 : memref<128x64xf32, #tpu.memory_space<vmem>>) offsets(%dma_start3A_59 : memref<128xi32, #tpu.memory_space<vmem>>) semaphore(%dma_start3A_64 : memref<!tpu.dma_semaphore, #tpu.memory_space<semaphore_mem>>)
    %scan3A = arith.constant 0 : i32
    %scan3A_65 = arith.constant 20 : i32
    %scan3A_66 = arith.addi %scan3A, %scan3A_65 : i32
    %scan3A_67 = arith.constant 1 : i32
    scf.for %scan3A_129 = %scan3A to %scan3A_66 step %scan3A_67  : i32 {
      %mul3A_130 = arith.constant 4 : i32
      %mul3A_131 = arith.muli %scan3A_129, %mul3A_130 : i32
      %add3A_132 = arith.constant 0 : i32
      %add3A_133 = arith.addi %add3A_132, %mul3A_131 : i32
      %add3A_134 = arith.constant 0 : i32
      %add3A_135 = arith.addi %add3A_133, %add3A_134 : i32
      %dma_wait3A_136 = arith.constant 0 : i32
      %dma_wait3A_137 = arith.constant 0 : i32
      %dma_wait3A_138 = arith.constant 0 : i32
      %dma_wait3A_139 = arith.constant 0 : i32
      %dma_wait3A_140 = arith.constant 0 : i32
      %dma_wait3A_141 = tpu.memref_slice %arg9[%dma_wait3A_137, %dma_wait3A_139, %dma_wait3A_140] : memref<4x128x64xf32, #tpu.memory_space<vmem>> -> memref<1x128x64xf32, #tpu.memory_space<vmem>>
      %dma_wait3A_142 = tpu.memref_squeeze %dma_wait3A_141 : memref<1x128x64xf32, #tpu.memory_space<vmem>> -> memref<128x64xf32, #tpu.memory_space<vmem>>
      %dma_wait3A_143 = arith.constant 0 : i32
      %dma_wait3A_144 = tpu.memref_slice %arg7[%dma_wait3A_136, %dma_wait3A_143] : memref<80x128xi32, #tpu.memory_space<vmem>> -> memref<1x128xi32, #tpu.memory_space<vmem>>
      %dma_wait3A_145 = tpu.memref_squeeze %dma_wait3A_144 : memref<1x128xi32, #tpu.memory_space<vmem>> -> memref<128xi32, #tpu.memory_space<vmem>>
      %dma_wait3A_146 = arith.constant 0 : i32
      %dma_wait3A_147 = arith.constant 0 : i32
      %dma_wait3A_148 = tpu.memref_slice %arg4[%dma_wait3A_146, %dma_wait3A_147] : memref<10000x64xf32, #tpu.memory_space<hbm>> -> memref<10000x64xf32, #tpu.memory_space<hbm>>
      %dma_wait3A_149 = tpu.memref_slice %arg11[%dma_wait3A_138] : memref<4x!tpu.dma_semaphore, #tpu.memory_space<semaphore_mem>> -> memref<1x!tpu.dma_semaphore, #tpu.memory_space<semaphore_mem>>
      %dma_wait3A_150 = tpu.memref_squeeze %dma_wait3A_149 : memref<1x!tpu.dma_semaphore, #tpu.memory_space<semaphore_mem>> -> memref<!tpu.dma_semaphore, #tpu.memory_space<semaphore_mem>>
      tpu.wait_indirect_dma semaphore(%dma_wait3A_150 : memref<!tpu.dma_semaphore, #tpu.memory_space<semaphore_mem>>) src(%dma_wait3A_148 : memref<10000x64xf32, #tpu.memory_space<hbm>>) dst(%dma_wait3A_142 : memref<128x64xf32, #tpu.memory_space<vmem>>)
      %dma_start3A_151 = arith.constant 0 : i32
      %dma_start3A_152 = arith.constant 0 : i32
      %dma_start3A_153 = arith.constant 0 : i32
      %dma_start3A_154 = arith.constant 0 : i32
      %dma_start3A_155 = tpu.memref_slice %arg9[%dma_start3A_151, %dma_start3A_153, %dma_start3A_154] : memref<4x128x64xf32, #tpu.memory_space<vmem>> -> memref<1x128x64xf32, #tpu.memory_space<vmem>>
      %dma_start3A_156 = tpu.memref_squeeze %dma_start3A_155 : memref<1x128x64xf32, #tpu.memory_space<vmem>> -> memref<128x64xf32, #tpu.memory_space<vmem>>
      %dma_start3A_157 = arith.constant 0 : i32
      %dma_start3A_158 = tpu.memref_slice %arg8[%add3A_135, %dma_start3A_157] : memref<80x128xi32, #tpu.memory_space<vmem>> -> memref<1x128xi32, #tpu.memory_space<vmem>>
      %dma_start3A_159 = tpu.memref_squeeze %dma_start3A_158 : memref<1x128xi32, #tpu.memory_space<vmem>> -> memref<128xi32, #tpu.memory_space<vmem>>
      %dma_start3A_160 = arith.constant 0 : i32
      %dma_start3A_161 = arith.constant 0 : i32
      %dma_start3A_162 = tpu.memref_slice %arg10[%dma_start3A_160, %dma_start3A_161] : memref<10112x64xf32, #tpu.memory_space<vmem_shared>> -> memref<10112x64xf32, #tpu.memory_space<vmem_shared>>
      %dma_start3A_163 = tpu.memref_slice %arg12[%dma_start3A_152] : memref<4x!tpu.dma_semaphore, #tpu.memory_space<semaphore_mem>> -> memref<1x!tpu.dma_semaphore, #tpu.memory_space<semaphore_mem>>
      %dma_start3A_164 = tpu.memref_squeeze %dma_start3A_163 : memref<1x!tpu.dma_semaphore, #tpu.memory_space<semaphore_mem>> -> memref<!tpu.dma_semaphore, #tpu.memory_space<semaphore_mem>>
      tpu.enqueue_indirect_dma source(%dma_start3A_156 : memref<128x64xf32, #tpu.memory_space<vmem>>) target(%dma_start3A_162 : memref<10112x64xf32, #tpu.memory_space<vmem_shared>>) offsets(%dma_start3A_159 : memref<128xi32, #tpu.memory_space<vmem>>) semaphore(%dma_start3A_164 : memref<!tpu.dma_semaphore, #tpu.memory_space<semaphore_mem>>) {add = true}
      %add3A_165 = arith.constant 4 : i32
      %add3A_166 = arith.addi %add3A_135, %add3A_165 : i32
      %lt3A = arith.constant 80 : i32
      %lt3A_167 = arith.cmpi slt, %add3A_166, %lt3A : i32
      %convert_element_type3A = arith.extui %lt3A_167 : i1 to i32
      %cond3A = arith.constant 0 : i32
      %cond3A_168 = arith.cmpi ne, %convert_element_type3A, %cond3A : i32
      scf.if %cond3A_168 {
        %dma_wait3A_283 = arith.constant 0 : i32
        %dma_wait3A_284 = arith.constant 0 : i32
        %dma_wait3A_285 = arith.constant 0 : i32
        %dma_wait3A_286 = arith.constant 0 : i32
        %dma_wait3A_287 = arith.constant 0 : i32
        %dma_wait3A_288 = tpu.memref_slice %arg9[%dma_wait3A_283, %dma_wait3A_286, %dma_wait3A_287] : memref<4x128x64xf32, #tpu.memory_space<vmem>> -> memref<1x128x64xf32, #tpu.memory_space<vmem>>
        %dma_wait3A_289 = tpu.memref_squeeze %dma_wait3A_288 : memref<1x128x64xf32, #tpu.memory_space<vmem>> -> memref<128x64xf32, #tpu.memory_space<vmem>>
        %dma_wait3A_290 = arith.constant 0 : i32
        %dma_wait3A_291 = tpu.memref_slice %arg8[%dma_wait3A_284, %dma_wait3A_290] : memref<80x128xi32, #tpu.memory_space<vmem>> -> memref<1x128xi32, #tpu.memory_space<vmem>>
        %dma_wait3A_292 = tpu.memref_squeeze %dma_wait3A_291 : memref<1x128xi32, #tpu.memory_space<vmem>> -> memref<128xi32, #tpu.memory_space<vmem>>
        %dma_wait3A_293 = arith.constant 0 : i32
        %dma_wait3A_294 = arith.constant 0 : i32
        %dma_wait3A_295 = tpu.memref_slice %arg10[%dma_wait3A_293, %dma_wait3A_294] : memref<10112x64xf32, #tpu.memory_space<vmem_shared>> -> memref<10112x64xf32, #tpu.memory_space<vmem_shared>>
        %dma_wait3A_296 = tpu.memref_slice %arg12[%dma_wait3A_285] : memref<4x!tpu.dma_semaphore, #tpu.memory_space<semaphore_mem>> -> memref<1x!tpu.dma_semaphore, #tpu.memory_space<semaphore_mem>>
        %dma_wait3A_297 = tpu.memref_squeeze %dma_wait3A_296 : memref<1x!tpu.dma_semaphore, #tpu.memory_space<semaphore_mem>> -> memref<!tpu.dma_semaphore, #tpu.memory_space<semaphore_mem>>
        tpu.wait_indirect_dma semaphore(%dma_wait3A_297 : memref<!tpu.dma_semaphore, #tpu.memory_space<semaphore_mem>>) src(%dma_wait3A_289 : memref<128x64xf32, #tpu.memory_space<vmem>>) dst(%dma_wait3A_295 : memref<10112x64xf32, #tpu.memory_space<vmem_shared>>)
        %dma_start3A_298 = arith.constant 0 : i32
        %dma_start3A_299 = arith.constant 0 : i32
        %dma_start3A_300 = arith.constant 0 : i32
        %dma_start3A_301 = arith.constant 0 : i32
        %dma_start3A_302 = tpu.memref_slice %arg9[%dma_start3A_298, %dma_start3A_300, %dma_start3A_301] : memref<4x128x64xf32, #tpu.memory_space<vmem>> -> memref<1x128x64xf32, #tpu.memory_space<vmem>>
        %dma_start3A_303 = tpu.memref_squeeze %dma_start3A_302 : memref<1x128x64xf32, #tpu.memory_space<vmem>> -> memref<128x64xf32, #tpu.memory_space<vmem>>
        %dma_start3A_304 = arith.constant 0 : i32
        %dma_start3A_305 = tpu.memref_slice %arg7[%add3A_166, %dma_start3A_304] : memref<80x128xi32, #tpu.memory_space<vmem>> -> memref<1x128xi32, #tpu.memory_space<vmem>>
        %dma_start3A_306 = tpu.memref_squeeze %dma_start3A_305 : memref<1x128xi32, #tpu.memory_space<vmem>> -> memref<128xi32, #tpu.memory_space<vmem>>
        %dma_start3A_307 = arith.constant 0 : i32
        %dma_start3A_308 = arith.constant 0 : i32
        %dma_start3A_309 = tpu.memref_slice %arg4[%dma_start3A_307, %dma_start3A_308] : memref<10000x64xf32, #tpu.memory_space<hbm>> -> memref<10000x64xf32, #tpu.memory_space<hbm>>
        %dma_start3A_310 = tpu.memref_slice %arg11[%dma_start3A_299] : memref<4x!tpu.dma_semaphore, #tpu.memory_space<semaphore_mem>> -> memref<1x!tpu.dma_semaphore, #tpu.memory_space<semaphore_mem>>
        %dma_start3A_311 = tpu.memref_squeeze %dma_start3A_310 : memref<1x!tpu.dma_semaphore, #tpu.memory_space<semaphore_mem>> -> memref<!tpu.dma_semaphore, #tpu.memory_space<semaphore_mem>>
        tpu.enqueue_indirect_dma source(%dma_start3A_309 : memref<10000x64xf32, #tpu.memory_space<hbm>>) target(%dma_start3A_303 : memref<128x64xf32, #tpu.memory_space<vmem>>) offsets(%dma_start3A_306 : memref<128xi32, #tpu.memory_space<vmem>>) semaphore(%dma_start3A_311 : memref<!tpu.dma_semaphore, #tpu.memory_space<semaphore_mem>>)
      } else {
      }
      %add3A_169 = arith.constant 1 : i32
      %add3A_170 = arith.addi %add3A_133, %add3A_169 : i32
      %dma_wait3A_171 = arith.constant 0 : i32
      %dma_wait3A_172 = arith.constant 1 : i32
      %dma_wait3A_173 = arith.constant 1 : i32
      %dma_wait3A_174 = arith.constant 0 : i32
      %dma_wait3A_175 = arith.constant 0 : i32
      %dma_wait3A_176 = tpu.memref_slice %arg9[%dma_wait3A_172, %dma_wait3A_174, %dma_wait3A_175] : memref<4x128x64xf32, #tpu.memory_space<vmem>> -> memref<1x128x64xf32, #tpu.memory_space<vmem>>
      %dma_wait3A_177 = tpu.memref_squeeze %dma_wait3A_176 : memref<1x128x64xf32, #tpu.memory_space<vmem>> -> memref<128x64xf32, #tpu.memory_space<vmem>>
      %dma_wait3A_178 = arith.constant 0 : i32
      %dma_wait3A_179 = tpu.memref_slice %arg7[%dma_wait3A_171, %dma_wait3A_178] : memref<80x128xi32, #tpu.memory_space<vmem>> -> memref<1x128xi32, #tpu.memory_space<vmem>>
      %dma_wait3A_180 = tpu.memref_squeeze %dma_wait3A_179 : memref<1x128xi32, #tpu.memory_space<vmem>> -> memref<128xi32, #tpu.memory_space<vmem>>
      %dma_wait3A_181 = arith.constant 0 : i32
      %dma_wait3A_182 = arith.constant 0 : i32
      %dma_wait3A_183 = tpu.memref_slice %arg4[%dma_wait3A_181, %dma_wait3A_182] : memref<10000x64xf32, #tpu.memory_space<hbm>> -> memref<10000x64xf32, #tpu.memory_space<hbm>>
      %dma_wait3A_184 = tpu.memref_slice %arg11[%dma_wait3A_173] : memref<4x!tpu.dma_semaphore, #tpu.memory_space<semaphore_mem>> -> memref<1x!tpu.dma_semaphore, #tpu.memory_space<semaphore_mem>>
      %dma_wait3A_185 = tpu.memref_squeeze %dma_wait3A_184 : memref<1x!tpu.dma_semaphore, #tpu.memory_space<semaphore_mem>> -> memref<!tpu.dma_semaphore, #tpu.memory_space<semaphore_mem>>
      tpu.wait_indirect_dma semaphore(%dma_wait3A_185 : memref<!tpu.dma_semaphore, #tpu.memory_space<semaphore_mem>>) src(%dma_wait3A_183 : memref<10000x64xf32, #tpu.memory_space<hbm>>) dst(%dma_wait3A_177 : memref<128x64xf32, #tpu.memory_space<vmem>>)
      %dma_start3A_186 = arith.constant 1 : i32
      %dma_start3A_187 = arith.constant 1 : i32
      %dma_start3A_188 = arith.constant 0 : i32
      %dma_start3A_189 = arith.constant 0 : i32
      %dma_start3A_190 = tpu.memref_slice %arg9[%dma_start3A_186, %dma_start3A_188, %dma_start3A_189] : memref<4x128x64xf32, #tpu.memory_space<vmem>> -> memref<1x128x64xf32, #tpu.memory_space<vmem>>
      %dma_start3A_191 = tpu.memref_squeeze %dma_start3A_190 : memref<1x128x64xf32, #tpu.memory_space<vmem>> -> memref<128x64xf32, #tpu.memory_space<vmem>>
      %dma_start3A_192 = arith.constant 0 : i32
      %dma_start3A_193 = tpu.memref_slice %arg8[%add3A_170, %dma_start3A_192] : memref<80x128xi32, #tpu.memory_space<vmem>> -> memref<1x128xi32, #tpu.memory_space<vmem>>
      %dma_start3A_194 = tpu.memref_squeeze %dma_start3A_193 : memref<1x128xi32, #tpu.memory_space<vmem>> -> memref<128xi32, #tpu.memory_space<vmem>>
      %dma_start3A_195 = arith.constant 0 : i32
      %dma_start3A_196 = arith.constant 0 : i32
      %dma_start3A_197 = tpu.memref_slice %arg10[%dma_start3A_195, %dma_start3A_196] : memref<10112x64xf32, #tpu.memory_space<vmem_shared>> -> memref<10112x64xf32, #tpu.memory_space<vmem_shared>>
      %dma_start3A_198 = tpu.memref_slice %arg12[%dma_start3A_187] : memref<4x!tpu.dma_semaphore, #tpu.memory_space<semaphore_mem>> -> memref<1x!tpu.dma_semaphore, #tpu.memory_space<semaphore_mem>>
      %dma_start3A_199 = tpu.memref_squeeze %dma_start3A_198 : memref<1x!tpu.dma_semaphore, #tpu.memory_space<semaphore_mem>> -> memref<!tpu.dma_semaphore, #tpu.memory_space<semaphore_mem>>
      tpu.enqueue_indirect_dma source(%dma_start3A_191 : memref<128x64xf32, #tpu.memory_space<vmem>>) target(%dma_start3A_197 : memref<10112x64xf32, #tpu.memory_space<vmem_shared>>) offsets(%dma_start3A_194 : memref<128xi32, #tpu.memory_space<vmem>>) semaphore(%dma_start3A_199 : memref<!tpu.dma_semaphore, #tpu.memory_space<semaphore_mem>>) {add = true}
      %add3A_200 = arith.constant 4 : i32
      %add3A_201 = arith.addi %add3A_170, %add3A_200 : i32
      %lt3A_202 = arith.constant 80 : i32
      %lt3A_203 = arith.cmpi slt, %add3A_201, %lt3A_202 : i32
      %convert_element_type3A_204 = arith.extui %lt3A_203 : i1 to i32
      %cond3A_205 = arith.constant 0 : i32
      %cond3A_206 = arith.cmpi ne, %convert_element_type3A_204, %cond3A_205 : i32
      scf.if %cond3A_206 {
        %dma_wait3A_283 = arith.constant 1 : i32
        %dma_wait3A_284 = arith.constant 0 : i32
        %dma_wait3A_285 = arith.constant 1 : i32
        %dma_wait3A_286 = arith.constant 0 : i32
        %dma_wait3A_287 = arith.constant 0 : i32
        %dma_wait3A_288 = tpu.memref_slice %arg9[%dma_wait3A_283, %dma_wait3A_286, %dma_wait3A_287] : memref<4x128x64xf32, #tpu.memory_space<vmem>> -> memref<1x128x64xf32, #tpu.memory_space<vmem>>
        %dma_wait3A_289 = tpu.memref_squeeze %dma_wait3A_288 : memref<1x128x64xf32, #tpu.memory_space<vmem>> -> memref<128x64xf32, #tpu.memory_space<vmem>>
        %dma_wait3A_290 = arith.constant 0 : i32
        %dma_wait3A_291 = tpu.memref_slice %arg8[%dma_wait3A_284, %dma_wait3A_290] : memref<80x128xi32, #tpu.memory_space<vmem>> -> memref<1x128xi32, #tpu.memory_space<vmem>>
        %dma_wait3A_292 = tpu.memref_squeeze %dma_wait3A_291 : memref<1x128xi32, #tpu.memory_space<vmem>> -> memref<128xi32, #tpu.memory_space<vmem>>
        %dma_wait3A_293 = arith.constant 0 : i32
        %dma_wait3A_294 = arith.constant 0 : i32
        %dma_wait3A_295 = tpu.memref_slice %arg10[%dma_wait3A_293, %dma_wait3A_294] : memref<10112x64xf32, #tpu.memory_space<vmem_shared>> -> memref<10112x64xf32, #tpu.memory_space<vmem_shared>>
        %dma_wait3A_296 = tpu.memref_slice %arg12[%dma_wait3A_285] : memref<4x!tpu.dma_semaphore, #tpu.memory_space<semaphore_mem>> -> memref<1x!tpu.dma_semaphore, #tpu.memory_space<semaphore_mem>>
        %dma_wait3A_297 = tpu.memref_squeeze %dma_wait3A_296 : memref<1x!tpu.dma_semaphore, #tpu.memory_space<semaphore_mem>> -> memref<!tpu.dma_semaphore, #tpu.memory_space<semaphore_mem>>
        tpu.wait_indirect_dma semaphore(%dma_wait3A_297 : memref<!tpu.dma_semaphore, #tpu.memory_space<semaphore_mem>>) src(%dma_wait3A_289 : memref<128x64xf32, #tpu.memory_space<vmem>>) dst(%dma_wait3A_295 : memref<10112x64xf32, #tpu.memory_space<vmem_shared>>)
        %dma_start3A_298 = arith.constant 1 : i32
        %dma_start3A_299 = arith.constant 1 : i32
        %dma_start3A_300 = arith.constant 0 : i32
        %dma_start3A_301 = arith.constant 0 : i32
        %dma_start3A_302 = tpu.memref_slice %arg9[%dma_start3A_298, %dma_start3A_300, %dma_start3A_301] : memref<4x128x64xf32, #tpu.memory_space<vmem>> -> memref<1x128x64xf32, #tpu.memory_space<vmem>>
        %dma_start3A_303 = tpu.memref_squeeze %dma_start3A_302 : memref<1x128x64xf32, #tpu.memory_space<vmem>> -> memref<128x64xf32, #tpu.memory_space<vmem>>
        %dma_start3A_304 = arith.constant 0 : i32
        %dma_start3A_305 = tpu.memref_slice %arg7[%add3A_201, %dma_start3A_304] : memref<80x128xi32, #tpu.memory_space<vmem>> -> memref<1x128xi32, #tpu.memory_space<vmem>>
        %dma_start3A_306 = tpu.memref_squeeze %dma_start3A_305 : memref<1x128xi32, #tpu.memory_space<vmem>> -> memref<128xi32, #tpu.memory_space<vmem>>
        %dma_start3A_307 = arith.constant 0 : i32
        %dma_start3A_308 = arith.constant 0 : i32
        %dma_start3A_309 = tpu.memref_slice %arg4[%dma_start3A_307, %dma_start3A_308] : memref<10000x64xf32, #tpu.memory_space<hbm>> -> memref<10000x64xf32, #tpu.memory_space<hbm>>
        %dma_start3A_310 = tpu.memref_slice %arg11[%dma_start3A_299] : memref<4x!tpu.dma_semaphore, #tpu.memory_space<semaphore_mem>> -> memref<1x!tpu.dma_semaphore, #tpu.memory_space<semaphore_mem>>
        %dma_start3A_311 = tpu.memref_squeeze %dma_start3A_310 : memref<1x!tpu.dma_semaphore, #tpu.memory_space<semaphore_mem>> -> memref<!tpu.dma_semaphore, #tpu.memory_space<semaphore_mem>>
        tpu.enqueue_indirect_dma source(%dma_start3A_309 : memref<10000x64xf32, #tpu.memory_space<hbm>>) target(%dma_start3A_303 : memref<128x64xf32, #tpu.memory_space<vmem>>) offsets(%dma_start3A_306 : memref<128xi32, #tpu.memory_space<vmem>>) semaphore(%dma_start3A_311 : memref<!tpu.dma_semaphore, #tpu.memory_space<semaphore_mem>>)
      } else {
      }
      %add3A_207 = arith.constant 2 : i32
      %add3A_208 = arith.addi %add3A_133, %add3A_207 : i32
      %dma_wait3A_209 = arith.constant 0 : i32
      %dma_wait3A_210 = arith.constant 2 : i32
      %dma_wait3A_211 = arith.constant 2 : i32
      %dma_wait3A_212 = arith.constant 0 : i32
      %dma_wait3A_213 = arith.constant 0 : i32
      %dma_wait3A_214 = tpu.memref_slice %arg9[%dma_wait3A_210, %dma_wait3A_212, %dma_wait3A_213] : memref<4x128x64xf32, #tpu.memory_space<vmem>> -> memref<1x128x64xf32, #tpu.memory_space<vmem>>
      %dma_wait3A_215 = tpu.memref_squeeze %dma_wait3A_214 : memref<1x128x64xf32, #tpu.memory_space<vmem>> -> memref<128x64xf32, #tpu.memory_space<vmem>>
      %dma_wait3A_216 = arith.constant 0 : i32
      %dma_wait3A_217 = tpu.memref_slice %arg7[%dma_wait3A_209, %dma_wait3A_216] : memref<80x128xi32, #tpu.memory_space<vmem>> -> memref<1x128xi32, #tpu.memory_space<vmem>>
      %dma_wait3A_218 = tpu.memref_squeeze %dma_wait3A_217 : memref<1x128xi32, #tpu.memory_space<vmem>> -> memref<128xi32, #tpu.memory_space<vmem>>
      %dma_wait3A_219 = arith.constant 0 : i32
      %dma_wait3A_220 = arith.constant 0 : i32
      %dma_wait3A_221 = tpu.memref_slice %arg4[%dma_wait3A_219, %dma_wait3A_220] : memref<10000x64xf32, #tpu.memory_space<hbm>> -> memref<10000x64xf32, #tpu.memory_space<hbm>>
      %dma_wait3A_222 = tpu.memref_slice %arg11[%dma_wait3A_211] : memref<4x!tpu.dma_semaphore, #tpu.memory_space<semaphore_mem>> -> memref<1x!tpu.dma_semaphore, #tpu.memory_space<semaphore_mem>>
      %dma_wait3A_223 = tpu.memref_squeeze %dma_wait3A_222 : memref<1x!tpu.dma_semaphore, #tpu.memory_space<semaphore_mem>> -> memref<!tpu.dma_semaphore, #tpu.memory_space<semaphore_mem>>
      tpu.wait_indirect_dma semaphore(%dma_wait3A_223 : memref<!tpu.dma_semaphore, #tpu.memory_space<semaphore_mem>>) src(%dma_wait3A_221 : memref<10000x64xf32, #tpu.memory_space<hbm>>) dst(%dma_wait3A_215 : memref<128x64xf32, #tpu.memory_space<vmem>>)
      %dma_start3A_224 = arith.constant 2 : i32
      %dma_start3A_225 = arith.constant 2 : i32
      %dma_start3A_226 = arith.constant 0 : i32
      %dma_start3A_227 = arith.constant 0 : i32
      %dma_start3A_228 = tpu.memref_slice %arg9[%dma_start3A_224, %dma_start3A_226, %dma_start3A_227] : memref<4x128x64xf32, #tpu.memory_space<vmem>> -> memref<1x128x64xf32, #tpu.memory_space<vmem>>
      %dma_start3A_229 = tpu.memref_squeeze %dma_start3A_228 : memref<1x128x64xf32, #tpu.memory_space<vmem>> -> memref<128x64xf32, #tpu.memory_space<vmem>>
      %dma_start3A_230 = arith.constant 0 : i32
      %dma_start3A_231 = tpu.memref_slice %arg8[%add3A_208, %dma_start3A_230] : memref<80x128xi32, #tpu.memory_space<vmem>> -> memref<1x128xi32, #tpu.memory_space<vmem>>
      %dma_start3A_232 = tpu.memref_squeeze %dma_start3A_231 : memref<1x128xi32, #tpu.memory_space<vmem>> -> memref<128xi32, #tpu.memory_space<vmem>>
      %dma_start3A_233 = arith.constant 0 : i32
      %dma_start3A_234 = arith.constant 0 : i32
      %dma_start3A_235 = tpu.memref_slice %arg10[%dma_start3A_233, %dma_start3A_234] : memref<10112x64xf32, #tpu.memory_space<vmem_shared>> -> memref<10112x64xf32, #tpu.memory_space<vmem_shared>>
      %dma_start3A_236 = tpu.memref_slice %arg12[%dma_start3A_225] : memref<4x!tpu.dma_semaphore, #tpu.memory_space<semaphore_mem>> -> memref<1x!tpu.dma_semaphore, #tpu.memory_space<semaphore_mem>>
      %dma_start3A_237 = tpu.memref_squeeze %dma_start3A_236 : memref<1x!tpu.dma_semaphore, #tpu.memory_space<semaphore_mem>> -> memref<!tpu.dma_semaphore, #tpu.memory_space<semaphore_mem>>
      tpu.enqueue_indirect_dma source(%dma_start3A_229 : memref<128x64xf32, #tpu.memory_space<vmem>>) target(%dma_start3A_235 : memref<10112x64xf32, #tpu.memory_space<vmem_shared>>) offsets(%dma_start3A_232 : memref<128xi32, #tpu.memory_space<vmem>>) semaphore(%dma_start3A_237 : memref<!tpu.dma_semaphore, #tpu.memory_space<semaphore_mem>>) {add = true}
      %add3A_238 = arith.constant 4 : i32
      %add3A_239 = arith.addi %add3A_208, %add3A_238 : i32
      %lt3A_240 = arith.constant 80 : i32
      %lt3A_241 = arith.cmpi slt, %add3A_239, %lt3A_240 : i32
      %convert_element_type3A_242 = arith.extui %lt3A_241 : i1 to i32
      %cond3A_243 = arith.constant 0 : i32
      %cond3A_244 = arith.cmpi ne, %convert_element_type3A_242, %cond3A_243 : i32
      scf.if %cond3A_244 {
        %dma_wait3A_283 = arith.constant 2 : i32
        %dma_wait3A_284 = arith.constant 0 : i32
        %dma_wait3A_285 = arith.constant 2 : i32
        %dma_wait3A_286 = arith.constant 0 : i32
        %dma_wait3A_287 = arith.constant 0 : i32
        %dma_wait3A_288 = tpu.memref_slice %arg9[%dma_wait3A_283, %dma_wait3A_286, %dma_wait3A_287] : memref<4x128x64xf32, #tpu.memory_space<vmem>> -> memref<1x128x64xf32, #tpu.memory_space<vmem>>
        %dma_wait3A_289 = tpu.memref_squeeze %dma_wait3A_288 : memref<1x128x64xf32, #tpu.memory_space<vmem>> -> memref<128x64xf32, #tpu.memory_space<vmem>>
        %dma_wait3A_290 = arith.constant 0 : i32
        %dma_wait3A_291 = tpu.memref_slice %arg8[%dma_wait3A_284, %dma_wait3A_290] : memref<80x128xi32, #tpu.memory_space<vmem>> -> memref<1x128xi32, #tpu.memory_space<vmem>>
        %dma_wait3A_292 = tpu.memref_squeeze %dma_wait3A_291 : memref<1x128xi32, #tpu.memory_space<vmem>> -> memref<128xi32, #tpu.memory_space<vmem>>
        %dma_wait3A_293 = arith.constant 0 : i32
        %dma_wait3A_294 = arith.constant 0 : i32
        %dma_wait3A_295 = tpu.memref_slice %arg10[%dma_wait3A_293, %dma_wait3A_294] : memref<10112x64xf32, #tpu.memory_space<vmem_shared>> -> memref<10112x64xf32, #tpu.memory_space<vmem_shared>>
        %dma_wait3A_296 = tpu.memref_slice %arg12[%dma_wait3A_285] : memref<4x!tpu.dma_semaphore, #tpu.memory_space<semaphore_mem>> -> memref<1x!tpu.dma_semaphore, #tpu.memory_space<semaphore_mem>>
        %dma_wait3A_297 = tpu.memref_squeeze %dma_wait3A_296 : memref<1x!tpu.dma_semaphore, #tpu.memory_space<semaphore_mem>> -> memref<!tpu.dma_semaphore, #tpu.memory_space<semaphore_mem>>
        tpu.wait_indirect_dma semaphore(%dma_wait3A_297 : memref<!tpu.dma_semaphore, #tpu.memory_space<semaphore_mem>>) src(%dma_wait3A_289 : memref<128x64xf32, #tpu.memory_space<vmem>>) dst(%dma_wait3A_295 : memref<10112x64xf32, #tpu.memory_space<vmem_shared>>)
        %dma_start3A_298 = arith.constant 2 : i32
        %dma_start3A_299 = arith.constant 2 : i32
        %dma_start3A_300 = arith.constant 0 : i32
        %dma_start3A_301 = arith.constant 0 : i32
        %dma_start3A_302 = tpu.memref_slice %arg9[%dma_start3A_298, %dma_start3A_300, %dma_start3A_301] : memref<4x128x64xf32, #tpu.memory_space<vmem>> -> memref<1x128x64xf32, #tpu.memory_space<vmem>>
        %dma_start3A_303 = tpu.memref_squeeze %dma_start3A_302 : memref<1x128x64xf32, #tpu.memory_space<vmem>> -> memref<128x64xf32, #tpu.memory_space<vmem>>
        %dma_start3A_304 = arith.constant 0 : i32
        %dma_start3A_305 = tpu.memref_slice %arg7[%add3A_239, %dma_start3A_304] : memref<80x128xi32, #tpu.memory_space<vmem>> -> memref<1x128xi32, #tpu.memory_space<vmem>>
        %dma_start3A_306 = tpu.memref_squeeze %dma_start3A_305 : memref<1x128xi32, #tpu.memory_space<vmem>> -> memref<128xi32, #tpu.memory_space<vmem>>
        %dma_start3A_307 = arith.constant 0 : i32
        %dma_start3A_308 = arith.constant 0 : i32
        %dma_start3A_309 = tpu.memref_slice %arg4[%dma_start3A_307, %dma_start3A_308] : memref<10000x64xf32, #tpu.memory_space<hbm>> -> memref<10000x64xf32, #tpu.memory_space<hbm>>
        %dma_start3A_310 = tpu.memref_slice %arg11[%dma_start3A_299] : memref<4x!tpu.dma_semaphore, #tpu.memory_space<semaphore_mem>> -> memref<1x!tpu.dma_semaphore, #tpu.memory_space<semaphore_mem>>
        %dma_start3A_311 = tpu.memref_squeeze %dma_start3A_310 : memref<1x!tpu.dma_semaphore, #tpu.memory_space<semaphore_mem>> -> memref<!tpu.dma_semaphore, #tpu.memory_space<semaphore_mem>>
        tpu.enqueue_indirect_dma source(%dma_start3A_309 : memref<10000x64xf32, #tpu.memory_space<hbm>>) target(%dma_start3A_303 : memref<128x64xf32, #tpu.memory_space<vmem>>) offsets(%dma_start3A_306 : memref<128xi32, #tpu.memory_space<vmem>>) semaphore(%dma_start3A_311 : memref<!tpu.dma_semaphore, #tpu.memory_space<semaphore_mem>>)
      } else {
      }
      %add3A_245 = arith.constant 3 : i32
      %add3A_246 = arith.addi %add3A_133, %add3A_245 : i32
      %dma_wait3A_247 = arith.constant 0 : i32
      %dma_wait3A_248 = arith.constant 3 : i32
      %dma_wait3A_249 = arith.constant 3 : i32
      %dma_wait3A_250 = arith.constant 0 : i32
      %dma_wait3A_251 = arith.constant 0 : i32
      %dma_wait3A_252 = tpu.memref_slice %arg9[%dma_wait3A_248, %dma_wait3A_250, %dma_wait3A_251] : memref<4x128x64xf32, #tpu.memory_space<vmem>> -> memref<1x128x64xf32, #tpu.memory_space<vmem>>
      %dma_wait3A_253 = tpu.memref_squeeze %dma_wait3A_252 : memref<1x128x64xf32, #tpu.memory_space<vmem>> -> memref<128x64xf32, #tpu.memory_space<vmem>>
      %dma_wait3A_254 = arith.constant 0 : i32
      %dma_wait3A_255 = tpu.memref_slice %arg7[%dma_wait3A_247, %dma_wait3A_254] : memref<80x128xi32, #tpu.memory_space<vmem>> -> memref<1x128xi32, #tpu.memory_space<vmem>>
      %dma_wait3A_256 = tpu.memref_squeeze %dma_wait3A_255 : memref<1x128xi32, #tpu.memory_space<vmem>> -> memref<128xi32, #tpu.memory_space<vmem>>
      %dma_wait3A_257 = arith.constant 0 : i32
      %dma_wait3A_258 = arith.constant 0 : i32
      %dma_wait3A_259 = tpu.memref_slice %arg4[%dma_wait3A_257, %dma_wait3A_258] : memref<10000x64xf32, #tpu.memory_space<hbm>> -> memref<10000x64xf32, #tpu.memory_space<hbm>>
      %dma_wait3A_260 = tpu.memref_slice %arg11[%dma_wait3A_249] : memref<4x!tpu.dma_semaphore, #tpu.memory_space<semaphore_mem>> -> memref<1x!tpu.dma_semaphore, #tpu.memory_space<semaphore_mem>>
      %dma_wait3A_261 = tpu.memref_squeeze %dma_wait3A_260 : memref<1x!tpu.dma_semaphore, #tpu.memory_space<semaphore_mem>> -> memref<!tpu.dma_semaphore, #tpu.memory_space<semaphore_mem>>
      tpu.wait_indirect_dma semaphore(%dma_wait3A_261 : memref<!tpu.dma_semaphore, #tpu.memory_space<semaphore_mem>>) src(%dma_wait3A_259 : memref<10000x64xf32, #tpu.memory_space<hbm>>) dst(%dma_wait3A_253 : memref<128x64xf32, #tpu.memory_space<vmem>>)
      %dma_start3A_262 = arith.constant 3 : i32
      %dma_start3A_263 = arith.constant 3 : i32
      %dma_start3A_264 = arith.constant 0 : i32
      %dma_start3A_265 = arith.constant 0 : i32
      %dma_start3A_266 = tpu.memref_slice %arg9[%dma_start3A_262, %dma_start3A_264, %dma_start3A_265] : memref<4x128x64xf32, #tpu.memory_space<vmem>> -> memref<1x128x64xf32, #tpu.memory_space<vmem>>
      %dma_start3A_267 = tpu.memref_squeeze %dma_start3A_266 : memref<1x128x64xf32, #tpu.memory_space<vmem>> -> memref<128x64xf32, #tpu.memory_space<vmem>>
      %dma_start3A_268 = arith.constant 0 : i32
      %dma_start3A_269 = tpu.memref_slice %arg8[%add3A_246, %dma_start3A_268] : memref<80x128xi32, #tpu.memory_space<vmem>> -> memref<1x128xi32, #tpu.memory_space<vmem>>
      %dma_start3A_270 = tpu.memref_squeeze %dma_start3A_269 : memref<1x128xi32, #tpu.memory_space<vmem>> -> memref<128xi32, #tpu.memory_space<vmem>>
      %dma_start3A_271 = arith.constant 0 : i32
      %dma_start3A_272 = arith.constant 0 : i32
      %dma_start3A_273 = tpu.memref_slice %arg10[%dma_start3A_271, %dma_start3A_272] : memref<10112x64xf32, #tpu.memory_space<vmem_shared>> -> memref<10112x64xf32, #tpu.memory_space<vmem_shared>>
      %dma_start3A_274 = tpu.memref_slice %arg12[%dma_start3A_263] : memref<4x!tpu.dma_semaphore, #tpu.memory_space<semaphore_mem>> -> memref<1x!tpu.dma_semaphore, #tpu.memory_space<semaphore_mem>>
      %dma_start3A_275 = tpu.memref_squeeze %dma_start3A_274 : memref<1x!tpu.dma_semaphore, #tpu.memory_space<semaphore_mem>> -> memref<!tpu.dma_semaphore, #tpu.memory_space<semaphore_mem>>
      tpu.enqueue_indirect_dma source(%dma_start3A_267 : memref<128x64xf32, #tpu.memory_space<vmem>>) target(%dma_start3A_273 : memref<10112x64xf32, #tpu.memory_space<vmem_shared>>) offsets(%dma_start3A_270 : memref<128xi32, #tpu.memory_space<vmem>>) semaphore(%dma_start3A_275 : memref<!tpu.dma_semaphore, #tpu.memory_space<semaphore_mem>>) {add = true}
      %add3A_276 = arith.constant 4 : i32
      %add3A_277 = arith.addi %add3A_246, %add3A_276 : i32
      %lt3A_278 = arith.constant 80 : i32
      %lt3A_279 = arith.cmpi slt, %add3A_277, %lt3A_278 : i32
      %convert_element_type3A_280 = arith.extui %lt3A_279 : i1 to i32
      %cond3A_281 = arith.constant 0 : i32
      %cond3A_282 = arith.cmpi ne, %convert_element_type3A_280, %cond3A_281 : i32
      scf.if %cond3A_282 {
        %dma_wait3A_283 = arith.constant 3 : i32
        %dma_wait3A_284 = arith.constant 0 : i32
        %dma_wait3A_285 = arith.constant 3 : i32
        %dma_wait3A_286 = arith.constant 0 : i32
        %dma_wait3A_287 = arith.constant 0 : i32
        %dma_wait3A_288 = tpu.memref_slice %arg9[%dma_wait3A_283, %dma_wait3A_286, %dma_wait3A_287] : memref<4x128x64xf32, #tpu.memory_space<vmem>> -> memref<1x128x64xf32, #tpu.memory_space<vmem>>
        %dma_wait3A_289 = tpu.memref_squeeze %dma_wait3A_288 : memref<1x128x64xf32, #tpu.memory_space<vmem>> -> memref<128x64xf32, #tpu.memory_space<vmem>>
        %dma_wait3A_290 = arith.constant 0 : i32
        %dma_wait3A_291 = tpu.memref_slice %arg8[%dma_wait3A_284, %dma_wait3A_290] : memref<80x128xi32, #tpu.memory_space<vmem>> -> memref<1x128xi32, #tpu.memory_space<vmem>>
        %dma_wait3A_292 = tpu.memref_squeeze %dma_wait3A_291 : memref<1x128xi32, #tpu.memory_space<vmem>> -> memref<128xi32, #tpu.memory_space<vmem>>
        %dma_wait3A_293 = arith.constant 0 : i32
        %dma_wait3A_294 = arith.constant 0 : i32
        %dma_wait3A_295 = tpu.memref_slice %arg10[%dma_wait3A_293, %dma_wait3A_294] : memref<10112x64xf32, #tpu.memory_space<vmem_shared>> -> memref<10112x64xf32, #tpu.memory_space<vmem_shared>>
        %dma_wait3A_296 = tpu.memref_slice %arg12[%dma_wait3A_285] : memref<4x!tpu.dma_semaphore, #tpu.memory_space<semaphore_mem>> -> memref<1x!tpu.dma_semaphore, #tpu.memory_space<semaphore_mem>>
        %dma_wait3A_297 = tpu.memref_squeeze %dma_wait3A_296 : memref<1x!tpu.dma_semaphore, #tpu.memory_space<semaphore_mem>> -> memref<!tpu.dma_semaphore, #tpu.memory_space<semaphore_mem>>
        tpu.wait_indirect_dma semaphore(%dma_wait3A_297 : memref<!tpu.dma_semaphore, #tpu.memory_space<semaphore_mem>>) src(%dma_wait3A_289 : memref<128x64xf32, #tpu.memory_space<vmem>>) dst(%dma_wait3A_295 : memref<10112x64xf32, #tpu.memory_space<vmem_shared>>)
        %dma_start3A_298 = arith.constant 3 : i32
        %dma_start3A_299 = arith.constant 3 : i32
        %dma_start3A_300 = arith.constant 0 : i32
        %dma_start3A_301 = arith.constant 0 : i32
        %dma_start3A_302 = tpu.memref_slice %arg9[%dma_start3A_298, %dma_start3A_300, %dma_start3A_301] : memref<4x128x64xf32, #tpu.memory_space<vmem>> -> memref<1x128x64xf32, #tpu.memory_space<vmem>>
        %dma_start3A_303 = tpu.memref_squeeze %dma_start3A_302 : memref<1x128x64xf32, #tpu.memory_space<vmem>> -> memref<128x64xf32, #tpu.memory_space<vmem>>
        %dma_start3A_304 = arith.constant 0 : i32
        %dma_start3A_305 = tpu.memref_slice %arg7[%add3A_277, %dma_start3A_304] : memref<80x128xi32, #tpu.memory_space<vmem>> -> memref<1x128xi32, #tpu.memory_space<vmem>>
        %dma_start3A_306 = tpu.memref_squeeze %dma_start3A_305 : memref<1x128xi32, #tpu.memory_space<vmem>> -> memref<128xi32, #tpu.memory_space<vmem>>
        %dma_start3A_307 = arith.constant 0 : i32
        %dma_start3A_308 = arith.constant 0 : i32
        %dma_start3A_309 = tpu.memref_slice %arg4[%dma_start3A_307, %dma_start3A_308] : memref<10000x64xf32, #tpu.memory_space<hbm>> -> memref<10000x64xf32, #tpu.memory_space<hbm>>
        %dma_start3A_310 = tpu.memref_slice %arg11[%dma_start3A_299] : memref<4x!tpu.dma_semaphore, #tpu.memory_space<semaphore_mem>> -> memref<1x!tpu.dma_semaphore, #tpu.memory_space<semaphore_mem>>
        %dma_start3A_311 = tpu.memref_squeeze %dma_start3A_310 : memref<1x!tpu.dma_semaphore, #tpu.memory_space<semaphore_mem>> -> memref<!tpu.dma_semaphore, #tpu.memory_space<semaphore_mem>>
        tpu.enqueue_indirect_dma source(%dma_start3A_309 : memref<10000x64xf32, #tpu.memory_space<hbm>>) target(%dma_start3A_303 : memref<128x64xf32, #tpu.memory_space<vmem>>) offsets(%dma_start3A_306 : memref<128xi32, #tpu.memory_space<vmem>>) semaphore(%dma_start3A_311 : memref<!tpu.dma_semaphore, #tpu.memory_space<semaphore_mem>>)
      } else {
      }
    }
    %scan3A_68 = arith.constant 20 : i32
    %dma_wait3A = arith.constant 0 : i32
    %dma_wait3A_69 = arith.constant 0 : i32
    %dma_wait3A_70 = arith.constant 0 : i32
    %dma_wait3A_71 = arith.constant 0 : i32
    %dma_wait3A_72 = arith.constant 0 : i32
    %dma_wait3A_73 = tpu.memref_slice %arg9[%dma_wait3A, %dma_wait3A_71, %dma_wait3A_72] : memref<4x128x64xf32, #tpu.memory_space<vmem>> -> memref<1x128x64xf32, #tpu.memory_space<vmem>>
    %dma_wait3A_74 = tpu.memref_squeeze %dma_wait3A_73 : memref<1x128x64xf32, #tpu.memory_space<vmem>> -> memref<128x64xf32, #tpu.memory_space<vmem>>
    %dma_wait3A_75 = arith.constant 0 : i32
    %dma_wait3A_76 = tpu.memref_slice %arg8[%dma_wait3A_69, %dma_wait3A_75] : memref<80x128xi32, #tpu.memory_space<vmem>> -> memref<1x128xi32, #tpu.memory_space<vmem>>
    %dma_wait3A_77 = tpu.memref_squeeze %dma_wait3A_76 : memref<1x128xi32, #tpu.memory_space<vmem>> -> memref<128xi32, #tpu.memory_space<vmem>>
    %dma_wait3A_78 = arith.constant 0 : i32
    %dma_wait3A_79 = arith.constant 0 : i32
    %dma_wait3A_80 = tpu.memref_slice %arg10[%dma_wait3A_78, %dma_wait3A_79] : memref<10112x64xf32, #tpu.memory_space<vmem_shared>> -> memref<10112x64xf32, #tpu.memory_space<vmem_shared>>
    %dma_wait3A_81 = tpu.memref_slice %arg12[%dma_wait3A_70] : memref<4x!tpu.dma_semaphore, #tpu.memory_space<semaphore_mem>> -> memref<1x!tpu.dma_semaphore, #tpu.memory_space<semaphore_mem>>
    %dma_wait3A_82 = tpu.memref_squeeze %dma_wait3A_81 : memref<1x!tpu.dma_semaphore, #tpu.memory_space<semaphore_mem>> -> memref<!tpu.dma_semaphore, #tpu.memory_space<semaphore_mem>>
    tpu.wait_indirect_dma semaphore(%dma_wait3A_82 : memref<!tpu.dma_semaphore, #tpu.memory_space<semaphore_mem>>) src(%dma_wait3A_74 : memref<128x64xf32, #tpu.memory_space<vmem>>) dst(%dma_wait3A_80 : memref<10112x64xf32, #tpu.memory_space<vmem_shared>>)
    %dma_wait3A_83 = arith.constant 1 : i32
    %dma_wait3A_84 = arith.constant 0 : i32
    %dma_wait3A_85 = arith.constant 1 : i32
    %dma_wait3A_86 = arith.constant 0 : i32
    %dma_wait3A_87 = arith.constant 0 : i32
    %dma_wait3A_88 = tpu.memref_slice %arg9[%dma_wait3A_83, %dma_wait3A_86, %dma_wait3A_87] : memref<4x128x64xf32, #tpu.memory_space<vmem>> -> memref<1x128x64xf32, #tpu.memory_space<vmem>>
    %dma_wait3A_89 = tpu.memref_squeeze %dma_wait3A_88 : memref<1x128x64xf32, #tpu.memory_space<vmem>> -> memref<128x64xf32, #tpu.memory_space<vmem>>
    %dma_wait3A_90 = arith.constant 0 : i32
    %dma_wait3A_91 = tpu.memref_slice %arg8[%dma_wait3A_84, %dma_wait3A_90] : memref<80x128xi32, #tpu.memory_space<vmem>> -> memref<1x128xi32, #tpu.memory_space<vmem>>
    %dma_wait3A_92 = tpu.memref_squeeze %dma_wait3A_91 : memref<1x128xi32, #tpu.memory_space<vmem>> -> memref<128xi32, #tpu.memory_space<vmem>>
    %dma_wait3A_93 = arith.constant 0 : i32
    %dma_wait3A_94 = arith.constant 0 : i32
    %dma_wait3A_95 = tpu.memref_slice %arg10[%dma_wait3A_93, %dma_wait3A_94] : memref<10112x64xf32, #tpu.memory_space<vmem_shared>> -> memref<10112x64xf32, #tpu.memory_space<vmem_shared>>
    %dma_wait3A_96 = tpu.memref_slice %arg12[%dma_wait3A_85] : memref<4x!tpu.dma_semaphore, #tpu.memory_space<semaphore_mem>> -> memref<1x!tpu.dma_semaphore, #tpu.memory_space<semaphore_mem>>
    %dma_wait3A_97 = tpu.memref_squeeze %dma_wait3A_96 : memref<1x!tpu.dma_semaphore, #tpu.memory_space<semaphore_mem>> -> memref<!tpu.dma_semaphore, #tpu.memory_space<semaphore_mem>>
    tpu.wait_indirect_dma semaphore(%dma_wait3A_97 : memref<!tpu.dma_semaphore, #tpu.memory_space<semaphore_mem>>) src(%dma_wait3A_89 : memref<128x64xf32, #tpu.memory_space<vmem>>) dst(%dma_wait3A_95 : memref<10112x64xf32, #tpu.memory_space<vmem_shared>>)
    %dma_wait3A_98 = arith.constant 2 : i32
    %dma_wait3A_99 = arith.constant 0 : i32
    %dma_wait3A_100 = arith.constant 2 : i32
    %dma_wait3A_101 = arith.constant 0 : i32
    %dma_wait3A_102 = arith.constant 0 : i32
    %dma_wait3A_103 = tpu.memref_slice %arg9[%dma_wait3A_98, %dma_wait3A_101, %dma_wait3A_102] : memref<4x128x64xf32, #tpu.memory_space<vmem>> -> memref<1x128x64xf32, #tpu.memory_space<vmem>>
    %dma_wait3A_104 = tpu.memref_squeeze %dma_wait3A_103 : memref<1x128x64xf32, #tpu.memory_space<vmem>> -> memref<128x64xf32, #tpu.memory_space<vmem>>
    %dma_wait3A_105 = arith.constant 0 : i32
    %dma_wait3A_106 = tpu.memref_slice %arg8[%dma_wait3A_99, %dma_wait3A_105] : memref<80x128xi32, #tpu.memory_space<vmem>> -> memref<1x128xi32, #tpu.memory_space<vmem>>
    %dma_wait3A_107 = tpu.memref_squeeze %dma_wait3A_106 : memref<1x128xi32, #tpu.memory_space<vmem>> -> memref<128xi32, #tpu.memory_space<vmem>>
    %dma_wait3A_108 = arith.constant 0 : i32
    %dma_wait3A_109 = arith.constant 0 : i32
    %dma_wait3A_110 = tpu.memref_slice %arg10[%dma_wait3A_108, %dma_wait3A_109] : memref<10112x64xf32, #tpu.memory_space<vmem_shared>> -> memref<10112x64xf32, #tpu.memory_space<vmem_shared>>
    %dma_wait3A_111 = tpu.memref_slice %arg12[%dma_wait3A_100] : memref<4x!tpu.dma_semaphore, #tpu.memory_space<semaphore_mem>> -> memref<1x!tpu.dma_semaphore, #tpu.memory_space<semaphore_mem>>
    %dma_wait3A_112 = tpu.memref_squeeze %dma_wait3A_111 : memref<1x!tpu.dma_semaphore, #tpu.memory_space<semaphore_mem>> -> memref<!tpu.dma_semaphore, #tpu.memory_space<semaphore_mem>>
    tpu.wait_indirect_dma semaphore(%dma_wait3A_112 : memref<!tpu.dma_semaphore, #tpu.memory_space<semaphore_mem>>) src(%dma_wait3A_104 : memref<128x64xf32, #tpu.memory_space<vmem>>) dst(%dma_wait3A_110 : memref<10112x64xf32, #tpu.memory_space<vmem_shared>>)
    %dma_wait3A_113 = arith.constant 3 : i32
    %dma_wait3A_114 = arith.constant 0 : i32
    %dma_wait3A_115 = arith.constant 3 : i32
    %dma_wait3A_116 = arith.constant 0 : i32
    %dma_wait3A_117 = arith.constant 0 : i32
    %dma_wait3A_118 = tpu.memref_slice %arg9[%dma_wait3A_113, %dma_wait3A_116, %dma_wait3A_117] : memref<4x128x64xf32, #tpu.memory_space<vmem>> -> memref<1x128x64xf32, #tpu.memory_space<vmem>>
    %dma_wait3A_119 = tpu.memref_squeeze %dma_wait3A_118 : memref<1x128x64xf32, #tpu.memory_space<vmem>> -> memref<128x64xf32, #tpu.memory_space<vmem>>
    %dma_wait3A_120 = arith.constant 0 : i32
    %dma_wait3A_121 = tpu.memref_slice %arg8[%dma_wait3A_114, %dma_wait3A_120] : memref<80x128xi32, #tpu.memory_space<vmem>> -> memref<1x128xi32, #tpu.memory_space<vmem>>
    %dma_wait3A_122 = tpu.memref_squeeze %dma_wait3A_121 : memref<1x128xi32, #tpu.memory_space<vmem>> -> memref<128xi32, #tpu.memory_space<vmem>>
    %dma_wait3A_123 = arith.constant 0 : i32
    %dma_wait3A_124 = arith.constant 0 : i32
    %dma_wait3A_125 = tpu.memref_slice %arg10[%dma_wait3A_123, %dma_wait3A_124] : memref<10112x64xf32, #tpu.memory_space<vmem_shared>> -> memref<10112x64xf32, #tpu.memory_space<vmem_shared>>
    %dma_wait3A_126 = tpu.memref_slice %arg12[%dma_wait3A_115] : memref<4x!tpu.dma_semaphore, #tpu.memory_space<semaphore_mem>> -> memref<1x!tpu.dma_semaphore, #tpu.memory_space<semaphore_mem>>
    %dma_wait3A_127 = tpu.memref_squeeze %dma_wait3A_126 : memref<1x!tpu.dma_semaphore, #tpu.memory_space<semaphore_mem>> -> memref<!tpu.dma_semaphore, #tpu.memory_space<semaphore_mem>>
    tpu.wait_indirect_dma semaphore(%dma_wait3A_127 : memref<!tpu.dma_semaphore, #tpu.memory_space<semaphore_mem>>) src(%dma_wait3A_119 : memref<128x64xf32, #tpu.memory_space<vmem>>) dst(%dma_wait3A_125 : memref<10112x64xf32, #tpu.memory_space<vmem_shared>>)
    %barrier3A_128 = arith.constant 0 : index
    tpu.barrier barrier_id(%barrier3A_128)
    "tpu.region"() ({
      %run_scoped3A = tpu.sem_alloc : memref<!tpu.dma_semaphore, #tpu.memory_space<semaphore_mem>>
      %dma_start3A_129 = arith.constant 0 : i32
      %dma_start3A_130 = tpu.memref_slice %arg6[%arg0, %multiple_of3A, %dma_start3A_129] : memref<2x10112x64xf32, #tpu.memory_space<hbm>> -> memref<1x632x64xf32, #tpu.memory_space<hbm>>
      %dma_start3A_131 = tpu.memref_squeeze %dma_start3A_130 : memref<1x632x64xf32, #tpu.memory_space<hbm>> -> memref<632x64xf32, #tpu.memory_space<hbm>>
      %dma_start3A_132 = arith.constant 0 : i32
      %dma_start3A_133 = tpu.memref_slice %arg10[%multiple_of3A, %dma_start3A_132] : memref<10112x64xf32, #tpu.memory_space<vmem_shared>> -> memref<632x64xf32, #tpu.memory_space<vmem_shared>>
      tpu.enqueue_dma source(%dma_start3A_133 : memref<632x64xf32, #tpu.memory_space<vmem_shared>>) target(%dma_start3A_131 : memref<632x64xf32, #tpu.memory_space<hbm>>) target_semaphore(%run_scoped3A : memref<!tpu.dma_semaphore, #tpu.memory_space<semaphore_mem>>)
      %dma_wait3A_134 = arith.constant 0 : i32
      %dma_wait3A_135 = tpu.memref_slice %arg6[%arg0, %multiple_of3A, %dma_wait3A_134] : memref<2x10112x64xf32, #tpu.memory_space<hbm>> -> memref<1x632x64xf32, #tpu.memory_space<hbm>>
      %dma_wait3A_136 = tpu.memref_squeeze %dma_wait3A_135 : memref<1x632x64xf32, #tpu.memory_space<hbm>> -> memref<632x64xf32, #tpu.memory_space<hbm>>
      %dma_wait3A_137 = arith.constant 0 : i32
      %dma_wait3A_138 = tpu.memref_slice %arg10[%multiple_of3A, %dma_wait3A_137] : memref<10112x64xf32, #tpu.memory_space<vmem_shared>> -> memref<632x64xf32, #tpu.memory_space<vmem_shared>>
      tpu.wait_dma2 semaphore(%run_scoped3A : memref<!tpu.dma_semaphore, #tpu.memory_space<semaphore_mem>>) src(%dma_wait3A_138 : memref<632x64xf32, #tpu.memory_space<vmem_shared>>) dst(%dma_wait3A_136 : memref<632x64xf32, #tpu.memory_space<hbm>>)
      tpu.yield
    }) : () -> ()
    return
  }
}

#map = affine_map<(d0, d1) -> (0, 0)>
#map1 = affine_map<(d0, d1) -> (0)>
module attributes {stable_mosaic.version = 14 : i64} {
  func.func @k(%arg0: i32, %arg1: i32, %arg2: memref<10000x64xf32, #tpu.memory_space<hbm>>, %arg3: memref<10240xi32, #tpu.memory_space<hbm>>, %arg4: memref<10240xi32, #tpu.memory_space<hbm>>, %arg5: memref<4x16xf32, #tpu.memory_space<hbm>>, %arg6: memref<10240xf32, #tpu.memory_space<hbm>>, %arg7: memref<10240xf32, #tpu.memory_space<hbm>>, %arg8: memref<320xi32, #tpu.memory_space<vmem>>, %arg9: memref<320xi32, #tpu.memory_space<vmem>>, %arg10: memref<2x16x64xf32, #tpu.memory_space<vmem>>, %arg11: memref<2x16x64xf32, #tpu.memory_space<vmem>>, %arg12: memref<4x16xf32, #tpu.memory_space<vmem>>, %arg13: memref<320xf32, #tpu.memory_space<vmem>>, %arg14: memref<320xf32, #tpu.memory_space<vmem>>, %arg15: memref<2x!tpu.dma_semaphore, #tpu.memory_space<semaphore_mem>>, %arg16: memref<2x!tpu.dma_semaphore, #tpu.memory_space<semaphore_mem>>) attributes {dimension_semantics = [#tpu.dimension_semantics<core_parallel>, #tpu.dimension_semantics<subcore_parallel>], iteration_bounds = array<i64: 2, 16>, scalar_prefetch = 0 : i64, scratch_operands = 9 : i64, tpu.core_type = #tpu.core_type<sc_vector_subcore>, window_params = [{transform_indices = #map}, {transform_indices = #map1}, {transform_indices = #map1}, {transform_indices = #map}, {transform_indices = #map1}, {transform_indices = #map1}]} {
    %mul3A = arith.constant 2 : i32
    %mul3A_0 = arith.muli %arg1, %mul3A : i32
    %add3A = arith.addi %mul3A_0, %arg0 : i32
    %mul3A_1 = arith.constant 320 : i32
    %mul3A_2 = arith.muli %add3A, %mul3A_1 : i32
    %multiple_of3A = tpu.assume_multiple %mul3A_2, 16 : i32
    "tpu.region"() ({
      %run_scoped3A = tpu.sem_alloc : memref<!tpu.dma_semaphore, #tpu.memory_space<semaphore_mem>>
      %dma_start3A_74 = tpu.memref_slice %arg3[%multiple_of3A] : memref<10240xi32, #tpu.memory_space<hbm>> -> memref<320xi32, #tpu.memory_space<hbm>>
      %dma_start3A_75 = tpu.memref_slice %arg3[%multiple_of3A] : memref<10240xi32, #tpu.memory_space<hbm>> -> memref<320xi32, #tpu.memory_space<hbm>>
      tpu.enqueue_dma source(%dma_start3A_75 : memref<320xi32, #tpu.memory_space<hbm>>) target(%arg8 : memref<320xi32, #tpu.memory_space<vmem>>) target_semaphore(%run_scoped3A : memref<!tpu.dma_semaphore, #tpu.memory_space<semaphore_mem>>)
      %dma_wait3A = tpu.memref_slice %arg3[%multiple_of3A] : memref<10240xi32, #tpu.memory_space<hbm>> -> memref<320xi32, #tpu.memory_space<hbm>>
      %dma_wait3A_76 = tpu.memref_slice %arg3[%multiple_of3A] : memref<10240xi32, #tpu.memory_space<hbm>> -> memref<320xi32, #tpu.memory_space<hbm>>
      tpu.wait_dma2 semaphore(%run_scoped3A : memref<!tpu.dma_semaphore, #tpu.memory_space<semaphore_mem>>) src(%dma_wait3A_76 : memref<320xi32, #tpu.memory_space<hbm>>) dst(%arg8 : memref<320xi32, #tpu.memory_space<vmem>>)
      tpu.yield
    }) : () -> ()
    "tpu.region"() ({
      %run_scoped3A = tpu.sem_alloc : memref<!tpu.dma_semaphore, #tpu.memory_space<semaphore_mem>>
      %dma_start3A_74 = tpu.memref_slice %arg4[%multiple_of3A] : memref<10240xi32, #tpu.memory_space<hbm>> -> memref<320xi32, #tpu.memory_space<hbm>>
      %dma_start3A_75 = tpu.memref_slice %arg4[%multiple_of3A] : memref<10240xi32, #tpu.memory_space<hbm>> -> memref<320xi32, #tpu.memory_space<hbm>>
      tpu.enqueue_dma source(%dma_start3A_75 : memref<320xi32, #tpu.memory_space<hbm>>) target(%arg9 : memref<320xi32, #tpu.memory_space<vmem>>) target_semaphore(%run_scoped3A : memref<!tpu.dma_semaphore, #tpu.memory_space<semaphore_mem>>)
      %dma_wait3A = tpu.memref_slice %arg4[%multiple_of3A] : memref<10240xi32, #tpu.memory_space<hbm>> -> memref<320xi32, #tpu.memory_space<hbm>>
      %dma_wait3A_76 = tpu.memref_slice %arg4[%multiple_of3A] : memref<10240xi32, #tpu.memory_space<hbm>> -> memref<320xi32, #tpu.memory_space<hbm>>
      tpu.wait_dma2 semaphore(%run_scoped3A : memref<!tpu.dma_semaphore, #tpu.memory_space<semaphore_mem>>) src(%dma_wait3A_76 : memref<320xi32, #tpu.memory_space<hbm>>) dst(%arg9 : memref<320xi32, #tpu.memory_space<vmem>>)
      tpu.yield
    }) : () -> ()
    "tpu.region"() ({
      %run_scoped3A = tpu.sem_alloc : memref<!tpu.dma_semaphore, #tpu.memory_space<semaphore_mem>>
      tpu.enqueue_dma source(%arg5 : memref<4x16xf32, #tpu.memory_space<hbm>>) target(%arg12 : memref<4x16xf32, #tpu.memory_space<vmem>>) target_semaphore(%run_scoped3A : memref<!tpu.dma_semaphore, #tpu.memory_space<semaphore_mem>>)
      tpu.wait_dma2 semaphore(%run_scoped3A : memref<!tpu.dma_semaphore, #tpu.memory_space<semaphore_mem>>) src(%arg5 : memref<4x16xf32, #tpu.memory_space<hbm>>) dst(%arg12 : memref<4x16xf32, #tpu.memory_space<vmem>>)
      tpu.yield
    }) : () -> ()
    %get3A = arith.constant 0 : i32
    %get3A_3 = arith.index_cast %get3A : i32 to index
    %get3A_4 = arith.constant 0 : index
    %get3A_5 = tpu.vector_load %arg12[%get3A_3, %get3A_4] {strides = array<i32>} : memref<4x16xf32, #tpu.memory_space<vmem>>, vector<16xf32>,
    %exp3A = math.exp %get3A_5 : vector<16xf32>
    %get3A_6 = arith.constant 1 : i32
    %get3A_7 = arith.index_cast %get3A_6 : i32 to index
    %get3A_8 = arith.constant 0 : index
    %get3A_9 = tpu.vector_load %arg12[%get3A_7, %get3A_8] {strides = array<i32>} : memref<4x16xf32, #tpu.memory_space<vmem>>, vector<16xf32>,
    %exp3A_10 = math.exp %get3A_9 : vector<16xf32>
    %get3A_11 = arith.constant 2 : i32
    %get3A_12 = arith.index_cast %get3A_11 : i32 to index
    %get3A_13 = arith.constant 0 : index
    %get3A_14 = tpu.vector_load %arg12[%get3A_12, %get3A_13] {strides = array<i32>} : memref<4x16xf32, #tpu.memory_space<vmem>>, vector<16xf32>,
    %get3A_15 = arith.constant 3 : i32
    %get3A_16 = arith.index_cast %get3A_15 : i32 to index
    %get3A_17 = arith.constant 0 : index
    %get3A_18 = tpu.vector_load %arg12[%get3A_16, %get3A_17] {strides = array<i32>} : memref<4x16xf32, #tpu.memory_space<vmem>>, vector<16xf32>,
    %iota3A = tpu.iota {dimensions = array<i32: 0>} : vector<16xi32>
    %multiple_of3A_19 = arith.constant 0 : i32
    %multiple_of3A_20 = tpu.assume_multiple %multiple_of3A_19, 16 : i32
    %dma_start3A = arith.constant 0 : i32
    %dma_start3A_21 = arith.constant 0 : i32
    %dma_start3A_22 = arith.constant 0 : i32
    %dma_start3A_23 = arith.constant 0 : i32
    %dma_start3A_24 = tpu.memref_slice %arg10[%dma_start3A, %dma_start3A_22, %dma_start3A_23] : memref<2x16x64xf32, #tpu.memory_space<vmem>> -> memref<1x16x64xf32, #tpu.memory_space<vmem>>
    %dma_start3A_25 = tpu.memref_squeeze %dma_start3A_24 : memref<1x16x64xf32, #tpu.memory_space<vmem>> -> memref<16x64xf32, #tpu.memory_space<vmem>>
    %dma_start3A_26 = tpu.memref_slice %arg8[%multiple_of3A_20] : memref<320xi32, #tpu.memory_space<vmem>> -> memref<16xi32, #tpu.memory_space<vmem>>
    %dma_start3A_27 = arith.constant 0 : i32
    %dma_start3A_28 = arith.constant 0 : i32
    %dma_start3A_29 = tpu.memref_slice %arg2[%dma_start3A_27, %dma_start3A_28] : memref<10000x64xf32, #tpu.memory_space<hbm>> -> memref<10000x64xf32, #tpu.memory_space<hbm>>
    %dma_start3A_30 = tpu.memref_slice %arg15[%dma_start3A_21] : memref<2x!tpu.dma_semaphore, #tpu.memory_space<semaphore_mem>> -> memref<1x!tpu.dma_semaphore, #tpu.memory_space<semaphore_mem>>
    %dma_start3A_31 = tpu.memref_squeeze %dma_start3A_30 : memref<1x!tpu.dma_semaphore, #tpu.memory_space<semaphore_mem>> -> memref<!tpu.dma_semaphore, #tpu.memory_space<semaphore_mem>>
    tpu.enqueue_indirect_dma source(%dma_start3A_29 : memref<10000x64xf32, #tpu.memory_space<hbm>>) target(%dma_start3A_25 : memref<16x64xf32, #tpu.memory_space<vmem>>) offsets(%dma_start3A_26 : memref<16xi32, #tpu.memory_space<vmem>>) semaphore(%dma_start3A_31 : memref<!tpu.dma_semaphore, #tpu.memory_space<semaphore_mem>>)
    %dma_start3A_32 = arith.constant 0 : i32
    %dma_start3A_33 = arith.constant 0 : i32
    %dma_start3A_34 = arith.constant 0 : i32
    %dma_start3A_35 = arith.constant 0 : i32
    %dma_start3A_36 = tpu.memref_slice %arg11[%dma_start3A_32, %dma_start3A_34, %dma_start3A_35] : memref<2x16x64xf32, #tpu.memory_space<vmem>> -> memref<1x16x64xf32, #tpu.memory_space<vmem>>
    %dma_start3A_37 = tpu.memref_squeeze %dma_start3A_36 : memref<1x16x64xf32, #tpu.memory_space<vmem>> -> memref<16x64xf32, #tpu.memory_space<vmem>>
    %dma_start3A_38 = tpu.memref_slice %arg9[%multiple_of3A_20] : memref<320xi32, #tpu.memory_space<vmem>> -> memref<16xi32, #tpu.memory_space<vmem>>
    %dma_start3A_39 = arith.constant 0 : i32
    %dma_start3A_40 = arith.constant 0 : i32
    %dma_start3A_41 = tpu.memref_slice %arg2[%dma_start3A_39, %dma_start3A_40] : memref<10000x64xf32, #tpu.memory_space<hbm>> -> memref<10000x64xf32, #tpu.memory_space<hbm>>
    %dma_start3A_42 = tpu.memref_slice %arg16[%dma_start3A_33] : memref<2x!tpu.dma_semaphore, #tpu.memory_space<semaphore_mem>> -> memref<1x!tpu.dma_semaphore, #tpu.memory_space<semaphore_mem>>
    %dma_start3A_43 = tpu.memref_squeeze %dma_start3A_42 : memref<1x!tpu.dma_semaphore, #tpu.memory_space<semaphore_mem>> -> memref<!tpu.dma_semaphore, #tpu.memory_space<semaphore_mem>>
    tpu.enqueue_indirect_dma source(%dma_start3A_41 : memref<10000x64xf32, #tpu.memory_space<hbm>>) target(%dma_start3A_37 : memref<16x64xf32, #tpu.memory_space<vmem>>) offsets(%dma_start3A_38 : memref<16xi32, #tpu.memory_space<vmem>>) semaphore(%dma_start3A_43 : memref<!tpu.dma_semaphore, #tpu.memory_space<semaphore_mem>>)
    %multiple_of3A_44 = arith.constant 16 : i32
    %multiple_of3A_45 = tpu.assume_multiple %multiple_of3A_44, 16 : i32
    %dma_start3A_46 = arith.constant 1 : i32
    %dma_start3A_47 = arith.constant 1 : i32
    %dma_start3A_48 = arith.constant 0 : i32
    %dma_start3A_49 = arith.constant 0 : i32
    %dma_start3A_50 = tpu.memref_slice %arg10[%dma_start3A_46, %dma_start3A_48, %dma_start3A_49] : memref<2x16x64xf32, #tpu.memory_space<vmem>> -> memref<1x16x64xf32, #tpu.memory_space<vmem>>
    %dma_start3A_51 = tpu.memref_squeeze %dma_start3A_50 : memref<1x16x64xf32, #tpu.memory_space<vmem>> -> memref<16x64xf32, #tpu.memory_space<vmem>>
    %dma_start3A_52 = tpu.memref_slice %arg8[%multiple_of3A_45] : memref<320xi32, #tpu.memory_space<vmem>> -> memref<16xi32, #tpu.memory_space<vmem>>
    %dma_start3A_53 = arith.constant 0 : i32
    %dma_start3A_54 = arith.constant 0 : i32
    %dma_start3A_55 = tpu.memref_slice %arg2[%dma_start3A_53, %dma_start3A_54] : memref<10000x64xf32, #tpu.memory_space<hbm>> -> memref<10000x64xf32, #tpu.memory_space<hbm>>
    %dma_start3A_56 = tpu.memref_slice %arg15[%dma_start3A_47] : memref<2x!tpu.dma_semaphore, #tpu.memory_space<semaphore_mem>> -> memref<1x!tpu.dma_semaphore, #tpu.memory_space<semaphore_mem>>
    %dma_start3A_57 = tpu.memref_squeeze %dma_start3A_56 : memref<1x!tpu.dma_semaphore, #tpu.memory_space<semaphore_mem>> -> memref<!tpu.dma_semaphore, #tpu.memory_space<semaphore_mem>>
    tpu.enqueue_indirect_dma source(%dma_start3A_55 : memref<10000x64xf32, #tpu.memory_space<hbm>>) target(%dma_start3A_51 : memref<16x64xf32, #tpu.memory_space<vmem>>) offsets(%dma_start3A_52 : memref<16xi32, #tpu.memory_space<vmem>>) semaphore(%dma_start3A_57 : memref<!tpu.dma_semaphore, #tpu.memory_space<semaphore_mem>>)
    %dma_start3A_58 = arith.constant 1 : i32
    %dma_start3A_59 = arith.constant 1 : i32
    %dma_start3A_60 = arith.constant 0 : i32
    %dma_start3A_61 = arith.constant 0 : i32
    %dma_start3A_62 = tpu.memref_slice %arg11[%dma_start3A_58, %dma_start3A_60, %dma_start3A_61] : memref<2x16x64xf32, #tpu.memory_space<vmem>> -> memref<1x16x64xf32, #tpu.memory_space<vmem>>
    %dma_start3A_63 = tpu.memref_squeeze %dma_start3A_62 : memref<1x16x64xf32, #tpu.memory_space<vmem>> -> memref<16x64xf32, #tpu.memory_space<vmem>>
    %dma_start3A_64 = tpu.memref_slice %arg9[%multiple_of3A_45] : memref<320xi32, #tpu.memory_space<vmem>> -> memref<16xi32, #tpu.memory_space<vmem>>
    %dma_start3A_65 = arith.constant 0 : i32
    %dma_start3A_66 = arith.constant 0 : i32
    %dma_start3A_67 = tpu.memref_slice %arg2[%dma_start3A_65, %dma_start3A_66] : memref<10000x64xf32, #tpu.memory_space<hbm>> -> memref<10000x64xf32, #tpu.memory_space<hbm>>
    %dma_start3A_68 = tpu.memref_slice %arg16[%dma_start3A_59] : memref<2x!tpu.dma_semaphore, #tpu.memory_space<semaphore_mem>> -> memref<1x!tpu.dma_semaphore, #tpu.memory_space<semaphore_mem>>
    %dma_start3A_69 = tpu.memref_squeeze %dma_start3A_68 : memref<1x!tpu.dma_semaphore, #tpu.memory_space<semaphore_mem>> -> memref<!tpu.dma_semaphore, #tpu.memory_space<semaphore_mem>>
    tpu.enqueue_indirect_dma source(%dma_start3A_67 : memref<10000x64xf32, #tpu.memory_space<hbm>>) target(%dma_start3A_63 : memref<16x64xf32, #tpu.memory_space<vmem>>) offsets(%dma_start3A_64 : memref<16xi32, #tpu.memory_space<vmem>>) semaphore(%dma_start3A_69 : memref<!tpu.dma_semaphore, #tpu.memory_space<semaphore_mem>>)
    %scan3A = arith.constant 0 : i32
    %scan3A_70 = arith.constant 10 : i32
    %scan3A_71 = arith.addi %scan3A, %scan3A_70 : i32
    %scan3A_72 = arith.constant 1 : i32
    scf.for %scan3A_74 = %scan3A to %scan3A_71 step %scan3A_72  : i32 {
      %mul3A_75 = arith.constant 2 : i32
      %mul3A_76 = arith.muli %scan3A_74, %mul3A_75 : i32
      %add3A_77 = arith.constant 0 : i32
      %add3A_78 = arith.addi %add3A_77, %mul3A_76 : i32
      %add3A_79 = arith.constant 0 : i32
      %add3A_80 = arith.addi %add3A_78, %add3A_79 : i32
      %dma_wait3A = arith.constant 0 : i32
      %dma_wait3A_81 = arith.constant 0 : i32
      %dma_wait3A_82 = arith.constant 0 : i32
      %dma_wait3A_83 = arith.constant 0 : i32
      %dma_wait3A_84 = tpu.memref_slice %arg10[%dma_wait3A, %dma_wait3A_82, %dma_wait3A_83] : memref<2x16x64xf32, #tpu.memory_space<vmem>> -> memref<1x16x64xf32, #tpu.memory_space<vmem>>
      %dma_wait3A_85 = tpu.memref_squeeze %dma_wait3A_84 : memref<1x16x64xf32, #tpu.memory_space<vmem>> -> memref<16x64xf32, #tpu.memory_space<vmem>>
      %dma_wait3A_86 = arith.constant 0 : i32
      %dma_wait3A_87 = tpu.memref_slice %arg8[%dma_wait3A_86] : memref<320xi32, #tpu.memory_space<vmem>> -> memref<16xi32, #tpu.memory_space<vmem>>
      %dma_wait3A_88 = arith.constant 0 : i32
      %dma_wait3A_89 = arith.constant 0 : i32
      %dma_wait3A_90 = tpu.memref_slice %arg2[%dma_wait3A_88, %dma_wait3A_89] : memref<10000x64xf32, #tpu.memory_space<hbm>> -> memref<10000x64xf32, #tpu.memory_space<hbm>>
      %dma_wait3A_91 = tpu.memref_slice %arg15[%dma_wait3A_81] : memref<2x!tpu.dma_semaphore, #tpu.memory_space<semaphore_mem>> -> memref<1x!tpu.dma_semaphore, #tpu.memory_space<semaphore_mem>>
      %dma_wait3A_92 = tpu.memref_squeeze %dma_wait3A_91 : memref<1x!tpu.dma_semaphore, #tpu.memory_space<semaphore_mem>> -> memref<!tpu.dma_semaphore, #tpu.memory_space<semaphore_mem>>
      tpu.wait_indirect_dma semaphore(%dma_wait3A_92 : memref<!tpu.dma_semaphore, #tpu.memory_space<semaphore_mem>>) src(%dma_wait3A_90 : memref<10000x64xf32, #tpu.memory_space<hbm>>) dst(%dma_wait3A_85 : memref<16x64xf32, #tpu.memory_space<vmem>>)
      %dma_wait3A_93 = arith.constant 0 : i32
      %dma_wait3A_94 = arith.constant 0 : i32
      %dma_wait3A_95 = arith.constant 0 : i32
      %dma_wait3A_96 = arith.constant 0 : i32
      %dma_wait3A_97 = tpu.memref_slice %arg11[%dma_wait3A_93, %dma_wait3A_95, %dma_wait3A_96] : memref<2x16x64xf32, #tpu.memory_space<vmem>> -> memref<1x16x64xf32, #tpu.memory_space<vmem>>
      %dma_wait3A_98 = tpu.memref_squeeze %dma_wait3A_97 : memref<1x16x64xf32, #tpu.memory_space<vmem>> -> memref<16x64xf32, #tpu.memory_space<vmem>>
      %dma_wait3A_99 = arith.constant 0 : i32
      %dma_wait3A_100 = tpu.memref_slice %arg9[%dma_wait3A_99] : memref<320xi32, #tpu.memory_space<vmem>> -> memref<16xi32, #tpu.memory_space<vmem>>
      %dma_wait3A_101 = arith.constant 0 : i32
      %dma_wait3A_102 = arith.constant 0 : i32
      %dma_wait3A_103 = tpu.memref_slice %arg2[%dma_wait3A_101, %dma_wait3A_102] : memref<10000x64xf32, #tpu.memory_space<hbm>> -> memref<10000x64xf32, #tpu.memory_space<hbm>>
      %dma_wait3A_104 = tpu.memref_slice %arg16[%dma_wait3A_94] : memref<2x!tpu.dma_semaphore, #tpu.memory_space<semaphore_mem>> -> memref<1x!tpu.dma_semaphore, #tpu.memory_space<semaphore_mem>>
      %dma_wait3A_105 = tpu.memref_squeeze %dma_wait3A_104 : memref<1x!tpu.dma_semaphore, #tpu.memory_space<semaphore_mem>> -> memref<!tpu.dma_semaphore, #tpu.memory_space<semaphore_mem>>
      tpu.wait_indirect_dma semaphore(%dma_wait3A_105 : memref<!tpu.dma_semaphore, #tpu.memory_space<semaphore_mem>>) src(%dma_wait3A_103 : memref<10000x64xf32, #tpu.memory_space<hbm>>) dst(%dma_wait3A_98 : memref<16x64xf32, #tpu.memory_space<vmem>>)
      %broadcast_in_dim3A = arith.constant 0.000000e+00 : f32
      %broadcast_in_dim3A_106 = vector.broadcast %broadcast_in_dim3A : f32 to vector<16xf32>
      %broadcast_in_dim3A_107 = arith.constant 0 : i32
      %broadcast_in_dim3A_108 = vector.broadcast %broadcast_in_dim3A_107 : i32 to vector<16xi32>
      %gather3A = arith.constant 0 : i32
      %gather3A_109 = arith.constant 0 : i32
      %gather3A_110 = arith.constant 0 : i32
      %gather3A_111 = tpu.memref_slice %arg10[%gather3A, %gather3A_109, %gather3A_110] : memref<2x16x64xf32, #tpu.memory_space<vmem>> -> memref<1x16x64xf32, #tpu.memory_space<vmem>>
      %gather3A_112 = tpu.memref_squeeze %gather3A_111 : memref<1x16x64xf32, #tpu.memory_space<vmem>> -> memref<16x64xf32, #tpu.memory_space<vmem>>
      %gather3A_113 = tpu.vector_load_idx %gather3A_112[%iota3A, %broadcast_in_dim3A_108] : memref<16x64xf32, #tpu.memory_space<vmem>>[vector<16xi32>, vector<16xi32>], vector<16xf32>,
      %gather3A_114 = arith.constant 0 : i32
      %gather3A_115 = arith.constant 0 : i32
      %gather3A_116 = arith.constant 0 : i32
      %gather3A_117 = tpu.memref_slice %arg11[%gather3A_114, %gather3A_115, %gather3A_116] : memref<2x16x64xf32, #tpu.memory_space<vmem>> -> memref<1x16x64xf32, #tpu.memory_space<vmem>>
      %gather3A_118 = tpu.memref_squeeze %gather3A_117 : memref<1x16x64xf32, #tpu.memory_space<vmem>> -> memref<16x64xf32, #tpu.memory_space<vmem>>
      %gather3A_119 = tpu.vector_load_idx %gather3A_118[%iota3A, %broadcast_in_dim3A_108] : memref<16x64xf32, #tpu.memory_space<vmem>>[vector<16xi32>, vector<16xi32>], vector<16xf32>,
      %sub3A = arith.subf %gather3A_113, %gather3A_119 : vector<16xf32>
      %mul3A_120 = arith.mulf %sub3A, %sub3A : vector<16xf32>
      %add3A_121 = arith.addf %broadcast_in_dim3A_106, %mul3A_120 : vector<16xf32>
      %broadcast_in_dim3A_122 = arith.constant 1 : i32
      %broadcast_in_dim3A_123 = vector.broadcast %broadcast_in_dim3A_122 : i32 to vector<16xi32>
      %gather3A_124 = arith.constant 0 : i32
      %gather3A_125 = arith.constant 0 : i32
      %gather3A_126 = arith.constant 0 : i32
      %gather3A_127 = tpu.memref_slice %arg10[%gather3A_124, %gather3A_125, %gather3A_126] : memref<2x16x64xf32, #tpu.memory_space<vmem>> -> memref<1x16x64xf32, #tpu.memory_space<vmem>>
      %gather3A_128 = tpu.memref_squeeze %gather3A_127 : memref<1x16x64xf32, #tpu.memory_space<vmem>> -> memref<16x64xf32, #tpu.memory_space<vmem>>
      %gather3A_129 = tpu.vector_load_idx %gather3A_128[%iota3A, %broadcast_in_dim3A_123] : memref<16x64xf32, #tpu.memory_space<vmem>>[vector<16xi32>, vector<16xi32>], vector<16xf32>,
      %gather3A_130 = arith.constant 0 : i32
      %gather3A_131 = arith.constant 0 : i32
      %gather3A_132 = arith.constant 0 : i32
      %gather3A_133 = tpu.memref_slice %arg11[%gather3A_130, %gather3A_131, %gather3A_132] : memref<2x16x64xf32, #tpu.memory_space<vmem>> -> memref<1x16x64xf32, #tpu.memory_space<vmem>>
      %gather3A_134 = tpu.memref_squeeze %gather3A_133 : memref<1x16x64xf32, #tpu.memory_space<vmem>> -> memref<16x64xf32, #tpu.memory_space<vmem>>
      %gather3A_135 = tpu.vector_load_idx %gather3A_134[%iota3A, %broadcast_in_dim3A_123] : memref<16x64xf32, #tpu.memory_space<vmem>>[vector<16xi32>, vector<16xi32>], vector<16xf32>,
      %sub3A_136 = arith.subf %gather3A_129, %gather3A_135 : vector<16xf32>
      %mul3A_137 = arith.mulf %sub3A_136, %sub3A_136 : vector<16xf32>
      %add3A_138 = arith.addf %add3A_121, %mul3A_137 : vector<16xf32>
      %broadcast_in_dim3A_139 = arith.constant 2 : i32
      %broadcast_in_dim3A_140 = vector.broadcast %broadcast_in_dim3A_139 : i32 to vector<16xi32>
      %gather3A_141 = arith.constant 0 : i32
      %gather3A_142 = arith.constant 0 : i32
      %gather3A_143 = arith.constant 0 : i32
      %gather3A_144 = tpu.memref_slice %arg10[%gather3A_141, %gather3A_142, %gather3A_143] : memref<2x16x64xf32, #tpu.memory_space<vmem>> -> memref<1x16x64xf32, #tpu.memory_space<vmem>>
      %gather3A_145 = tpu.memref_squeeze %gather3A_144 : memref<1x16x64xf32, #tpu.memory_space<vmem>> -> memref<16x64xf32, #tpu.memory_space<vmem>>
      %gather3A_146 = tpu.vector_load_idx %gather3A_145[%iota3A, %broadcast_in_dim3A_140] : memref<16x64xf32, #tpu.memory_space<vmem>>[vector<16xi32>, vector<16xi32>], vector<16xf32>,
      %gather3A_147 = arith.constant 0 : i32
      %gather3A_148 = arith.constant 0 : i32
      %gather3A_149 = arith.constant 0 : i32
      %gather3A_150 = tpu.memref_slice %arg11[%gather3A_147, %gather3A_148, %gather3A_149] : memref<2x16x64xf32, #tpu.memory_space<vmem>> -> memref<1x16x64xf32, #tpu.memory_space<vmem>>
      %gather3A_151 = tpu.memref_squeeze %gather3A_150 : memref<1x16x64xf32, #tpu.memory_space<vmem>> -> memref<16x64xf32, #tpu.memory_space<vmem>>
      %gather3A_152 = tpu.vector_load_idx %gather3A_151[%iota3A, %broadcast_in_dim3A_140] : memref<16x64xf32, #tpu.memory_space<vmem>>[vector<16xi32>, vector<16xi32>], vector<16xf32>,
      %sub3A_153 = arith.subf %gather3A_146, %gather3A_152 : vector<16xf32>
      %mul3A_154 = arith.mulf %sub3A_153, %sub3A_153 : vector<16xf32>
      %add3A_155 = arith.addf %add3A_138, %mul3A_154 : vector<16xf32>
      %broadcast_in_dim3A_156 = arith.constant 3 : i32
      %broadcast_in_dim3A_157 = vector.broadcast %broadcast_in_dim3A_156 : i32 to vector<16xi32>
      %gather3A_158 = arith.constant 0 : i32
      %gather3A_159 = arith.constant 0 : i32
      %gather3A_160 = arith.constant 0 : i32
      %gather3A_161 = tpu.memref_slice %arg10[%gather3A_158, %gather3A_159, %gather3A_160] : memref<2x16x64xf32, #tpu.memory_space<vmem>> -> memref<1x16x64xf32, #tpu.memory_space<vmem>>
      %gather3A_162 = tpu.memref_squeeze %gather3A_161 : memref<1x16x64xf32, #tpu.memory_space<vmem>> -> memref<16x64xf32, #tpu.memory_space<vmem>>
      %gather3A_163 = tpu.vector_load_idx %gather3A_162[%iota3A, %broadcast_in_dim3A_157] : memref<16x64xf32, #tpu.memory_space<vmem>>[vector<16xi32>, vector<16xi32>], vector<16xf32>,
      %gather3A_164 = arith.constant 0 : i32
      %gather3A_165 = arith.constant 0 : i32
      %gather3A_166 = arith.constant 0 : i32
      %gather3A_167 = tpu.memref_slice %arg11[%gather3A_164, %gather3A_165, %gather3A_166] : memref<2x16x64xf32, #tpu.memory_space<vmem>> -> memref<1x16x64xf32, #tpu.memory_space<vmem>>
      %gather3A_168 = tpu.memref_squeeze %gather3A_167 : memref<1x16x64xf32, #tpu.memory_space<vmem>> -> memref<16x64xf32, #tpu.memory_space<vmem>>
      %gather3A_169 = tpu.vector_load_idx %gather3A_168[%iota3A, %broadcast_in_dim3A_157] : memref<16x64xf32, #tpu.memory_space<vmem>>[vector<16xi32>, vector<16xi32>], vector<16xf32>,
      %sub3A_170 = arith.subf %gather3A_163, %gather3A_169 : vector<16xf32>
      %mul3A_171 = arith.mulf %sub3A_170, %sub3A_170 : vector<16xf32>
      %add3A_172 = arith.addf %add3A_155, %mul3A_171 : vector<16xf32>
      %broadcast_in_dim3A_173 = arith.constant 4 : i32
      %broadcast_in_dim3A_174 = vector.broadcast %broadcast_in_dim3A_173 : i32 to vector<16xi32>
      %gather3A_175 = arith.constant 0 : i32
      %gather3A_176 = arith.constant 0 : i32
      %gather3A_177 = arith.constant 0 : i32
      %gather3A_178 = tpu.memref_slice %arg10[%gather3A_175, %gather3A_176, %gather3A_177] : memref<2x16x64xf32, #tpu.memory_space<vmem>> -> memref<1x16x64xf32, #tpu.memory_space<vmem>>
      %gather3A_179 = tpu.memref_squeeze %gather3A_178 : memref<1x16x64xf32, #tpu.memory_space<vmem>> -> memref<16x64xf32, #tpu.memory_space<vmem>>
      %gather3A_180 = tpu.vector_load_idx %gather3A_179[%iota3A, %broadcast_in_dim3A_174] : memref<16x64xf32, #tpu.memory_space<vmem>>[vector<16xi32>, vector<16xi32>], vector<16xf32>,
      %gather3A_181 = arith.constant 0 : i32
      %gather3A_182 = arith.constant 0 : i32
      %gather3A_183 = arith.constant 0 : i32
      %gather3A_184 = tpu.memref_slice %arg11[%gather3A_181, %gather3A_182, %gather3A_183] : memref<2x16x64xf32, #tpu.memory_space<vmem>> -> memref<1x16x64xf32, #tpu.memory_space<vmem>>
      %gather3A_185 = tpu.memref_squeeze %gather3A_184 : memref<1x16x64xf32, #tpu.memory_space<vmem>> -> memref<16x64xf32, #tpu.memory_space<vmem>>
      %gather3A_186 = tpu.vector_load_idx %gather3A_185[%iota3A, %broadcast_in_dim3A_174] : memref<16x64xf32, #tpu.memory_space<vmem>>[vector<16xi32>, vector<16xi32>], vector<16xf32>,
      %sub3A_187 = arith.subf %gather3A_180, %gather3A_186 : vector<16xf32>
      %mul3A_188 = arith.mulf %sub3A_187, %sub3A_187 : vector<16xf32>
      %add3A_189 = arith.addf %add3A_172, %mul3A_188 : vector<16xf32>
      %broadcast_in_dim3A_190 = arith.constant 5 : i32
      %broadcast_in_dim3A_191 = vector.broadcast %broadcast_in_dim3A_190 : i32 to vector<16xi32>
      %gather3A_192 = arith.constant 0 : i32
      %gather3A_193 = arith.constant 0 : i32
      %gather3A_194 = arith.constant 0 : i32
      %gather3A_195 = tpu.memref_slice %arg10[%gather3A_192, %gather3A_193, %gather3A_194] : memref<2x16x64xf32, #tpu.memory_space<vmem>> -> memref<1x16x64xf32, #tpu.memory_space<vmem>>
      %gather3A_196 = tpu.memref_squeeze %gather3A_195 : memref<1x16x64xf32, #tpu.memory_space<vmem>> -> memref<16x64xf32, #tpu.memory_space<vmem>>
      %gather3A_197 = tpu.vector_load_idx %gather3A_196[%iota3A, %broadcast_in_dim3A_191] : memref<16x64xf32, #tpu.memory_space<vmem>>[vector<16xi32>, vector<16xi32>], vector<16xf32>,
      %gather3A_198 = arith.constant 0 : i32
      %gather3A_199 = arith.constant 0 : i32
      %gather3A_200 = arith.constant 0 : i32
      %gather3A_201 = tpu.memref_slice %arg11[%gather3A_198, %gather3A_199, %gather3A_200] : memref<2x16x64xf32, #tpu.memory_space<vmem>> -> memref<1x16x64xf32, #tpu.memory_space<vmem>>
      %gather3A_202 = tpu.memref_squeeze %gather3A_201 : memref<1x16x64xf32, #tpu.memory_space<vmem>> -> memref<16x64xf32, #tpu.memory_space<vmem>>
      %gather3A_203 = tpu.vector_load_idx %gather3A_202[%iota3A, %broadcast_in_dim3A_191] : memref<16x64xf32, #tpu.memory_space<vmem>>[vector<16xi32>, vector<16xi32>], vector<16xf32>,
      %sub3A_204 = arith.subf %gather3A_197, %gather3A_203 : vector<16xf32>
      %mul3A_205 = arith.mulf %sub3A_204, %sub3A_204 : vector<16xf32>
      %add3A_206 = arith.addf %add3A_189, %mul3A_205 : vector<16xf32>
      %broadcast_in_dim3A_207 = arith.constant 6 : i32
      %broadcast_in_dim3A_208 = vector.broadcast %broadcast_in_dim3A_207 : i32 to vector<16xi32>
      %gather3A_209 = arith.constant 0 : i32
      %gather3A_210 = arith.constant 0 : i32
      %gather3A_211 = arith.constant 0 : i32
      %gather3A_212 = tpu.memref_slice %arg10[%gather3A_209, %gather3A_210, %gather3A_211] : memref<2x16x64xf32, #tpu.memory_space<vmem>> -> memref<1x16x64xf32, #tpu.memory_space<vmem>>
      %gather3A_213 = tpu.memref_squeeze %gather3A_212 : memref<1x16x64xf32, #tpu.memory_space<vmem>> -> memref<16x64xf32, #tpu.memory_space<vmem>>
      %gather3A_214 = tpu.vector_load_idx %gather3A_213[%iota3A, %broadcast_in_dim3A_208] : memref<16x64xf32, #tpu.memory_space<vmem>>[vector<16xi32>, vector<16xi32>], vector<16xf32>,
      %gather3A_215 = arith.constant 0 : i32
      %gather3A_216 = arith.constant 0 : i32
      %gather3A_217 = arith.constant 0 : i32
      %gather3A_218 = tpu.memref_slice %arg11[%gather3A_215, %gather3A_216, %gather3A_217] : memref<2x16x64xf32, #tpu.memory_space<vmem>> -> memref<1x16x64xf32, #tpu.memory_space<vmem>>
      %gather3A_219 = tpu.memref_squeeze %gather3A_218 : memref<1x16x64xf32, #tpu.memory_space<vmem>> -> memref<16x64xf32, #tpu.memory_space<vmem>>
      %gather3A_220 = tpu.vector_load_idx %gather3A_219[%iota3A, %broadcast_in_dim3A_208] : memref<16x64xf32, #tpu.memory_space<vmem>>[vector<16xi32>, vector<16xi32>], vector<16xf32>,
      %sub3A_221 = arith.subf %gather3A_214, %gather3A_220 : vector<16xf32>
      %mul3A_222 = arith.mulf %sub3A_221, %sub3A_221 : vector<16xf32>
      %add3A_223 = arith.addf %add3A_206, %mul3A_222 : vector<16xf32>
      %broadcast_in_dim3A_224 = arith.constant 7 : i32
      %broadcast_in_dim3A_225 = vector.broadcast %broadcast_in_dim3A_224 : i32 to vector<16xi32>
      %gather3A_226 = arith.constant 0 : i32
      %gather3A_227 = arith.constant 0 : i32
      %gather3A_228 = arith.constant 0 : i32
      %gather3A_229 = tpu.memref_slice %arg10[%gather3A_226, %gather3A_227, %gather3A_228] : memref<2x16x64xf32, #tpu.memory_space<vmem>> -> memref<1x16x64xf32, #tpu.memory_space<vmem>>
      %gather3A_230 = tpu.memref_squeeze %gather3A_229 : memref<1x16x64xf32, #tpu.memory_space<vmem>> -> memref<16x64xf32, #tpu.memory_space<vmem>>
      %gather3A_231 = tpu.vector_load_idx %gather3A_230[%iota3A, %broadcast_in_dim3A_225] : memref<16x64xf32, #tpu.memory_space<vmem>>[vector<16xi32>, vector<16xi32>], vector<16xf32>,
      %gather3A_232 = arith.constant 0 : i32
      %gather3A_233 = arith.constant 0 : i32
      %gather3A_234 = arith.constant 0 : i32
      %gather3A_235 = tpu.memref_slice %arg11[%gather3A_232, %gather3A_233, %gather3A_234] : memref<2x16x64xf32, #tpu.memory_space<vmem>> -> memref<1x16x64xf32, #tpu.memory_space<vmem>>
      %gather3A_236 = tpu.memref_squeeze %gather3A_235 : memref<1x16x64xf32, #tpu.memory_space<vmem>> -> memref<16x64xf32, #tpu.memory_space<vmem>>
      %gather3A_237 = tpu.vector_load_idx %gather3A_236[%iota3A, %broadcast_in_dim3A_225] : memref<16x64xf32, #tpu.memory_space<vmem>>[vector<16xi32>, vector<16xi32>], vector<16xf32>,
      %sub3A_238 = arith.subf %gather3A_231, %gather3A_237 : vector<16xf32>
      %mul3A_239 = arith.mulf %sub3A_238, %sub3A_238 : vector<16xf32>
      %add3A_240 = arith.addf %add3A_223, %mul3A_239 : vector<16xf32>
      %broadcast_in_dim3A_241 = arith.constant 8 : i32
      %broadcast_in_dim3A_242 = vector.broadcast %broadcast_in_dim3A_241 : i32 to vector<16xi32>
      %gather3A_243 = arith.constant 0 : i32
      %gather3A_244 = arith.constant 0 : i32
      %gather3A_245 = arith.constant 0 : i32
      %gather3A_246 = tpu.memref_slice %arg10[%gather3A_243, %gather3A_244, %gather3A_245] : memref<2x16x64xf32, #tpu.memory_space<vmem>> -> memref<1x16x64xf32, #tpu.memory_space<vmem>>
      %gather3A_247 = tpu.memref_squeeze %gather3A_246 : memref<1x16x64xf32, #tpu.memory_space<vmem>> -> memref<16x64xf32, #tpu.memory_space<vmem>>
      %gather3A_248 = tpu.vector_load_idx %gather3A_247[%iota3A, %broadcast_in_dim3A_242] : memref<16x64xf32, #tpu.memory_space<vmem>>[vector<16xi32>, vector<16xi32>], vector<16xf32>,
      %gather3A_249 = arith.constant 0 : i32
      %gather3A_250 = arith.constant 0 : i32
      %gather3A_251 = arith.constant 0 : i32
      %gather3A_252 = tpu.memref_slice %arg11[%gather3A_249, %gather3A_250, %gather3A_251] : memref<2x16x64xf32, #tpu.memory_space<vmem>> -> memref<1x16x64xf32, #tpu.memory_space<vmem>>
      %gather3A_253 = tpu.memref_squeeze %gather3A_252 : memref<1x16x64xf32, #tpu.memory_space<vmem>> -> memref<16x64xf32, #tpu.memory_space<vmem>>
      %gather3A_254 = tpu.vector_load_idx %gather3A_253[%iota3A, %broadcast_in_dim3A_242] : memref<16x64xf32, #tpu.memory_space<vmem>>[vector<16xi32>, vector<16xi32>], vector<16xf32>,
      %sub3A_255 = arith.subf %gather3A_248, %gather3A_254 : vector<16xf32>
      %mul3A_256 = arith.mulf %sub3A_255, %sub3A_255 : vector<16xf32>
      %add3A_257 = arith.addf %add3A_240, %mul3A_256 : vector<16xf32>
      %broadcast_in_dim3A_258 = arith.constant 9 : i32
      %broadcast_in_dim3A_259 = vector.broadcast %broadcast_in_dim3A_258 : i32 to vector<16xi32>
      %gather3A_260 = arith.constant 0 : i32
      %gather3A_261 = arith.constant 0 : i32
      %gather3A_262 = arith.constant 0 : i32
      %gather3A_263 = tpu.memref_slice %arg10[%gather3A_260, %gather3A_261, %gather3A_262] : memref<2x16x64xf32, #tpu.memory_space<vmem>> -> memref<1x16x64xf32, #tpu.memory_space<vmem>>
      %gather3A_264 = tpu.memref_squeeze %gather3A_263 : memref<1x16x64xf32, #tpu.memory_space<vmem>> -> memref<16x64xf32, #tpu.memory_space<vmem>>
      %gather3A_265 = tpu.vector_load_idx %gather3A_264[%iota3A, %broadcast_in_dim3A_259] : memref<16x64xf32, #tpu.memory_space<vmem>>[vector<16xi32>, vector<16xi32>], vector<16xf32>,
      %gather3A_266 = arith.constant 0 : i32
      %gather3A_267 = arith.constant 0 : i32
      %gather3A_268 = arith.constant 0 : i32
      %gather3A_269 = tpu.memref_slice %arg11[%gather3A_266, %gather3A_267, %gather3A_268] : memref<2x16x64xf32, #tpu.memory_space<vmem>> -> memref<1x16x64xf32, #tpu.memory_space<vmem>>
      %gather3A_270 = tpu.memref_squeeze %gather3A_269 : memref<1x16x64xf32, #tpu.memory_space<vmem>> -> memref<16x64xf32, #tpu.memory_space<vmem>>
      %gather3A_271 = tpu.vector_load_idx %gather3A_270[%iota3A, %broadcast_in_dim3A_259] : memref<16x64xf32, #tpu.memory_space<vmem>>[vector<16xi32>, vector<16xi32>], vector<16xf32>,
      %sub3A_272 = arith.subf %gather3A_265, %gather3A_271 : vector<16xf32>
      %mul3A_273 = arith.mulf %sub3A_272, %sub3A_272 : vector<16xf32>
      %add3A_274 = arith.addf %add3A_257, %mul3A_273 : vector<16xf32>
      %broadcast_in_dim3A_275 = arith.constant 10 : i32
      %broadcast_in_dim3A_276 = vector.broadcast %broadcast_in_dim3A_275 : i32 to vector<16xi32>
      %gather3A_277 = arith.constant 0 : i32
      %gather3A_278 = arith.constant 0 : i32
      %gather3A_279 = arith.constant 0 : i32
      %gather3A_280 = tpu.memref_slice %arg10[%gather3A_277, %gather3A_278, %gather3A_279] : memref<2x16x64xf32, #tpu.memory_space<vmem>> -> memref<1x16x64xf32, #tpu.memory_space<vmem>>
      %gather3A_281 = tpu.memref_squeeze %gather3A_280 : memref<1x16x64xf32, #tpu.memory_space<vmem>> -> memref<16x64xf32, #tpu.memory_space<vmem>>
      %gather3A_282 = tpu.vector_load_idx %gather3A_281[%iota3A, %broadcast_in_dim3A_276] : memref<16x64xf32, #tpu.memory_space<vmem>>[vector<16xi32>, vector<16xi32>], vector<16xf32>,
      %gather3A_283 = arith.constant 0 : i32
      %gather3A_284 = arith.constant 0 : i32
      %gather3A_285 = arith.constant 0 : i32
      %gather3A_286 = tpu.memref_slice %arg11[%gather3A_283, %gather3A_284, %gather3A_285] : memref<2x16x64xf32, #tpu.memory_space<vmem>> -> memref<1x16x64xf32, #tpu.memory_space<vmem>>
      %gather3A_287 = tpu.memref_squeeze %gather3A_286 : memref<1x16x64xf32, #tpu.memory_space<vmem>> -> memref<16x64xf32, #tpu.memory_space<vmem>>
      %gather3A_288 = tpu.vector_load_idx %gather3A_287[%iota3A, %broadcast_in_dim3A_276] : memref<16x64xf32, #tpu.memory_space<vmem>>[vector<16xi32>, vector<16xi32>], vector<16xf32>,
      %sub3A_289 = arith.subf %gather3A_282, %gather3A_288 : vector<16xf32>
      %mul3A_290 = arith.mulf %sub3A_289, %sub3A_289 : vector<16xf32>
      %add3A_291 = arith.addf %add3A_274, %mul3A_290 : vector<16xf32>
      %broadcast_in_dim3A_292 = arith.constant 11 : i32
      %broadcast_in_dim3A_293 = vector.broadcast %broadcast_in_dim3A_292 : i32 to vector<16xi32>
      %gather3A_294 = arith.constant 0 : i32
      %gather3A_295 = arith.constant 0 : i32
      %gather3A_296 = arith.constant 0 : i32
      %gather3A_297 = tpu.memref_slice %arg10[%gather3A_294, %gather3A_295, %gather3A_296] : memref<2x16x64xf32, #tpu.memory_space<vmem>> -> memref<1x16x64xf32, #tpu.memory_space<vmem>>
      %gather3A_298 = tpu.memref_squeeze %gather3A_297 : memref<1x16x64xf32, #tpu.memory_space<vmem>> -> memref<16x64xf32, #tpu.memory_space<vmem>>
      %gather3A_299 = tpu.vector_load_idx %gather3A_298[%iota3A, %broadcast_in_dim3A_293] : memref<16x64xf32, #tpu.memory_space<vmem>>[vector<16xi32>, vector<16xi32>], vector<16xf32>,
      %gather3A_300 = arith.constant 0 : i32
      %gather3A_301 = arith.constant 0 : i32
      %gather3A_302 = arith.constant 0 : i32
      %gather3A_303 = tpu.memref_slice %arg11[%gather3A_300, %gather3A_301, %gather3A_302] : memref<2x16x64xf32, #tpu.memory_space<vmem>> -> memref<1x16x64xf32, #tpu.memory_space<vmem>>
      %gather3A_304 = tpu.memref_squeeze %gather3A_303 : memref<1x16x64xf32, #tpu.memory_space<vmem>> -> memref<16x64xf32, #tpu.memory_space<vmem>>
      %gather3A_305 = tpu.vector_load_idx %gather3A_304[%iota3A, %broadcast_in_dim3A_293] : memref<16x64xf32, #tpu.memory_space<vmem>>[vector<16xi32>, vector<16xi32>], vector<16xf32>,
      %sub3A_306 = arith.subf %gather3A_299, %gather3A_305 : vector<16xf32>
      %mul3A_307 = arith.mulf %sub3A_306, %sub3A_306 : vector<16xf32>
      %add3A_308 = arith.addf %add3A_291, %mul3A_307 : vector<16xf32>
      %broadcast_in_dim3A_309 = arith.constant 12 : i32
      %broadcast_in_dim3A_310 = vector.broadcast %broadcast_in_dim3A_309 : i32 to vector<16xi32>
      %gather3A_311 = arith.constant 0 : i32
      %gather3A_312 = arith.constant 0 : i32
      %gather3A_313 = arith.constant 0 : i32
      %gather3A_314 = tpu.memref_slice %arg10[%gather3A_311, %gather3A_312, %gather3A_313] : memref<2x16x64xf32, #tpu.memory_space<vmem>> -> memref<1x16x64xf32, #tpu.memory_space<vmem>>
      %gather3A_315 = tpu.memref_squeeze %gather3A_314 : memref<1x16x64xf32, #tpu.memory_space<vmem>> -> memref<16x64xf32, #tpu.memory_space<vmem>>
      %gather3A_316 = tpu.vector_load_idx %gather3A_315[%iota3A, %broadcast_in_dim3A_310] : memref<16x64xf32, #tpu.memory_space<vmem>>[vector<16xi32>, vector<16xi32>], vector<16xf32>,
      %gather3A_317 = arith.constant 0 : i32
      %gather3A_318 = arith.constant 0 : i32
      %gather3A_319 = arith.constant 0 : i32
      %gather3A_320 = tpu.memref_slice %arg11[%gather3A_317, %gather3A_318, %gather3A_319] : memref<2x16x64xf32, #tpu.memory_space<vmem>> -> memref<1x16x64xf32, #tpu.memory_space<vmem>>
      %gather3A_321 = tpu.memref_squeeze %gather3A_320 : memref<1x16x64xf32, #tpu.memory_space<vmem>> -> memref<16x64xf32, #tpu.memory_space<vmem>>
      %gather3A_322 = tpu.vector_load_idx %gather3A_321[%iota3A, %broadcast_in_dim3A_310] : memref<16x64xf32, #tpu.memory_space<vmem>>[vector<16xi32>, vector<16xi32>], vector<16xf32>,
      %sub3A_323 = arith.subf %gather3A_316, %gather3A_322 : vector<16xf32>
      %mul3A_324 = arith.mulf %sub3A_323, %sub3A_323 : vector<16xf32>
      %add3A_325 = arith.addf %add3A_308, %mul3A_324 : vector<16xf32>
      %broadcast_in_dim3A_326 = arith.constant 13 : i32
      %broadcast_in_dim3A_327 = vector.broadcast %broadcast_in_dim3A_326 : i32 to vector<16xi32>
      %gather3A_328 = arith.constant 0 : i32
      %gather3A_329 = arith.constant 0 : i32
      %gather3A_330 = arith.constant 0 : i32
      %gather3A_331 = tpu.memref_slice %arg10[%gather3A_328, %gather3A_329, %gather3A_330] : memref<2x16x64xf32, #tpu.memory_space<vmem>> -> memref<1x16x64xf32, #tpu.memory_space<vmem>>
      %gather3A_332 = tpu.memref_squeeze %gather3A_331 : memref<1x16x64xf32, #tpu.memory_space<vmem>> -> memref<16x64xf32, #tpu.memory_space<vmem>>
      %gather3A_333 = tpu.vector_load_idx %gather3A_332[%iota3A, %broadcast_in_dim3A_327] : memref<16x64xf32, #tpu.memory_space<vmem>>[vector<16xi32>, vector<16xi32>], vector<16xf32>,
      %gather3A_334 = arith.constant 0 : i32
      %gather3A_335 = arith.constant 0 : i32
      %gather3A_336 = arith.constant 0 : i32
      %gather3A_337 = tpu.memref_slice %arg11[%gather3A_334, %gather3A_335, %gather3A_336] : memref<2x16x64xf32, #tpu.memory_space<vmem>> -> memref<1x16x64xf32, #tpu.memory_space<vmem>>
      %gather3A_338 = tpu.memref_squeeze %gather3A_337 : memref<1x16x64xf32, #tpu.memory_space<vmem>> -> memref<16x64xf32, #tpu.memory_space<vmem>>
      %gather3A_339 = tpu.vector_load_idx %gather3A_338[%iota3A, %broadcast_in_dim3A_327] : memref<16x64xf32, #tpu.memory_space<vmem>>[vector<16xi32>, vector<16xi32>], vector<16xf32>,
      %sub3A_340 = arith.subf %gather3A_333, %gather3A_339 : vector<16xf32>
      %mul3A_341 = arith.mulf %sub3A_340, %sub3A_340 : vector<16xf32>
      %add3A_342 = arith.addf %add3A_325, %mul3A_341 : vector<16xf32>
      %broadcast_in_dim3A_343 = arith.constant 14 : i32
      %broadcast_in_dim3A_344 = vector.broadcast %broadcast_in_dim3A_343 : i32 to vector<16xi32>
      %gather3A_345 = arith.constant 0 : i32
      %gather3A_346 = arith.constant 0 : i32
      %gather3A_347 = arith.constant 0 : i32
      %gather3A_348 = tpu.memref_slice %arg10[%gather3A_345, %gather3A_346, %gather3A_347] : memref<2x16x64xf32, #tpu.memory_space<vmem>> -> memref<1x16x64xf32, #tpu.memory_space<vmem>>
      %gather3A_349 = tpu.memref_squeeze %gather3A_348 : memref<1x16x64xf32, #tpu.memory_space<vmem>> -> memref<16x64xf32, #tpu.memory_space<vmem>>
      %gather3A_350 = tpu.vector_load_idx %gather3A_349[%iota3A, %broadcast_in_dim3A_344] : memref<16x64xf32, #tpu.memory_space<vmem>>[vector<16xi32>, vector<16xi32>], vector<16xf32>,
      %gather3A_351 = arith.constant 0 : i32
      %gather3A_352 = arith.constant 0 : i32
      %gather3A_353 = arith.constant 0 : i32
      %gather3A_354 = tpu.memref_slice %arg11[%gather3A_351, %gather3A_352, %gather3A_353] : memref<2x16x64xf32, #tpu.memory_space<vmem>> -> memref<1x16x64xf32, #tpu.memory_space<vmem>>
      %gather3A_355 = tpu.memref_squeeze %gather3A_354 : memref<1x16x64xf32, #tpu.memory_space<vmem>> -> memref<16x64xf32, #tpu.memory_space<vmem>>
      %gather3A_356 = tpu.vector_load_idx %gather3A_355[%iota3A, %broadcast_in_dim3A_344] : memref<16x64xf32, #tpu.memory_space<vmem>>[vector<16xi32>, vector<16xi32>], vector<16xf32>,
      %sub3A_357 = arith.subf %gather3A_350, %gather3A_356 : vector<16xf32>
      %mul3A_358 = arith.mulf %sub3A_357, %sub3A_357 : vector<16xf32>
      %add3A_359 = arith.addf %add3A_342, %mul3A_358 : vector<16xf32>
      %broadcast_in_dim3A_360 = arith.constant 15 : i32
      %broadcast_in_dim3A_361 = vector.broadcast %broadcast_in_dim3A_360 : i32 to vector<16xi32>
      %gather3A_362 = arith.constant 0 : i32
      %gather3A_363 = arith.constant 0 : i32
      %gather3A_364 = arith.constant 0 : i32
      %gather3A_365 = tpu.memref_slice %arg10[%gather3A_362, %gather3A_363, %gather3A_364] : memref<2x16x64xf32, #tpu.memory_space<vmem>> -> memref<1x16x64xf32, #tpu.memory_space<vmem>>
      %gather3A_366 = tpu.memref_squeeze %gather3A_365 : memref<1x16x64xf32, #tpu.memory_space<vmem>> -> memref<16x64xf32, #tpu.memory_space<vmem>>
      %gather3A_367 = tpu.vector_load_idx %gather3A_366[%iota3A, %broadcast_in_dim3A_361] : memref<16x64xf32, #tpu.memory_space<vmem>>[vector<16xi32>, vector<16xi32>], vector<16xf32>,
      %gather3A_368 = arith.constant 0 : i32
      %gather3A_369 = arith.constant 0 : i32
      %gather3A_370 = arith.constant 0 : i32
      %gather3A_371 = tpu.memref_slice %arg11[%gather3A_368, %gather3A_369, %gather3A_370] : memref<2x16x64xf32, #tpu.memory_space<vmem>> -> memref<1x16x64xf32, #tpu.memory_space<vmem>>
      %gather3A_372 = tpu.memref_squeeze %gather3A_371 : memref<1x16x64xf32, #tpu.memory_space<vmem>> -> memref<16x64xf32, #tpu.memory_space<vmem>>
      %gather3A_373 = tpu.vector_load_idx %gather3A_372[%iota3A, %broadcast_in_dim3A_361] : memref<16x64xf32, #tpu.memory_space<vmem>>[vector<16xi32>, vector<16xi32>], vector<16xf32>,
      %sub3A_374 = arith.subf %gather3A_367, %gather3A_373 : vector<16xf32>
      %mul3A_375 = arith.mulf %sub3A_374, %sub3A_374 : vector<16xf32>
      %add3A_376 = arith.addf %add3A_359, %mul3A_375 : vector<16xf32>
      %broadcast_in_dim3A_377 = arith.constant 16 : i32
      %broadcast_in_dim3A_378 = vector.broadcast %broadcast_in_dim3A_377 : i32 to vector<16xi32>
      %gather3A_379 = arith.constant 0 : i32
      %gather3A_380 = arith.constant 0 : i32
      %gather3A_381 = arith.constant 0 : i32
      %gather3A_382 = tpu.memref_slice %arg10[%gather3A_379, %gather3A_380, %gather3A_381] : memref<2x16x64xf32, #tpu.memory_space<vmem>> -> memref<1x16x64xf32, #tpu.memory_space<vmem>>
      %gather3A_383 = tpu.memref_squeeze %gather3A_382 : memref<1x16x64xf32, #tpu.memory_space<vmem>> -> memref<16x64xf32, #tpu.memory_space<vmem>>
      %gather3A_384 = tpu.vector_load_idx %gather3A_383[%iota3A, %broadcast_in_dim3A_378] : memref<16x64xf32, #tpu.memory_space<vmem>>[vector<16xi32>, vector<16xi32>], vector<16xf32>,
      %gather3A_385 = arith.constant 0 : i32
      %gather3A_386 = arith.constant 0 : i32
      %gather3A_387 = arith.constant 0 : i32
      %gather3A_388 = tpu.memref_slice %arg11[%gather3A_385, %gather3A_386, %gather3A_387] : memref<2x16x64xf32, #tpu.memory_space<vmem>> -> memref<1x16x64xf32, #tpu.memory_space<vmem>>
      %gather3A_389 = tpu.memref_squeeze %gather3A_388 : memref<1x16x64xf32, #tpu.memory_space<vmem>> -> memref<16x64xf32, #tpu.memory_space<vmem>>
      %gather3A_390 = tpu.vector_load_idx %gather3A_389[%iota3A, %broadcast_in_dim3A_378] : memref<16x64xf32, #tpu.memory_space<vmem>>[vector<16xi32>, vector<16xi32>], vector<16xf32>,
      %sub3A_391 = arith.subf %gather3A_384, %gather3A_390 : vector<16xf32>
      %mul3A_392 = arith.mulf %sub3A_391, %sub3A_391 : vector<16xf32>
      %add3A_393 = arith.addf %add3A_376, %mul3A_392 : vector<16xf32>
      %broadcast_in_dim3A_394 = arith.constant 17 : i32
      %broadcast_in_dim3A_395 = vector.broadcast %broadcast_in_dim3A_394 : i32 to vector<16xi32>
      %gather3A_396 = arith.constant 0 : i32
      %gather3A_397 = arith.constant 0 : i32
      %gather3A_398 = arith.constant 0 : i32
      %gather3A_399 = tpu.memref_slice %arg10[%gather3A_396, %gather3A_397, %gather3A_398] : memref<2x16x64xf32, #tpu.memory_space<vmem>> -> memref<1x16x64xf32, #tpu.memory_space<vmem>>
      %gather3A_400 = tpu.memref_squeeze %gather3A_399 : memref<1x16x64xf32, #tpu.memory_space<vmem>> -> memref<16x64xf32, #tpu.memory_space<vmem>>
      %gather3A_401 = tpu.vector_load_idx %gather3A_400[%iota3A, %broadcast_in_dim3A_395] : memref<16x64xf32, #tpu.memory_space<vmem>>[vector<16xi32>, vector<16xi32>], vector<16xf32>,
      %gather3A_402 = arith.constant 0 : i32
      %gather3A_403 = arith.constant 0 : i32
      %gather3A_404 = arith.constant 0 : i32
      %gather3A_405 = tpu.memref_slice %arg11[%gather3A_402, %gather3A_403, %gather3A_404] : memref<2x16x64xf32, #tpu.memory_space<vmem>> -> memref<1x16x64xf32, #tpu.memory_space<vmem>>
      %gather3A_406 = tpu.memref_squeeze %gather3A_405 : memref<1x16x64xf32, #tpu.memory_space<vmem>> -> memref<16x64xf32, #tpu.memory_space<vmem>>
      %gather3A_407 = tpu.vector_load_idx %gather3A_406[%iota3A, %broadcast_in_dim3A_395] : memref<16x64xf32, #tpu.memory_space<vmem>>[vector<16xi32>, vector<16xi32>], vector<16xf32>,
      %sub3A_408 = arith.subf %gather3A_401, %gather3A_407 : vector<16xf32>
      %mul3A_409 = arith.mulf %sub3A_408, %sub3A_408 : vector<16xf32>
      %add3A_410 = arith.addf %add3A_393, %mul3A_409 : vector<16xf32>
      %broadcast_in_dim3A_411 = arith.constant 18 : i32
      %broadcast_in_dim3A_412 = vector.broadcast %broadcast_in_dim3A_411 : i32 to vector<16xi32>
      %gather3A_413 = arith.constant 0 : i32
      %gather3A_414 = arith.constant 0 : i32
      %gather3A_415 = arith.constant 0 : i32
      %gather3A_416 = tpu.memref_slice %arg10[%gather3A_413, %gather3A_414, %gather3A_415] : memref<2x16x64xf32, #tpu.memory_space<vmem>> -> memref<1x16x64xf32, #tpu.memory_space<vmem>>
      %gather3A_417 = tpu.memref_squeeze %gather3A_416 : memref<1x16x64xf32, #tpu.memory_space<vmem>> -> memref<16x64xf32, #tpu.memory_space<vmem>>
      %gather3A_418 = tpu.vector_load_idx %gather3A_417[%iota3A, %broadcast_in_dim3A_412] : memref<16x64xf32, #tpu.memory_space<vmem>>[vector<16xi32>, vector<16xi32>], vector<16xf32>,
      %gather3A_419 = arith.constant 0 : i32
      %gather3A_420 = arith.constant 0 : i32
      %gather3A_421 = arith.constant 0 : i32
      %gather3A_422 = tpu.memref_slice %arg11[%gather3A_419, %gather3A_420, %gather3A_421] : memref<2x16x64xf32, #tpu.memory_space<vmem>> -> memref<1x16x64xf32, #tpu.memory_space<vmem>>
      %gather3A_423 = tpu.memref_squeeze %gather3A_422 : memref<1x16x64xf32, #tpu.memory_space<vmem>> -> memref<16x64xf32, #tpu.memory_space<vmem>>
      %gather3A_424 = tpu.vector_load_idx %gather3A_423[%iota3A, %broadcast_in_dim3A_412] : memref<16x64xf32, #tpu.memory_space<vmem>>[vector<16xi32>, vector<16xi32>], vector<16xf32>,
      %sub3A_425 = arith.subf %gather3A_418, %gather3A_424 : vector<16xf32>
      %mul3A_426 = arith.mulf %sub3A_425, %sub3A_425 : vector<16xf32>
      %add3A_427 = arith.addf %add3A_410, %mul3A_426 : vector<16xf32>
      %broadcast_in_dim3A_428 = arith.constant 19 : i32
      %broadcast_in_dim3A_429 = vector.broadcast %broadcast_in_dim3A_428 : i32 to vector<16xi32>
      %gather3A_430 = arith.constant 0 : i32
      %gather3A_431 = arith.constant 0 : i32
      %gather3A_432 = arith.constant 0 : i32
      %gather3A_433 = tpu.memref_slice %arg10[%gather3A_430, %gather3A_431, %gather3A_432] : memref<2x16x64xf32, #tpu.memory_space<vmem>> -> memref<1x16x64xf32, #tpu.memory_space<vmem>>
      %gather3A_434 = tpu.memref_squeeze %gather3A_433 : memref<1x16x64xf32, #tpu.memory_space<vmem>> -> memref<16x64xf32, #tpu.memory_space<vmem>>
      %gather3A_435 = tpu.vector_load_idx %gather3A_434[%iota3A, %broadcast_in_dim3A_429] : memref<16x64xf32, #tpu.memory_space<vmem>>[vector<16xi32>, vector<16xi32>], vector<16xf32>,
      %gather3A_436 = arith.constant 0 : i32
      %gather3A_437 = arith.constant 0 : i32
      %gather3A_438 = arith.constant 0 : i32
      %gather3A_439 = tpu.memref_slice %arg11[%gather3A_436, %gather3A_437, %gather3A_438] : memref<2x16x64xf32, #tpu.memory_space<vmem>> -> memref<1x16x64xf32, #tpu.memory_space<vmem>>
      %gather3A_440 = tpu.memref_squeeze %gather3A_439 : memref<1x16x64xf32, #tpu.memory_space<vmem>> -> memref<16x64xf32, #tpu.memory_space<vmem>>
      %gather3A_441 = tpu.vector_load_idx %gather3A_440[%iota3A, %broadcast_in_dim3A_429] : memref<16x64xf32, #tpu.memory_space<vmem>>[vector<16xi32>, vector<16xi32>], vector<16xf32>,
      %sub3A_442 = arith.subf %gather3A_435, %gather3A_441 : vector<16xf32>
      %mul3A_443 = arith.mulf %sub3A_442, %sub3A_442 : vector<16xf32>
      %add3A_444 = arith.addf %add3A_427, %mul3A_443 : vector<16xf32>
      %broadcast_in_dim3A_445 = arith.constant 20 : i32
      %broadcast_in_dim3A_446 = vector.broadcast %broadcast_in_dim3A_445 : i32 to vector<16xi32>
      %gather3A_447 = arith.constant 0 : i32
      %gather3A_448 = arith.constant 0 : i32
      %gather3A_449 = arith.constant 0 : i32
      %gather3A_450 = tpu.memref_slice %arg10[%gather3A_447, %gather3A_448, %gather3A_449] : memref<2x16x64xf32, #tpu.memory_space<vmem>> -> memref<1x16x64xf32, #tpu.memory_space<vmem>>
      %gather3A_451 = tpu.memref_squeeze %gather3A_450 : memref<1x16x64xf32, #tpu.memory_space<vmem>> -> memref<16x64xf32, #tpu.memory_space<vmem>>
      %gather3A_452 = tpu.vector_load_idx %gather3A_451[%iota3A, %broadcast_in_dim3A_446] : memref<16x64xf32, #tpu.memory_space<vmem>>[vector<16xi32>, vector<16xi32>], vector<16xf32>,
      %gather3A_453 = arith.constant 0 : i32
      %gather3A_454 = arith.constant 0 : i32
      %gather3A_455 = arith.constant 0 : i32
      %gather3A_456 = tpu.memref_slice %arg11[%gather3A_453, %gather3A_454, %gather3A_455] : memref<2x16x64xf32, #tpu.memory_space<vmem>> -> memref<1x16x64xf32, #tpu.memory_space<vmem>>
      %gather3A_457 = tpu.memref_squeeze %gather3A_456 : memref<1x16x64xf32, #tpu.memory_space<vmem>> -> memref<16x64xf32, #tpu.memory_space<vmem>>
      %gather3A_458 = tpu.vector_load_idx %gather3A_457[%iota3A, %broadcast_in_dim3A_446] : memref<16x64xf32, #tpu.memory_space<vmem>>[vector<16xi32>, vector<16xi32>], vector<16xf32>,
      %sub3A_459 = arith.subf %gather3A_452, %gather3A_458 : vector<16xf32>
      %mul3A_460 = arith.mulf %sub3A_459, %sub3A_459 : vector<16xf32>
      %add3A_461 = arith.addf %add3A_444, %mul3A_460 : vector<16xf32>
      %broadcast_in_dim3A_462 = arith.constant 21 : i32
      %broadcast_in_dim3A_463 = vector.broadcast %broadcast_in_dim3A_462 : i32 to vector<16xi32>
      %gather3A_464 = arith.constant 0 : i32
      %gather3A_465 = arith.constant 0 : i32
      %gather3A_466 = arith.constant 0 : i32
      %gather3A_467 = tpu.memref_slice %arg10[%gather3A_464, %gather3A_465, %gather3A_466] : memref<2x16x64xf32, #tpu.memory_space<vmem>> -> memref<1x16x64xf32, #tpu.memory_space<vmem>>
      %gather3A_468 = tpu.memref_squeeze %gather3A_467 : memref<1x16x64xf32, #tpu.memory_space<vmem>> -> memref<16x64xf32, #tpu.memory_space<vmem>>
      %gather3A_469 = tpu.vector_load_idx %gather3A_468[%iota3A, %broadcast_in_dim3A_463] : memref<16x64xf32, #tpu.memory_space<vmem>>[vector<16xi32>, vector<16xi32>], vector<16xf32>,
      %gather3A_470 = arith.constant 0 : i32
      %gather3A_471 = arith.constant 0 : i32
      %gather3A_472 = arith.constant 0 : i32
      %gather3A_473 = tpu.memref_slice %arg11[%gather3A_470, %gather3A_471, %gather3A_472] : memref<2x16x64xf32, #tpu.memory_space<vmem>> -> memref<1x16x64xf32, #tpu.memory_space<vmem>>
      %gather3A_474 = tpu.memref_squeeze %gather3A_473 : memref<1x16x64xf32, #tpu.memory_space<vmem>> -> memref<16x64xf32, #tpu.memory_space<vmem>>
      %gather3A_475 = tpu.vector_load_idx %gather3A_474[%iota3A, %broadcast_in_dim3A_463] : memref<16x64xf32, #tpu.memory_space<vmem>>[vector<16xi32>, vector<16xi32>], vector<16xf32>,
      %sub3A_476 = arith.subf %gather3A_469, %gather3A_475 : vector<16xf32>
      %mul3A_477 = arith.mulf %sub3A_476, %sub3A_476 : vector<16xf32>
      %add3A_478 = arith.addf %add3A_461, %mul3A_477 : vector<16xf32>
      %broadcast_in_dim3A_479 = arith.constant 22 : i32
      %broadcast_in_dim3A_480 = vector.broadcast %broadcast_in_dim3A_479 : i32 to vector<16xi32>
      %gather3A_481 = arith.constant 0 : i32
      %gather3A_482 = arith.constant 0 : i32
      %gather3A_483 = arith.constant 0 : i32
      %gather3A_484 = tpu.memref_slice %arg10[%gather3A_481, %gather3A_482, %gather3A_483] : memref<2x16x64xf32, #tpu.memory_space<vmem>> -> memref<1x16x64xf32, #tpu.memory_space<vmem>>
      %gather3A_485 = tpu.memref_squeeze %gather3A_484 : memref<1x16x64xf32, #tpu.memory_space<vmem>> -> memref<16x64xf32, #tpu.memory_space<vmem>>
      %gather3A_486 = tpu.vector_load_idx %gather3A_485[%iota3A, %broadcast_in_dim3A_480] : memref<16x64xf32, #tpu.memory_space<vmem>>[vector<16xi32>, vector<16xi32>], vector<16xf32>,
      %gather3A_487 = arith.constant 0 : i32
      %gather3A_488 = arith.constant 0 : i32
      %gather3A_489 = arith.constant 0 : i32
      %gather3A_490 = tpu.memref_slice %arg11[%gather3A_487, %gather3A_488, %gather3A_489] : memref<2x16x64xf32, #tpu.memory_space<vmem>> -> memref<1x16x64xf32, #tpu.memory_space<vmem>>
      %gather3A_491 = tpu.memref_squeeze %gather3A_490 : memref<1x16x64xf32, #tpu.memory_space<vmem>> -> memref<16x64xf32, #tpu.memory_space<vmem>>
      %gather3A_492 = tpu.vector_load_idx %gather3A_491[%iota3A, %broadcast_in_dim3A_480] : memref<16x64xf32, #tpu.memory_space<vmem>>[vector<16xi32>, vector<16xi32>], vector<16xf32>,
      %sub3A_493 = arith.subf %gather3A_486, %gather3A_492 : vector<16xf32>
      %mul3A_494 = arith.mulf %sub3A_493, %sub3A_493 : vector<16xf32>
      %add3A_495 = arith.addf %add3A_478, %mul3A_494 : vector<16xf32>
      %broadcast_in_dim3A_496 = arith.constant 23 : i32
      %broadcast_in_dim3A_497 = vector.broadcast %broadcast_in_dim3A_496 : i32 to vector<16xi32>
      %gather3A_498 = arith.constant 0 : i32
      %gather3A_499 = arith.constant 0 : i32
      %gather3A_500 = arith.constant 0 : i32
      %gather3A_501 = tpu.memref_slice %arg10[%gather3A_498, %gather3A_499, %gather3A_500] : memref<2x16x64xf32, #tpu.memory_space<vmem>> -> memref<1x16x64xf32, #tpu.memory_space<vmem>>
      %gather3A_502 = tpu.memref_squeeze %gather3A_501 : memref<1x16x64xf32, #tpu.memory_space<vmem>> -> memref<16x64xf32, #tpu.memory_space<vmem>>
      %gather3A_503 = tpu.vector_load_idx %gather3A_502[%iota3A, %broadcast_in_dim3A_497] : memref<16x64xf32, #tpu.memory_space<vmem>>[vector<16xi32>, vector<16xi32>], vector<16xf32>,
      %gather3A_504 = arith.constant 0 : i32
      %gather3A_505 = arith.constant 0 : i32
      %gather3A_506 = arith.constant 0 : i32
      %gather3A_507 = tpu.memref_slice %arg11[%gather3A_504, %gather3A_505, %gather3A_506] : memref<2x16x64xf32, #tpu.memory_space<vmem>> -> memref<1x16x64xf32, #tpu.memory_space<vmem>>
      %gather3A_508 = tpu.memref_squeeze %gather3A_507 : memref<1x16x64xf32, #tpu.memory_space<vmem>> -> memref<16x64xf32, #tpu.memory_space<vmem>>
      %gather3A_509 = tpu.vector_load_idx %gather3A_508[%iota3A, %broadcast_in_dim3A_497] : memref<16x64xf32, #tpu.memory_space<vmem>>[vector<16xi32>, vector<16xi32>], vector<16xf32>,
      %sub3A_510 = arith.subf %gather3A_503, %gather3A_509 : vector<16xf32>
      %mul3A_511 = arith.mulf %sub3A_510, %sub3A_510 : vector<16xf32>
      %add3A_512 = arith.addf %add3A_495, %mul3A_511 : vector<16xf32>
      %broadcast_in_dim3A_513 = arith.constant 24 : i32
      %broadcast_in_dim3A_514 = vector.broadcast %broadcast_in_dim3A_513 : i32 to vector<16xi32>
      %gather3A_515 = arith.constant 0 : i32
      %gather3A_516 = arith.constant 0 : i32
      %gather3A_517 = arith.constant 0 : i32
      %gather3A_518 = tpu.memref_slice %arg10[%gather3A_515, %gather3A_516, %gather3A_517] : memref<2x16x64xf32, #tpu.memory_space<vmem>> -> memref<1x16x64xf32, #tpu.memory_space<vmem>>
      %gather3A_519 = tpu.memref_squeeze %gather3A_518 : memref<1x16x64xf32, #tpu.memory_space<vmem>> -> memref<16x64xf32, #tpu.memory_space<vmem>>
      %gather3A_520 = tpu.vector_load_idx %gather3A_519[%iota3A, %broadcast_in_dim3A_514] : memref<16x64xf32, #tpu.memory_space<vmem>>[vector<16xi32>, vector<16xi32>], vector<16xf32>,
      %gather3A_521 = arith.constant 0 : i32
      %gather3A_522 = arith.constant 0 : i32
      %gather3A_523 = arith.constant 0 : i32
      %gather3A_524 = tpu.memref_slice %arg11[%gather3A_521, %gather3A_522, %gather3A_523] : memref<2x16x64xf32, #tpu.memory_space<vmem>> -> memref<1x16x64xf32, #tpu.memory_space<vmem>>
      %gather3A_525 = tpu.memref_squeeze %gather3A_524 : memref<1x16x64xf32, #tpu.memory_space<vmem>> -> memref<16x64xf32, #tpu.memory_space<vmem>>
      %gather3A_526 = tpu.vector_load_idx %gather3A_525[%iota3A, %broadcast_in_dim3A_514] : memref<16x64xf32, #tpu.memory_space<vmem>>[vector<16xi32>, vector<16xi32>], vector<16xf32>,
      %sub3A_527 = arith.subf %gather3A_520, %gather3A_526 : vector<16xf32>
      %mul3A_528 = arith.mulf %sub3A_527, %sub3A_527 : vector<16xf32>
      %add3A_529 = arith.addf %add3A_512, %mul3A_528 : vector<16xf32>
      %broadcast_in_dim3A_530 = arith.constant 25 : i32
      %broadcast_in_dim3A_531 = vector.broadcast %broadcast_in_dim3A_530 : i32 to vector<16xi32>
      %gather3A_532 = arith.constant 0 : i32
      %gather3A_533 = arith.constant 0 : i32
      %gather3A_534 = arith.constant 0 : i32
      %gather3A_535 = tpu.memref_slice %arg10[%gather3A_532, %gather3A_533, %gather3A_534] : memref<2x16x64xf32, #tpu.memory_space<vmem>> -> memref<1x16x64xf32, #tpu.memory_space<vmem>>
      %gather3A_536 = tpu.memref_squeeze %gather3A_535 : memref<1x16x64xf32, #tpu.memory_space<vmem>> -> memref<16x64xf32, #tpu.memory_space<vmem>>
      %gather3A_537 = tpu.vector_load_idx %gather3A_536[%iota3A, %broadcast_in_dim3A_531] : memref<16x64xf32, #tpu.memory_space<vmem>>[vector<16xi32>, vector<16xi32>], vector<16xf32>,
      %gather3A_538 = arith.constant 0 : i32
      %gather3A_539 = arith.constant 0 : i32
      %gather3A_540 = arith.constant 0 : i32
      %gather3A_541 = tpu.memref_slice %arg11[%gather3A_538, %gather3A_539, %gather3A_540] : memref<2x16x64xf32, #tpu.memory_space<vmem>> -> memref<1x16x64xf32, #tpu.memory_space<vmem>>
      %gather3A_542 = tpu.memref_squeeze %gather3A_541 : memref<1x16x64xf32, #tpu.memory_space<vmem>> -> memref<16x64xf32, #tpu.memory_space<vmem>>
      %gather3A_543 = tpu.vector_load_idx %gather3A_542[%iota3A, %broadcast_in_dim3A_531] : memref<16x64xf32, #tpu.memory_space<vmem>>[vector<16xi32>, vector<16xi32>], vector<16xf32>,
      %sub3A_544 = arith.subf %gather3A_537, %gather3A_543 : vector<16xf32>
      %mul3A_545 = arith.mulf %sub3A_544, %sub3A_544 : vector<16xf32>
      %add3A_546 = arith.addf %add3A_529, %mul3A_545 : vector<16xf32>
      %broadcast_in_dim3A_547 = arith.constant 26 : i32
      %broadcast_in_dim3A_548 = vector.broadcast %broadcast_in_dim3A_547 : i32 to vector<16xi32>
      %gather3A_549 = arith.constant 0 : i32
      %gather3A_550 = arith.constant 0 : i32
      %gather3A_551 = arith.constant 0 : i32
      %gather3A_552 = tpu.memref_slice %arg10[%gather3A_549, %gather3A_550, %gather3A_551] : memref<2x16x64xf32, #tpu.memory_space<vmem>> -> memref<1x16x64xf32, #tpu.memory_space<vmem>>
      %gather3A_553 = tpu.memref_squeeze %gather3A_552 : memref<1x16x64xf32, #tpu.memory_space<vmem>> -> memref<16x64xf32, #tpu.memory_space<vmem>>
      %gather3A_554 = tpu.vector_load_idx %gather3A_553[%iota3A, %broadcast_in_dim3A_548] : memref<16x64xf32, #tpu.memory_space<vmem>>[vector<16xi32>, vector<16xi32>], vector<16xf32>,
      %gather3A_555 = arith.constant 0 : i32
      %gather3A_556 = arith.constant 0 : i32
      %gather3A_557 = arith.constant 0 : i32
      %gather3A_558 = tpu.memref_slice %arg11[%gather3A_555, %gather3A_556, %gather3A_557] : memref<2x16x64xf32, #tpu.memory_space<vmem>> -> memref<1x16x64xf32, #tpu.memory_space<vmem>>
      %gather3A_559 = tpu.memref_squeeze %gather3A_558 : memref<1x16x64xf32, #tpu.memory_space<vmem>> -> memref<16x64xf32, #tpu.memory_space<vmem>>
      %gather3A_560 = tpu.vector_load_idx %gather3A_559[%iota3A, %broadcast_in_dim3A_548] : memref<16x64xf32, #tpu.memory_space<vmem>>[vector<16xi32>, vector<16xi32>], vector<16xf32>,
      %sub3A_561 = arith.subf %gather3A_554, %gather3A_560 : vector<16xf32>
      %mul3A_562 = arith.mulf %sub3A_561, %sub3A_561 : vector<16xf32>
      %add3A_563 = arith.addf %add3A_546, %mul3A_562 : vector<16xf32>
      %broadcast_in_dim3A_564 = arith.constant 27 : i32
      %broadcast_in_dim3A_565 = vector.broadcast %broadcast_in_dim3A_564 : i32 to vector<16xi32>
      %gather3A_566 = arith.constant 0 : i32
      %gather3A_567 = arith.constant 0 : i32
      %gather3A_568 = arith.constant 0 : i32
      %gather3A_569 = tpu.memref_slice %arg10[%gather3A_566, %gather3A_567, %gather3A_568] : memref<2x16x64xf32, #tpu.memory_space<vmem>> -> memref<1x16x64xf32, #tpu.memory_space<vmem>>
      %gather3A_570 = tpu.memref_squeeze %gather3A_569 : memref<1x16x64xf32, #tpu.memory_space<vmem>> -> memref<16x64xf32, #tpu.memory_space<vmem>>
      %gather3A_571 = tpu.vector_load_idx %gather3A_570[%iota3A, %broadcast_in_dim3A_565] : memref<16x64xf32, #tpu.memory_space<vmem>>[vector<16xi32>, vector<16xi32>], vector<16xf32>,
      %gather3A_572 = arith.constant 0 : i32
      %gather3A_573 = arith.constant 0 : i32
      %gather3A_574 = arith.constant 0 : i32
      %gather3A_575 = tpu.memref_slice %arg11[%gather3A_572, %gather3A_573, %gather3A_574] : memref<2x16x64xf32, #tpu.memory_space<vmem>> -> memref<1x16x64xf32, #tpu.memory_space<vmem>>
      %gather3A_576 = tpu.memref_squeeze %gather3A_575 : memref<1x16x64xf32, #tpu.memory_space<vmem>> -> memref<16x64xf32, #tpu.memory_space<vmem>>
      %gather3A_577 = tpu.vector_load_idx %gather3A_576[%iota3A, %broadcast_in_dim3A_565] : memref<16x64xf32, #tpu.memory_space<vmem>>[vector<16xi32>, vector<16xi32>], vector<16xf32>,
      %sub3A_578 = arith.subf %gather3A_571, %gather3A_577 : vector<16xf32>
      %mul3A_579 = arith.mulf %sub3A_578, %sub3A_578 : vector<16xf32>
      %add3A_580 = arith.addf %add3A_563, %mul3A_579 : vector<16xf32>
      %broadcast_in_dim3A_581 = arith.constant 28 : i32
      %broadcast_in_dim3A_582 = vector.broadcast %broadcast_in_dim3A_581 : i32 to vector<16xi32>
      %gather3A_583 = arith.constant 0 : i32
      %gather3A_584 = arith.constant 0 : i32
      %gather3A_585 = arith.constant 0 : i32
      %gather3A_586 = tpu.memref_slice %arg10[%gather3A_583, %gather3A_584, %gather3A_585] : memref<2x16x64xf32, #tpu.memory_space<vmem>> -> memref<1x16x64xf32, #tpu.memory_space<vmem>>
      %gather3A_587 = tpu.memref_squeeze %gather3A_586 : memref<1x16x64xf32, #tpu.memory_space<vmem>> -> memref<16x64xf32, #tpu.memory_space<vmem>>
      %gather3A_588 = tpu.vector_load_idx %gather3A_587[%iota3A, %broadcast_in_dim3A_582] : memref<16x64xf32, #tpu.memory_space<vmem>>[vector<16xi32>, vector<16xi32>], vector<16xf32>,
      %gather3A_589 = arith.constant 0 : i32
      %gather3A_590 = arith.constant 0 : i32
      %gather3A_591 = arith.constant 0 : i32
      %gather3A_592 = tpu.memref_slice %arg11[%gather3A_589, %gather3A_590, %gather3A_591] : memref<2x16x64xf32, #tpu.memory_space<vmem>> -> memref<1x16x64xf32, #tpu.memory_space<vmem>>
      %gather3A_593 = tpu.memref_squeeze %gather3A_592 : memref<1x16x64xf32, #tpu.memory_space<vmem>> -> memref<16x64xf32, #tpu.memory_space<vmem>>
      %gather3A_594 = tpu.vector_load_idx %gather3A_593[%iota3A, %broadcast_in_dim3A_582] : memref<16x64xf32, #tpu.memory_space<vmem>>[vector<16xi32>, vector<16xi32>], vector<16xf32>,
      %sub3A_595 = arith.subf %gather3A_588, %gather3A_594 : vector<16xf32>
      %mul3A_596 = arith.mulf %sub3A_595, %sub3A_595 : vector<16xf32>
      %add3A_597 = arith.addf %add3A_580, %mul3A_596 : vector<16xf32>
      %broadcast_in_dim3A_598 = arith.constant 29 : i32
      %broadcast_in_dim3A_599 = vector.broadcast %broadcast_in_dim3A_598 : i32 to vector<16xi32>
      %gather3A_600 = arith.constant 0 : i32
      %gather3A_601 = arith.constant 0 : i32
      %gather3A_602 = arith.constant 0 : i32
      %gather3A_603 = tpu.memref_slice %arg10[%gather3A_600, %gather3A_601, %gather3A_602] : memref<2x16x64xf32, #tpu.memory_space<vmem>> -> memref<1x16x64xf32, #tpu.memory_space<vmem>>
      %gather3A_604 = tpu.memref_squeeze %gather3A_603 : memref<1x16x64xf32, #tpu.memory_space<vmem>> -> memref<16x64xf32, #tpu.memory_space<vmem>>
      %gather3A_605 = tpu.vector_load_idx %gather3A_604[%iota3A, %broadcast_in_dim3A_599] : memref<16x64xf32, #tpu.memory_space<vmem>>[vector<16xi32>, vector<16xi32>], vector<16xf32>,
      %gather3A_606 = arith.constant 0 : i32
      %gather3A_607 = arith.constant 0 : i32
      %gather3A_608 = arith.constant 0 : i32
      %gather3A_609 = tpu.memref_slice %arg11[%gather3A_606, %gather3A_607, %gather3A_608] : memref<2x16x64xf32, #tpu.memory_space<vmem>> -> memref<1x16x64xf32, #tpu.memory_space<vmem>>
      %gather3A_610 = tpu.memref_squeeze %gather3A_609 : memref<1x16x64xf32, #tpu.memory_space<vmem>> -> memref<16x64xf32, #tpu.memory_space<vmem>>
      %gather3A_611 = tpu.vector_load_idx %gather3A_610[%iota3A, %broadcast_in_dim3A_599] : memref<16x64xf32, #tpu.memory_space<vmem>>[vector<16xi32>, vector<16xi32>], vector<16xf32>,
      %sub3A_612 = arith.subf %gather3A_605, %gather3A_611 : vector<16xf32>
      %mul3A_613 = arith.mulf %sub3A_612, %sub3A_612 : vector<16xf32>
      %add3A_614 = arith.addf %add3A_597, %mul3A_613 : vector<16xf32>
      %broadcast_in_dim3A_615 = arith.constant 30 : i32
      %broadcast_in_dim3A_616 = vector.broadcast %broadcast_in_dim3A_615 : i32 to vector<16xi32>
      %gather3A_617 = arith.constant 0 : i32
      %gather3A_618 = arith.constant 0 : i32
      %gather3A_619 = arith.constant 0 : i32
      %gather3A_620 = tpu.memref_slice %arg10[%gather3A_617, %gather3A_618, %gather3A_619] : memref<2x16x64xf32, #tpu.memory_space<vmem>> -> memref<1x16x64xf32, #tpu.memory_space<vmem>>
      %gather3A_621 = tpu.memref_squeeze %gather3A_620 : memref<1x16x64xf32, #tpu.memory_space<vmem>> -> memref<16x64xf32, #tpu.memory_space<vmem>>
      %gather3A_622 = tpu.vector_load_idx %gather3A_621[%iota3A, %broadcast_in_dim3A_616] : memref<16x64xf32, #tpu.memory_space<vmem>>[vector<16xi32>, vector<16xi32>], vector<16xf32>,
      %gather3A_623 = arith.constant 0 : i32
      %gather3A_624 = arith.constant 0 : i32
      %gather3A_625 = arith.constant 0 : i32
      %gather3A_626 = tpu.memref_slice %arg11[%gather3A_623, %gather3A_624, %gather3A_625] : memref<2x16x64xf32, #tpu.memory_space<vmem>> -> memref<1x16x64xf32, #tpu.memory_space<vmem>>
      %gather3A_627 = tpu.memref_squeeze %gather3A_626 : memref<1x16x64xf32, #tpu.memory_space<vmem>> -> memref<16x64xf32, #tpu.memory_space<vmem>>
      %gather3A_628 = tpu.vector_load_idx %gather3A_627[%iota3A, %broadcast_in_dim3A_616] : memref<16x64xf32, #tpu.memory_space<vmem>>[vector<16xi32>, vector<16xi32>], vector<16xf32>,
      %sub3A_629 = arith.subf %gather3A_622, %gather3A_628 : vector<16xf32>
      %mul3A_630 = arith.mulf %sub3A_629, %sub3A_629 : vector<16xf32>
      %add3A_631 = arith.addf %add3A_614, %mul3A_630 : vector<16xf32>
      %broadcast_in_dim3A_632 = arith.constant 31 : i32
      %broadcast_in_dim3A_633 = vector.broadcast %broadcast_in_dim3A_632 : i32 to vector<16xi32>
      %gather3A_634 = arith.constant 0 : i32
      %gather3A_635 = arith.constant 0 : i32
      %gather3A_636 = arith.constant 0 : i32
      %gather3A_637 = tpu.memref_slice %arg10[%gather3A_634, %gather3A_635, %gather3A_636] : memref<2x16x64xf32, #tpu.memory_space<vmem>> -> memref<1x16x64xf32, #tpu.memory_space<vmem>>
      %gather3A_638 = tpu.memref_squeeze %gather3A_637 : memref<1x16x64xf32, #tpu.memory_space<vmem>> -> memref<16x64xf32, #tpu.memory_space<vmem>>
      %gather3A_639 = tpu.vector_load_idx %gather3A_638[%iota3A, %broadcast_in_dim3A_633] : memref<16x64xf32, #tpu.memory_space<vmem>>[vector<16xi32>, vector<16xi32>], vector<16xf32>,
      %gather3A_640 = arith.constant 0 : i32
      %gather3A_641 = arith.constant 0 : i32
      %gather3A_642 = arith.constant 0 : i32
      %gather3A_643 = tpu.memref_slice %arg11[%gather3A_640, %gather3A_641, %gather3A_642] : memref<2x16x64xf32, #tpu.memory_space<vmem>> -> memref<1x16x64xf32, #tpu.memory_space<vmem>>
      %gather3A_644 = tpu.memref_squeeze %gather3A_643 : memref<1x16x64xf32, #tpu.memory_space<vmem>> -> memref<16x64xf32, #tpu.memory_space<vmem>>
      %gather3A_645 = tpu.vector_load_idx %gather3A_644[%iota3A, %broadcast_in_dim3A_633] : memref<16x64xf32, #tpu.memory_space<vmem>>[vector<16xi32>, vector<16xi32>], vector<16xf32>,
      %sub3A_646 = arith.subf %gather3A_639, %gather3A_645 : vector<16xf32>
      %mul3A_647 = arith.mulf %sub3A_646, %sub3A_646 : vector<16xf32>
      %add3A_648 = arith.addf %add3A_631, %mul3A_647 : vector<16xf32>
      %broadcast_in_dim3A_649 = arith.constant 32 : i32
      %broadcast_in_dim3A_650 = vector.broadcast %broadcast_in_dim3A_649 : i32 to vector<16xi32>
      %gather3A_651 = arith.constant 0 : i32
      %gather3A_652 = arith.constant 0 : i32
      %gather3A_653 = arith.constant 0 : i32
      %gather3A_654 = tpu.memref_slice %arg10[%gather3A_651, %gather3A_652, %gather3A_653] : memref<2x16x64xf32, #tpu.memory_space<vmem>> -> memref<1x16x64xf32, #tpu.memory_space<vmem>>
      %gather3A_655 = tpu.memref_squeeze %gather3A_654 : memref<1x16x64xf32, #tpu.memory_space<vmem>> -> memref<16x64xf32, #tpu.memory_space<vmem>>
      %gather3A_656 = tpu.vector_load_idx %gather3A_655[%iota3A, %broadcast_in_dim3A_650] : memref<16x64xf32, #tpu.memory_space<vmem>>[vector<16xi32>, vector<16xi32>], vector<16xf32>,
      %gather3A_657 = arith.constant 0 : i32
      %gather3A_658 = arith.constant 0 : i32
      %gather3A_659 = arith.constant 0 : i32
      %gather3A_660 = tpu.memref_slice %arg11[%gather3A_657, %gather3A_658, %gather3A_659] : memref<2x16x64xf32, #tpu.memory_space<vmem>> -> memref<1x16x64xf32, #tpu.memory_space<vmem>>
      %gather3A_661 = tpu.memref_squeeze %gather3A_660 : memref<1x16x64xf32, #tpu.memory_space<vmem>> -> memref<16x64xf32, #tpu.memory_space<vmem>>
      %gather3A_662 = tpu.vector_load_idx %gather3A_661[%iota3A, %broadcast_in_dim3A_650] : memref<16x64xf32, #tpu.memory_space<vmem>>[vector<16xi32>, vector<16xi32>], vector<16xf32>,
      %sub3A_663 = arith.subf %gather3A_656, %gather3A_662 : vector<16xf32>
      %mul3A_664 = arith.mulf %sub3A_663, %sub3A_663 : vector<16xf32>
      %add3A_665 = arith.addf %add3A_648, %mul3A_664 : vector<16xf32>
      %broadcast_in_dim3A_666 = arith.constant 33 : i32
      %broadcast_in_dim3A_667 = vector.broadcast %broadcast_in_dim3A_666 : i32 to vector<16xi32>
      %gather3A_668 = arith.constant 0 : i32
      %gather3A_669 = arith.constant 0 : i32
      %gather3A_670 = arith.constant 0 : i32
      %gather3A_671 = tpu.memref_slice %arg10[%gather3A_668, %gather3A_669, %gather3A_670] : memref<2x16x64xf32, #tpu.memory_space<vmem>> -> memref<1x16x64xf32, #tpu.memory_space<vmem>>
      %gather3A_672 = tpu.memref_squeeze %gather3A_671 : memref<1x16x64xf32, #tpu.memory_space<vmem>> -> memref<16x64xf32, #tpu.memory_space<vmem>>
      %gather3A_673 = tpu.vector_load_idx %gather3A_672[%iota3A, %broadcast_in_dim3A_667] : memref<16x64xf32, #tpu.memory_space<vmem>>[vector<16xi32>, vector<16xi32>], vector<16xf32>,
      %gather3A_674 = arith.constant 0 : i32
      %gather3A_675 = arith.constant 0 : i32
      %gather3A_676 = arith.constant 0 : i32
      %gather3A_677 = tpu.memref_slice %arg11[%gather3A_674, %gather3A_675, %gather3A_676] : memref<2x16x64xf32, #tpu.memory_space<vmem>> -> memref<1x16x64xf32, #tpu.memory_space<vmem>>
      %gather3A_678 = tpu.memref_squeeze %gather3A_677 : memref<1x16x64xf32, #tpu.memory_space<vmem>> -> memref<16x64xf32, #tpu.memory_space<vmem>>
      %gather3A_679 = tpu.vector_load_idx %gather3A_678[%iota3A, %broadcast_in_dim3A_667] : memref<16x64xf32, #tpu.memory_space<vmem>>[vector<16xi32>, vector<16xi32>], vector<16xf32>,
      %sub3A_680 = arith.subf %gather3A_673, %gather3A_679 : vector<16xf32>
      %mul3A_681 = arith.mulf %sub3A_680, %sub3A_680 : vector<16xf32>
      %add3A_682 = arith.addf %add3A_665, %mul3A_681 : vector<16xf32>
      %broadcast_in_dim3A_683 = arith.constant 34 : i32
      %broadcast_in_dim3A_684 = vector.broadcast %broadcast_in_dim3A_683 : i32 to vector<16xi32>
      %gather3A_685 = arith.constant 0 : i32
      %gather3A_686 = arith.constant 0 : i32
      %gather3A_687 = arith.constant 0 : i32
      %gather3A_688 = tpu.memref_slice %arg10[%gather3A_685, %gather3A_686, %gather3A_687] : memref<2x16x64xf32, #tpu.memory_space<vmem>> -> memref<1x16x64xf32, #tpu.memory_space<vmem>>
      %gather3A_689 = tpu.memref_squeeze %gather3A_688 : memref<1x16x64xf32, #tpu.memory_space<vmem>> -> memref<16x64xf32, #tpu.memory_space<vmem>>
      %gather3A_690 = tpu.vector_load_idx %gather3A_689[%iota3A, %broadcast_in_dim3A_684] : memref<16x64xf32, #tpu.memory_space<vmem>>[vector<16xi32>, vector<16xi32>], vector<16xf32>,
      %gather3A_691 = arith.constant 0 : i32
      %gather3A_692 = arith.constant 0 : i32
      %gather3A_693 = arith.constant 0 : i32
      %gather3A_694 = tpu.memref_slice %arg11[%gather3A_691, %gather3A_692, %gather3A_693] : memref<2x16x64xf32, #tpu.memory_space<vmem>> -> memref<1x16x64xf32, #tpu.memory_space<vmem>>
      %gather3A_695 = tpu.memref_squeeze %gather3A_694 : memref<1x16x64xf32, #tpu.memory_space<vmem>> -> memref<16x64xf32, #tpu.memory_space<vmem>>
      %gather3A_696 = tpu.vector_load_idx %gather3A_695[%iota3A, %broadcast_in_dim3A_684] : memref<16x64xf32, #tpu.memory_space<vmem>>[vector<16xi32>, vector<16xi32>], vector<16xf32>,
      %sub3A_697 = arith.subf %gather3A_690, %gather3A_696 : vector<16xf32>
      %mul3A_698 = arith.mulf %sub3A_697, %sub3A_697 : vector<16xf32>
      %add3A_699 = arith.addf %add3A_682, %mul3A_698 : vector<16xf32>
      %broadcast_in_dim3A_700 = arith.constant 35 : i32
      %broadcast_in_dim3A_701 = vector.broadcast %broadcast_in_dim3A_700 : i32 to vector<16xi32>
      %gather3A_702 = arith.constant 0 : i32
      %gather3A_703 = arith.constant 0 : i32
      %gather3A_704 = arith.constant 0 : i32
      %gather3A_705 = tpu.memref_slice %arg10[%gather3A_702, %gather3A_703, %gather3A_704] : memref<2x16x64xf32, #tpu.memory_space<vmem>> -> memref<1x16x64xf32, #tpu.memory_space<vmem>>
      %gather3A_706 = tpu.memref_squeeze %gather3A_705 : memref<1x16x64xf32, #tpu.memory_space<vmem>> -> memref<16x64xf32, #tpu.memory_space<vmem>>
      %gather3A_707 = tpu.vector_load_idx %gather3A_706[%iota3A, %broadcast_in_dim3A_701] : memref<16x64xf32, #tpu.memory_space<vmem>>[vector<16xi32>, vector<16xi32>], vector<16xf32>,
      %gather3A_708 = arith.constant 0 : i32
      %gather3A_709 = arith.constant 0 : i32
      %gather3A_710 = arith.constant 0 : i32
      %gather3A_711 = tpu.memref_slice %arg11[%gather3A_708, %gather3A_709, %gather3A_710] : memref<2x16x64xf32, #tpu.memory_space<vmem>> -> memref<1x16x64xf32, #tpu.memory_space<vmem>>
      %gather3A_712 = tpu.memref_squeeze %gather3A_711 : memref<1x16x64xf32, #tpu.memory_space<vmem>> -> memref<16x64xf32, #tpu.memory_space<vmem>>
      %gather3A_713 = tpu.vector_load_idx %gather3A_712[%iota3A, %broadcast_in_dim3A_701] : memref<16x64xf32, #tpu.memory_space<vmem>>[vector<16xi32>, vector<16xi32>], vector<16xf32>,
      %sub3A_714 = arith.subf %gather3A_707, %gather3A_713 : vector<16xf32>
      %mul3A_715 = arith.mulf %sub3A_714, %sub3A_714 : vector<16xf32>
      %add3A_716 = arith.addf %add3A_699, %mul3A_715 : vector<16xf32>
      %broadcast_in_dim3A_717 = arith.constant 36 : i32
      %broadcast_in_dim3A_718 = vector.broadcast %broadcast_in_dim3A_717 : i32 to vector<16xi32>
      %gather3A_719 = arith.constant 0 : i32
      %gather3A_720 = arith.constant 0 : i32
      %gather3A_721 = arith.constant 0 : i32
      %gather3A_722 = tpu.memref_slice %arg10[%gather3A_719, %gather3A_720, %gather3A_721] : memref<2x16x64xf32, #tpu.memory_space<vmem>> -> memref<1x16x64xf32, #tpu.memory_space<vmem>>
      %gather3A_723 = tpu.memref_squeeze %gather3A_722 : memref<1x16x64xf32, #tpu.memory_space<vmem>> -> memref<16x64xf32, #tpu.memory_space<vmem>>
      %gather3A_724 = tpu.vector_load_idx %gather3A_723[%iota3A, %broadcast_in_dim3A_718] : memref<16x64xf32, #tpu.memory_space<vmem>>[vector<16xi32>, vector<16xi32>], vector<16xf32>,
      %gather3A_725 = arith.constant 0 : i32
      %gather3A_726 = arith.constant 0 : i32
      %gather3A_727 = arith.constant 0 : i32
      %gather3A_728 = tpu.memref_slice %arg11[%gather3A_725, %gather3A_726, %gather3A_727] : memref<2x16x64xf32, #tpu.memory_space<vmem>> -> memref<1x16x64xf32, #tpu.memory_space<vmem>>
      %gather3A_729 = tpu.memref_squeeze %gather3A_728 : memref<1x16x64xf32, #tpu.memory_space<vmem>> -> memref<16x64xf32, #tpu.memory_space<vmem>>
      %gather3A_730 = tpu.vector_load_idx %gather3A_729[%iota3A, %broadcast_in_dim3A_718] : memref<16x64xf32, #tpu.memory_space<vmem>>[vector<16xi32>, vector<16xi32>], vector<16xf32>,
      %sub3A_731 = arith.subf %gather3A_724, %gather3A_730 : vector<16xf32>
      %mul3A_732 = arith.mulf %sub3A_731, %sub3A_731 : vector<16xf32>
      %add3A_733 = arith.addf %add3A_716, %mul3A_732 : vector<16xf32>
      %broadcast_in_dim3A_734 = arith.constant 37 : i32
      %broadcast_in_dim3A_735 = vector.broadcast %broadcast_in_dim3A_734 : i32 to vector<16xi32>
      %gather3A_736 = arith.constant 0 : i32
      %gather3A_737 = arith.constant 0 : i32
      %gather3A_738 = arith.constant 0 : i32
      %gather3A_739 = tpu.memref_slice %arg10[%gather3A_736, %gather3A_737, %gather3A_738] : memref<2x16x64xf32, #tpu.memory_space<vmem>> -> memref<1x16x64xf32, #tpu.memory_space<vmem>>
      %gather3A_740 = tpu.memref_squeeze %gather3A_739 : memref<1x16x64xf32, #tpu.memory_space<vmem>> -> memref<16x64xf32, #tpu.memory_space<vmem>>
      %gather3A_741 = tpu.vector_load_idx %gather3A_740[%iota3A, %broadcast_in_dim3A_735] : memref<16x64xf32, #tpu.memory_space<vmem>>[vector<16xi32>, vector<16xi32>], vector<16xf32>,
      %gather3A_742 = arith.constant 0 : i32
      %gather3A_743 = arith.constant 0 : i32
      %gather3A_744 = arith.constant 0 : i32
      %gather3A_745 = tpu.memref_slice %arg11[%gather3A_742, %gather3A_743, %gather3A_744] : memref<2x16x64xf32, #tpu.memory_space<vmem>> -> memref<1x16x64xf32, #tpu.memory_space<vmem>>
      %gather3A_746 = tpu.memref_squeeze %gather3A_745 : memref<1x16x64xf32, #tpu.memory_space<vmem>> -> memref<16x64xf32, #tpu.memory_space<vmem>>
      %gather3A_747 = tpu.vector_load_idx %gather3A_746[%iota3A, %broadcast_in_dim3A_735] : memref<16x64xf32, #tpu.memory_space<vmem>>[vector<16xi32>, vector<16xi32>], vector<16xf32>,
      %sub3A_748 = arith.subf %gather3A_741, %gather3A_747 : vector<16xf32>
      %mul3A_749 = arith.mulf %sub3A_748, %sub3A_748 : vector<16xf32>
      %add3A_750 = arith.addf %add3A_733, %mul3A_749 : vector<16xf32>
      %broadcast_in_dim3A_751 = arith.constant 38 : i32
      %broadcast_in_dim3A_752 = vector.broadcast %broadcast_in_dim3A_751 : i32 to vector<16xi32>
      %gather3A_753 = arith.constant 0 : i32
      %gather3A_754 = arith.constant 0 : i32
      %gather3A_755 = arith.constant 0 : i32
      %gather3A_756 = tpu.memref_slice %arg10[%gather3A_753, %gather3A_754, %gather3A_755] : memref<2x16x64xf32, #tpu.memory_space<vmem>> -> memref<1x16x64xf32, #tpu.memory_space<vmem>>
      %gather3A_757 = tpu.memref_squeeze %gather3A_756 : memref<1x16x64xf32, #tpu.memory_space<vmem>> -> memref<16x64xf32, #tpu.memory_space<vmem>>
      %gather3A_758 = tpu.vector_load_idx %gather3A_757[%iota3A, %broadcast_in_dim3A_752] : memref<16x64xf32, #tpu.memory_space<vmem>>[vector<16xi32>, vector<16xi32>], vector<16xf32>,
      %gather3A_759 = arith.constant 0 : i32
      %gather3A_760 = arith.constant 0 : i32
      %gather3A_761 = arith.constant 0 : i32
      %gather3A_762 = tpu.memref_slice %arg11[%gather3A_759, %gather3A_760, %gather3A_761] : memref<2x16x64xf32, #tpu.memory_space<vmem>> -> memref<1x16x64xf32, #tpu.memory_space<vmem>>
      %gather3A_763 = tpu.memref_squeeze %gather3A_762 : memref<1x16x64xf32, #tpu.memory_space<vmem>> -> memref<16x64xf32, #tpu.memory_space<vmem>>
      %gather3A_764 = tpu.vector_load_idx %gather3A_763[%iota3A, %broadcast_in_dim3A_752] : memref<16x64xf32, #tpu.memory_space<vmem>>[vector<16xi32>, vector<16xi32>], vector<16xf32>,
      %sub3A_765 = arith.subf %gather3A_758, %gather3A_764 : vector<16xf32>
      %mul3A_766 = arith.mulf %sub3A_765, %sub3A_765 : vector<16xf32>
      %add3A_767 = arith.addf %add3A_750, %mul3A_766 : vector<16xf32>
      %broadcast_in_dim3A_768 = arith.constant 39 : i32
      %broadcast_in_dim3A_769 = vector.broadcast %broadcast_in_dim3A_768 : i32 to vector<16xi32>
      %gather3A_770 = arith.constant 0 : i32
      %gather3A_771 = arith.constant 0 : i32
      %gather3A_772 = arith.constant 0 : i32
      %gather3A_773 = tpu.memref_slice %arg10[%gather3A_770, %gather3A_771, %gather3A_772] : memref<2x16x64xf32, #tpu.memory_space<vmem>> -> memref<1x16x64xf32, #tpu.memory_space<vmem>>
      %gather3A_774 = tpu.memref_squeeze %gather3A_773 : memref<1x16x64xf32, #tpu.memory_space<vmem>> -> memref<16x64xf32, #tpu.memory_space<vmem>>
      %gather3A_775 = tpu.vector_load_idx %gather3A_774[%iota3A, %broadcast_in_dim3A_769] : memref<16x64xf32, #tpu.memory_space<vmem>>[vector<16xi32>, vector<16xi32>], vector<16xf32>,
      %gather3A_776 = arith.constant 0 : i32
      %gather3A_777 = arith.constant 0 : i32
      %gather3A_778 = arith.constant 0 : i32
      %gather3A_779 = tpu.memref_slice %arg11[%gather3A_776, %gather3A_777, %gather3A_778] : memref<2x16x64xf32, #tpu.memory_space<vmem>> -> memref<1x16x64xf32, #tpu.memory_space<vmem>>
      %gather3A_780 = tpu.memref_squeeze %gather3A_779 : memref<1x16x64xf32, #tpu.memory_space<vmem>> -> memref<16x64xf32, #tpu.memory_space<vmem>>
      %gather3A_781 = tpu.vector_load_idx %gather3A_780[%iota3A, %broadcast_in_dim3A_769] : memref<16x64xf32, #tpu.memory_space<vmem>>[vector<16xi32>, vector<16xi32>], vector<16xf32>,
      %sub3A_782 = arith.subf %gather3A_775, %gather3A_781 : vector<16xf32>
      %mul3A_783 = arith.mulf %sub3A_782, %sub3A_782 : vector<16xf32>
      %add3A_784 = arith.addf %add3A_767, %mul3A_783 : vector<16xf32>
      %broadcast_in_dim3A_785 = arith.constant 40 : i32
      %broadcast_in_dim3A_786 = vector.broadcast %broadcast_in_dim3A_785 : i32 to vector<16xi32>
      %gather3A_787 = arith.constant 0 : i32
      %gather3A_788 = arith.constant 0 : i32
      %gather3A_789 = arith.constant 0 : i32
      %gather3A_790 = tpu.memref_slice %arg10[%gather3A_787, %gather3A_788, %gather3A_789] : memref<2x16x64xf32, #tpu.memory_space<vmem>> -> memref<1x16x64xf32, #tpu.memory_space<vmem>>
      %gather3A_791 = tpu.memref_squeeze %gather3A_790 : memref<1x16x64xf32, #tpu.memory_space<vmem>> -> memref<16x64xf32, #tpu.memory_space<vmem>>
      %gather3A_792 = tpu.vector_load_idx %gather3A_791[%iota3A, %broadcast_in_dim3A_786] : memref<16x64xf32, #tpu.memory_space<vmem>>[vector<16xi32>, vector<16xi32>], vector<16xf32>,
      %gather3A_793 = arith.constant 0 : i32
      %gather3A_794 = arith.constant 0 : i32
      %gather3A_795 = arith.constant 0 : i32
      %gather3A_796 = tpu.memref_slice %arg11[%gather3A_793, %gather3A_794, %gather3A_795] : memref<2x16x64xf32, #tpu.memory_space<vmem>> -> memref<1x16x64xf32, #tpu.memory_space<vmem>>
      %gather3A_797 = tpu.memref_squeeze %gather3A_796 : memref<1x16x64xf32, #tpu.memory_space<vmem>> -> memref<16x64xf32, #tpu.memory_space<vmem>>
      %gather3A_798 = tpu.vector_load_idx %gather3A_797[%iota3A, %broadcast_in_dim3A_786] : memref<16x64xf32, #tpu.memory_space<vmem>>[vector<16xi32>, vector<16xi32>], vector<16xf32>,
      %sub3A_799 = arith.subf %gather3A_792, %gather3A_798 : vector<16xf32>
      %mul3A_800 = arith.mulf %sub3A_799, %sub3A_799 : vector<16xf32>
      %add3A_801 = arith.addf %add3A_784, %mul3A_800 : vector<16xf32>
      %broadcast_in_dim3A_802 = arith.constant 41 : i32
      %broadcast_in_dim3A_803 = vector.broadcast %broadcast_in_dim3A_802 : i32 to vector<16xi32>
      %gather3A_804 = arith.constant 0 : i32
      %gather3A_805 = arith.constant 0 : i32
      %gather3A_806 = arith.constant 0 : i32
      %gather3A_807 = tpu.memref_slice %arg10[%gather3A_804, %gather3A_805, %gather3A_806] : memref<2x16x64xf32, #tpu.memory_space<vmem>> -> memref<1x16x64xf32, #tpu.memory_space<vmem>>
      %gather3A_808 = tpu.memref_squeeze %gather3A_807 : memref<1x16x64xf32, #tpu.memory_space<vmem>> -> memref<16x64xf32, #tpu.memory_space<vmem>>
      %gather3A_809 = tpu.vector_load_idx %gather3A_808[%iota3A, %broadcast_in_dim3A_803] : memref<16x64xf32, #tpu.memory_space<vmem>>[vector<16xi32>, vector<16xi32>], vector<16xf32>,
      %gather3A_810 = arith.constant 0 : i32
      %gather3A_811 = arith.constant 0 : i32
      %gather3A_812 = arith.constant 0 : i32
      %gather3A_813 = tpu.memref_slice %arg11[%gather3A_810, %gather3A_811, %gather3A_812] : memref<2x16x64xf32, #tpu.memory_space<vmem>> -> memref<1x16x64xf32, #tpu.memory_space<vmem>>
      %gather3A_814 = tpu.memref_squeeze %gather3A_813 : memref<1x16x64xf32, #tpu.memory_space<vmem>> -> memref<16x64xf32, #tpu.memory_space<vmem>>
      %gather3A_815 = tpu.vector_load_idx %gather3A_814[%iota3A, %broadcast_in_dim3A_803] : memref<16x64xf32, #tpu.memory_space<vmem>>[vector<16xi32>, vector<16xi32>], vector<16xf32>,
      %sub3A_816 = arith.subf %gather3A_809, %gather3A_815 : vector<16xf32>
      %mul3A_817 = arith.mulf %sub3A_816, %sub3A_816 : vector<16xf32>
      %add3A_818 = arith.addf %add3A_801, %mul3A_817 : vector<16xf32>
      %broadcast_in_dim3A_819 = arith.constant 42 : i32
      %broadcast_in_dim3A_820 = vector.broadcast %broadcast_in_dim3A_819 : i32 to vector<16xi32>
      %gather3A_821 = arith.constant 0 : i32
      %gather3A_822 = arith.constant 0 : i32
      %gather3A_823 = arith.constant 0 : i32
      %gather3A_824 = tpu.memref_slice %arg10[%gather3A_821, %gather3A_822, %gather3A_823] : memref<2x16x64xf32, #tpu.memory_space<vmem>> -> memref<1x16x64xf32, #tpu.memory_space<vmem>>
      %gather3A_825 = tpu.memref_squeeze %gather3A_824 : memref<1x16x64xf32, #tpu.memory_space<vmem>> -> memref<16x64xf32, #tpu.memory_space<vmem>>
      %gather3A_826 = tpu.vector_load_idx %gather3A_825[%iota3A, %broadcast_in_dim3A_820] : memref<16x64xf32, #tpu.memory_space<vmem>>[vector<16xi32>, vector<16xi32>], vector<16xf32>,
      %gather3A_827 = arith.constant 0 : i32
      %gather3A_828 = arith.constant 0 : i32
      %gather3A_829 = arith.constant 0 : i32
      %gather3A_830 = tpu.memref_slice %arg11[%gather3A_827, %gather3A_828, %gather3A_829] : memref<2x16x64xf32, #tpu.memory_space<vmem>> -> memref<1x16x64xf32, #tpu.memory_space<vmem>>
      %gather3A_831 = tpu.memref_squeeze %gather3A_830 : memref<1x16x64xf32, #tpu.memory_space<vmem>> -> memref<16x64xf32, #tpu.memory_space<vmem>>
      %gather3A_832 = tpu.vector_load_idx %gather3A_831[%iota3A, %broadcast_in_dim3A_820] : memref<16x64xf32, #tpu.memory_space<vmem>>[vector<16xi32>, vector<16xi32>], vector<16xf32>,
      %sub3A_833 = arith.subf %gather3A_826, %gather3A_832 : vector<16xf32>
      %mul3A_834 = arith.mulf %sub3A_833, %sub3A_833 : vector<16xf32>
      %add3A_835 = arith.addf %add3A_818, %mul3A_834 : vector<16xf32>
      %broadcast_in_dim3A_836 = arith.constant 43 : i32
      %broadcast_in_dim3A_837 = vector.broadcast %broadcast_in_dim3A_836 : i32 to vector<16xi32>
      %gather3A_838 = arith.constant 0 : i32
      %gather3A_839 = arith.constant 0 : i32
      %gather3A_840 = arith.constant 0 : i32
      %gather3A_841 = tpu.memref_slice %arg10[%gather3A_838, %gather3A_839, %gather3A_840] : memref<2x16x64xf32, #tpu.memory_space<vmem>> -> memref<1x16x64xf32, #tpu.memory_space<vmem>>
      %gather3A_842 = tpu.memref_squeeze %gather3A_841 : memref<1x16x64xf32, #tpu.memory_space<vmem>> -> memref<16x64xf32, #tpu.memory_space<vmem>>
      %gather3A_843 = tpu.vector_load_idx %gather3A_842[%iota3A, %broadcast_in_dim3A_837] : memref<16x64xf32, #tpu.memory_space<vmem>>[vector<16xi32>, vector<16xi32>], vector<16xf32>,
      %gather3A_844 = arith.constant 0 : i32
      %gather3A_845 = arith.constant 0 : i32
      %gather3A_846 = arith.constant 0 : i32
      %gather3A_847 = tpu.memref_slice %arg11[%gather3A_844, %gather3A_845, %gather3A_846] : memref<2x16x64xf32, #tpu.memory_space<vmem>> -> memref<1x16x64xf32, #tpu.memory_space<vmem>>
      %gather3A_848 = tpu.memref_squeeze %gather3A_847 : memref<1x16x64xf32, #tpu.memory_space<vmem>> -> memref<16x64xf32, #tpu.memory_space<vmem>>
      %gather3A_849 = tpu.vector_load_idx %gather3A_848[%iota3A, %broadcast_in_dim3A_837] : memref<16x64xf32, #tpu.memory_space<vmem>>[vector<16xi32>, vector<16xi32>], vector<16xf32>,
      %sub3A_850 = arith.subf %gather3A_843, %gather3A_849 : vector<16xf32>
      %mul3A_851 = arith.mulf %sub3A_850, %sub3A_850 : vector<16xf32>
      %add3A_852 = arith.addf %add3A_835, %mul3A_851 : vector<16xf32>
      %broadcast_in_dim3A_853 = arith.constant 44 : i32
      %broadcast_in_dim3A_854 = vector.broadcast %broadcast_in_dim3A_853 : i32 to vector<16xi32>
      %gather3A_855 = arith.constant 0 : i32
      %gather3A_856 = arith.constant 0 : i32
      %gather3A_857 = arith.constant 0 : i32
      %gather3A_858 = tpu.memref_slice %arg10[%gather3A_855, %gather3A_856, %gather3A_857] : memref<2x16x64xf32, #tpu.memory_space<vmem>> -> memref<1x16x64xf32, #tpu.memory_space<vmem>>
      %gather3A_859 = tpu.memref_squeeze %gather3A_858 : memref<1x16x64xf32, #tpu.memory_space<vmem>> -> memref<16x64xf32, #tpu.memory_space<vmem>>
      %gather3A_860 = tpu.vector_load_idx %gather3A_859[%iota3A, %broadcast_in_dim3A_854] : memref<16x64xf32, #tpu.memory_space<vmem>>[vector<16xi32>, vector<16xi32>], vector<16xf32>,
      %gather3A_861 = arith.constant 0 : i32
      %gather3A_862 = arith.constant 0 : i32
      %gather3A_863 = arith.constant 0 : i32
      %gather3A_864 = tpu.memref_slice %arg11[%gather3A_861, %gather3A_862, %gather3A_863] : memref<2x16x64xf32, #tpu.memory_space<vmem>> -> memref<1x16x64xf32, #tpu.memory_space<vmem>>
      %gather3A_865 = tpu.memref_squeeze %gather3A_864 : memref<1x16x64xf32, #tpu.memory_space<vmem>> -> memref<16x64xf32, #tpu.memory_space<vmem>>
      %gather3A_866 = tpu.vector_load_idx %gather3A_865[%iota3A, %broadcast_in_dim3A_854] : memref<16x64xf32, #tpu.memory_space<vmem>>[vector<16xi32>, vector<16xi32>], vector<16xf32>,
      %sub3A_867 = arith.subf %gather3A_860, %gather3A_866 : vector<16xf32>
      %mul3A_868 = arith.mulf %sub3A_867, %sub3A_867 : vector<16xf32>
      %add3A_869 = arith.addf %add3A_852, %mul3A_868 : vector<16xf32>
      %broadcast_in_dim3A_870 = arith.constant 45 : i32
      %broadcast_in_dim3A_871 = vector.broadcast %broadcast_in_dim3A_870 : i32 to vector<16xi32>
      %gather3A_872 = arith.constant 0 : i32
      %gather3A_873 = arith.constant 0 : i32
      %gather3A_874 = arith.constant 0 : i32
      %gather3A_875 = tpu.memref_slice %arg10[%gather3A_872, %gather3A_873, %gather3A_874] : memref<2x16x64xf32, #tpu.memory_space<vmem>> -> memref<1x16x64xf32, #tpu.memory_space<vmem>>
      %gather3A_876 = tpu.memref_squeeze %gather3A_875 : memref<1x16x64xf32, #tpu.memory_space<vmem>> -> memref<16x64xf32, #tpu.memory_space<vmem>>
      %gather3A_877 = tpu.vector_load_idx %gather3A_876[%iota3A, %broadcast_in_dim3A_871] : memref<16x64xf32, #tpu.memory_space<vmem>>[vector<16xi32>, vector<16xi32>], vector<16xf32>,
      %gather3A_878 = arith.constant 0 : i32
      %gather3A_879 = arith.constant 0 : i32
      %gather3A_880 = arith.constant 0 : i32
      %gather3A_881 = tpu.memref_slice %arg11[%gather3A_878, %gather3A_879, %gather3A_880] : memref<2x16x64xf32, #tpu.memory_space<vmem>> -> memref<1x16x64xf32, #tpu.memory_space<vmem>>
      %gather3A_882 = tpu.memref_squeeze %gather3A_881 : memref<1x16x64xf32, #tpu.memory_space<vmem>> -> memref<16x64xf32, #tpu.memory_space<vmem>>
      %gather3A_883 = tpu.vector_load_idx %gather3A_882[%iota3A, %broadcast_in_dim3A_871] : memref<16x64xf32, #tpu.memory_space<vmem>>[vector<16xi32>, vector<16xi32>], vector<16xf32>,
      %sub3A_884 = arith.subf %gather3A_877, %gather3A_883 : vector<16xf32>
      %mul3A_885 = arith.mulf %sub3A_884, %sub3A_884 : vector<16xf32>
      %add3A_886 = arith.addf %add3A_869, %mul3A_885 : vector<16xf32>
      %broadcast_in_dim3A_887 = arith.constant 46 : i32
      %broadcast_in_dim3A_888 = vector.broadcast %broadcast_in_dim3A_887 : i32 to vector<16xi32>
      %gather3A_889 = arith.constant 0 : i32
      %gather3A_890 = arith.constant 0 : i32
      %gather3A_891 = arith.constant 0 : i32
      %gather3A_892 = tpu.memref_slice %arg10[%gather3A_889, %gather3A_890, %gather3A_891] : memref<2x16x64xf32, #tpu.memory_space<vmem>> -> memref<1x16x64xf32, #tpu.memory_space<vmem>>
      %gather3A_893 = tpu.memref_squeeze %gather3A_892 : memref<1x16x64xf32, #tpu.memory_space<vmem>> -> memref<16x64xf32, #tpu.memory_space<vmem>>
      %gather3A_894 = tpu.vector_load_idx %gather3A_893[%iota3A, %broadcast_in_dim3A_888] : memref<16x64xf32, #tpu.memory_space<vmem>>[vector<16xi32>, vector<16xi32>], vector<16xf32>,
      %gather3A_895 = arith.constant 0 : i32
      %gather3A_896 = arith.constant 0 : i32
      %gather3A_897 = arith.constant 0 : i32
      %gather3A_898 = tpu.memref_slice %arg11[%gather3A_895, %gather3A_896, %gather3A_897] : memref<2x16x64xf32, #tpu.memory_space<vmem>> -> memref<1x16x64xf32, #tpu.memory_space<vmem>>
      %gather3A_899 = tpu.memref_squeeze %gather3A_898 : memref<1x16x64xf32, #tpu.memory_space<vmem>> -> memref<16x64xf32, #tpu.memory_space<vmem>>
      %gather3A_900 = tpu.vector_load_idx %gather3A_899[%iota3A, %broadcast_in_dim3A_888] : memref<16x64xf32, #tpu.memory_space<vmem>>[vector<16xi32>, vector<16xi32>], vector<16xf32>,
      %sub3A_901 = arith.subf %gather3A_894, %gather3A_900 : vector<16xf32>
      %mul3A_902 = arith.mulf %sub3A_901, %sub3A_901 : vector<16xf32>
      %add3A_903 = arith.addf %add3A_886, %mul3A_902 : vector<16xf32>
      %broadcast_in_dim3A_904 = arith.constant 47 : i32
      %broadcast_in_dim3A_905 = vector.broadcast %broadcast_in_dim3A_904 : i32 to vector<16xi32>
      %gather3A_906 = arith.constant 0 : i32
      %gather3A_907 = arith.constant 0 : i32
      %gather3A_908 = arith.constant 0 : i32
      %gather3A_909 = tpu.memref_slice %arg10[%gather3A_906, %gather3A_907, %gather3A_908] : memref<2x16x64xf32, #tpu.memory_space<vmem>> -> memref<1x16x64xf32, #tpu.memory_space<vmem>>
      %gather3A_910 = tpu.memref_squeeze %gather3A_909 : memref<1x16x64xf32, #tpu.memory_space<vmem>> -> memref<16x64xf32, #tpu.memory_space<vmem>>
      %gather3A_911 = tpu.vector_load_idx %gather3A_910[%iota3A, %broadcast_in_dim3A_905] : memref<16x64xf32, #tpu.memory_space<vmem>>[vector<16xi32>, vector<16xi32>], vector<16xf32>,
      %gather3A_912 = arith.constant 0 : i32
      %gather3A_913 = arith.constant 0 : i32
      %gather3A_914 = arith.constant 0 : i32
      %gather3A_915 = tpu.memref_slice %arg11[%gather3A_912, %gather3A_913, %gather3A_914] : memref<2x16x64xf32, #tpu.memory_space<vmem>> -> memref<1x16x64xf32, #tpu.memory_space<vmem>>
      %gather3A_916 = tpu.memref_squeeze %gather3A_915 : memref<1x16x64xf32, #tpu.memory_space<vmem>> -> memref<16x64xf32, #tpu.memory_space<vmem>>
      %gather3A_917 = tpu.vector_load_idx %gather3A_916[%iota3A, %broadcast_in_dim3A_905] : memref<16x64xf32, #tpu.memory_space<vmem>>[vector<16xi32>, vector<16xi32>], vector<16xf32>,
      %sub3A_918 = arith.subf %gather3A_911, %gather3A_917 : vector<16xf32>
      %mul3A_919 = arith.mulf %sub3A_918, %sub3A_918 : vector<16xf32>
      %add3A_920 = arith.addf %add3A_903, %mul3A_919 : vector<16xf32>
      %broadcast_in_dim3A_921 = arith.constant 48 : i32
      %broadcast_in_dim3A_922 = vector.broadcast %broadcast_in_dim3A_921 : i32 to vector<16xi32>
      %gather3A_923 = arith.constant 0 : i32
      %gather3A_924 = arith.constant 0 : i32
      %gather3A_925 = arith.constant 0 : i32
      %gather3A_926 = tpu.memref_slice %arg10[%gather3A_923, %gather3A_924, %gather3A_925] : memref<2x16x64xf32, #tpu.memory_space<vmem>> -> memref<1x16x64xf32, #tpu.memory_space<vmem>>
      %gather3A_927 = tpu.memref_squeeze %gather3A_926 : memref<1x16x64xf32, #tpu.memory_space<vmem>> -> memref<16x64xf32, #tpu.memory_space<vmem>>
      %gather3A_928 = tpu.vector_load_idx %gather3A_927[%iota3A, %broadcast_in_dim3A_922] : memref<16x64xf32, #tpu.memory_space<vmem>>[vector<16xi32>, vector<16xi32>], vector<16xf32>,
      %gather3A_929 = arith.constant 0 : i32
      %gather3A_930 = arith.constant 0 : i32
      %gather3A_931 = arith.constant 0 : i32
      %gather3A_932 = tpu.memref_slice %arg11[%gather3A_929, %gather3A_930, %gather3A_931] : memref<2x16x64xf32, #tpu.memory_space<vmem>> -> memref<1x16x64xf32, #tpu.memory_space<vmem>>
      %gather3A_933 = tpu.memref_squeeze %gather3A_932 : memref<1x16x64xf32, #tpu.memory_space<vmem>> -> memref<16x64xf32, #tpu.memory_space<vmem>>
      %gather3A_934 = tpu.vector_load_idx %gather3A_933[%iota3A, %broadcast_in_dim3A_922] : memref<16x64xf32, #tpu.memory_space<vmem>>[vector<16xi32>, vector<16xi32>], vector<16xf32>,
      %sub3A_935 = arith.subf %gather3A_928, %gather3A_934 : vector<16xf32>
      %mul3A_936 = arith.mulf %sub3A_935, %sub3A_935 : vector<16xf32>
      %add3A_937 = arith.addf %add3A_920, %mul3A_936 : vector<16xf32>
      %broadcast_in_dim3A_938 = arith.constant 49 : i32
      %broadcast_in_dim3A_939 = vector.broadcast %broadcast_in_dim3A_938 : i32 to vector<16xi32>
      %gather3A_940 = arith.constant 0 : i32
      %gather3A_941 = arith.constant 0 : i32
      %gather3A_942 = arith.constant 0 : i32
      %gather3A_943 = tpu.memref_slice %arg10[%gather3A_940, %gather3A_941, %gather3A_942] : memref<2x16x64xf32, #tpu.memory_space<vmem>> -> memref<1x16x64xf32, #tpu.memory_space<vmem>>
      %gather3A_944 = tpu.memref_squeeze %gather3A_943 : memref<1x16x64xf32, #tpu.memory_space<vmem>> -> memref<16x64xf32, #tpu.memory_space<vmem>>
      %gather3A_945 = tpu.vector_load_idx %gather3A_944[%iota3A, %broadcast_in_dim3A_939] : memref<16x64xf32, #tpu.memory_space<vmem>>[vector<16xi32>, vector<16xi32>], vector<16xf32>,
      %gather3A_946 = arith.constant 0 : i32
      %gather3A_947 = arith.constant 0 : i32
      %gather3A_948 = arith.constant 0 : i32
      %gather3A_949 = tpu.memref_slice %arg11[%gather3A_946, %gather3A_947, %gather3A_948] : memref<2x16x64xf32, #tpu.memory_space<vmem>> -> memref<1x16x64xf32, #tpu.memory_space<vmem>>
      %gather3A_950 = tpu.memref_squeeze %gather3A_949 : memref<1x16x64xf32, #tpu.memory_space<vmem>> -> memref<16x64xf32, #tpu.memory_space<vmem>>
      %gather3A_951 = tpu.vector_load_idx %gather3A_950[%iota3A, %broadcast_in_dim3A_939] : memref<16x64xf32, #tpu.memory_space<vmem>>[vector<16xi32>, vector<16xi32>], vector<16xf32>,
      %sub3A_952 = arith.subf %gather3A_945, %gather3A_951 : vector<16xf32>
      %mul3A_953 = arith.mulf %sub3A_952, %sub3A_952 : vector<16xf32>
      %add3A_954 = arith.addf %add3A_937, %mul3A_953 : vector<16xf32>
      %broadcast_in_dim3A_955 = arith.constant 50 : i32
      %broadcast_in_dim3A_956 = vector.broadcast %broadcast_in_dim3A_955 : i32 to vector<16xi32>
      %gather3A_957 = arith.constant 0 : i32
      %gather3A_958 = arith.constant 0 : i32
      %gather3A_959 = arith.constant 0 : i32
      %gather3A_960 = tpu.memref_slice %arg10[%gather3A_957, %gather3A_958, %gather3A_959] : memref<2x16x64xf32, #tpu.memory_space<vmem>> -> memref<1x16x64xf32, #tpu.memory_space<vmem>>
      %gather3A_961 = tpu.memref_squeeze %gather3A_960 : memref<1x16x64xf32, #tpu.memory_space<vmem>> -> memref<16x64xf32, #tpu.memory_space<vmem>>
      %gather3A_962 = tpu.vector_load_idx %gather3A_961[%iota3A, %broadcast_in_dim3A_956] : memref<16x64xf32, #tpu.memory_space<vmem>>[vector<16xi32>, vector<16xi32>], vector<16xf32>,
      %gather3A_963 = arith.constant 0 : i32
      %gather3A_964 = arith.constant 0 : i32
      %gather3A_965 = arith.constant 0 : i32
      %gather3A_966 = tpu.memref_slice %arg11[%gather3A_963, %gather3A_964, %gather3A_965] : memref<2x16x64xf32, #tpu.memory_space<vmem>> -> memref<1x16x64xf32, #tpu.memory_space<vmem>>
      %gather3A_967 = tpu.memref_squeeze %gather3A_966 : memref<1x16x64xf32, #tpu.memory_space<vmem>> -> memref<16x64xf32, #tpu.memory_space<vmem>>
      %gather3A_968 = tpu.vector_load_idx %gather3A_967[%iota3A, %broadcast_in_dim3A_956] : memref<16x64xf32, #tpu.memory_space<vmem>>[vector<16xi32>, vector<16xi32>], vector<16xf32>,
      %sub3A_969 = arith.subf %gather3A_962, %gather3A_968 : vector<16xf32>
      %mul3A_970 = arith.mulf %sub3A_969, %sub3A_969 : vector<16xf32>
      %add3A_971 = arith.addf %add3A_954, %mul3A_970 : vector<16xf32>
      %broadcast_in_dim3A_972 = arith.constant 51 : i32
      %broadcast_in_dim3A_973 = vector.broadcast %broadcast_in_dim3A_972 : i32 to vector<16xi32>
      %gather3A_974 = arith.constant 0 : i32
      %gather3A_975 = arith.constant 0 : i32
      %gather3A_976 = arith.constant 0 : i32
      %gather3A_977 = tpu.memref_slice %arg10[%gather3A_974, %gather3A_975, %gather3A_976] : memref<2x16x64xf32, #tpu.memory_space<vmem>> -> memref<1x16x64xf32, #tpu.memory_space<vmem>>
      %gather3A_978 = tpu.memref_squeeze %gather3A_977 : memref<1x16x64xf32, #tpu.memory_space<vmem>> -> memref<16x64xf32, #tpu.memory_space<vmem>>
      %gather3A_979 = tpu.vector_load_idx %gather3A_978[%iota3A, %broadcast_in_dim3A_973] : memref<16x64xf32, #tpu.memory_space<vmem>>[vector<16xi32>, vector<16xi32>], vector<16xf32>,
      %gather3A_980 = arith.constant 0 : i32
      %gather3A_981 = arith.constant 0 : i32
      %gather3A_982 = arith.constant 0 : i32
      %gather3A_983 = tpu.memref_slice %arg11[%gather3A_980, %gather3A_981, %gather3A_982] : memref<2x16x64xf32, #tpu.memory_space<vmem>> -> memref<1x16x64xf32, #tpu.memory_space<vmem>>
      %gather3A_984 = tpu.memref_squeeze %gather3A_983 : memref<1x16x64xf32, #tpu.memory_space<vmem>> -> memref<16x64xf32, #tpu.memory_space<vmem>>
      %gather3A_985 = tpu.vector_load_idx %gather3A_984[%iota3A, %broadcast_in_dim3A_973] : memref<16x64xf32, #tpu.memory_space<vmem>>[vector<16xi32>, vector<16xi32>], vector<16xf32>,
      %sub3A_986 = arith.subf %gather3A_979, %gather3A_985 : vector<16xf32>
      %mul3A_987 = arith.mulf %sub3A_986, %sub3A_986 : vector<16xf32>
      %add3A_988 = arith.addf %add3A_971, %mul3A_987 : vector<16xf32>
      %broadcast_in_dim3A_989 = arith.constant 52 : i32
      %broadcast_in_dim3A_990 = vector.broadcast %broadcast_in_dim3A_989 : i32 to vector<16xi32>
      %gather3A_991 = arith.constant 0 : i32
      %gather3A_992 = arith.constant 0 : i32
      %gather3A_993 = arith.constant 0 : i32
      %gather3A_994 = tpu.memref_slice %arg10[%gather3A_991, %gather3A_992, %gather3A_993] : memref<2x16x64xf32, #tpu.memory_space<vmem>> -> memref<1x16x64xf32, #tpu.memory_space<vmem>>
      %gather3A_995 = tpu.memref_squeeze %gather3A_994 : memref<1x16x64xf32, #tpu.memory_space<vmem>> -> memref<16x64xf32, #tpu.memory_space<vmem>>
      %gather3A_996 = tpu.vector_load_idx %gather3A_995[%iota3A, %broadcast_in_dim3A_990] : memref<16x64xf32, #tpu.memory_space<vmem>>[vector<16xi32>, vector<16xi32>], vector<16xf32>,
      %gather3A_997 = arith.constant 0 : i32
      %gather3A_998 = arith.constant 0 : i32
      %gather3A_999 = arith.constant 0 : i32
      %gather3A_1000 = tpu.memref_slice %arg11[%gather3A_997, %gather3A_998, %gather3A_999] : memref<2x16x64xf32, #tpu.memory_space<vmem>> -> memref<1x16x64xf32, #tpu.memory_space<vmem>>
      %gather3A_1001 = tpu.memref_squeeze %gather3A_1000 : memref<1x16x64xf32, #tpu.memory_space<vmem>> -> memref<16x64xf32, #tpu.memory_space<vmem>>
      %gather3A_1002 = tpu.vector_load_idx %gather3A_1001[%iota3A, %broadcast_in_dim3A_990] : memref<16x64xf32, #tpu.memory_space<vmem>>[vector<16xi32>, vector<16xi32>], vector<16xf32>,
      %sub3A_1003 = arith.subf %gather3A_996, %gather3A_1002 : vector<16xf32>
      %mul3A_1004 = arith.mulf %sub3A_1003, %sub3A_1003 : vector<16xf32>
      %add3A_1005 = arith.addf %add3A_988, %mul3A_1004 : vector<16xf32>
      %broadcast_in_dim3A_1006 = arith.constant 53 : i32
      %broadcast_in_dim3A_1007 = vector.broadcast %broadcast_in_dim3A_1006 : i32 to vector<16xi32>
      %gather3A_1008 = arith.constant 0 : i32
      %gather3A_1009 = arith.constant 0 : i32
      %gather3A_1010 = arith.constant 0 : i32
      %gather3A_1011 = tpu.memref_slice %arg10[%gather3A_1008, %gather3A_1009, %gather3A_1010] : memref<2x16x64xf32, #tpu.memory_space<vmem>> -> memref<1x16x64xf32, #tpu.memory_space<vmem>>
      %gather3A_1012 = tpu.memref_squeeze %gather3A_1011 : memref<1x16x64xf32, #tpu.memory_space<vmem>> -> memref<16x64xf32, #tpu.memory_space<vmem>>
      %gather3A_1013 = tpu.vector_load_idx %gather3A_1012[%iota3A, %broadcast_in_dim3A_1007] : memref<16x64xf32, #tpu.memory_space<vmem>>[vector<16xi32>, vector<16xi32>], vector<16xf32>,
      %gather3A_1014 = arith.constant 0 : i32
      %gather3A_1015 = arith.constant 0 : i32
      %gather3A_1016 = arith.constant 0 : i32
      %gather3A_1017 = tpu.memref_slice %arg11[%gather3A_1014, %gather3A_1015, %gather3A_1016] : memref<2x16x64xf32, #tpu.memory_space<vmem>> -> memref<1x16x64xf32, #tpu.memory_space<vmem>>
      %gather3A_1018 = tpu.memref_squeeze %gather3A_1017 : memref<1x16x64xf32, #tpu.memory_space<vmem>> -> memref<16x64xf32, #tpu.memory_space<vmem>>
      %gather3A_1019 = tpu.vector_load_idx %gather3A_1018[%iota3A, %broadcast_in_dim3A_1007] : memref<16x64xf32, #tpu.memory_space<vmem>>[vector<16xi32>, vector<16xi32>], vector<16xf32>,
      %sub3A_1020 = arith.subf %gather3A_1013, %gather3A_1019 : vector<16xf32>
      %mul3A_1021 = arith.mulf %sub3A_1020, %sub3A_1020 : vector<16xf32>
      %add3A_1022 = arith.addf %add3A_1005, %mul3A_1021 : vector<16xf32>
      %broadcast_in_dim3A_1023 = arith.constant 54 : i32
      %broadcast_in_dim3A_1024 = vector.broadcast %broadcast_in_dim3A_1023 : i32 to vector<16xi32>
      %gather3A_1025 = arith.constant 0 : i32
      %gather3A_1026 = arith.constant 0 : i32
      %gather3A_1027 = arith.constant 0 : i32
      %gather3A_1028 = tpu.memref_slice %arg10[%gather3A_1025, %gather3A_1026, %gather3A_1027] : memref<2x16x64xf32, #tpu.memory_space<vmem>> -> memref<1x16x64xf32, #tpu.memory_space<vmem>>
      %gather3A_1029 = tpu.memref_squeeze %gather3A_1028 : memref<1x16x64xf32, #tpu.memory_space<vmem>> -> memref<16x64xf32, #tpu.memory_space<vmem>>
      %gather3A_1030 = tpu.vector_load_idx %gather3A_1029[%iota3A, %broadcast_in_dim3A_1024] : memref<16x64xf32, #tpu.memory_space<vmem>>[vector<16xi32>, vector<16xi32>], vector<16xf32>,
      %gather3A_1031 = arith.constant 0 : i32
      %gather3A_1032 = arith.constant 0 : i32
      %gather3A_1033 = arith.constant 0 : i32
      %gather3A_1034 = tpu.memref_slice %arg11[%gather3A_1031, %gather3A_1032, %gather3A_1033] : memref<2x16x64xf32, #tpu.memory_space<vmem>> -> memref<1x16x64xf32, #tpu.memory_space<vmem>>
      %gather3A_1035 = tpu.memref_squeeze %gather3A_1034 : memref<1x16x64xf32, #tpu.memory_space<vmem>> -> memref<16x64xf32, #tpu.memory_space<vmem>>
      %gather3A_1036 = tpu.vector_load_idx %gather3A_1035[%iota3A, %broadcast_in_dim3A_1024] : memref<16x64xf32, #tpu.memory_space<vmem>>[vector<16xi32>, vector<16xi32>], vector<16xf32>,
      %sub3A_1037 = arith.subf %gather3A_1030, %gather3A_1036 : vector<16xf32>
      %mul3A_1038 = arith.mulf %sub3A_1037, %sub3A_1037 : vector<16xf32>
      %add3A_1039 = arith.addf %add3A_1022, %mul3A_1038 : vector<16xf32>
      %broadcast_in_dim3A_1040 = arith.constant 55 : i32
      %broadcast_in_dim3A_1041 = vector.broadcast %broadcast_in_dim3A_1040 : i32 to vector<16xi32>
      %gather3A_1042 = arith.constant 0 : i32
      %gather3A_1043 = arith.constant 0 : i32
      %gather3A_1044 = arith.constant 0 : i32
      %gather3A_1045 = tpu.memref_slice %arg10[%gather3A_1042, %gather3A_1043, %gather3A_1044] : memref<2x16x64xf32, #tpu.memory_space<vmem>> -> memref<1x16x64xf32, #tpu.memory_space<vmem>>
      %gather3A_1046 = tpu.memref_squeeze %gather3A_1045 : memref<1x16x64xf32, #tpu.memory_space<vmem>> -> memref<16x64xf32, #tpu.memory_space<vmem>>
      %gather3A_1047 = tpu.vector_load_idx %gather3A_1046[%iota3A, %broadcast_in_dim3A_1041] : memref<16x64xf32, #tpu.memory_space<vmem>>[vector<16xi32>, vector<16xi32>], vector<16xf32>,
      %gather3A_1048 = arith.constant 0 : i32
      %gather3A_1049 = arith.constant 0 : i32
      %gather3A_1050 = arith.constant 0 : i32
      %gather3A_1051 = tpu.memref_slice %arg11[%gather3A_1048, %gather3A_1049, %gather3A_1050] : memref<2x16x64xf32, #tpu.memory_space<vmem>> -> memref<1x16x64xf32, #tpu.memory_space<vmem>>
      %gather3A_1052 = tpu.memref_squeeze %gather3A_1051 : memref<1x16x64xf32, #tpu.memory_space<vmem>> -> memref<16x64xf32, #tpu.memory_space<vmem>>
      %gather3A_1053 = tpu.vector_load_idx %gather3A_1052[%iota3A, %broadcast_in_dim3A_1041] : memref<16x64xf32, #tpu.memory_space<vmem>>[vector<16xi32>, vector<16xi32>], vector<16xf32>,
      %sub3A_1054 = arith.subf %gather3A_1047, %gather3A_1053 : vector<16xf32>
      %mul3A_1055 = arith.mulf %sub3A_1054, %sub3A_1054 : vector<16xf32>
      %add3A_1056 = arith.addf %add3A_1039, %mul3A_1055 : vector<16xf32>
      %broadcast_in_dim3A_1057 = arith.constant 56 : i32
      %broadcast_in_dim3A_1058 = vector.broadcast %broadcast_in_dim3A_1057 : i32 to vector<16xi32>
      %gather3A_1059 = arith.constant 0 : i32
      %gather3A_1060 = arith.constant 0 : i32
      %gather3A_1061 = arith.constant 0 : i32
      %gather3A_1062 = tpu.memref_slice %arg10[%gather3A_1059, %gather3A_1060, %gather3A_1061] : memref<2x16x64xf32, #tpu.memory_space<vmem>> -> memref<1x16x64xf32, #tpu.memory_space<vmem>>
      %gather3A_1063 = tpu.memref_squeeze %gather3A_1062 : memref<1x16x64xf32, #tpu.memory_space<vmem>> -> memref<16x64xf32, #tpu.memory_space<vmem>>
      %gather3A_1064 = tpu.vector_load_idx %gather3A_1063[%iota3A, %broadcast_in_dim3A_1058] : memref<16x64xf32, #tpu.memory_space<vmem>>[vector<16xi32>, vector<16xi32>], vector<16xf32>,
      %gather3A_1065 = arith.constant 0 : i32
      %gather3A_1066 = arith.constant 0 : i32
      %gather3A_1067 = arith.constant 0 : i32
      %gather3A_1068 = tpu.memref_slice %arg11[%gather3A_1065, %gather3A_1066, %gather3A_1067] : memref<2x16x64xf32, #tpu.memory_space<vmem>> -> memref<1x16x64xf32, #tpu.memory_space<vmem>>
      %gather3A_1069 = tpu.memref_squeeze %gather3A_1068 : memref<1x16x64xf32, #tpu.memory_space<vmem>> -> memref<16x64xf32, #tpu.memory_space<vmem>>
      %gather3A_1070 = tpu.vector_load_idx %gather3A_1069[%iota3A, %broadcast_in_dim3A_1058] : memref<16x64xf32, #tpu.memory_space<vmem>>[vector<16xi32>, vector<16xi32>], vector<16xf32>,
      %sub3A_1071 = arith.subf %gather3A_1064, %gather3A_1070 : vector<16xf32>
      %mul3A_1072 = arith.mulf %sub3A_1071, %sub3A_1071 : vector<16xf32>
      %add3A_1073 = arith.addf %add3A_1056, %mul3A_1072 : vector<16xf32>
      %broadcast_in_dim3A_1074 = arith.constant 57 : i32
      %broadcast_in_dim3A_1075 = vector.broadcast %broadcast_in_dim3A_1074 : i32 to vector<16xi32>
      %gather3A_1076 = arith.constant 0 : i32
      %gather3A_1077 = arith.constant 0 : i32
      %gather3A_1078 = arith.constant 0 : i32
      %gather3A_1079 = tpu.memref_slice %arg10[%gather3A_1076, %gather3A_1077, %gather3A_1078] : memref<2x16x64xf32, #tpu.memory_space<vmem>> -> memref<1x16x64xf32, #tpu.memory_space<vmem>>
      %gather3A_1080 = tpu.memref_squeeze %gather3A_1079 : memref<1x16x64xf32, #tpu.memory_space<vmem>> -> memref<16x64xf32, #tpu.memory_space<vmem>>
      %gather3A_1081 = tpu.vector_load_idx %gather3A_1080[%iota3A, %broadcast_in_dim3A_1075] : memref<16x64xf32, #tpu.memory_space<vmem>>[vector<16xi32>, vector<16xi32>], vector<16xf32>,
      %gather3A_1082 = arith.constant 0 : i32
      %gather3A_1083 = arith.constant 0 : i32
      %gather3A_1084 = arith.constant 0 : i32
      %gather3A_1085 = tpu.memref_slice %arg11[%gather3A_1082, %gather3A_1083, %gather3A_1084] : memref<2x16x64xf32, #tpu.memory_space<vmem>> -> memref<1x16x64xf32, #tpu.memory_space<vmem>>
      %gather3A_1086 = tpu.memref_squeeze %gather3A_1085 : memref<1x16x64xf32, #tpu.memory_space<vmem>> -> memref<16x64xf32, #tpu.memory_space<vmem>>
      %gather3A_1087 = tpu.vector_load_idx %gather3A_1086[%iota3A, %broadcast_in_dim3A_1075] : memref<16x64xf32, #tpu.memory_space<vmem>>[vector<16xi32>, vector<16xi32>], vector<16xf32>,
      %sub3A_1088 = arith.subf %gather3A_1081, %gather3A_1087 : vector<16xf32>
      %mul3A_1089 = arith.mulf %sub3A_1088, %sub3A_1088 : vector<16xf32>
      %add3A_1090 = arith.addf %add3A_1073, %mul3A_1089 : vector<16xf32>
      %broadcast_in_dim3A_1091 = arith.constant 58 : i32
      %broadcast_in_dim3A_1092 = vector.broadcast %broadcast_in_dim3A_1091 : i32 to vector<16xi32>
      %gather3A_1093 = arith.constant 0 : i32
      %gather3A_1094 = arith.constant 0 : i32
      %gather3A_1095 = arith.constant 0 : i32
      %gather3A_1096 = tpu.memref_slice %arg10[%gather3A_1093, %gather3A_1094, %gather3A_1095] : memref<2x16x64xf32, #tpu.memory_space<vmem>> -> memref<1x16x64xf32, #tpu.memory_space<vmem>>
      %gather3A_1097 = tpu.memref_squeeze %gather3A_1096 : memref<1x16x64xf32, #tpu.memory_space<vmem>> -> memref<16x64xf32, #tpu.memory_space<vmem>>
      %gather3A_1098 = tpu.vector_load_idx %gather3A_1097[%iota3A, %broadcast_in_dim3A_1092] : memref<16x64xf32, #tpu.memory_space<vmem>>[vector<16xi32>, vector<16xi32>], vector<16xf32>,
      %gather3A_1099 = arith.constant 0 : i32
      %gather3A_1100 = arith.constant 0 : i32
      %gather3A_1101 = arith.constant 0 : i32
      %gather3A_1102 = tpu.memref_slice %arg11[%gather3A_1099, %gather3A_1100, %gather3A_1101] : memref<2x16x64xf32, #tpu.memory_space<vmem>> -> memref<1x16x64xf32, #tpu.memory_space<vmem>>
      %gather3A_1103 = tpu.memref_squeeze %gather3A_1102 : memref<1x16x64xf32, #tpu.memory_space<vmem>> -> memref<16x64xf32, #tpu.memory_space<vmem>>
      %gather3A_1104 = tpu.vector_load_idx %gather3A_1103[%iota3A, %broadcast_in_dim3A_1092] : memref<16x64xf32, #tpu.memory_space<vmem>>[vector<16xi32>, vector<16xi32>], vector<16xf32>,
      %sub3A_1105 = arith.subf %gather3A_1098, %gather3A_1104 : vector<16xf32>
      %mul3A_1106 = arith.mulf %sub3A_1105, %sub3A_1105 : vector<16xf32>
      %add3A_1107 = arith.addf %add3A_1090, %mul3A_1106 : vector<16xf32>
      %broadcast_in_dim3A_1108 = arith.constant 59 : i32
      %broadcast_in_dim3A_1109 = vector.broadcast %broadcast_in_dim3A_1108 : i32 to vector<16xi32>
      %gather3A_1110 = arith.constant 0 : i32
      %gather3A_1111 = arith.constant 0 : i32
      %gather3A_1112 = arith.constant 0 : i32
      %gather3A_1113 = tpu.memref_slice %arg10[%gather3A_1110, %gather3A_1111, %gather3A_1112] : memref<2x16x64xf32, #tpu.memory_space<vmem>> -> memref<1x16x64xf32, #tpu.memory_space<vmem>>
      %gather3A_1114 = tpu.memref_squeeze %gather3A_1113 : memref<1x16x64xf32, #tpu.memory_space<vmem>> -> memref<16x64xf32, #tpu.memory_space<vmem>>
      %gather3A_1115 = tpu.vector_load_idx %gather3A_1114[%iota3A, %broadcast_in_dim3A_1109] : memref<16x64xf32, #tpu.memory_space<vmem>>[vector<16xi32>, vector<16xi32>], vector<16xf32>,
      %gather3A_1116 = arith.constant 0 : i32
      %gather3A_1117 = arith.constant 0 : i32
      %gather3A_1118 = arith.constant 0 : i32
      %gather3A_1119 = tpu.memref_slice %arg11[%gather3A_1116, %gather3A_1117, %gather3A_1118] : memref<2x16x64xf32, #tpu.memory_space<vmem>> -> memref<1x16x64xf32, #tpu.memory_space<vmem>>
      %gather3A_1120 = tpu.memref_squeeze %gather3A_1119 : memref<1x16x64xf32, #tpu.memory_space<vmem>> -> memref<16x64xf32, #tpu.memory_space<vmem>>
      %gather3A_1121 = tpu.vector_load_idx %gather3A_1120[%iota3A, %broadcast_in_dim3A_1109] : memref<16x64xf32, #tpu.memory_space<vmem>>[vector<16xi32>, vector<16xi32>], vector<16xf32>,
      %sub3A_1122 = arith.subf %gather3A_1115, %gather3A_1121 : vector<16xf32>
      %mul3A_1123 = arith.mulf %sub3A_1122, %sub3A_1122 : vector<16xf32>
      %add3A_1124 = arith.addf %add3A_1107, %mul3A_1123 : vector<16xf32>
      %broadcast_in_dim3A_1125 = arith.constant 60 : i32
      %broadcast_in_dim3A_1126 = vector.broadcast %broadcast_in_dim3A_1125 : i32 to vector<16xi32>
      %gather3A_1127 = arith.constant 0 : i32
      %gather3A_1128 = arith.constant 0 : i32
      %gather3A_1129 = arith.constant 0 : i32
      %gather3A_1130 = tpu.memref_slice %arg10[%gather3A_1127, %gather3A_1128, %gather3A_1129] : memref<2x16x64xf32, #tpu.memory_space<vmem>> -> memref<1x16x64xf32, #tpu.memory_space<vmem>>
      %gather3A_1131 = tpu.memref_squeeze %gather3A_1130 : memref<1x16x64xf32, #tpu.memory_space<vmem>> -> memref<16x64xf32, #tpu.memory_space<vmem>>
      %gather3A_1132 = tpu.vector_load_idx %gather3A_1131[%iota3A, %broadcast_in_dim3A_1126] : memref<16x64xf32, #tpu.memory_space<vmem>>[vector<16xi32>, vector<16xi32>], vector<16xf32>,
      %gather3A_1133 = arith.constant 0 : i32
      %gather3A_1134 = arith.constant 0 : i32
      %gather3A_1135 = arith.constant 0 : i32
      %gather3A_1136 = tpu.memref_slice %arg11[%gather3A_1133, %gather3A_1134, %gather3A_1135] : memref<2x16x64xf32, #tpu.memory_space<vmem>> -> memref<1x16x64xf32, #tpu.memory_space<vmem>>
      %gather3A_1137 = tpu.memref_squeeze %gather3A_1136 : memref<1x16x64xf32, #tpu.memory_space<vmem>> -> memref<16x64xf32, #tpu.memory_space<vmem>>
      %gather3A_1138 = tpu.vector_load_idx %gather3A_1137[%iota3A, %broadcast_in_dim3A_1126] : memref<16x64xf32, #tpu.memory_space<vmem>>[vector<16xi32>, vector<16xi32>], vector<16xf32>,
      %sub3A_1139 = arith.subf %gather3A_1132, %gather3A_1138 : vector<16xf32>
      %mul3A_1140 = arith.mulf %sub3A_1139, %sub3A_1139 : vector<16xf32>
      %add3A_1141 = arith.addf %add3A_1124, %mul3A_1140 : vector<16xf32>
      %broadcast_in_dim3A_1142 = arith.constant 61 : i32
      %broadcast_in_dim3A_1143 = vector.broadcast %broadcast_in_dim3A_1142 : i32 to vector<16xi32>
      %gather3A_1144 = arith.constant 0 : i32
      %gather3A_1145 = arith.constant 0 : i32
      %gather3A_1146 = arith.constant 0 : i32
      %gather3A_1147 = tpu.memref_slice %arg10[%gather3A_1144, %gather3A_1145, %gather3A_1146] : memref<2x16x64xf32, #tpu.memory_space<vmem>> -> memref<1x16x64xf32, #tpu.memory_space<vmem>>
      %gather3A_1148 = tpu.memref_squeeze %gather3A_1147 : memref<1x16x64xf32, #tpu.memory_space<vmem>> -> memref<16x64xf32, #tpu.memory_space<vmem>>
      %gather3A_1149 = tpu.vector_load_idx %gather3A_1148[%iota3A, %broadcast_in_dim3A_1143] : memref<16x64xf32, #tpu.memory_space<vmem>>[vector<16xi32>, vector<16xi32>], vector<16xf32>,
      %gather3A_1150 = arith.constant 0 : i32
      %gather3A_1151 = arith.constant 0 : i32
      %gather3A_1152 = arith.constant 0 : i32
      %gather3A_1153 = tpu.memref_slice %arg11[%gather3A_1150, %gather3A_1151, %gather3A_1152] : memref<2x16x64xf32, #tpu.memory_space<vmem>> -> memref<1x16x64xf32, #tpu.memory_space<vmem>>
      %gather3A_1154 = tpu.memref_squeeze %gather3A_1153 : memref<1x16x64xf32, #tpu.memory_space<vmem>> -> memref<16x64xf32, #tpu.memory_space<vmem>>
      %gather3A_1155 = tpu.vector_load_idx %gather3A_1154[%iota3A, %broadcast_in_dim3A_1143] : memref<16x64xf32, #tpu.memory_space<vmem>>[vector<16xi32>, vector<16xi32>], vector<16xf32>,
      %sub3A_1156 = arith.subf %gather3A_1149, %gather3A_1155 : vector<16xf32>
      %mul3A_1157 = arith.mulf %sub3A_1156, %sub3A_1156 : vector<16xf32>
      %add3A_1158 = arith.addf %add3A_1141, %mul3A_1157 : vector<16xf32>
      %broadcast_in_dim3A_1159 = arith.constant 62 : i32
      %broadcast_in_dim3A_1160 = vector.broadcast %broadcast_in_dim3A_1159 : i32 to vector<16xi32>
      %gather3A_1161 = arith.constant 0 : i32
      %gather3A_1162 = arith.constant 0 : i32
      %gather3A_1163 = arith.constant 0 : i32
      %gather3A_1164 = tpu.memref_slice %arg10[%gather3A_1161, %gather3A_1162, %gather3A_1163] : memref<2x16x64xf32, #tpu.memory_space<vmem>> -> memref<1x16x64xf32, #tpu.memory_space<vmem>>
      %gather3A_1165 = tpu.memref_squeeze %gather3A_1164 : memref<1x16x64xf32, #tpu.memory_space<vmem>> -> memref<16x64xf32, #tpu.memory_space<vmem>>
      %gather3A_1166 = tpu.vector_load_idx %gather3A_1165[%iota3A, %broadcast_in_dim3A_1160] : memref<16x64xf32, #tpu.memory_space<vmem>>[vector<16xi32>, vector<16xi32>], vector<16xf32>,
      %gather3A_1167 = arith.constant 0 : i32
      %gather3A_1168 = arith.constant 0 : i32
      %gather3A_1169 = arith.constant 0 : i32
      %gather3A_1170 = tpu.memref_slice %arg11[%gather3A_1167, %gather3A_1168, %gather3A_1169] : memref<2x16x64xf32, #tpu.memory_space<vmem>> -> memref<1x16x64xf32, #tpu.memory_space<vmem>>
      %gather3A_1171 = tpu.memref_squeeze %gather3A_1170 : memref<1x16x64xf32, #tpu.memory_space<vmem>> -> memref<16x64xf32, #tpu.memory_space<vmem>>
      %gather3A_1172 = tpu.vector_load_idx %gather3A_1171[%iota3A, %broadcast_in_dim3A_1160] : memref<16x64xf32, #tpu.memory_space<vmem>>[vector<16xi32>, vector<16xi32>], vector<16xf32>,
      %sub3A_1173 = arith.subf %gather3A_1166, %gather3A_1172 : vector<16xf32>
      %mul3A_1174 = arith.mulf %sub3A_1173, %sub3A_1173 : vector<16xf32>
      %add3A_1175 = arith.addf %add3A_1158, %mul3A_1174 : vector<16xf32>
      %broadcast_in_dim3A_1176 = arith.constant 63 : i32
      %broadcast_in_dim3A_1177 = vector.broadcast %broadcast_in_dim3A_1176 : i32 to vector<16xi32>
      %gather3A_1178 = arith.constant 0 : i32
      %gather3A_1179 = arith.constant 0 : i32
      %gather3A_1180 = arith.constant 0 : i32
      %gather3A_1181 = tpu.memref_slice %arg10[%gather3A_1178, %gather3A_1179, %gather3A_1180] : memref<2x16x64xf32, #tpu.memory_space<vmem>> -> memref<1x16x64xf32, #tpu.memory_space<vmem>>
      %gather3A_1182 = tpu.memref_squeeze %gather3A_1181 : memref<1x16x64xf32, #tpu.memory_space<vmem>> -> memref<16x64xf32, #tpu.memory_space<vmem>>
      %gather3A_1183 = tpu.vector_load_idx %gather3A_1182[%iota3A, %broadcast_in_dim3A_1177] : memref<16x64xf32, #tpu.memory_space<vmem>>[vector<16xi32>, vector<16xi32>], vector<16xf32>,
      %gather3A_1184 = arith.constant 0 : i32
      %gather3A_1185 = arith.constant 0 : i32
      %gather3A_1186 = arith.constant 0 : i32
      %gather3A_1187 = tpu.memref_slice %arg11[%gather3A_1184, %gather3A_1185, %gather3A_1186] : memref<2x16x64xf32, #tpu.memory_space<vmem>> -> memref<1x16x64xf32, #tpu.memory_space<vmem>>
      %gather3A_1188 = tpu.memref_squeeze %gather3A_1187 : memref<1x16x64xf32, #tpu.memory_space<vmem>> -> memref<16x64xf32, #tpu.memory_space<vmem>>
      %gather3A_1189 = tpu.vector_load_idx %gather3A_1188[%iota3A, %broadcast_in_dim3A_1177] : memref<16x64xf32, #tpu.memory_space<vmem>>[vector<16xi32>, vector<16xi32>], vector<16xf32>,
      %sub3A_1190 = arith.subf %gather3A_1183, %gather3A_1189 : vector<16xf32>
      %mul3A_1191 = arith.mulf %sub3A_1190, %sub3A_1190 : vector<16xf32>
      %add3A_1192 = arith.addf %add3A_1175, %mul3A_1191 : vector<16xf32>
      %mul3A_1193 = arith.constant 16 : i32
      %mul3A_1194 = arith.muli %add3A_80, %mul3A_1193 : i32
      %multiple_of3A_1195 = tpu.assume_multiple %mul3A_1194, 16 : i32
      %mul3A_1196 = arith.mulf %exp3A, %add3A_1192 : vector<16xf32>
      %sub3A_1197 = arith.subf %mul3A_1196, %get3A_14 : vector<16xf32>
      %exp3A_1198 = math.exp %sub3A_1197 : vector<16xf32>
      %add3A_1199 = arith.constant 1.000000e+00 : f32
      %add3A_1200 = vector.broadcast %add3A_1199 : f32 to vector<16xf32>
      %add3A_1201 = arith.addf %add3A_1200, %exp3A_1198 : vector<16xf32>
      %div3A = arith.constant 1.000000e+00 : f32
      %div3A_1202 = vector.broadcast %div3A : f32 to vector<16xf32>
      %div3A_1203 = arith.divf %div3A_1202, %add3A_1201 : vector<16xf32>
      %swap3A = arith.index_cast %multiple_of3A_1195 : i32 to index
      %swap3A_1204 = tpu.vector_load %arg13[%swap3A] {strides = array<i32>} : memref<320xf32, #tpu.memory_space<vmem>>, vector<16xf32>,
      tpu.vector_store %arg13[%swap3A], %div3A_1203 {strides = array<i32>} : memref<320xf32, #tpu.memory_space<vmem>>, vector<16xf32>,
      %mul3A_1205 = arith.mulf %exp3A_10, %add3A_1192 : vector<16xf32>
      %sub3A_1206 = arith.subf %mul3A_1205, %get3A_18 : vector<16xf32>
      %exp3A_1207 = math.exp %sub3A_1206 : vector<16xf32>
      %add3A_1208 = arith.constant 1.000000e+00 : f32
      %add3A_1209 = vector.broadcast %add3A_1208 : f32 to vector<16xf32>
      %add3A_1210 = arith.addf %add3A_1209, %exp3A_1207 : vector<16xf32>
      %div3A_1211 = arith.constant 1.000000e+00 : f32
      %div3A_1212 = vector.broadcast %div3A_1211 : f32 to vector<16xf32>
      %div3A_1213 = arith.divf %div3A_1212, %add3A_1210 : vector<16xf32>
      %swap3A_1214 = arith.index_cast %multiple_of3A_1195 : i32 to index
      %swap3A_1215 = tpu.vector_load %arg14[%swap3A_1214] {strides = array<i32>} : memref<320xf32, #tpu.memory_space<vmem>>, vector<16xf32>,
      tpu.vector_store %arg14[%swap3A_1214], %div3A_1213 {strides = array<i32>} : memref<320xf32, #tpu.memory_space<vmem>>, vector<16xf32>,
      %add3A_1216 = arith.constant 2 : i32
      %add3A_1217 = arith.addi %add3A_80, %add3A_1216 : i32
      %lt3A = arith.constant 20 : i32
      %lt3A_1218 = arith.cmpi slt, %add3A_1217, %lt3A : i32
      %convert_element_type3A = arith.extui %lt3A_1218 : i1 to i32
      %cond3A = arith.constant 0 : i32
      %cond3A_1219 = arith.cmpi ne, %convert_element_type3A, %cond3A : i32
      scf.if %cond3A_1219 {
        %add3A_2370 = arith.constant 2 : i32
        %add3A_2371 = arith.addi %add3A_80, %add3A_2370 : i32
        %mul3A_2372 = arith.constant 16 : i32
        %mul3A_2373 = arith.muli %add3A_2371, %mul3A_2372 : i32
        %multiple_of3A_2374 = tpu.assume_multiple %mul3A_2373, 16 : i32
        %dma_start3A_2375 = arith.constant 0 : i32
        %dma_start3A_2376 = arith.constant 0 : i32
        %dma_start3A_2377 = arith.constant 0 : i32
        %dma_start3A_2378 = arith.constant 0 : i32
        %dma_start3A_2379 = tpu.memref_slice %arg10[%dma_start3A_2375, %dma_start3A_2377, %dma_start3A_2378] : memref<2x16x64xf32, #tpu.memory_space<vmem>> -> memref<1x16x64xf32, #tpu.memory_space<vmem>>
        %dma_start3A_2380 = tpu.memref_squeeze %dma_start3A_2379 : memref<1x16x64xf32, #tpu.memory_space<vmem>> -> memref<16x64xf32, #tpu.memory_space<vmem>>
        %dma_start3A_2381 = tpu.memref_slice %arg8[%multiple_of3A_2374] : memref<320xi32, #tpu.memory_space<vmem>> -> memref<16xi32, #tpu.memory_space<vmem>>
        %dma_start3A_2382 = arith.constant 0 : i32
        %dma_start3A_2383 = arith.constant 0 : i32
        %dma_start3A_2384 = tpu.memref_slice %arg2[%dma_start3A_2382, %dma_start3A_2383] : memref<10000x64xf32, #tpu.memory_space<hbm>> -> memref<10000x64xf32, #tpu.memory_space<hbm>>
        %dma_start3A_2385 = tpu.memref_slice %arg15[%dma_start3A_2376] : memref<2x!tpu.dma_semaphore, #tpu.memory_space<semaphore_mem>> -> memref<1x!tpu.dma_semaphore, #tpu.memory_space<semaphore_mem>>
        %dma_start3A_2386 = tpu.memref_squeeze %dma_start3A_2385 : memref<1x!tpu.dma_semaphore, #tpu.memory_space<semaphore_mem>> -> memref<!tpu.dma_semaphore, #tpu.memory_space<semaphore_mem>>
        tpu.enqueue_indirect_dma source(%dma_start3A_2384 : memref<10000x64xf32, #tpu.memory_space<hbm>>) target(%dma_start3A_2380 : memref<16x64xf32, #tpu.memory_space<vmem>>) offsets(%dma_start3A_2381 : memref<16xi32, #tpu.memory_space<vmem>>) semaphore(%dma_start3A_2386 : memref<!tpu.dma_semaphore, #tpu.memory_space<semaphore_mem>>)
        %dma_start3A_2387 = arith.constant 0 : i32
        %dma_start3A_2388 = arith.constant 0 : i32
        %dma_start3A_2389 = arith.constant 0 : i32
        %dma_start3A_2390 = arith.constant 0 : i32
        %dma_start3A_2391 = tpu.memref_slice %arg11[%dma_start3A_2387, %dma_start3A_2389, %dma_start3A_2390] : memref<2x16x64xf32, #tpu.memory_space<vmem>> -> memref<1x16x64xf32, #tpu.memory_space<vmem>>
        %dma_start3A_2392 = tpu.memref_squeeze %dma_start3A_2391 : memref<1x16x64xf32, #tpu.memory_space<vmem>> -> memref<16x64xf32, #tpu.memory_space<vmem>>
        %dma_start3A_2393 = tpu.memref_slice %arg9[%multiple_of3A_2374] : memref<320xi32, #tpu.memory_space<vmem>> -> memref<16xi32, #tpu.memory_space<vmem>>
        %dma_start3A_2394 = arith.constant 0 : i32
        %dma_start3A_2395 = arith.constant 0 : i32
        %dma_start3A_2396 = tpu.memref_slice %arg2[%dma_start3A_2394, %dma_start3A_2395] : memref<10000x64xf32, #tpu.memory_space<hbm>> -> memref<10000x64xf32, #tpu.memory_space<hbm>>
        %dma_start3A_2397 = tpu.memref_slice %arg16[%dma_start3A_2388] : memref<2x!tpu.dma_semaphore, #tpu.memory_space<semaphore_mem>> -> memref<1x!tpu.dma_semaphore, #tpu.memory_space<semaphore_mem>>
        %dma_start3A_2398 = tpu.memref_squeeze %dma_start3A_2397 : memref<1x!tpu.dma_semaphore, #tpu.memory_space<semaphore_mem>> -> memref<!tpu.dma_semaphore, #tpu.memory_space<semaphore_mem>>
        tpu.enqueue_indirect_dma source(%dma_start3A_2396 : memref<10000x64xf32, #tpu.memory_space<hbm>>) target(%dma_start3A_2392 : memref<16x64xf32, #tpu.memory_space<vmem>>) offsets(%dma_start3A_2393 : memref<16xi32, #tpu.memory_space<vmem>>) semaphore(%dma_start3A_2398 : memref<!tpu.dma_semaphore, #tpu.memory_space<semaphore_mem>>)
      } else {
      }
      %add3A_1220 = arith.constant 1 : i32
      %add3A_1221 = arith.addi %add3A_78, %add3A_1220 : i32
      %dma_wait3A_1222 = arith.constant 1 : i32
      %dma_wait3A_1223 = arith.constant 1 : i32
      %dma_wait3A_1224 = arith.constant 0 : i32
      %dma_wait3A_1225 = arith.constant 0 : i32
      %dma_wait3A_1226 = tpu.memref_slice %arg10[%dma_wait3A_1222, %dma_wait3A_1224, %dma_wait3A_1225] : memref<2x16x64xf32, #tpu.memory_space<vmem>> -> memref<1x16x64xf32, #tpu.memory_space<vmem>>
      %dma_wait3A_1227 = tpu.memref_squeeze %dma_wait3A_1226 : memref<1x16x64xf32, #tpu.memory_space<vmem>> -> memref<16x64xf32, #tpu.memory_space<vmem>>
      %dma_wait3A_1228 = arith.constant 0 : i32
      %dma_wait3A_1229 = tpu.memref_slice %arg8[%dma_wait3A_1228] : memref<320xi32, #tpu.memory_space<vmem>> -> memref<16xi32, #tpu.memory_space<vmem>>
      %dma_wait3A_1230 = arith.constant 0 : i32
      %dma_wait3A_1231 = arith.constant 0 : i32
      %dma_wait3A_1232 = tpu.memref_slice %arg2[%dma_wait3A_1230, %dma_wait3A_1231] : memref<10000x64xf32, #tpu.memory_space<hbm>> -> memref<10000x64xf32, #tpu.memory_space<hbm>>
      %dma_wait3A_1233 = tpu.memref_slice %arg15[%dma_wait3A_1223] : memref<2x!tpu.dma_semaphore, #tpu.memory_space<semaphore_mem>> -> memref<1x!tpu.dma_semaphore, #tpu.memory_space<semaphore_mem>>
      %dma_wait3A_1234 = tpu.memref_squeeze %dma_wait3A_1233 : memref<1x!tpu.dma_semaphore, #tpu.memory_space<semaphore_mem>> -> memref<!tpu.dma_semaphore, #tpu.memory_space<semaphore_mem>>
      tpu.wait_indirect_dma semaphore(%dma_wait3A_1234 : memref<!tpu.dma_semaphore, #tpu.memory_space<semaphore_mem>>) src(%dma_wait3A_1232 : memref<10000x64xf32, #tpu.memory_space<hbm>>) dst(%dma_wait3A_1227 : memref<16x64xf32, #tpu.memory_space<vmem>>)
      %dma_wait3A_1235 = arith.constant 1 : i32
      %dma_wait3A_1236 = arith.constant 1 : i32
      %dma_wait3A_1237 = arith.constant 0 : i32
      %dma_wait3A_1238 = arith.constant 0 : i32
      %dma_wait3A_1239 = tpu.memref_slice %arg11[%dma_wait3A_1235, %dma_wait3A_1237, %dma_wait3A_1238] : memref<2x16x64xf32, #tpu.memory_space<vmem>> -> memref<1x16x64xf32, #tpu.memory_space<vmem>>
      %dma_wait3A_1240 = tpu.memref_squeeze %dma_wait3A_1239 : memref<1x16x64xf32, #tpu.memory_space<vmem>> -> memref<16x64xf32, #tpu.memory_space<vmem>>
      %dma_wait3A_1241 = arith.constant 0 : i32
      %dma_wait3A_1242 = tpu.memref_slice %arg9[%dma_wait3A_1241] : memref<320xi32, #tpu.memory_space<vmem>> -> memref<16xi32, #tpu.memory_space<vmem>>
      %dma_wait3A_1243 = arith.constant 0 : i32
      %dma_wait3A_1244 = arith.constant 0 : i32
      %dma_wait3A_1245 = tpu.memref_slice %arg2[%dma_wait3A_1243, %dma_wait3A_1244] : memref<10000x64xf32, #tpu.memory_space<hbm>> -> memref<10000x64xf32, #tpu.memory_space<hbm>>
      %dma_wait3A_1246 = tpu.memref_slice %arg16[%dma_wait3A_1236] : memref<2x!tpu.dma_semaphore, #tpu.memory_space<semaphore_mem>> -> memref<1x!tpu.dma_semaphore, #tpu.memory_space<semaphore_mem>>
      %dma_wait3A_1247 = tpu.memref_squeeze %dma_wait3A_1246 : memref<1x!tpu.dma_semaphore, #tpu.memory_space<semaphore_mem>> -> memref<!tpu.dma_semaphore, #tpu.memory_space<semaphore_mem>>
      tpu.wait_indirect_dma semaphore(%dma_wait3A_1247 : memref<!tpu.dma_semaphore, #tpu.memory_space<semaphore_mem>>) src(%dma_wait3A_1245 : memref<10000x64xf32, #tpu.memory_space<hbm>>) dst(%dma_wait3A_1240 : memref<16x64xf32, #tpu.memory_space<vmem>>)
      %broadcast_in_dim3A_1248 = arith.constant 0.000000e+00 : f32
      %broadcast_in_dim3A_1249 = vector.broadcast %broadcast_in_dim3A_1248 : f32 to vector<16xf32>
      %broadcast_in_dim3A_1250 = arith.constant 0 : i32
      %broadcast_in_dim3A_1251 = vector.broadcast %broadcast_in_dim3A_1250 : i32 to vector<16xi32>
      %gather3A_1252 = arith.constant 1 : i32
      %gather3A_1253 = arith.constant 0 : i32
      %gather3A_1254 = arith.constant 0 : i32
      %gather3A_1255 = tpu.memref_slice %arg10[%gather3A_1252, %gather3A_1253, %gather3A_1254] : memref<2x16x64xf32, #tpu.memory_space<vmem>> -> memref<1x16x64xf32, #tpu.memory_space<vmem>>
      %gather3A_1256 = tpu.memref_squeeze %gather3A_1255 : memref<1x16x64xf32, #tpu.memory_space<vmem>> -> memref<16x64xf32, #tpu.memory_space<vmem>>
      %gather3A_1257 = tpu.vector_load_idx %gather3A_1256[%iota3A, %broadcast_in_dim3A_1251] : memref<16x64xf32, #tpu.memory_space<vmem>>[vector<16xi32>, vector<16xi32>], vector<16xf32>,
      %gather3A_1258 = arith.constant 1 : i32
      %gather3A_1259 = arith.constant 0 : i32
      %gather3A_1260 = arith.constant 0 : i32
      %gather3A_1261 = tpu.memref_slice %arg11[%gather3A_1258, %gather3A_1259, %gather3A_1260] : memref<2x16x64xf32, #tpu.memory_space<vmem>> -> memref<1x16x64xf32, #tpu.memory_space<vmem>>
      %gather3A_1262 = tpu.memref_squeeze %gather3A_1261 : memref<1x16x64xf32, #tpu.memory_space<vmem>> -> memref<16x64xf32, #tpu.memory_space<vmem>>
      %gather3A_1263 = tpu.vector_load_idx %gather3A_1262[%iota3A, %broadcast_in_dim3A_1251] : memref<16x64xf32, #tpu.memory_space<vmem>>[vector<16xi32>, vector<16xi32>], vector<16xf32>,
      %sub3A_1264 = arith.subf %gather3A_1257, %gather3A_1263 : vector<16xf32>
      %mul3A_1265 = arith.mulf %sub3A_1264, %sub3A_1264 : vector<16xf32>
      %add3A_1266 = arith.addf %broadcast_in_dim3A_1249, %mul3A_1265 : vector<16xf32>
      %broadcast_in_dim3A_1267 = arith.constant 1 : i32
      %broadcast_in_dim3A_1268 = vector.broadcast %broadcast_in_dim3A_1267 : i32 to vector<16xi32>
      %gather3A_1269 = arith.constant 1 : i32
      %gather3A_1270 = arith.constant 0 : i32
      %gather3A_1271 = arith.constant 0 : i32
      %gather3A_1272 = tpu.memref_slice %arg10[%gather3A_1269, %gather3A_1270, %gather3A_1271] : memref<2x16x64xf32, #tpu.memory_space<vmem>> -> memref<1x16x64xf32, #tpu.memory_space<vmem>>
      %gather3A_1273 = tpu.memref_squeeze %gather3A_1272 : memref<1x16x64xf32, #tpu.memory_space<vmem>> -> memref<16x64xf32, #tpu.memory_space<vmem>>
      %gather3A_1274 = tpu.vector_load_idx %gather3A_1273[%iota3A, %broadcast_in_dim3A_1268] : memref<16x64xf32, #tpu.memory_space<vmem>>[vector<16xi32>, vector<16xi32>], vector<16xf32>,
      %gather3A_1275 = arith.constant 1 : i32
      %gather3A_1276 = arith.constant 0 : i32
      %gather3A_1277 = arith.constant 0 : i32
      %gather3A_1278 = tpu.memref_slice %arg11[%gather3A_1275, %gather3A_1276, %gather3A_1277] : memref<2x16x64xf32, #tpu.memory_space<vmem>> -> memref<1x16x64xf32, #tpu.memory_space<vmem>>
      %gather3A_1279 = tpu.memref_squeeze %gather3A_1278 : memref<1x16x64xf32, #tpu.memory_space<vmem>> -> memref<16x64xf32, #tpu.memory_space<vmem>>
      %gather3A_1280 = tpu.vector_load_idx %gather3A_1279[%iota3A, %broadcast_in_dim3A_1268] : memref<16x64xf32, #tpu.memory_space<vmem>>[vector<16xi32>, vector<16xi32>], vector<16xf32>,
      %sub3A_1281 = arith.subf %gather3A_1274, %gather3A_1280 : vector<16xf32>
      %mul3A_1282 = arith.mulf %sub3A_1281, %sub3A_1281 : vector<16xf32>
      %add3A_1283 = arith.addf %add3A_1266, %mul3A_1282 : vector<16xf32>
      %broadcast_in_dim3A_1284 = arith.constant 2 : i32
      %broadcast_in_dim3A_1285 = vector.broadcast %broadcast_in_dim3A_1284 : i32 to vector<16xi32>
      %gather3A_1286 = arith.constant 1 : i32
      %gather3A_1287 = arith.constant 0 : i32
      %gather3A_1288 = arith.constant 0 : i32
      %gather3A_1289 = tpu.memref_slice %arg10[%gather3A_1286, %gather3A_1287, %gather3A_1288] : memref<2x16x64xf32, #tpu.memory_space<vmem>> -> memref<1x16x64xf32, #tpu.memory_space<vmem>>
      %gather3A_1290 = tpu.memref_squeeze %gather3A_1289 : memref<1x16x64xf32, #tpu.memory_space<vmem>> -> memref<16x64xf32, #tpu.memory_space<vmem>>
      %gather3A_1291 = tpu.vector_load_idx %gather3A_1290[%iota3A, %broadcast_in_dim3A_1285] : memref<16x64xf32, #tpu.memory_space<vmem>>[vector<16xi32>, vector<16xi32>], vector<16xf32>,
      %gather3A_1292 = arith.constant 1 : i32
      %gather3A_1293 = arith.constant 0 : i32
      %gather3A_1294 = arith.constant 0 : i32
      %gather3A_1295 = tpu.memref_slice %arg11[%gather3A_1292, %gather3A_1293, %gather3A_1294] : memref<2x16x64xf32, #tpu.memory_space<vmem>> -> memref<1x16x64xf32, #tpu.memory_space<vmem>>
      %gather3A_1296 = tpu.memref_squeeze %gather3A_1295 : memref<1x16x64xf32, #tpu.memory_space<vmem>> -> memref<16x64xf32, #tpu.memory_space<vmem>>
      %gather3A_1297 = tpu.vector_load_idx %gather3A_1296[%iota3A, %broadcast_in_dim3A_1285] : memref<16x64xf32, #tpu.memory_space<vmem>>[vector<16xi32>, vector<16xi32>], vector<16xf32>,
      %sub3A_1298 = arith.subf %gather3A_1291, %gather3A_1297 : vector<16xf32>
      %mul3A_1299 = arith.mulf %sub3A_1298, %sub3A_1298 : vector<16xf32>
      %add3A_1300 = arith.addf %add3A_1283, %mul3A_1299 : vector<16xf32>
      %broadcast_in_dim3A_1301 = arith.constant 3 : i32
      %broadcast_in_dim3A_1302 = vector.broadcast %broadcast_in_dim3A_1301 : i32 to vector<16xi32>
      %gather3A_1303 = arith.constant 1 : i32
      %gather3A_1304 = arith.constant 0 : i32
      %gather3A_1305 = arith.constant 0 : i32
      %gather3A_1306 = tpu.memref_slice %arg10[%gather3A_1303, %gather3A_1304, %gather3A_1305] : memref<2x16x64xf32, #tpu.memory_space<vmem>> -> memref<1x16x64xf32, #tpu.memory_space<vmem>>
      %gather3A_1307 = tpu.memref_squeeze %gather3A_1306 : memref<1x16x64xf32, #tpu.memory_space<vmem>> -> memref<16x64xf32, #tpu.memory_space<vmem>>
      %gather3A_1308 = tpu.vector_load_idx %gather3A_1307[%iota3A, %broadcast_in_dim3A_1302] : memref<16x64xf32, #tpu.memory_space<vmem>>[vector<16xi32>, vector<16xi32>], vector<16xf32>,
      %gather3A_1309 = arith.constant 1 : i32
      %gather3A_1310 = arith.constant 0 : i32
      %gather3A_1311 = arith.constant 0 : i32
      %gather3A_1312 = tpu.memref_slice %arg11[%gather3A_1309, %gather3A_1310, %gather3A_1311] : memref<2x16x64xf32, #tpu.memory_space<vmem>> -> memref<1x16x64xf32, #tpu.memory_space<vmem>>
      %gather3A_1313 = tpu.memref_squeeze %gather3A_1312 : memref<1x16x64xf32, #tpu.memory_space<vmem>> -> memref<16x64xf32, #tpu.memory_space<vmem>>
      %gather3A_1314 = tpu.vector_load_idx %gather3A_1313[%iota3A, %broadcast_in_dim3A_1302] : memref<16x64xf32, #tpu.memory_space<vmem>>[vector<16xi32>, vector<16xi32>], vector<16xf32>,
      %sub3A_1315 = arith.subf %gather3A_1308, %gather3A_1314 : vector<16xf32>
      %mul3A_1316 = arith.mulf %sub3A_1315, %sub3A_1315 : vector<16xf32>
      %add3A_1317 = arith.addf %add3A_1300, %mul3A_1316 : vector<16xf32>
      %broadcast_in_dim3A_1318 = arith.constant 4 : i32
      %broadcast_in_dim3A_1319 = vector.broadcast %broadcast_in_dim3A_1318 : i32 to vector<16xi32>
      %gather3A_1320 = arith.constant 1 : i32
      %gather3A_1321 = arith.constant 0 : i32
      %gather3A_1322 = arith.constant 0 : i32
      %gather3A_1323 = tpu.memref_slice %arg10[%gather3A_1320, %gather3A_1321, %gather3A_1322] : memref<2x16x64xf32, #tpu.memory_space<vmem>> -> memref<1x16x64xf32, #tpu.memory_space<vmem>>
      %gather3A_1324 = tpu.memref_squeeze %gather3A_1323 : memref<1x16x64xf32, #tpu.memory_space<vmem>> -> memref<16x64xf32, #tpu.memory_space<vmem>>
      %gather3A_1325 = tpu.vector_load_idx %gather3A_1324[%iota3A, %broadcast_in_dim3A_1319] : memref<16x64xf32, #tpu.memory_space<vmem>>[vector<16xi32>, vector<16xi32>], vector<16xf32>,
      %gather3A_1326 = arith.constant 1 : i32
      %gather3A_1327 = arith.constant 0 : i32
      %gather3A_1328 = arith.constant 0 : i32
      %gather3A_1329 = tpu.memref_slice %arg11[%gather3A_1326, %gather3A_1327, %gather3A_1328] : memref<2x16x64xf32, #tpu.memory_space<vmem>> -> memref<1x16x64xf32, #tpu.memory_space<vmem>>
      %gather3A_1330 = tpu.memref_squeeze %gather3A_1329 : memref<1x16x64xf32, #tpu.memory_space<vmem>> -> memref<16x64xf32, #tpu.memory_space<vmem>>
      %gather3A_1331 = tpu.vector_load_idx %gather3A_1330[%iota3A, %broadcast_in_dim3A_1319] : memref<16x64xf32, #tpu.memory_space<vmem>>[vector<16xi32>, vector<16xi32>], vector<16xf32>,
      %sub3A_1332 = arith.subf %gather3A_1325, %gather3A_1331 : vector<16xf32>
      %mul3A_1333 = arith.mulf %sub3A_1332, %sub3A_1332 : vector<16xf32>
      %add3A_1334 = arith.addf %add3A_1317, %mul3A_1333 : vector<16xf32>
      %broadcast_in_dim3A_1335 = arith.constant 5 : i32
      %broadcast_in_dim3A_1336 = vector.broadcast %broadcast_in_dim3A_1335 : i32 to vector<16xi32>
      %gather3A_1337 = arith.constant 1 : i32
      %gather3A_1338 = arith.constant 0 : i32
      %gather3A_1339 = arith.constant 0 : i32
      %gather3A_1340 = tpu.memref_slice %arg10[%gather3A_1337, %gather3A_1338, %gather3A_1339] : memref<2x16x64xf32, #tpu.memory_space<vmem>> -> memref<1x16x64xf32, #tpu.memory_space<vmem>>
      %gather3A_1341 = tpu.memref_squeeze %gather3A_1340 : memref<1x16x64xf32, #tpu.memory_space<vmem>> -> memref<16x64xf32, #tpu.memory_space<vmem>>
      %gather3A_1342 = tpu.vector_load_idx %gather3A_1341[%iota3A, %broadcast_in_dim3A_1336] : memref<16x64xf32, #tpu.memory_space<vmem>>[vector<16xi32>, vector<16xi32>], vector<16xf32>,
      %gather3A_1343 = arith.constant 1 : i32
      %gather3A_1344 = arith.constant 0 : i32
      %gather3A_1345 = arith.constant 0 : i32
      %gather3A_1346 = tpu.memref_slice %arg11[%gather3A_1343, %gather3A_1344, %gather3A_1345] : memref<2x16x64xf32, #tpu.memory_space<vmem>> -> memref<1x16x64xf32, #tpu.memory_space<vmem>>
      %gather3A_1347 = tpu.memref_squeeze %gather3A_1346 : memref<1x16x64xf32, #tpu.memory_space<vmem>> -> memref<16x64xf32, #tpu.memory_space<vmem>>
      %gather3A_1348 = tpu.vector_load_idx %gather3A_1347[%iota3A, %broadcast_in_dim3A_1336] : memref<16x64xf32, #tpu.memory_space<vmem>>[vector<16xi32>, vector<16xi32>], vector<16xf32>,
      %sub3A_1349 = arith.subf %gather3A_1342, %gather3A_1348 : vector<16xf32>
      %mul3A_1350 = arith.mulf %sub3A_1349, %sub3A_1349 : vector<16xf32>
      %add3A_1351 = arith.addf %add3A_1334, %mul3A_1350 : vector<16xf32>
      %broadcast_in_dim3A_1352 = arith.constant 6 : i32
      %broadcast_in_dim3A_1353 = vector.broadcast %broadcast_in_dim3A_1352 : i32 to vector<16xi32>
      %gather3A_1354 = arith.constant 1 : i32
      %gather3A_1355 = arith.constant 0 : i32
      %gather3A_1356 = arith.constant 0 : i32
      %gather3A_1357 = tpu.memref_slice %arg10[%gather3A_1354, %gather3A_1355, %gather3A_1356] : memref<2x16x64xf32, #tpu.memory_space<vmem>> -> memref<1x16x64xf32, #tpu.memory_space<vmem>>
      %gather3A_1358 = tpu.memref_squeeze %gather3A_1357 : memref<1x16x64xf32, #tpu.memory_space<vmem>> -> memref<16x64xf32, #tpu.memory_space<vmem>>
      %gather3A_1359 = tpu.vector_load_idx %gather3A_1358[%iota3A, %broadcast_in_dim3A_1353] : memref<16x64xf32, #tpu.memory_space<vmem>>[vector<16xi32>, vector<16xi32>], vector<16xf32>,
      %gather3A_1360 = arith.constant 1 : i32
      %gather3A_1361 = arith.constant 0 : i32
      %gather3A_1362 = arith.constant 0 : i32
      %gather3A_1363 = tpu.memref_slice %arg11[%gather3A_1360, %gather3A_1361, %gather3A_1362] : memref<2x16x64xf32, #tpu.memory_space<vmem>> -> memref<1x16x64xf32, #tpu.memory_space<vmem>>
      %gather3A_1364 = tpu.memref_squeeze %gather3A_1363 : memref<1x16x64xf32, #tpu.memory_space<vmem>> -> memref<16x64xf32, #tpu.memory_space<vmem>>
      %gather3A_1365 = tpu.vector_load_idx %gather3A_1364[%iota3A, %broadcast_in_dim3A_1353] : memref<16x64xf32, #tpu.memory_space<vmem>>[vector<16xi32>, vector<16xi32>], vector<16xf32>,
      %sub3A_1366 = arith.subf %gather3A_1359, %gather3A_1365 : vector<16xf32>
      %mul3A_1367 = arith.mulf %sub3A_1366, %sub3A_1366 : vector<16xf32>
      %add3A_1368 = arith.addf %add3A_1351, %mul3A_1367 : vector<16xf32>
      %broadcast_in_dim3A_1369 = arith.constant 7 : i32
      %broadcast_in_dim3A_1370 = vector.broadcast %broadcast_in_dim3A_1369 : i32 to vector<16xi32>
      %gather3A_1371 = arith.constant 1 : i32
      %gather3A_1372 = arith.constant 0 : i32
      %gather3A_1373 = arith.constant 0 : i32
      %gather3A_1374 = tpu.memref_slice %arg10[%gather3A_1371, %gather3A_1372, %gather3A_1373] : memref<2x16x64xf32, #tpu.memory_space<vmem>> -> memref<1x16x64xf32, #tpu.memory_space<vmem>>
      %gather3A_1375 = tpu.memref_squeeze %gather3A_1374 : memref<1x16x64xf32, #tpu.memory_space<vmem>> -> memref<16x64xf32, #tpu.memory_space<vmem>>
      %gather3A_1376 = tpu.vector_load_idx %gather3A_1375[%iota3A, %broadcast_in_dim3A_1370] : memref<16x64xf32, #tpu.memory_space<vmem>>[vector<16xi32>, vector<16xi32>], vector<16xf32>,
      %gather3A_1377 = arith.constant 1 : i32
      %gather3A_1378 = arith.constant 0 : i32
      %gather3A_1379 = arith.constant 0 : i32
      %gather3A_1380 = tpu.memref_slice %arg11[%gather3A_1377, %gather3A_1378, %gather3A_1379] : memref<2x16x64xf32, #tpu.memory_space<vmem>> -> memref<1x16x64xf32, #tpu.memory_space<vmem>>
      %gather3A_1381 = tpu.memref_squeeze %gather3A_1380 : memref<1x16x64xf32, #tpu.memory_space<vmem>> -> memref<16x64xf32, #tpu.memory_space<vmem>>
      %gather3A_1382 = tpu.vector_load_idx %gather3A_1381[%iota3A, %broadcast_in_dim3A_1370] : memref<16x64xf32, #tpu.memory_space<vmem>>[vector<16xi32>, vector<16xi32>], vector<16xf32>,
      %sub3A_1383 = arith.subf %gather3A_1376, %gather3A_1382 : vector<16xf32>
      %mul3A_1384 = arith.mulf %sub3A_1383, %sub3A_1383 : vector<16xf32>
      %add3A_1385 = arith.addf %add3A_1368, %mul3A_1384 : vector<16xf32>
      %broadcast_in_dim3A_1386 = arith.constant 8 : i32
      %broadcast_in_dim3A_1387 = vector.broadcast %broadcast_in_dim3A_1386 : i32 to vector<16xi32>
      %gather3A_1388 = arith.constant 1 : i32
      %gather3A_1389 = arith.constant 0 : i32
      %gather3A_1390 = arith.constant 0 : i32
      %gather3A_1391 = tpu.memref_slice %arg10[%gather3A_1388, %gather3A_1389, %gather3A_1390] : memref<2x16x64xf32, #tpu.memory_space<vmem>> -> memref<1x16x64xf32, #tpu.memory_space<vmem>>
      %gather3A_1392 = tpu.memref_squeeze %gather3A_1391 : memref<1x16x64xf32, #tpu.memory_space<vmem>> -> memref<16x64xf32, #tpu.memory_space<vmem>>
      %gather3A_1393 = tpu.vector_load_idx %gather3A_1392[%iota3A, %broadcast_in_dim3A_1387] : memref<16x64xf32, #tpu.memory_space<vmem>>[vector<16xi32>, vector<16xi32>], vector<16xf32>,
      %gather3A_1394 = arith.constant 1 : i32
      %gather3A_1395 = arith.constant 0 : i32
      %gather3A_1396 = arith.constant 0 : i32
      %gather3A_1397 = tpu.memref_slice %arg11[%gather3A_1394, %gather3A_1395, %gather3A_1396] : memref<2x16x64xf32, #tpu.memory_space<vmem>> -> memref<1x16x64xf32, #tpu.memory_space<vmem>>
      %gather3A_1398 = tpu.memref_squeeze %gather3A_1397 : memref<1x16x64xf32, #tpu.memory_space<vmem>> -> memref<16x64xf32, #tpu.memory_space<vmem>>
      %gather3A_1399 = tpu.vector_load_idx %gather3A_1398[%iota3A, %broadcast_in_dim3A_1387] : memref<16x64xf32, #tpu.memory_space<vmem>>[vector<16xi32>, vector<16xi32>], vector<16xf32>,
      %sub3A_1400 = arith.subf %gather3A_1393, %gather3A_1399 : vector<16xf32>
      %mul3A_1401 = arith.mulf %sub3A_1400, %sub3A_1400 : vector<16xf32>
      %add3A_1402 = arith.addf %add3A_1385, %mul3A_1401 : vector<16xf32>
      %broadcast_in_dim3A_1403 = arith.constant 9 : i32
      %broadcast_in_dim3A_1404 = vector.broadcast %broadcast_in_dim3A_1403 : i32 to vector<16xi32>
      %gather3A_1405 = arith.constant 1 : i32
      %gather3A_1406 = arith.constant 0 : i32
      %gather3A_1407 = arith.constant 0 : i32
      %gather3A_1408 = tpu.memref_slice %arg10[%gather3A_1405, %gather3A_1406, %gather3A_1407] : memref<2x16x64xf32, #tpu.memory_space<vmem>> -> memref<1x16x64xf32, #tpu.memory_space<vmem>>
      %gather3A_1409 = tpu.memref_squeeze %gather3A_1408 : memref<1x16x64xf32, #tpu.memory_space<vmem>> -> memref<16x64xf32, #tpu.memory_space<vmem>>
      %gather3A_1410 = tpu.vector_load_idx %gather3A_1409[%iota3A, %broadcast_in_dim3A_1404] : memref<16x64xf32, #tpu.memory_space<vmem>>[vector<16xi32>, vector<16xi32>], vector<16xf32>,
      %gather3A_1411 = arith.constant 1 : i32
      %gather3A_1412 = arith.constant 0 : i32
      %gather3A_1413 = arith.constant 0 : i32
      %gather3A_1414 = tpu.memref_slice %arg11[%gather3A_1411, %gather3A_1412, %gather3A_1413] : memref<2x16x64xf32, #tpu.memory_space<vmem>> -> memref<1x16x64xf32, #tpu.memory_space<vmem>>
      %gather3A_1415 = tpu.memref_squeeze %gather3A_1414 : memref<1x16x64xf32, #tpu.memory_space<vmem>> -> memref<16x64xf32, #tpu.memory_space<vmem>>
      %gather3A_1416 = tpu.vector_load_idx %gather3A_1415[%iota3A, %broadcast_in_dim3A_1404] : memref<16x64xf32, #tpu.memory_space<vmem>>[vector<16xi32>, vector<16xi32>], vector<16xf32>,
      %sub3A_1417 = arith.subf %gather3A_1410, %gather3A_1416 : vector<16xf32>
      %mul3A_1418 = arith.mulf %sub3A_1417, %sub3A_1417 : vector<16xf32>
      %add3A_1419 = arith.addf %add3A_1402, %mul3A_1418 : vector<16xf32>
      %broadcast_in_dim3A_1420 = arith.constant 10 : i32
      %broadcast_in_dim3A_1421 = vector.broadcast %broadcast_in_dim3A_1420 : i32 to vector<16xi32>
      %gather3A_1422 = arith.constant 1 : i32
      %gather3A_1423 = arith.constant 0 : i32
      %gather3A_1424 = arith.constant 0 : i32
      %gather3A_1425 = tpu.memref_slice %arg10[%gather3A_1422, %gather3A_1423, %gather3A_1424] : memref<2x16x64xf32, #tpu.memory_space<vmem>> -> memref<1x16x64xf32, #tpu.memory_space<vmem>>
      %gather3A_1426 = tpu.memref_squeeze %gather3A_1425 : memref<1x16x64xf32, #tpu.memory_space<vmem>> -> memref<16x64xf32, #tpu.memory_space<vmem>>
      %gather3A_1427 = tpu.vector_load_idx %gather3A_1426[%iota3A, %broadcast_in_dim3A_1421] : memref<16x64xf32, #tpu.memory_space<vmem>>[vector<16xi32>, vector<16xi32>], vector<16xf32>,
      %gather3A_1428 = arith.constant 1 : i32
      %gather3A_1429 = arith.constant 0 : i32
      %gather3A_1430 = arith.constant 0 : i32
      %gather3A_1431 = tpu.memref_slice %arg11[%gather3A_1428, %gather3A_1429, %gather3A_1430] : memref<2x16x64xf32, #tpu.memory_space<vmem>> -> memref<1x16x64xf32, #tpu.memory_space<vmem>>
      %gather3A_1432 = tpu.memref_squeeze %gather3A_1431 : memref<1x16x64xf32, #tpu.memory_space<vmem>> -> memref<16x64xf32, #tpu.memory_space<vmem>>
      %gather3A_1433 = tpu.vector_load_idx %gather3A_1432[%iota3A, %broadcast_in_dim3A_1421] : memref<16x64xf32, #tpu.memory_space<vmem>>[vector<16xi32>, vector<16xi32>], vector<16xf32>,
      %sub3A_1434 = arith.subf %gather3A_1427, %gather3A_1433 : vector<16xf32>
      %mul3A_1435 = arith.mulf %sub3A_1434, %sub3A_1434 : vector<16xf32>
      %add3A_1436 = arith.addf %add3A_1419, %mul3A_1435 : vector<16xf32>
      %broadcast_in_dim3A_1437 = arith.constant 11 : i32
      %broadcast_in_dim3A_1438 = vector.broadcast %broadcast_in_dim3A_1437 : i32 to vector<16xi32>
      %gather3A_1439 = arith.constant 1 : i32
      %gather3A_1440 = arith.constant 0 : i32
      %gather3A_1441 = arith.constant 0 : i32
      %gather3A_1442 = tpu.memref_slice %arg10[%gather3A_1439, %gather3A_1440, %gather3A_1441] : memref<2x16x64xf32, #tpu.memory_space<vmem>> -> memref<1x16x64xf32, #tpu.memory_space<vmem>>
      %gather3A_1443 = tpu.memref_squeeze %gather3A_1442 : memref<1x16x64xf32, #tpu.memory_space<vmem>> -> memref<16x64xf32, #tpu.memory_space<vmem>>
      %gather3A_1444 = tpu.vector_load_idx %gather3A_1443[%iota3A, %broadcast_in_dim3A_1438] : memref<16x64xf32, #tpu.memory_space<vmem>>[vector<16xi32>, vector<16xi32>], vector<16xf32>,
      %gather3A_1445 = arith.constant 1 : i32
      %gather3A_1446 = arith.constant 0 : i32
      %gather3A_1447 = arith.constant 0 : i32
      %gather3A_1448 = tpu.memref_slice %arg11[%gather3A_1445, %gather3A_1446, %gather3A_1447] : memref<2x16x64xf32, #tpu.memory_space<vmem>> -> memref<1x16x64xf32, #tpu.memory_space<vmem>>
      %gather3A_1449 = tpu.memref_squeeze %gather3A_1448 : memref<1x16x64xf32, #tpu.memory_space<vmem>> -> memref<16x64xf32, #tpu.memory_space<vmem>>
      %gather3A_1450 = tpu.vector_load_idx %gather3A_1449[%iota3A, %broadcast_in_dim3A_1438] : memref<16x64xf32, #tpu.memory_space<vmem>>[vector<16xi32>, vector<16xi32>], vector<16xf32>,
      %sub3A_1451 = arith.subf %gather3A_1444, %gather3A_1450 : vector<16xf32>
      %mul3A_1452 = arith.mulf %sub3A_1451, %sub3A_1451 : vector<16xf32>
      %add3A_1453 = arith.addf %add3A_1436, %mul3A_1452 : vector<16xf32>
      %broadcast_in_dim3A_1454 = arith.constant 12 : i32
      %broadcast_in_dim3A_1455 = vector.broadcast %broadcast_in_dim3A_1454 : i32 to vector<16xi32>
      %gather3A_1456 = arith.constant 1 : i32
      %gather3A_1457 = arith.constant 0 : i32
      %gather3A_1458 = arith.constant 0 : i32
      %gather3A_1459 = tpu.memref_slice %arg10[%gather3A_1456, %gather3A_1457, %gather3A_1458] : memref<2x16x64xf32, #tpu.memory_space<vmem>> -> memref<1x16x64xf32, #tpu.memory_space<vmem>>
      %gather3A_1460 = tpu.memref_squeeze %gather3A_1459 : memref<1x16x64xf32, #tpu.memory_space<vmem>> -> memref<16x64xf32, #tpu.memory_space<vmem>>
      %gather3A_1461 = tpu.vector_load_idx %gather3A_1460[%iota3A, %broadcast_in_dim3A_1455] : memref<16x64xf32, #tpu.memory_space<vmem>>[vector<16xi32>, vector<16xi32>], vector<16xf32>,
      %gather3A_1462 = arith.constant 1 : i32
      %gather3A_1463 = arith.constant 0 : i32
      %gather3A_1464 = arith.constant 0 : i32
      %gather3A_1465 = tpu.memref_slice %arg11[%gather3A_1462, %gather3A_1463, %gather3A_1464] : memref<2x16x64xf32, #tpu.memory_space<vmem>> -> memref<1x16x64xf32, #tpu.memory_space<vmem>>
      %gather3A_1466 = tpu.memref_squeeze %gather3A_1465 : memref<1x16x64xf32, #tpu.memory_space<vmem>> -> memref<16x64xf32, #tpu.memory_space<vmem>>
      %gather3A_1467 = tpu.vector_load_idx %gather3A_1466[%iota3A, %broadcast_in_dim3A_1455] : memref<16x64xf32, #tpu.memory_space<vmem>>[vector<16xi32>, vector<16xi32>], vector<16xf32>,
      %sub3A_1468 = arith.subf %gather3A_1461, %gather3A_1467 : vector<16xf32>
      %mul3A_1469 = arith.mulf %sub3A_1468, %sub3A_1468 : vector<16xf32>
      %add3A_1470 = arith.addf %add3A_1453, %mul3A_1469 : vector<16xf32>
      %broadcast_in_dim3A_1471 = arith.constant 13 : i32
      %broadcast_in_dim3A_1472 = vector.broadcast %broadcast_in_dim3A_1471 : i32 to vector<16xi32>
      %gather3A_1473 = arith.constant 1 : i32
      %gather3A_1474 = arith.constant 0 : i32
      %gather3A_1475 = arith.constant 0 : i32
      %gather3A_1476 = tpu.memref_slice %arg10[%gather3A_1473, %gather3A_1474, %gather3A_1475] : memref<2x16x64xf32, #tpu.memory_space<vmem>> -> memref<1x16x64xf32, #tpu.memory_space<vmem>>
      %gather3A_1477 = tpu.memref_squeeze %gather3A_1476 : memref<1x16x64xf32, #tpu.memory_space<vmem>> -> memref<16x64xf32, #tpu.memory_space<vmem>>
      %gather3A_1478 = tpu.vector_load_idx %gather3A_1477[%iota3A, %broadcast_in_dim3A_1472] : memref<16x64xf32, #tpu.memory_space<vmem>>[vector<16xi32>, vector<16xi32>], vector<16xf32>,
      %gather3A_1479 = arith.constant 1 : i32
      %gather3A_1480 = arith.constant 0 : i32
      %gather3A_1481 = arith.constant 0 : i32
      %gather3A_1482 = tpu.memref_slice %arg11[%gather3A_1479, %gather3A_1480, %gather3A_1481] : memref<2x16x64xf32, #tpu.memory_space<vmem>> -> memref<1x16x64xf32, #tpu.memory_space<vmem>>
      %gather3A_1483 = tpu.memref_squeeze %gather3A_1482 : memref<1x16x64xf32, #tpu.memory_space<vmem>> -> memref<16x64xf32, #tpu.memory_space<vmem>>
      %gather3A_1484 = tpu.vector_load_idx %gather3A_1483[%iota3A, %broadcast_in_dim3A_1472] : memref<16x64xf32, #tpu.memory_space<vmem>>[vector<16xi32>, vector<16xi32>], vector<16xf32>,
      %sub3A_1485 = arith.subf %gather3A_1478, %gather3A_1484 : vector<16xf32>
      %mul3A_1486 = arith.mulf %sub3A_1485, %sub3A_1485 : vector<16xf32>
      %add3A_1487 = arith.addf %add3A_1470, %mul3A_1486 : vector<16xf32>
      %broadcast_in_dim3A_1488 = arith.constant 14 : i32
      %broadcast_in_dim3A_1489 = vector.broadcast %broadcast_in_dim3A_1488 : i32 to vector<16xi32>
      %gather3A_1490 = arith.constant 1 : i32
      %gather3A_1491 = arith.constant 0 : i32
      %gather3A_1492 = arith.constant 0 : i32
      %gather3A_1493 = tpu.memref_slice %arg10[%gather3A_1490, %gather3A_1491, %gather3A_1492] : memref<2x16x64xf32, #tpu.memory_space<vmem>> -> memref<1x16x64xf32, #tpu.memory_space<vmem>>
      %gather3A_1494 = tpu.memref_squeeze %gather3A_1493 : memref<1x16x64xf32, #tpu.memory_space<vmem>> -> memref<16x64xf32, #tpu.memory_space<vmem>>
      %gather3A_1495 = tpu.vector_load_idx %gather3A_1494[%iota3A, %broadcast_in_dim3A_1489] : memref<16x64xf32, #tpu.memory_space<vmem>>[vector<16xi32>, vector<16xi32>], vector<16xf32>,
      %gather3A_1496 = arith.constant 1 : i32
      %gather3A_1497 = arith.constant 0 : i32
      %gather3A_1498 = arith.constant 0 : i32
      %gather3A_1499 = tpu.memref_slice %arg11[%gather3A_1496, %gather3A_1497, %gather3A_1498] : memref<2x16x64xf32, #tpu.memory_space<vmem>> -> memref<1x16x64xf32, #tpu.memory_space<vmem>>
      %gather3A_1500 = tpu.memref_squeeze %gather3A_1499 : memref<1x16x64xf32, #tpu.memory_space<vmem>> -> memref<16x64xf32, #tpu.memory_space<vmem>>
      %gather3A_1501 = tpu.vector_load_idx %gather3A_1500[%iota3A, %broadcast_in_dim3A_1489] : memref<16x64xf32, #tpu.memory_space<vmem>>[vector<16xi32>, vector<16xi32>], vector<16xf32>,
      %sub3A_1502 = arith.subf %gather3A_1495, %gather3A_1501 : vector<16xf32>
      %mul3A_1503 = arith.mulf %sub3A_1502, %sub3A_1502 : vector<16xf32>
      %add3A_1504 = arith.addf %add3A_1487, %mul3A_1503 : vector<16xf32>
      %broadcast_in_dim3A_1505 = arith.constant 15 : i32
      %broadcast_in_dim3A_1506 = vector.broadcast %broadcast_in_dim3A_1505 : i32 to vector<16xi32>
      %gather3A_1507 = arith.constant 1 : i32
      %gather3A_1508 = arith.constant 0 : i32
      %gather3A_1509 = arith.constant 0 : i32
      %gather3A_1510 = tpu.memref_slice %arg10[%gather3A_1507, %gather3A_1508, %gather3A_1509] : memref<2x16x64xf32, #tpu.memory_space<vmem>> -> memref<1x16x64xf32, #tpu.memory_space<vmem>>
      %gather3A_1511 = tpu.memref_squeeze %gather3A_1510 : memref<1x16x64xf32, #tpu.memory_space<vmem>> -> memref<16x64xf32, #tpu.memory_space<vmem>>
      %gather3A_1512 = tpu.vector_load_idx %gather3A_1511[%iota3A, %broadcast_in_dim3A_1506] : memref<16x64xf32, #tpu.memory_space<vmem>>[vector<16xi32>, vector<16xi32>], vector<16xf32>,
      %gather3A_1513 = arith.constant 1 : i32
      %gather3A_1514 = arith.constant 0 : i32
      %gather3A_1515 = arith.constant 0 : i32
      %gather3A_1516 = tpu.memref_slice %arg11[%gather3A_1513, %gather3A_1514, %gather3A_1515] : memref<2x16x64xf32, #tpu.memory_space<vmem>> -> memref<1x16x64xf32, #tpu.memory_space<vmem>>
      %gather3A_1517 = tpu.memref_squeeze %gather3A_1516 : memref<1x16x64xf32, #tpu.memory_space<vmem>> -> memref<16x64xf32, #tpu.memory_space<vmem>>
      %gather3A_1518 = tpu.vector_load_idx %gather3A_1517[%iota3A, %broadcast_in_dim3A_1506] : memref<16x64xf32, #tpu.memory_space<vmem>>[vector<16xi32>, vector<16xi32>], vector<16xf32>,
      %sub3A_1519 = arith.subf %gather3A_1512, %gather3A_1518 : vector<16xf32>
      %mul3A_1520 = arith.mulf %sub3A_1519, %sub3A_1519 : vector<16xf32>
      %add3A_1521 = arith.addf %add3A_1504, %mul3A_1520 : vector<16xf32>
      %broadcast_in_dim3A_1522 = arith.constant 16 : i32
      %broadcast_in_dim3A_1523 = vector.broadcast %broadcast_in_dim3A_1522 : i32 to vector<16xi32>
      %gather3A_1524 = arith.constant 1 : i32
      %gather3A_1525 = arith.constant 0 : i32
      %gather3A_1526 = arith.constant 0 : i32
      %gather3A_1527 = tpu.memref_slice %arg10[%gather3A_1524, %gather3A_1525, %gather3A_1526] : memref<2x16x64xf32, #tpu.memory_space<vmem>> -> memref<1x16x64xf32, #tpu.memory_space<vmem>>
      %gather3A_1528 = tpu.memref_squeeze %gather3A_1527 : memref<1x16x64xf32, #tpu.memory_space<vmem>> -> memref<16x64xf32, #tpu.memory_space<vmem>>
      %gather3A_1529 = tpu.vector_load_idx %gather3A_1528[%iota3A, %broadcast_in_dim3A_1523] : memref<16x64xf32, #tpu.memory_space<vmem>>[vector<16xi32>, vector<16xi32>], vector<16xf32>,
      %gather3A_1530 = arith.constant 1 : i32
      %gather3A_1531 = arith.constant 0 : i32
      %gather3A_1532 = arith.constant 0 : i32
      %gather3A_1533 = tpu.memref_slice %arg11[%gather3A_1530, %gather3A_1531, %gather3A_1532] : memref<2x16x64xf32, #tpu.memory_space<vmem>> -> memref<1x16x64xf32, #tpu.memory_space<vmem>>
      %gather3A_1534 = tpu.memref_squeeze %gather3A_1533 : memref<1x16x64xf32, #tpu.memory_space<vmem>> -> memref<16x64xf32, #tpu.memory_space<vmem>>
      %gather3A_1535 = tpu.vector_load_idx %gather3A_1534[%iota3A, %broadcast_in_dim3A_1523] : memref<16x64xf32, #tpu.memory_space<vmem>>[vector<16xi32>, vector<16xi32>], vector<16xf32>,
      %sub3A_1536 = arith.subf %gather3A_1529, %gather3A_1535 : vector<16xf32>
      %mul3A_1537 = arith.mulf %sub3A_1536, %sub3A_1536 : vector<16xf32>
      %add3A_1538 = arith.addf %add3A_1521, %mul3A_1537 : vector<16xf32>
      %broadcast_in_dim3A_1539 = arith.constant 17 : i32
      %broadcast_in_dim3A_1540 = vector.broadcast %broadcast_in_dim3A_1539 : i32 to vector<16xi32>
      %gather3A_1541 = arith.constant 1 : i32
      %gather3A_1542 = arith.constant 0 : i32
      %gather3A_1543 = arith.constant 0 : i32
      %gather3A_1544 = tpu.memref_slice %arg10[%gather3A_1541, %gather3A_1542, %gather3A_1543] : memref<2x16x64xf32, #tpu.memory_space<vmem>> -> memref<1x16x64xf32, #tpu.memory_space<vmem>>
      %gather3A_1545 = tpu.memref_squeeze %gather3A_1544 : memref<1x16x64xf32, #tpu.memory_space<vmem>> -> memref<16x64xf32, #tpu.memory_space<vmem>>
      %gather3A_1546 = tpu.vector_load_idx %gather3A_1545[%iota3A, %broadcast_in_dim3A_1540] : memref<16x64xf32, #tpu.memory_space<vmem>>[vector<16xi32>, vector<16xi32>], vector<16xf32>,
      %gather3A_1547 = arith.constant 1 : i32
      %gather3A_1548 = arith.constant 0 : i32
      %gather3A_1549 = arith.constant 0 : i32
      %gather3A_1550 = tpu.memref_slice %arg11[%gather3A_1547, %gather3A_1548, %gather3A_1549] : memref<2x16x64xf32, #tpu.memory_space<vmem>> -> memref<1x16x64xf32, #tpu.memory_space<vmem>>
      %gather3A_1551 = tpu.memref_squeeze %gather3A_1550 : memref<1x16x64xf32, #tpu.memory_space<vmem>> -> memref<16x64xf32, #tpu.memory_space<vmem>>
      %gather3A_1552 = tpu.vector_load_idx %gather3A_1551[%iota3A, %broadcast_in_dim3A_1540] : memref<16x64xf32, #tpu.memory_space<vmem>>[vector<16xi32>, vector<16xi32>], vector<16xf32>,
      %sub3A_1553 = arith.subf %gather3A_1546, %gather3A_1552 : vector<16xf32>
      %mul3A_1554 = arith.mulf %sub3A_1553, %sub3A_1553 : vector<16xf32>
      %add3A_1555 = arith.addf %add3A_1538, %mul3A_1554 : vector<16xf32>
      %broadcast_in_dim3A_1556 = arith.constant 18 : i32
      %broadcast_in_dim3A_1557 = vector.broadcast %broadcast_in_dim3A_1556 : i32 to vector<16xi32>
      %gather3A_1558 = arith.constant 1 : i32
      %gather3A_1559 = arith.constant 0 : i32
      %gather3A_1560 = arith.constant 0 : i32
      %gather3A_1561 = tpu.memref_slice %arg10[%gather3A_1558, %gather3A_1559, %gather3A_1560] : memref<2x16x64xf32, #tpu.memory_space<vmem>> -> memref<1x16x64xf32, #tpu.memory_space<vmem>>
      %gather3A_1562 = tpu.memref_squeeze %gather3A_1561 : memref<1x16x64xf32, #tpu.memory_space<vmem>> -> memref<16x64xf32, #tpu.memory_space<vmem>>
      %gather3A_1563 = tpu.vector_load_idx %gather3A_1562[%iota3A, %broadcast_in_dim3A_1557] : memref<16x64xf32, #tpu.memory_space<vmem>>[vector<16xi32>, vector<16xi32>], vector<16xf32>,
      %gather3A_1564 = arith.constant 1 : i32
      %gather3A_1565 = arith.constant 0 : i32
      %gather3A_1566 = arith.constant 0 : i32
      %gather3A_1567 = tpu.memref_slice %arg11[%gather3A_1564, %gather3A_1565, %gather3A_1566] : memref<2x16x64xf32, #tpu.memory_space<vmem>> -> memref<1x16x64xf32, #tpu.memory_space<vmem>>
      %gather3A_1568 = tpu.memref_squeeze %gather3A_1567 : memref<1x16x64xf32, #tpu.memory_space<vmem>> -> memref<16x64xf32, #tpu.memory_space<vmem>>
      %gather3A_1569 = tpu.vector_load_idx %gather3A_1568[%iota3A, %broadcast_in_dim3A_1557] : memref<16x64xf32, #tpu.memory_space<vmem>>[vector<16xi32>, vector<16xi32>], vector<16xf32>,
      %sub3A_1570 = arith.subf %gather3A_1563, %gather3A_1569 : vector<16xf32>
      %mul3A_1571 = arith.mulf %sub3A_1570, %sub3A_1570 : vector<16xf32>
      %add3A_1572 = arith.addf %add3A_1555, %mul3A_1571 : vector<16xf32>
      %broadcast_in_dim3A_1573 = arith.constant 19 : i32
      %broadcast_in_dim3A_1574 = vector.broadcast %broadcast_in_dim3A_1573 : i32 to vector<16xi32>
      %gather3A_1575 = arith.constant 1 : i32
      %gather3A_1576 = arith.constant 0 : i32
      %gather3A_1577 = arith.constant 0 : i32
      %gather3A_1578 = tpu.memref_slice %arg10[%gather3A_1575, %gather3A_1576, %gather3A_1577] : memref<2x16x64xf32, #tpu.memory_space<vmem>> -> memref<1x16x64xf32, #tpu.memory_space<vmem>>
      %gather3A_1579 = tpu.memref_squeeze %gather3A_1578 : memref<1x16x64xf32, #tpu.memory_space<vmem>> -> memref<16x64xf32, #tpu.memory_space<vmem>>
      %gather3A_1580 = tpu.vector_load_idx %gather3A_1579[%iota3A, %broadcast_in_dim3A_1574] : memref<16x64xf32, #tpu.memory_space<vmem>>[vector<16xi32>, vector<16xi32>], vector<16xf32>,
      %gather3A_1581 = arith.constant 1 : i32
      %gather3A_1582 = arith.constant 0 : i32
      %gather3A_1583 = arith.constant 0 : i32
      %gather3A_1584 = tpu.memref_slice %arg11[%gather3A_1581, %gather3A_1582, %gather3A_1583] : memref<2x16x64xf32, #tpu.memory_space<vmem>> -> memref<1x16x64xf32, #tpu.memory_space<vmem>>
      %gather3A_1585 = tpu.memref_squeeze %gather3A_1584 : memref<1x16x64xf32, #tpu.memory_space<vmem>> -> memref<16x64xf32, #tpu.memory_space<vmem>>
      %gather3A_1586 = tpu.vector_load_idx %gather3A_1585[%iota3A, %broadcast_in_dim3A_1574] : memref<16x64xf32, #tpu.memory_space<vmem>>[vector<16xi32>, vector<16xi32>], vector<16xf32>,
      %sub3A_1587 = arith.subf %gather3A_1580, %gather3A_1586 : vector<16xf32>
      %mul3A_1588 = arith.mulf %sub3A_1587, %sub3A_1587 : vector<16xf32>
      %add3A_1589 = arith.addf %add3A_1572, %mul3A_1588 : vector<16xf32>
      %broadcast_in_dim3A_1590 = arith.constant 20 : i32
      %broadcast_in_dim3A_1591 = vector.broadcast %broadcast_in_dim3A_1590 : i32 to vector<16xi32>
      %gather3A_1592 = arith.constant 1 : i32
      %gather3A_1593 = arith.constant 0 : i32
      %gather3A_1594 = arith.constant 0 : i32
      %gather3A_1595 = tpu.memref_slice %arg10[%gather3A_1592, %gather3A_1593, %gather3A_1594] : memref<2x16x64xf32, #tpu.memory_space<vmem>> -> memref<1x16x64xf32, #tpu.memory_space<vmem>>
      %gather3A_1596 = tpu.memref_squeeze %gather3A_1595 : memref<1x16x64xf32, #tpu.memory_space<vmem>> -> memref<16x64xf32, #tpu.memory_space<vmem>>
      %gather3A_1597 = tpu.vector_load_idx %gather3A_1596[%iota3A, %broadcast_in_dim3A_1591] : memref<16x64xf32, #tpu.memory_space<vmem>>[vector<16xi32>, vector<16xi32>], vector<16xf32>,
      %gather3A_1598 = arith.constant 1 : i32
      %gather3A_1599 = arith.constant 0 : i32
      %gather3A_1600 = arith.constant 0 : i32
      %gather3A_1601 = tpu.memref_slice %arg11[%gather3A_1598, %gather3A_1599, %gather3A_1600] : memref<2x16x64xf32, #tpu.memory_space<vmem>> -> memref<1x16x64xf32, #tpu.memory_space<vmem>>
      %gather3A_1602 = tpu.memref_squeeze %gather3A_1601 : memref<1x16x64xf32, #tpu.memory_space<vmem>> -> memref<16x64xf32, #tpu.memory_space<vmem>>
      %gather3A_1603 = tpu.vector_load_idx %gather3A_1602[%iota3A, %broadcast_in_dim3A_1591] : memref<16x64xf32, #tpu.memory_space<vmem>>[vector<16xi32>, vector<16xi32>], vector<16xf32>,
      %sub3A_1604 = arith.subf %gather3A_1597, %gather3A_1603 : vector<16xf32>
      %mul3A_1605 = arith.mulf %sub3A_1604, %sub3A_1604 : vector<16xf32>
      %add3A_1606 = arith.addf %add3A_1589, %mul3A_1605 : vector<16xf32>
      %broadcast_in_dim3A_1607 = arith.constant 21 : i32
      %broadcast_in_dim3A_1608 = vector.broadcast %broadcast_in_dim3A_1607 : i32 to vector<16xi32>
      %gather3A_1609 = arith.constant 1 : i32
      %gather3A_1610 = arith.constant 0 : i32
      %gather3A_1611 = arith.constant 0 : i32
      %gather3A_1612 = tpu.memref_slice %arg10[%gather3A_1609, %gather3A_1610, %gather3A_1611] : memref<2x16x64xf32, #tpu.memory_space<vmem>> -> memref<1x16x64xf32, #tpu.memory_space<vmem>>
      %gather3A_1613 = tpu.memref_squeeze %gather3A_1612 : memref<1x16x64xf32, #tpu.memory_space<vmem>> -> memref<16x64xf32, #tpu.memory_space<vmem>>
      %gather3A_1614 = tpu.vector_load_idx %gather3A_1613[%iota3A, %broadcast_in_dim3A_1608] : memref<16x64xf32, #tpu.memory_space<vmem>>[vector<16xi32>, vector<16xi32>], vector<16xf32>,
      %gather3A_1615 = arith.constant 1 : i32
      %gather3A_1616 = arith.constant 0 : i32
      %gather3A_1617 = arith.constant 0 : i32
      %gather3A_1618 = tpu.memref_slice %arg11[%gather3A_1615, %gather3A_1616, %gather3A_1617] : memref<2x16x64xf32, #tpu.memory_space<vmem>> -> memref<1x16x64xf32, #tpu.memory_space<vmem>>
      %gather3A_1619 = tpu.memref_squeeze %gather3A_1618 : memref<1x16x64xf32, #tpu.memory_space<vmem>> -> memref<16x64xf32, #tpu.memory_space<vmem>>
      %gather3A_1620 = tpu.vector_load_idx %gather3A_1619[%iota3A, %broadcast_in_dim3A_1608] : memref<16x64xf32, #tpu.memory_space<vmem>>[vector<16xi32>, vector<16xi32>], vector<16xf32>,
      %sub3A_1621 = arith.subf %gather3A_1614, %gather3A_1620 : vector<16xf32>
      %mul3A_1622 = arith.mulf %sub3A_1621, %sub3A_1621 : vector<16xf32>
      %add3A_1623 = arith.addf %add3A_1606, %mul3A_1622 : vector<16xf32>
      %broadcast_in_dim3A_1624 = arith.constant 22 : i32
      %broadcast_in_dim3A_1625 = vector.broadcast %broadcast_in_dim3A_1624 : i32 to vector<16xi32>
      %gather3A_1626 = arith.constant 1 : i32
      %gather3A_1627 = arith.constant 0 : i32
      %gather3A_1628 = arith.constant 0 : i32
      %gather3A_1629 = tpu.memref_slice %arg10[%gather3A_1626, %gather3A_1627, %gather3A_1628] : memref<2x16x64xf32, #tpu.memory_space<vmem>> -> memref<1x16x64xf32, #tpu.memory_space<vmem>>
      %gather3A_1630 = tpu.memref_squeeze %gather3A_1629 : memref<1x16x64xf32, #tpu.memory_space<vmem>> -> memref<16x64xf32, #tpu.memory_space<vmem>>
      %gather3A_1631 = tpu.vector_load_idx %gather3A_1630[%iota3A, %broadcast_in_dim3A_1625] : memref<16x64xf32, #tpu.memory_space<vmem>>[vector<16xi32>, vector<16xi32>], vector<16xf32>,
      %gather3A_1632 = arith.constant 1 : i32
      %gather3A_1633 = arith.constant 0 : i32
      %gather3A_1634 = arith.constant 0 : i32
      %gather3A_1635 = tpu.memref_slice %arg11[%gather3A_1632, %gather3A_1633, %gather3A_1634] : memref<2x16x64xf32, #tpu.memory_space<vmem>> -> memref<1x16x64xf32, #tpu.memory_space<vmem>>
      %gather3A_1636 = tpu.memref_squeeze %gather3A_1635 : memref<1x16x64xf32, #tpu.memory_space<vmem>> -> memref<16x64xf32, #tpu.memory_space<vmem>>
      %gather3A_1637 = tpu.vector_load_idx %gather3A_1636[%iota3A, %broadcast_in_dim3A_1625] : memref<16x64xf32, #tpu.memory_space<vmem>>[vector<16xi32>, vector<16xi32>], vector<16xf32>,
      %sub3A_1638 = arith.subf %gather3A_1631, %gather3A_1637 : vector<16xf32>
      %mul3A_1639 = arith.mulf %sub3A_1638, %sub3A_1638 : vector<16xf32>
      %add3A_1640 = arith.addf %add3A_1623, %mul3A_1639 : vector<16xf32>
      %broadcast_in_dim3A_1641 = arith.constant 23 : i32
      %broadcast_in_dim3A_1642 = vector.broadcast %broadcast_in_dim3A_1641 : i32 to vector<16xi32>
      %gather3A_1643 = arith.constant 1 : i32
      %gather3A_1644 = arith.constant 0 : i32
      %gather3A_1645 = arith.constant 0 : i32
      %gather3A_1646 = tpu.memref_slice %arg10[%gather3A_1643, %gather3A_1644, %gather3A_1645] : memref<2x16x64xf32, #tpu.memory_space<vmem>> -> memref<1x16x64xf32, #tpu.memory_space<vmem>>
      %gather3A_1647 = tpu.memref_squeeze %gather3A_1646 : memref<1x16x64xf32, #tpu.memory_space<vmem>> -> memref<16x64xf32, #tpu.memory_space<vmem>>
      %gather3A_1648 = tpu.vector_load_idx %gather3A_1647[%iota3A, %broadcast_in_dim3A_1642] : memref<16x64xf32, #tpu.memory_space<vmem>>[vector<16xi32>, vector<16xi32>], vector<16xf32>,
      %gather3A_1649 = arith.constant 1 : i32
      %gather3A_1650 = arith.constant 0 : i32
      %gather3A_1651 = arith.constant 0 : i32
      %gather3A_1652 = tpu.memref_slice %arg11[%gather3A_1649, %gather3A_1650, %gather3A_1651] : memref<2x16x64xf32, #tpu.memory_space<vmem>> -> memref<1x16x64xf32, #tpu.memory_space<vmem>>
      %gather3A_1653 = tpu.memref_squeeze %gather3A_1652 : memref<1x16x64xf32, #tpu.memory_space<vmem>> -> memref<16x64xf32, #tpu.memory_space<vmem>>
      %gather3A_1654 = tpu.vector_load_idx %gather3A_1653[%iota3A, %broadcast_in_dim3A_1642] : memref<16x64xf32, #tpu.memory_space<vmem>>[vector<16xi32>, vector<16xi32>], vector<16xf32>,
      %sub3A_1655 = arith.subf %gather3A_1648, %gather3A_1654 : vector<16xf32>
      %mul3A_1656 = arith.mulf %sub3A_1655, %sub3A_1655 : vector<16xf32>
      %add3A_1657 = arith.addf %add3A_1640, %mul3A_1656 : vector<16xf32>
      %broadcast_in_dim3A_1658 = arith.constant 24 : i32
      %broadcast_in_dim3A_1659 = vector.broadcast %broadcast_in_dim3A_1658 : i32 to vector<16xi32>
      %gather3A_1660 = arith.constant 1 : i32
      %gather3A_1661 = arith.constant 0 : i32
      %gather3A_1662 = arith.constant 0 : i32
      %gather3A_1663 = tpu.memref_slice %arg10[%gather3A_1660, %gather3A_1661, %gather3A_1662] : memref<2x16x64xf32, #tpu.memory_space<vmem>> -> memref<1x16x64xf32, #tpu.memory_space<vmem>>
      %gather3A_1664 = tpu.memref_squeeze %gather3A_1663 : memref<1x16x64xf32, #tpu.memory_space<vmem>> -> memref<16x64xf32, #tpu.memory_space<vmem>>
      %gather3A_1665 = tpu.vector_load_idx %gather3A_1664[%iota3A, %broadcast_in_dim3A_1659] : memref<16x64xf32, #tpu.memory_space<vmem>>[vector<16xi32>, vector<16xi32>], vector<16xf32>,
      %gather3A_1666 = arith.constant 1 : i32
      %gather3A_1667 = arith.constant 0 : i32
      %gather3A_1668 = arith.constant 0 : i32
      %gather3A_1669 = tpu.memref_slice %arg11[%gather3A_1666, %gather3A_1667, %gather3A_1668] : memref<2x16x64xf32, #tpu.memory_space<vmem>> -> memref<1x16x64xf32, #tpu.memory_space<vmem>>
      %gather3A_1670 = tpu.memref_squeeze %gather3A_1669 : memref<1x16x64xf32, #tpu.memory_space<vmem>> -> memref<16x64xf32, #tpu.memory_space<vmem>>
      %gather3A_1671 = tpu.vector_load_idx %gather3A_1670[%iota3A, %broadcast_in_dim3A_1659] : memref<16x64xf32, #tpu.memory_space<vmem>>[vector<16xi32>, vector<16xi32>], vector<16xf32>,
      %sub3A_1672 = arith.subf %gather3A_1665, %gather3A_1671 : vector<16xf32>
      %mul3A_1673 = arith.mulf %sub3A_1672, %sub3A_1672 : vector<16xf32>
      %add3A_1674 = arith.addf %add3A_1657, %mul3A_1673 : vector<16xf32>
      %broadcast_in_dim3A_1675 = arith.constant 25 : i32
      %broadcast_in_dim3A_1676 = vector.broadcast %broadcast_in_dim3A_1675 : i32 to vector<16xi32>
      %gather3A_1677 = arith.constant 1 : i32
      %gather3A_1678 = arith.constant 0 : i32
      %gather3A_1679 = arith.constant 0 : i32
      %gather3A_1680 = tpu.memref_slice %arg10[%gather3A_1677, %gather3A_1678, %gather3A_1679] : memref<2x16x64xf32, #tpu.memory_space<vmem>> -> memref<1x16x64xf32, #tpu.memory_space<vmem>>
      %gather3A_1681 = tpu.memref_squeeze %gather3A_1680 : memref<1x16x64xf32, #tpu.memory_space<vmem>> -> memref<16x64xf32, #tpu.memory_space<vmem>>
      %gather3A_1682 = tpu.vector_load_idx %gather3A_1681[%iota3A, %broadcast_in_dim3A_1676] : memref<16x64xf32, #tpu.memory_space<vmem>>[vector<16xi32>, vector<16xi32>], vector<16xf32>,
      %gather3A_1683 = arith.constant 1 : i32
      %gather3A_1684 = arith.constant 0 : i32
      %gather3A_1685 = arith.constant 0 : i32
      %gather3A_1686 = tpu.memref_slice %arg11[%gather3A_1683, %gather3A_1684, %gather3A_1685] : memref<2x16x64xf32, #tpu.memory_space<vmem>> -> memref<1x16x64xf32, #tpu.memory_space<vmem>>
      %gather3A_1687 = tpu.memref_squeeze %gather3A_1686 : memref<1x16x64xf32, #tpu.memory_space<vmem>> -> memref<16x64xf32, #tpu.memory_space<vmem>>
      %gather3A_1688 = tpu.vector_load_idx %gather3A_1687[%iota3A, %broadcast_in_dim3A_1676] : memref<16x64xf32, #tpu.memory_space<vmem>>[vector<16xi32>, vector<16xi32>], vector<16xf32>,
      %sub3A_1689 = arith.subf %gather3A_1682, %gather3A_1688 : vector<16xf32>
      %mul3A_1690 = arith.mulf %sub3A_1689, %sub3A_1689 : vector<16xf32>
      %add3A_1691 = arith.addf %add3A_1674, %mul3A_1690 : vector<16xf32>
      %broadcast_in_dim3A_1692 = arith.constant 26 : i32
      %broadcast_in_dim3A_1693 = vector.broadcast %broadcast_in_dim3A_1692 : i32 to vector<16xi32>
      %gather3A_1694 = arith.constant 1 : i32
      %gather3A_1695 = arith.constant 0 : i32
      %gather3A_1696 = arith.constant 0 : i32
      %gather3A_1697 = tpu.memref_slice %arg10[%gather3A_1694, %gather3A_1695, %gather3A_1696] : memref<2x16x64xf32, #tpu.memory_space<vmem>> -> memref<1x16x64xf32, #tpu.memory_space<vmem>>
      %gather3A_1698 = tpu.memref_squeeze %gather3A_1697 : memref<1x16x64xf32, #tpu.memory_space<vmem>> -> memref<16x64xf32, #tpu.memory_space<vmem>>
      %gather3A_1699 = tpu.vector_load_idx %gather3A_1698[%iota3A, %broadcast_in_dim3A_1693] : memref<16x64xf32, #tpu.memory_space<vmem>>[vector<16xi32>, vector<16xi32>], vector<16xf32>,
      %gather3A_1700 = arith.constant 1 : i32
      %gather3A_1701 = arith.constant 0 : i32
      %gather3A_1702 = arith.constant 0 : i32
      %gather3A_1703 = tpu.memref_slice %arg11[%gather3A_1700, %gather3A_1701, %gather3A_1702] : memref<2x16x64xf32, #tpu.memory_space<vmem>> -> memref<1x16x64xf32, #tpu.memory_space<vmem>>
      %gather3A_1704 = tpu.memref_squeeze %gather3A_1703 : memref<1x16x64xf32, #tpu.memory_space<vmem>> -> memref<16x64xf32, #tpu.memory_space<vmem>>
      %gather3A_1705 = tpu.vector_load_idx %gather3A_1704[%iota3A, %broadcast_in_dim3A_1693] : memref<16x64xf32, #tpu.memory_space<vmem>>[vector<16xi32>, vector<16xi32>], vector<16xf32>,
      %sub3A_1706 = arith.subf %gather3A_1699, %gather3A_1705 : vector<16xf32>
      %mul3A_1707 = arith.mulf %sub3A_1706, %sub3A_1706 : vector<16xf32>
      %add3A_1708 = arith.addf %add3A_1691, %mul3A_1707 : vector<16xf32>
      %broadcast_in_dim3A_1709 = arith.constant 27 : i32
      %broadcast_in_dim3A_1710 = vector.broadcast %broadcast_in_dim3A_1709 : i32 to vector<16xi32>
      %gather3A_1711 = arith.constant 1 : i32
      %gather3A_1712 = arith.constant 0 : i32
      %gather3A_1713 = arith.constant 0 : i32
      %gather3A_1714 = tpu.memref_slice %arg10[%gather3A_1711, %gather3A_1712, %gather3A_1713] : memref<2x16x64xf32, #tpu.memory_space<vmem>> -> memref<1x16x64xf32, #tpu.memory_space<vmem>>
      %gather3A_1715 = tpu.memref_squeeze %gather3A_1714 : memref<1x16x64xf32, #tpu.memory_space<vmem>> -> memref<16x64xf32, #tpu.memory_space<vmem>>
      %gather3A_1716 = tpu.vector_load_idx %gather3A_1715[%iota3A, %broadcast_in_dim3A_1710] : memref<16x64xf32, #tpu.memory_space<vmem>>[vector<16xi32>, vector<16xi32>], vector<16xf32>,
      %gather3A_1717 = arith.constant 1 : i32
      %gather3A_1718 = arith.constant 0 : i32
      %gather3A_1719 = arith.constant 0 : i32
      %gather3A_1720 = tpu.memref_slice %arg11[%gather3A_1717, %gather3A_1718, %gather3A_1719] : memref<2x16x64xf32, #tpu.memory_space<vmem>> -> memref<1x16x64xf32, #tpu.memory_space<vmem>>
      %gather3A_1721 = tpu.memref_squeeze %gather3A_1720 : memref<1x16x64xf32, #tpu.memory_space<vmem>> -> memref<16x64xf32, #tpu.memory_space<vmem>>
      %gather3A_1722 = tpu.vector_load_idx %gather3A_1721[%iota3A, %broadcast_in_dim3A_1710] : memref<16x64xf32, #tpu.memory_space<vmem>>[vector<16xi32>, vector<16xi32>], vector<16xf32>,
      %sub3A_1723 = arith.subf %gather3A_1716, %gather3A_1722 : vector<16xf32>
      %mul3A_1724 = arith.mulf %sub3A_1723, %sub3A_1723 : vector<16xf32>
      %add3A_1725 = arith.addf %add3A_1708, %mul3A_1724 : vector<16xf32>
      %broadcast_in_dim3A_1726 = arith.constant 28 : i32
      %broadcast_in_dim3A_1727 = vector.broadcast %broadcast_in_dim3A_1726 : i32 to vector<16xi32>
      %gather3A_1728 = arith.constant 1 : i32
      %gather3A_1729 = arith.constant 0 : i32
      %gather3A_1730 = arith.constant 0 : i32
      %gather3A_1731 = tpu.memref_slice %arg10[%gather3A_1728, %gather3A_1729, %gather3A_1730] : memref<2x16x64xf32, #tpu.memory_space<vmem>> -> memref<1x16x64xf32, #tpu.memory_space<vmem>>
      %gather3A_1732 = tpu.memref_squeeze %gather3A_1731 : memref<1x16x64xf32, #tpu.memory_space<vmem>> -> memref<16x64xf32, #tpu.memory_space<vmem>>
      %gather3A_1733 = tpu.vector_load_idx %gather3A_1732[%iota3A, %broadcast_in_dim3A_1727] : memref<16x64xf32, #tpu.memory_space<vmem>>[vector<16xi32>, vector<16xi32>], vector<16xf32>,
      %gather3A_1734 = arith.constant 1 : i32
      %gather3A_1735 = arith.constant 0 : i32
      %gather3A_1736 = arith.constant 0 : i32
      %gather3A_1737 = tpu.memref_slice %arg11[%gather3A_1734, %gather3A_1735, %gather3A_1736] : memref<2x16x64xf32, #tpu.memory_space<vmem>> -> memref<1x16x64xf32, #tpu.memory_space<vmem>>
      %gather3A_1738 = tpu.memref_squeeze %gather3A_1737 : memref<1x16x64xf32, #tpu.memory_space<vmem>> -> memref<16x64xf32, #tpu.memory_space<vmem>>
      %gather3A_1739 = tpu.vector_load_idx %gather3A_1738[%iota3A, %broadcast_in_dim3A_1727] : memref<16x64xf32, #tpu.memory_space<vmem>>[vector<16xi32>, vector<16xi32>], vector<16xf32>,
      %sub3A_1740 = arith.subf %gather3A_1733, %gather3A_1739 : vector<16xf32>
      %mul3A_1741 = arith.mulf %sub3A_1740, %sub3A_1740 : vector<16xf32>
      %add3A_1742 = arith.addf %add3A_1725, %mul3A_1741 : vector<16xf32>
      %broadcast_in_dim3A_1743 = arith.constant 29 : i32
      %broadcast_in_dim3A_1744 = vector.broadcast %broadcast_in_dim3A_1743 : i32 to vector<16xi32>
      %gather3A_1745 = arith.constant 1 : i32
      %gather3A_1746 = arith.constant 0 : i32
      %gather3A_1747 = arith.constant 0 : i32
      %gather3A_1748 = tpu.memref_slice %arg10[%gather3A_1745, %gather3A_1746, %gather3A_1747] : memref<2x16x64xf32, #tpu.memory_space<vmem>> -> memref<1x16x64xf32, #tpu.memory_space<vmem>>
      %gather3A_1749 = tpu.memref_squeeze %gather3A_1748 : memref<1x16x64xf32, #tpu.memory_space<vmem>> -> memref<16x64xf32, #tpu.memory_space<vmem>>
      %gather3A_1750 = tpu.vector_load_idx %gather3A_1749[%iota3A, %broadcast_in_dim3A_1744] : memref<16x64xf32, #tpu.memory_space<vmem>>[vector<16xi32>, vector<16xi32>], vector<16xf32>,
      %gather3A_1751 = arith.constant 1 : i32
      %gather3A_1752 = arith.constant 0 : i32
      %gather3A_1753 = arith.constant 0 : i32
      %gather3A_1754 = tpu.memref_slice %arg11[%gather3A_1751, %gather3A_1752, %gather3A_1753] : memref<2x16x64xf32, #tpu.memory_space<vmem>> -> memref<1x16x64xf32, #tpu.memory_space<vmem>>
      %gather3A_1755 = tpu.memref_squeeze %gather3A_1754 : memref<1x16x64xf32, #tpu.memory_space<vmem>> -> memref<16x64xf32, #tpu.memory_space<vmem>>
      %gather3A_1756 = tpu.vector_load_idx %gather3A_1755[%iota3A, %broadcast_in_dim3A_1744] : memref<16x64xf32, #tpu.memory_space<vmem>>[vector<16xi32>, vector<16xi32>], vector<16xf32>,
      %sub3A_1757 = arith.subf %gather3A_1750, %gather3A_1756 : vector<16xf32>
      %mul3A_1758 = arith.mulf %sub3A_1757, %sub3A_1757 : vector<16xf32>
      %add3A_1759 = arith.addf %add3A_1742, %mul3A_1758 : vector<16xf32>
      %broadcast_in_dim3A_1760 = arith.constant 30 : i32
      %broadcast_in_dim3A_1761 = vector.broadcast %broadcast_in_dim3A_1760 : i32 to vector<16xi32>
      %gather3A_1762 = arith.constant 1 : i32
      %gather3A_1763 = arith.constant 0 : i32
      %gather3A_1764 = arith.constant 0 : i32
      %gather3A_1765 = tpu.memref_slice %arg10[%gather3A_1762, %gather3A_1763, %gather3A_1764] : memref<2x16x64xf32, #tpu.memory_space<vmem>> -> memref<1x16x64xf32, #tpu.memory_space<vmem>>
      %gather3A_1766 = tpu.memref_squeeze %gather3A_1765 : memref<1x16x64xf32, #tpu.memory_space<vmem>> -> memref<16x64xf32, #tpu.memory_space<vmem>>
      %gather3A_1767 = tpu.vector_load_idx %gather3A_1766[%iota3A, %broadcast_in_dim3A_1761] : memref<16x64xf32, #tpu.memory_space<vmem>>[vector<16xi32>, vector<16xi32>], vector<16xf32>,
      %gather3A_1768 = arith.constant 1 : i32
      %gather3A_1769 = arith.constant 0 : i32
      %gather3A_1770 = arith.constant 0 : i32
      %gather3A_1771 = tpu.memref_slice %arg11[%gather3A_1768, %gather3A_1769, %gather3A_1770] : memref<2x16x64xf32, #tpu.memory_space<vmem>> -> memref<1x16x64xf32, #tpu.memory_space<vmem>>
      %gather3A_1772 = tpu.memref_squeeze %gather3A_1771 : memref<1x16x64xf32, #tpu.memory_space<vmem>> -> memref<16x64xf32, #tpu.memory_space<vmem>>
      %gather3A_1773 = tpu.vector_load_idx %gather3A_1772[%iota3A, %broadcast_in_dim3A_1761] : memref<16x64xf32, #tpu.memory_space<vmem>>[vector<16xi32>, vector<16xi32>], vector<16xf32>,
      %sub3A_1774 = arith.subf %gather3A_1767, %gather3A_1773 : vector<16xf32>
      %mul3A_1775 = arith.mulf %sub3A_1774, %sub3A_1774 : vector<16xf32>
      %add3A_1776 = arith.addf %add3A_1759, %mul3A_1775 : vector<16xf32>
      %broadcast_in_dim3A_1777 = arith.constant 31 : i32
      %broadcast_in_dim3A_1778 = vector.broadcast %broadcast_in_dim3A_1777 : i32 to vector<16xi32>
      %gather3A_1779 = arith.constant 1 : i32
      %gather3A_1780 = arith.constant 0 : i32
      %gather3A_1781 = arith.constant 0 : i32
      %gather3A_1782 = tpu.memref_slice %arg10[%gather3A_1779, %gather3A_1780, %gather3A_1781] : memref<2x16x64xf32, #tpu.memory_space<vmem>> -> memref<1x16x64xf32, #tpu.memory_space<vmem>>
      %gather3A_1783 = tpu.memref_squeeze %gather3A_1782 : memref<1x16x64xf32, #tpu.memory_space<vmem>> -> memref<16x64xf32, #tpu.memory_space<vmem>>
      %gather3A_1784 = tpu.vector_load_idx %gather3A_1783[%iota3A, %broadcast_in_dim3A_1778] : memref<16x64xf32, #tpu.memory_space<vmem>>[vector<16xi32>, vector<16xi32>], vector<16xf32>,
      %gather3A_1785 = arith.constant 1 : i32
      %gather3A_1786 = arith.constant 0 : i32
      %gather3A_1787 = arith.constant 0 : i32
      %gather3A_1788 = tpu.memref_slice %arg11[%gather3A_1785, %gather3A_1786, %gather3A_1787] : memref<2x16x64xf32, #tpu.memory_space<vmem>> -> memref<1x16x64xf32, #tpu.memory_space<vmem>>
      %gather3A_1789 = tpu.memref_squeeze %gather3A_1788 : memref<1x16x64xf32, #tpu.memory_space<vmem>> -> memref<16x64xf32, #tpu.memory_space<vmem>>
      %gather3A_1790 = tpu.vector_load_idx %gather3A_1789[%iota3A, %broadcast_in_dim3A_1778] : memref<16x64xf32, #tpu.memory_space<vmem>>[vector<16xi32>, vector<16xi32>], vector<16xf32>,
      %sub3A_1791 = arith.subf %gather3A_1784, %gather3A_1790 : vector<16xf32>
      %mul3A_1792 = arith.mulf %sub3A_1791, %sub3A_1791 : vector<16xf32>
      %add3A_1793 = arith.addf %add3A_1776, %mul3A_1792 : vector<16xf32>
      %broadcast_in_dim3A_1794 = arith.constant 32 : i32
      %broadcast_in_dim3A_1795 = vector.broadcast %broadcast_in_dim3A_1794 : i32 to vector<16xi32>
      %gather3A_1796 = arith.constant 1 : i32
      %gather3A_1797 = arith.constant 0 : i32
      %gather3A_1798 = arith.constant 0 : i32
      %gather3A_1799 = tpu.memref_slice %arg10[%gather3A_1796, %gather3A_1797, %gather3A_1798] : memref<2x16x64xf32, #tpu.memory_space<vmem>> -> memref<1x16x64xf32, #tpu.memory_space<vmem>>
      %gather3A_1800 = tpu.memref_squeeze %gather3A_1799 : memref<1x16x64xf32, #tpu.memory_space<vmem>> -> memref<16x64xf32, #tpu.memory_space<vmem>>
      %gather3A_1801 = tpu.vector_load_idx %gather3A_1800[%iota3A, %broadcast_in_dim3A_1795] : memref<16x64xf32, #tpu.memory_space<vmem>>[vector<16xi32>, vector<16xi32>], vector<16xf32>,
      %gather3A_1802 = arith.constant 1 : i32
      %gather3A_1803 = arith.constant 0 : i32
      %gather3A_1804 = arith.constant 0 : i32
      %gather3A_1805 = tpu.memref_slice %arg11[%gather3A_1802, %gather3A_1803, %gather3A_1804] : memref<2x16x64xf32, #tpu.memory_space<vmem>> -> memref<1x16x64xf32, #tpu.memory_space<vmem>>
      %gather3A_1806 = tpu.memref_squeeze %gather3A_1805 : memref<1x16x64xf32, #tpu.memory_space<vmem>> -> memref<16x64xf32, #tpu.memory_space<vmem>>
      %gather3A_1807 = tpu.vector_load_idx %gather3A_1806[%iota3A, %broadcast_in_dim3A_1795] : memref<16x64xf32, #tpu.memory_space<vmem>>[vector<16xi32>, vector<16xi32>], vector<16xf32>,
      %sub3A_1808 = arith.subf %gather3A_1801, %gather3A_1807 : vector<16xf32>
      %mul3A_1809 = arith.mulf %sub3A_1808, %sub3A_1808 : vector<16xf32>
      %add3A_1810 = arith.addf %add3A_1793, %mul3A_1809 : vector<16xf32>
      %broadcast_in_dim3A_1811 = arith.constant 33 : i32
      %broadcast_in_dim3A_1812 = vector.broadcast %broadcast_in_dim3A_1811 : i32 to vector<16xi32>
      %gather3A_1813 = arith.constant 1 : i32
      %gather3A_1814 = arith.constant 0 : i32
      %gather3A_1815 = arith.constant 0 : i32
      %gather3A_1816 = tpu.memref_slice %arg10[%gather3A_1813, %gather3A_1814, %gather3A_1815] : memref<2x16x64xf32, #tpu.memory_space<vmem>> -> memref<1x16x64xf32, #tpu.memory_space<vmem>>
      %gather3A_1817 = tpu.memref_squeeze %gather3A_1816 : memref<1x16x64xf32, #tpu.memory_space<vmem>> -> memref<16x64xf32, #tpu.memory_space<vmem>>
      %gather3A_1818 = tpu.vector_load_idx %gather3A_1817[%iota3A, %broadcast_in_dim3A_1812] : memref<16x64xf32, #tpu.memory_space<vmem>>[vector<16xi32>, vector<16xi32>], vector<16xf32>,
      %gather3A_1819 = arith.constant 1 : i32
      %gather3A_1820 = arith.constant 0 : i32
      %gather3A_1821 = arith.constant 0 : i32
      %gather3A_1822 = tpu.memref_slice %arg11[%gather3A_1819, %gather3A_1820, %gather3A_1821] : memref<2x16x64xf32, #tpu.memory_space<vmem>> -> memref<1x16x64xf32, #tpu.memory_space<vmem>>
      %gather3A_1823 = tpu.memref_squeeze %gather3A_1822 : memref<1x16x64xf32, #tpu.memory_space<vmem>> -> memref<16x64xf32, #tpu.memory_space<vmem>>
      %gather3A_1824 = tpu.vector_load_idx %gather3A_1823[%iota3A, %broadcast_in_dim3A_1812] : memref<16x64xf32, #tpu.memory_space<vmem>>[vector<16xi32>, vector<16xi32>], vector<16xf32>,
      %sub3A_1825 = arith.subf %gather3A_1818, %gather3A_1824 : vector<16xf32>
      %mul3A_1826 = arith.mulf %sub3A_1825, %sub3A_1825 : vector<16xf32>
      %add3A_1827 = arith.addf %add3A_1810, %mul3A_1826 : vector<16xf32>
      %broadcast_in_dim3A_1828 = arith.constant 34 : i32
      %broadcast_in_dim3A_1829 = vector.broadcast %broadcast_in_dim3A_1828 : i32 to vector<16xi32>
      %gather3A_1830 = arith.constant 1 : i32
      %gather3A_1831 = arith.constant 0 : i32
      %gather3A_1832 = arith.constant 0 : i32
      %gather3A_1833 = tpu.memref_slice %arg10[%gather3A_1830, %gather3A_1831, %gather3A_1832] : memref<2x16x64xf32, #tpu.memory_space<vmem>> -> memref<1x16x64xf32, #tpu.memory_space<vmem>>
      %gather3A_1834 = tpu.memref_squeeze %gather3A_1833 : memref<1x16x64xf32, #tpu.memory_space<vmem>> -> memref<16x64xf32, #tpu.memory_space<vmem>>
      %gather3A_1835 = tpu.vector_load_idx %gather3A_1834[%iota3A, %broadcast_in_dim3A_1829] : memref<16x64xf32, #tpu.memory_space<vmem>>[vector<16xi32>, vector<16xi32>], vector<16xf32>,
      %gather3A_1836 = arith.constant 1 : i32
      %gather3A_1837 = arith.constant 0 : i32
      %gather3A_1838 = arith.constant 0 : i32
      %gather3A_1839 = tpu.memref_slice %arg11[%gather3A_1836, %gather3A_1837, %gather3A_1838] : memref<2x16x64xf32, #tpu.memory_space<vmem>> -> memref<1x16x64xf32, #tpu.memory_space<vmem>>
      %gather3A_1840 = tpu.memref_squeeze %gather3A_1839 : memref<1x16x64xf32, #tpu.memory_space<vmem>> -> memref<16x64xf32, #tpu.memory_space<vmem>>
      %gather3A_1841 = tpu.vector_load_idx %gather3A_1840[%iota3A, %broadcast_in_dim3A_1829] : memref<16x64xf32, #tpu.memory_space<vmem>>[vector<16xi32>, vector<16xi32>], vector<16xf32>,
      %sub3A_1842 = arith.subf %gather3A_1835, %gather3A_1841 : vector<16xf32>
      %mul3A_1843 = arith.mulf %sub3A_1842, %sub3A_1842 : vector<16xf32>
      %add3A_1844 = arith.addf %add3A_1827, %mul3A_1843 : vector<16xf32>
      %broadcast_in_dim3A_1845 = arith.constant 35 : i32
      %broadcast_in_dim3A_1846 = vector.broadcast %broadcast_in_dim3A_1845 : i32 to vector<16xi32>
      %gather3A_1847 = arith.constant 1 : i32
      %gather3A_1848 = arith.constant 0 : i32
      %gather3A_1849 = arith.constant 0 : i32
      %gather3A_1850 = tpu.memref_slice %arg10[%gather3A_1847, %gather3A_1848, %gather3A_1849] : memref<2x16x64xf32, #tpu.memory_space<vmem>> -> memref<1x16x64xf32, #tpu.memory_space<vmem>>
      %gather3A_1851 = tpu.memref_squeeze %gather3A_1850 : memref<1x16x64xf32, #tpu.memory_space<vmem>> -> memref<16x64xf32, #tpu.memory_space<vmem>>
      %gather3A_1852 = tpu.vector_load_idx %gather3A_1851[%iota3A, %broadcast_in_dim3A_1846] : memref<16x64xf32, #tpu.memory_space<vmem>>[vector<16xi32>, vector<16xi32>], vector<16xf32>,
      %gather3A_1853 = arith.constant 1 : i32
      %gather3A_1854 = arith.constant 0 : i32
      %gather3A_1855 = arith.constant 0 : i32
      %gather3A_1856 = tpu.memref_slice %arg11[%gather3A_1853, %gather3A_1854, %gather3A_1855] : memref<2x16x64xf32, #tpu.memory_space<vmem>> -> memref<1x16x64xf32, #tpu.memory_space<vmem>>
      %gather3A_1857 = tpu.memref_squeeze %gather3A_1856 : memref<1x16x64xf32, #tpu.memory_space<vmem>> -> memref<16x64xf32, #tpu.memory_space<vmem>>
      %gather3A_1858 = tpu.vector_load_idx %gather3A_1857[%iota3A, %broadcast_in_dim3A_1846] : memref<16x64xf32, #tpu.memory_space<vmem>>[vector<16xi32>, vector<16xi32>], vector<16xf32>,
      %sub3A_1859 = arith.subf %gather3A_1852, %gather3A_1858 : vector<16xf32>
      %mul3A_1860 = arith.mulf %sub3A_1859, %sub3A_1859 : vector<16xf32>
      %add3A_1861 = arith.addf %add3A_1844, %mul3A_1860 : vector<16xf32>
      %broadcast_in_dim3A_1862 = arith.constant 36 : i32
      %broadcast_in_dim3A_1863 = vector.broadcast %broadcast_in_dim3A_1862 : i32 to vector<16xi32>
      %gather3A_1864 = arith.constant 1 : i32
      %gather3A_1865 = arith.constant 0 : i32
      %gather3A_1866 = arith.constant 0 : i32
      %gather3A_1867 = tpu.memref_slice %arg10[%gather3A_1864, %gather3A_1865, %gather3A_1866] : memref<2x16x64xf32, #tpu.memory_space<vmem>> -> memref<1x16x64xf32, #tpu.memory_space<vmem>>
      %gather3A_1868 = tpu.memref_squeeze %gather3A_1867 : memref<1x16x64xf32, #tpu.memory_space<vmem>> -> memref<16x64xf32, #tpu.memory_space<vmem>>
      %gather3A_1869 = tpu.vector_load_idx %gather3A_1868[%iota3A, %broadcast_in_dim3A_1863] : memref<16x64xf32, #tpu.memory_space<vmem>>[vector<16xi32>, vector<16xi32>], vector<16xf32>,
      %gather3A_1870 = arith.constant 1 : i32
      %gather3A_1871 = arith.constant 0 : i32
      %gather3A_1872 = arith.constant 0 : i32
      %gather3A_1873 = tpu.memref_slice %arg11[%gather3A_1870, %gather3A_1871, %gather3A_1872] : memref<2x16x64xf32, #tpu.memory_space<vmem>> -> memref<1x16x64xf32, #tpu.memory_space<vmem>>
      %gather3A_1874 = tpu.memref_squeeze %gather3A_1873 : memref<1x16x64xf32, #tpu.memory_space<vmem>> -> memref<16x64xf32, #tpu.memory_space<vmem>>
      %gather3A_1875 = tpu.vector_load_idx %gather3A_1874[%iota3A, %broadcast_in_dim3A_1863] : memref<16x64xf32, #tpu.memory_space<vmem>>[vector<16xi32>, vector<16xi32>], vector<16xf32>,
      %sub3A_1876 = arith.subf %gather3A_1869, %gather3A_1875 : vector<16xf32>
      %mul3A_1877 = arith.mulf %sub3A_1876, %sub3A_1876 : vector<16xf32>
      %add3A_1878 = arith.addf %add3A_1861, %mul3A_1877 : vector<16xf32>
      %broadcast_in_dim3A_1879 = arith.constant 37 : i32
      %broadcast_in_dim3A_1880 = vector.broadcast %broadcast_in_dim3A_1879 : i32 to vector<16xi32>
      %gather3A_1881 = arith.constant 1 : i32
      %gather3A_1882 = arith.constant 0 : i32
      %gather3A_1883 = arith.constant 0 : i32
      %gather3A_1884 = tpu.memref_slice %arg10[%gather3A_1881, %gather3A_1882, %gather3A_1883] : memref<2x16x64xf32, #tpu.memory_space<vmem>> -> memref<1x16x64xf32, #tpu.memory_space<vmem>>
      %gather3A_1885 = tpu.memref_squeeze %gather3A_1884 : memref<1x16x64xf32, #tpu.memory_space<vmem>> -> memref<16x64xf32, #tpu.memory_space<vmem>>
      %gather3A_1886 = tpu.vector_load_idx %gather3A_1885[%iota3A, %broadcast_in_dim3A_1880] : memref<16x64xf32, #tpu.memory_space<vmem>>[vector<16xi32>, vector<16xi32>], vector<16xf32>,
      %gather3A_1887 = arith.constant 1 : i32
      %gather3A_1888 = arith.constant 0 : i32
      %gather3A_1889 = arith.constant 0 : i32
      %gather3A_1890 = tpu.memref_slice %arg11[%gather3A_1887, %gather3A_1888, %gather3A_1889] : memref<2x16x64xf32, #tpu.memory_space<vmem>> -> memref<1x16x64xf32, #tpu.memory_space<vmem>>
      %gather3A_1891 = tpu.memref_squeeze %gather3A_1890 : memref<1x16x64xf32, #tpu.memory_space<vmem>> -> memref<16x64xf32, #tpu.memory_space<vmem>>
      %gather3A_1892 = tpu.vector_load_idx %gather3A_1891[%iota3A, %broadcast_in_dim3A_1880] : memref<16x64xf32, #tpu.memory_space<vmem>>[vector<16xi32>, vector<16xi32>], vector<16xf32>,
      %sub3A_1893 = arith.subf %gather3A_1886, %gather3A_1892 : vector<16xf32>
      %mul3A_1894 = arith.mulf %sub3A_1893, %sub3A_1893 : vector<16xf32>
      %add3A_1895 = arith.addf %add3A_1878, %mul3A_1894 : vector<16xf32>
      %broadcast_in_dim3A_1896 = arith.constant 38 : i32
      %broadcast_in_dim3A_1897 = vector.broadcast %broadcast_in_dim3A_1896 : i32 to vector<16xi32>
      %gather3A_1898 = arith.constant 1 : i32
      %gather3A_1899 = arith.constant 0 : i32
      %gather3A_1900 = arith.constant 0 : i32
      %gather3A_1901 = tpu.memref_slice %arg10[%gather3A_1898, %gather3A_1899, %gather3A_1900] : memref<2x16x64xf32, #tpu.memory_space<vmem>> -> memref<1x16x64xf32, #tpu.memory_space<vmem>>
      %gather3A_1902 = tpu.memref_squeeze %gather3A_1901 : memref<1x16x64xf32, #tpu.memory_space<vmem>> -> memref<16x64xf32, #tpu.memory_space<vmem>>
      %gather3A_1903 = tpu.vector_load_idx %gather3A_1902[%iota3A, %broadcast_in_dim3A_1897] : memref<16x64xf32, #tpu.memory_space<vmem>>[vector<16xi32>, vector<16xi32>], vector<16xf32>,
      %gather3A_1904 = arith.constant 1 : i32
      %gather3A_1905 = arith.constant 0 : i32
      %gather3A_1906 = arith.constant 0 : i32
      %gather3A_1907 = tpu.memref_slice %arg11[%gather3A_1904, %gather3A_1905, %gather3A_1906] : memref<2x16x64xf32, #tpu.memory_space<vmem>> -> memref<1x16x64xf32, #tpu.memory_space<vmem>>
      %gather3A_1908 = tpu.memref_squeeze %gather3A_1907 : memref<1x16x64xf32, #tpu.memory_space<vmem>> -> memref<16x64xf32, #tpu.memory_space<vmem>>
      %gather3A_1909 = tpu.vector_load_idx %gather3A_1908[%iota3A, %broadcast_in_dim3A_1897] : memref<16x64xf32, #tpu.memory_space<vmem>>[vector<16xi32>, vector<16xi32>], vector<16xf32>,
      %sub3A_1910 = arith.subf %gather3A_1903, %gather3A_1909 : vector<16xf32>
      %mul3A_1911 = arith.mulf %sub3A_1910, %sub3A_1910 : vector<16xf32>
      %add3A_1912 = arith.addf %add3A_1895, %mul3A_1911 : vector<16xf32>
      %broadcast_in_dim3A_1913 = arith.constant 39 : i32
      %broadcast_in_dim3A_1914 = vector.broadcast %broadcast_in_dim3A_1913 : i32 to vector<16xi32>
      %gather3A_1915 = arith.constant 1 : i32
      %gather3A_1916 = arith.constant 0 : i32
      %gather3A_1917 = arith.constant 0 : i32
      %gather3A_1918 = tpu.memref_slice %arg10[%gather3A_1915, %gather3A_1916, %gather3A_1917] : memref<2x16x64xf32, #tpu.memory_space<vmem>> -> memref<1x16x64xf32, #tpu.memory_space<vmem>>
      %gather3A_1919 = tpu.memref_squeeze %gather3A_1918 : memref<1x16x64xf32, #tpu.memory_space<vmem>> -> memref<16x64xf32, #tpu.memory_space<vmem>>
      %gather3A_1920 = tpu.vector_load_idx %gather3A_1919[%iota3A, %broadcast_in_dim3A_1914] : memref<16x64xf32, #tpu.memory_space<vmem>>[vector<16xi32>, vector<16xi32>], vector<16xf32>,
      %gather3A_1921 = arith.constant 1 : i32
      %gather3A_1922 = arith.constant 0 : i32
      %gather3A_1923 = arith.constant 0 : i32
      %gather3A_1924 = tpu.memref_slice %arg11[%gather3A_1921, %gather3A_1922, %gather3A_1923] : memref<2x16x64xf32, #tpu.memory_space<vmem>> -> memref<1x16x64xf32, #tpu.memory_space<vmem>>
      %gather3A_1925 = tpu.memref_squeeze %gather3A_1924 : memref<1x16x64xf32, #tpu.memory_space<vmem>> -> memref<16x64xf32, #tpu.memory_space<vmem>>
      %gather3A_1926 = tpu.vector_load_idx %gather3A_1925[%iota3A, %broadcast_in_dim3A_1914] : memref<16x64xf32, #tpu.memory_space<vmem>>[vector<16xi32>, vector<16xi32>], vector<16xf32>,
      %sub3A_1927 = arith.subf %gather3A_1920, %gather3A_1926 : vector<16xf32>
      %mul3A_1928 = arith.mulf %sub3A_1927, %sub3A_1927 : vector<16xf32>
      %add3A_1929 = arith.addf %add3A_1912, %mul3A_1928 : vector<16xf32>
      %broadcast_in_dim3A_1930 = arith.constant 40 : i32
      %broadcast_in_dim3A_1931 = vector.broadcast %broadcast_in_dim3A_1930 : i32 to vector<16xi32>
      %gather3A_1932 = arith.constant 1 : i32
      %gather3A_1933 = arith.constant 0 : i32
      %gather3A_1934 = arith.constant 0 : i32
      %gather3A_1935 = tpu.memref_slice %arg10[%gather3A_1932, %gather3A_1933, %gather3A_1934] : memref<2x16x64xf32, #tpu.memory_space<vmem>> -> memref<1x16x64xf32, #tpu.memory_space<vmem>>
      %gather3A_1936 = tpu.memref_squeeze %gather3A_1935 : memref<1x16x64xf32, #tpu.memory_space<vmem>> -> memref<16x64xf32, #tpu.memory_space<vmem>>
      %gather3A_1937 = tpu.vector_load_idx %gather3A_1936[%iota3A, %broadcast_in_dim3A_1931] : memref<16x64xf32, #tpu.memory_space<vmem>>[vector<16xi32>, vector<16xi32>], vector<16xf32>,
      %gather3A_1938 = arith.constant 1 : i32
      %gather3A_1939 = arith.constant 0 : i32
      %gather3A_1940 = arith.constant 0 : i32
      %gather3A_1941 = tpu.memref_slice %arg11[%gather3A_1938, %gather3A_1939, %gather3A_1940] : memref<2x16x64xf32, #tpu.memory_space<vmem>> -> memref<1x16x64xf32, #tpu.memory_space<vmem>>
      %gather3A_1942 = tpu.memref_squeeze %gather3A_1941 : memref<1x16x64xf32, #tpu.memory_space<vmem>> -> memref<16x64xf32, #tpu.memory_space<vmem>>
      %gather3A_1943 = tpu.vector_load_idx %gather3A_1942[%iota3A, %broadcast_in_dim3A_1931] : memref<16x64xf32, #tpu.memory_space<vmem>>[vector<16xi32>, vector<16xi32>], vector<16xf32>,
      %sub3A_1944 = arith.subf %gather3A_1937, %gather3A_1943 : vector<16xf32>
      %mul3A_1945 = arith.mulf %sub3A_1944, %sub3A_1944 : vector<16xf32>
      %add3A_1946 = arith.addf %add3A_1929, %mul3A_1945 : vector<16xf32>
      %broadcast_in_dim3A_1947 = arith.constant 41 : i32
      %broadcast_in_dim3A_1948 = vector.broadcast %broadcast_in_dim3A_1947 : i32 to vector<16xi32>
      %gather3A_1949 = arith.constant 1 : i32
      %gather3A_1950 = arith.constant 0 : i32
      %gather3A_1951 = arith.constant 0 : i32
      %gather3A_1952 = tpu.memref_slice %arg10[%gather3A_1949, %gather3A_1950, %gather3A_1951] : memref<2x16x64xf32, #tpu.memory_space<vmem>> -> memref<1x16x64xf32, #tpu.memory_space<vmem>>
      %gather3A_1953 = tpu.memref_squeeze %gather3A_1952 : memref<1x16x64xf32, #tpu.memory_space<vmem>> -> memref<16x64xf32, #tpu.memory_space<vmem>>
      %gather3A_1954 = tpu.vector_load_idx %gather3A_1953[%iota3A, %broadcast_in_dim3A_1948] : memref<16x64xf32, #tpu.memory_space<vmem>>[vector<16xi32>, vector<16xi32>], vector<16xf32>,
      %gather3A_1955 = arith.constant 1 : i32
      %gather3A_1956 = arith.constant 0 : i32
      %gather3A_1957 = arith.constant 0 : i32
      %gather3A_1958 = tpu.memref_slice %arg11[%gather3A_1955, %gather3A_1956, %gather3A_1957] : memref<2x16x64xf32, #tpu.memory_space<vmem>> -> memref<1x16x64xf32, #tpu.memory_space<vmem>>
      %gather3A_1959 = tpu.memref_squeeze %gather3A_1958 : memref<1x16x64xf32, #tpu.memory_space<vmem>> -> memref<16x64xf32, #tpu.memory_space<vmem>>
      %gather3A_1960 = tpu.vector_load_idx %gather3A_1959[%iota3A, %broadcast_in_dim3A_1948] : memref<16x64xf32, #tpu.memory_space<vmem>>[vector<16xi32>, vector<16xi32>], vector<16xf32>,
      %sub3A_1961 = arith.subf %gather3A_1954, %gather3A_1960 : vector<16xf32>
      %mul3A_1962 = arith.mulf %sub3A_1961, %sub3A_1961 : vector<16xf32>
      %add3A_1963 = arith.addf %add3A_1946, %mul3A_1962 : vector<16xf32>
      %broadcast_in_dim3A_1964 = arith.constant 42 : i32
      %broadcast_in_dim3A_1965 = vector.broadcast %broadcast_in_dim3A_1964 : i32 to vector<16xi32>
      %gather3A_1966 = arith.constant 1 : i32
      %gather3A_1967 = arith.constant 0 : i32
      %gather3A_1968 = arith.constant 0 : i32
      %gather3A_1969 = tpu.memref_slice %arg10[%gather3A_1966, %gather3A_1967, %gather3A_1968] : memref<2x16x64xf32, #tpu.memory_space<vmem>> -> memref<1x16x64xf32, #tpu.memory_space<vmem>>
      %gather3A_1970 = tpu.memref_squeeze %gather3A_1969 : memref<1x16x64xf32, #tpu.memory_space<vmem>> -> memref<16x64xf32, #tpu.memory_space<vmem>>
      %gather3A_1971 = tpu.vector_load_idx %gather3A_1970[%iota3A, %broadcast_in_dim3A_1965] : memref<16x64xf32, #tpu.memory_space<vmem>>[vector<16xi32>, vector<16xi32>], vector<16xf32>,
      %gather3A_1972 = arith.constant 1 : i32
      %gather3A_1973 = arith.constant 0 : i32
      %gather3A_1974 = arith.constant 0 : i32
      %gather3A_1975 = tpu.memref_slice %arg11[%gather3A_1972, %gather3A_1973, %gather3A_1974] : memref<2x16x64xf32, #tpu.memory_space<vmem>> -> memref<1x16x64xf32, #tpu.memory_space<vmem>>
      %gather3A_1976 = tpu.memref_squeeze %gather3A_1975 : memref<1x16x64xf32, #tpu.memory_space<vmem>> -> memref<16x64xf32, #tpu.memory_space<vmem>>
      %gather3A_1977 = tpu.vector_load_idx %gather3A_1976[%iota3A, %broadcast_in_dim3A_1965] : memref<16x64xf32, #tpu.memory_space<vmem>>[vector<16xi32>, vector<16xi32>], vector<16xf32>,
      %sub3A_1978 = arith.subf %gather3A_1971, %gather3A_1977 : vector<16xf32>
      %mul3A_1979 = arith.mulf %sub3A_1978, %sub3A_1978 : vector<16xf32>
      %add3A_1980 = arith.addf %add3A_1963, %mul3A_1979 : vector<16xf32>
      %broadcast_in_dim3A_1981 = arith.constant 43 : i32
      %broadcast_in_dim3A_1982 = vector.broadcast %broadcast_in_dim3A_1981 : i32 to vector<16xi32>
      %gather3A_1983 = arith.constant 1 : i32
      %gather3A_1984 = arith.constant 0 : i32
      %gather3A_1985 = arith.constant 0 : i32
      %gather3A_1986 = tpu.memref_slice %arg10[%gather3A_1983, %gather3A_1984, %gather3A_1985] : memref<2x16x64xf32, #tpu.memory_space<vmem>> -> memref<1x16x64xf32, #tpu.memory_space<vmem>>
      %gather3A_1987 = tpu.memref_squeeze %gather3A_1986 : memref<1x16x64xf32, #tpu.memory_space<vmem>> -> memref<16x64xf32, #tpu.memory_space<vmem>>
      %gather3A_1988 = tpu.vector_load_idx %gather3A_1987[%iota3A, %broadcast_in_dim3A_1982] : memref<16x64xf32, #tpu.memory_space<vmem>>[vector<16xi32>, vector<16xi32>], vector<16xf32>,
      %gather3A_1989 = arith.constant 1 : i32
      %gather3A_1990 = arith.constant 0 : i32
      %gather3A_1991 = arith.constant 0 : i32
      %gather3A_1992 = tpu.memref_slice %arg11[%gather3A_1989, %gather3A_1990, %gather3A_1991] : memref<2x16x64xf32, #tpu.memory_space<vmem>> -> memref<1x16x64xf32, #tpu.memory_space<vmem>>
      %gather3A_1993 = tpu.memref_squeeze %gather3A_1992 : memref<1x16x64xf32, #tpu.memory_space<vmem>> -> memref<16x64xf32, #tpu.memory_space<vmem>>
      %gather3A_1994 = tpu.vector_load_idx %gather3A_1993[%iota3A, %broadcast_in_dim3A_1982] : memref<16x64xf32, #tpu.memory_space<vmem>>[vector<16xi32>, vector<16xi32>], vector<16xf32>,
      %sub3A_1995 = arith.subf %gather3A_1988, %gather3A_1994 : vector<16xf32>
      %mul3A_1996 = arith.mulf %sub3A_1995, %sub3A_1995 : vector<16xf32>
      %add3A_1997 = arith.addf %add3A_1980, %mul3A_1996 : vector<16xf32>
      %broadcast_in_dim3A_1998 = arith.constant 44 : i32
      %broadcast_in_dim3A_1999 = vector.broadcast %broadcast_in_dim3A_1998 : i32 to vector<16xi32>
      %gather3A_2000 = arith.constant 1 : i32
      %gather3A_2001 = arith.constant 0 : i32
      %gather3A_2002 = arith.constant 0 : i32
      %gather3A_2003 = tpu.memref_slice %arg10[%gather3A_2000, %gather3A_2001, %gather3A_2002] : memref<2x16x64xf32, #tpu.memory_space<vmem>> -> memref<1x16x64xf32, #tpu.memory_space<vmem>>
      %gather3A_2004 = tpu.memref_squeeze %gather3A_2003 : memref<1x16x64xf32, #tpu.memory_space<vmem>> -> memref<16x64xf32, #tpu.memory_space<vmem>>
      %gather3A_2005 = tpu.vector_load_idx %gather3A_2004[%iota3A, %broadcast_in_dim3A_1999] : memref<16x64xf32, #tpu.memory_space<vmem>>[vector<16xi32>, vector<16xi32>], vector<16xf32>,
      %gather3A_2006 = arith.constant 1 : i32
      %gather3A_2007 = arith.constant 0 : i32
      %gather3A_2008 = arith.constant 0 : i32
      %gather3A_2009 = tpu.memref_slice %arg11[%gather3A_2006, %gather3A_2007, %gather3A_2008] : memref<2x16x64xf32, #tpu.memory_space<vmem>> -> memref<1x16x64xf32, #tpu.memory_space<vmem>>
      %gather3A_2010 = tpu.memref_squeeze %gather3A_2009 : memref<1x16x64xf32, #tpu.memory_space<vmem>> -> memref<16x64xf32, #tpu.memory_space<vmem>>
      %gather3A_2011 = tpu.vector_load_idx %gather3A_2010[%iota3A, %broadcast_in_dim3A_1999] : memref<16x64xf32, #tpu.memory_space<vmem>>[vector<16xi32>, vector<16xi32>], vector<16xf32>,
      %sub3A_2012 = arith.subf %gather3A_2005, %gather3A_2011 : vector<16xf32>
      %mul3A_2013 = arith.mulf %sub3A_2012, %sub3A_2012 : vector<16xf32>
      %add3A_2014 = arith.addf %add3A_1997, %mul3A_2013 : vector<16xf32>
      %broadcast_in_dim3A_2015 = arith.constant 45 : i32
      %broadcast_in_dim3A_2016 = vector.broadcast %broadcast_in_dim3A_2015 : i32 to vector<16xi32>
      %gather3A_2017 = arith.constant 1 : i32
      %gather3A_2018 = arith.constant 0 : i32
      %gather3A_2019 = arith.constant 0 : i32
      %gather3A_2020 = tpu.memref_slice %arg10[%gather3A_2017, %gather3A_2018, %gather3A_2019] : memref<2x16x64xf32, #tpu.memory_space<vmem>> -> memref<1x16x64xf32, #tpu.memory_space<vmem>>
      %gather3A_2021 = tpu.memref_squeeze %gather3A_2020 : memref<1x16x64xf32, #tpu.memory_space<vmem>> -> memref<16x64xf32, #tpu.memory_space<vmem>>
      %gather3A_2022 = tpu.vector_load_idx %gather3A_2021[%iota3A, %broadcast_in_dim3A_2016] : memref<16x64xf32, #tpu.memory_space<vmem>>[vector<16xi32>, vector<16xi32>], vector<16xf32>,
      %gather3A_2023 = arith.constant 1 : i32
      %gather3A_2024 = arith.constant 0 : i32
      %gather3A_2025 = arith.constant 0 : i32
      %gather3A_2026 = tpu.memref_slice %arg11[%gather3A_2023, %gather3A_2024, %gather3A_2025] : memref<2x16x64xf32, #tpu.memory_space<vmem>> -> memref<1x16x64xf32, #tpu.memory_space<vmem>>
      %gather3A_2027 = tpu.memref_squeeze %gather3A_2026 : memref<1x16x64xf32, #tpu.memory_space<vmem>> -> memref<16x64xf32, #tpu.memory_space<vmem>>
      %gather3A_2028 = tpu.vector_load_idx %gather3A_2027[%iota3A, %broadcast_in_dim3A_2016] : memref<16x64xf32, #tpu.memory_space<vmem>>[vector<16xi32>, vector<16xi32>], vector<16xf32>,
      %sub3A_2029 = arith.subf %gather3A_2022, %gather3A_2028 : vector<16xf32>
      %mul3A_2030 = arith.mulf %sub3A_2029, %sub3A_2029 : vector<16xf32>
      %add3A_2031 = arith.addf %add3A_2014, %mul3A_2030 : vector<16xf32>
      %broadcast_in_dim3A_2032 = arith.constant 46 : i32
      %broadcast_in_dim3A_2033 = vector.broadcast %broadcast_in_dim3A_2032 : i32 to vector<16xi32>
      %gather3A_2034 = arith.constant 1 : i32
      %gather3A_2035 = arith.constant 0 : i32
      %gather3A_2036 = arith.constant 0 : i32
      %gather3A_2037 = tpu.memref_slice %arg10[%gather3A_2034, %gather3A_2035, %gather3A_2036] : memref<2x16x64xf32, #tpu.memory_space<vmem>> -> memref<1x16x64xf32, #tpu.memory_space<vmem>>
      %gather3A_2038 = tpu.memref_squeeze %gather3A_2037 : memref<1x16x64xf32, #tpu.memory_space<vmem>> -> memref<16x64xf32, #tpu.memory_space<vmem>>
      %gather3A_2039 = tpu.vector_load_idx %gather3A_2038[%iota3A, %broadcast_in_dim3A_2033] : memref<16x64xf32, #tpu.memory_space<vmem>>[vector<16xi32>, vector<16xi32>], vector<16xf32>,
      %gather3A_2040 = arith.constant 1 : i32
      %gather3A_2041 = arith.constant 0 : i32
      %gather3A_2042 = arith.constant 0 : i32
      %gather3A_2043 = tpu.memref_slice %arg11[%gather3A_2040, %gather3A_2041, %gather3A_2042] : memref<2x16x64xf32, #tpu.memory_space<vmem>> -> memref<1x16x64xf32, #tpu.memory_space<vmem>>
      %gather3A_2044 = tpu.memref_squeeze %gather3A_2043 : memref<1x16x64xf32, #tpu.memory_space<vmem>> -> memref<16x64xf32, #tpu.memory_space<vmem>>
      %gather3A_2045 = tpu.vector_load_idx %gather3A_2044[%iota3A, %broadcast_in_dim3A_2033] : memref<16x64xf32, #tpu.memory_space<vmem>>[vector<16xi32>, vector<16xi32>], vector<16xf32>,
      %sub3A_2046 = arith.subf %gather3A_2039, %gather3A_2045 : vector<16xf32>
      %mul3A_2047 = arith.mulf %sub3A_2046, %sub3A_2046 : vector<16xf32>
      %add3A_2048 = arith.addf %add3A_2031, %mul3A_2047 : vector<16xf32>
      %broadcast_in_dim3A_2049 = arith.constant 47 : i32
      %broadcast_in_dim3A_2050 = vector.broadcast %broadcast_in_dim3A_2049 : i32 to vector<16xi32>
      %gather3A_2051 = arith.constant 1 : i32
      %gather3A_2052 = arith.constant 0 : i32
      %gather3A_2053 = arith.constant 0 : i32
      %gather3A_2054 = tpu.memref_slice %arg10[%gather3A_2051, %gather3A_2052, %gather3A_2053] : memref<2x16x64xf32, #tpu.memory_space<vmem>> -> memref<1x16x64xf32, #tpu.memory_space<vmem>>
      %gather3A_2055 = tpu.memref_squeeze %gather3A_2054 : memref<1x16x64xf32, #tpu.memory_space<vmem>> -> memref<16x64xf32, #tpu.memory_space<vmem>>
      %gather3A_2056 = tpu.vector_load_idx %gather3A_2055[%iota3A, %broadcast_in_dim3A_2050] : memref<16x64xf32, #tpu.memory_space<vmem>>[vector<16xi32>, vector<16xi32>], vector<16xf32>,
      %gather3A_2057 = arith.constant 1 : i32
      %gather3A_2058 = arith.constant 0 : i32
      %gather3A_2059 = arith.constant 0 : i32
      %gather3A_2060 = tpu.memref_slice %arg11[%gather3A_2057, %gather3A_2058, %gather3A_2059] : memref<2x16x64xf32, #tpu.memory_space<vmem>> -> memref<1x16x64xf32, #tpu.memory_space<vmem>>
      %gather3A_2061 = tpu.memref_squeeze %gather3A_2060 : memref<1x16x64xf32, #tpu.memory_space<vmem>> -> memref<16x64xf32, #tpu.memory_space<vmem>>
      %gather3A_2062 = tpu.vector_load_idx %gather3A_2061[%iota3A, %broadcast_in_dim3A_2050] : memref<16x64xf32, #tpu.memory_space<vmem>>[vector<16xi32>, vector<16xi32>], vector<16xf32>,
      %sub3A_2063 = arith.subf %gather3A_2056, %gather3A_2062 : vector<16xf32>
      %mul3A_2064 = arith.mulf %sub3A_2063, %sub3A_2063 : vector<16xf32>
      %add3A_2065 = arith.addf %add3A_2048, %mul3A_2064 : vector<16xf32>
      %broadcast_in_dim3A_2066 = arith.constant 48 : i32
      %broadcast_in_dim3A_2067 = vector.broadcast %broadcast_in_dim3A_2066 : i32 to vector<16xi32>
      %gather3A_2068 = arith.constant 1 : i32
      %gather3A_2069 = arith.constant 0 : i32
      %gather3A_2070 = arith.constant 0 : i32
      %gather3A_2071 = tpu.memref_slice %arg10[%gather3A_2068, %gather3A_2069, %gather3A_2070] : memref<2x16x64xf32, #tpu.memory_space<vmem>> -> memref<1x16x64xf32, #tpu.memory_space<vmem>>
      %gather3A_2072 = tpu.memref_squeeze %gather3A_2071 : memref<1x16x64xf32, #tpu.memory_space<vmem>> -> memref<16x64xf32, #tpu.memory_space<vmem>>
      %gather3A_2073 = tpu.vector_load_idx %gather3A_2072[%iota3A, %broadcast_in_dim3A_2067] : memref<16x64xf32, #tpu.memory_space<vmem>>[vector<16xi32>, vector<16xi32>], vector<16xf32>,
      %gather3A_2074 = arith.constant 1 : i32
      %gather3A_2075 = arith.constant 0 : i32
      %gather3A_2076 = arith.constant 0 : i32
      %gather3A_2077 = tpu.memref_slice %arg11[%gather3A_2074, %gather3A_2075, %gather3A_2076] : memref<2x16x64xf32, #tpu.memory_space<vmem>> -> memref<1x16x64xf32, #tpu.memory_space<vmem>>
      %gather3A_2078 = tpu.memref_squeeze %gather3A_2077 : memref<1x16x64xf32, #tpu.memory_space<vmem>> -> memref<16x64xf32, #tpu.memory_space<vmem>>
      %gather3A_2079 = tpu.vector_load_idx %gather3A_2078[%iota3A, %broadcast_in_dim3A_2067] : memref<16x64xf32, #tpu.memory_space<vmem>>[vector<16xi32>, vector<16xi32>], vector<16xf32>,
      %sub3A_2080 = arith.subf %gather3A_2073, %gather3A_2079 : vector<16xf32>
      %mul3A_2081 = arith.mulf %sub3A_2080, %sub3A_2080 : vector<16xf32>
      %add3A_2082 = arith.addf %add3A_2065, %mul3A_2081 : vector<16xf32>
      %broadcast_in_dim3A_2083 = arith.constant 49 : i32
      %broadcast_in_dim3A_2084 = vector.broadcast %broadcast_in_dim3A_2083 : i32 to vector<16xi32>
      %gather3A_2085 = arith.constant 1 : i32
      %gather3A_2086 = arith.constant 0 : i32
      %gather3A_2087 = arith.constant 0 : i32
      %gather3A_2088 = tpu.memref_slice %arg10[%gather3A_2085, %gather3A_2086, %gather3A_2087] : memref<2x16x64xf32, #tpu.memory_space<vmem>> -> memref<1x16x64xf32, #tpu.memory_space<vmem>>
      %gather3A_2089 = tpu.memref_squeeze %gather3A_2088 : memref<1x16x64xf32, #tpu.memory_space<vmem>> -> memref<16x64xf32, #tpu.memory_space<vmem>>
      %gather3A_2090 = tpu.vector_load_idx %gather3A_2089[%iota3A, %broadcast_in_dim3A_2084] : memref<16x64xf32, #tpu.memory_space<vmem>>[vector<16xi32>, vector<16xi32>], vector<16xf32>,
      %gather3A_2091 = arith.constant 1 : i32
      %gather3A_2092 = arith.constant 0 : i32
      %gather3A_2093 = arith.constant 0 : i32
      %gather3A_2094 = tpu.memref_slice %arg11[%gather3A_2091, %gather3A_2092, %gather3A_2093] : memref<2x16x64xf32, #tpu.memory_space<vmem>> -> memref<1x16x64xf32, #tpu.memory_space<vmem>>
      %gather3A_2095 = tpu.memref_squeeze %gather3A_2094 : memref<1x16x64xf32, #tpu.memory_space<vmem>> -> memref<16x64xf32, #tpu.memory_space<vmem>>
      %gather3A_2096 = tpu.vector_load_idx %gather3A_2095[%iota3A, %broadcast_in_dim3A_2084] : memref<16x64xf32, #tpu.memory_space<vmem>>[vector<16xi32>, vector<16xi32>], vector<16xf32>,
      %sub3A_2097 = arith.subf %gather3A_2090, %gather3A_2096 : vector<16xf32>
      %mul3A_2098 = arith.mulf %sub3A_2097, %sub3A_2097 : vector<16xf32>
      %add3A_2099 = arith.addf %add3A_2082, %mul3A_2098 : vector<16xf32>
      %broadcast_in_dim3A_2100 = arith.constant 50 : i32
      %broadcast_in_dim3A_2101 = vector.broadcast %broadcast_in_dim3A_2100 : i32 to vector<16xi32>
      %gather3A_2102 = arith.constant 1 : i32
      %gather3A_2103 = arith.constant 0 : i32
      %gather3A_2104 = arith.constant 0 : i32
      %gather3A_2105 = tpu.memref_slice %arg10[%gather3A_2102, %gather3A_2103, %gather3A_2104] : memref<2x16x64xf32, #tpu.memory_space<vmem>> -> memref<1x16x64xf32, #tpu.memory_space<vmem>>
      %gather3A_2106 = tpu.memref_squeeze %gather3A_2105 : memref<1x16x64xf32, #tpu.memory_space<vmem>> -> memref<16x64xf32, #tpu.memory_space<vmem>>
      %gather3A_2107 = tpu.vector_load_idx %gather3A_2106[%iota3A, %broadcast_in_dim3A_2101] : memref<16x64xf32, #tpu.memory_space<vmem>>[vector<16xi32>, vector<16xi32>], vector<16xf32>,
      %gather3A_2108 = arith.constant 1 : i32
      %gather3A_2109 = arith.constant 0 : i32
      %gather3A_2110 = arith.constant 0 : i32
      %gather3A_2111 = tpu.memref_slice %arg11[%gather3A_2108, %gather3A_2109, %gather3A_2110] : memref<2x16x64xf32, #tpu.memory_space<vmem>> -> memref<1x16x64xf32, #tpu.memory_space<vmem>>
      %gather3A_2112 = tpu.memref_squeeze %gather3A_2111 : memref<1x16x64xf32, #tpu.memory_space<vmem>> -> memref<16x64xf32, #tpu.memory_space<vmem>>
      %gather3A_2113 = tpu.vector_load_idx %gather3A_2112[%iota3A, %broadcast_in_dim3A_2101] : memref<16x64xf32, #tpu.memory_space<vmem>>[vector<16xi32>, vector<16xi32>], vector<16xf32>,
      %sub3A_2114 = arith.subf %gather3A_2107, %gather3A_2113 : vector<16xf32>
      %mul3A_2115 = arith.mulf %sub3A_2114, %sub3A_2114 : vector<16xf32>
      %add3A_2116 = arith.addf %add3A_2099, %mul3A_2115 : vector<16xf32>
      %broadcast_in_dim3A_2117 = arith.constant 51 : i32
      %broadcast_in_dim3A_2118 = vector.broadcast %broadcast_in_dim3A_2117 : i32 to vector<16xi32>
      %gather3A_2119 = arith.constant 1 : i32
      %gather3A_2120 = arith.constant 0 : i32
      %gather3A_2121 = arith.constant 0 : i32
      %gather3A_2122 = tpu.memref_slice %arg10[%gather3A_2119, %gather3A_2120, %gather3A_2121] : memref<2x16x64xf32, #tpu.memory_space<vmem>> -> memref<1x16x64xf32, #tpu.memory_space<vmem>>
      %gather3A_2123 = tpu.memref_squeeze %gather3A_2122 : memref<1x16x64xf32, #tpu.memory_space<vmem>> -> memref<16x64xf32, #tpu.memory_space<vmem>>
      %gather3A_2124 = tpu.vector_load_idx %gather3A_2123[%iota3A, %broadcast_in_dim3A_2118] : memref<16x64xf32, #tpu.memory_space<vmem>>[vector<16xi32>, vector<16xi32>], vector<16xf32>,
      %gather3A_2125 = arith.constant 1 : i32
      %gather3A_2126 = arith.constant 0 : i32
      %gather3A_2127 = arith.constant 0 : i32
      %gather3A_2128 = tpu.memref_slice %arg11[%gather3A_2125, %gather3A_2126, %gather3A_2127] : memref<2x16x64xf32, #tpu.memory_space<vmem>> -> memref<1x16x64xf32, #tpu.memory_space<vmem>>
      %gather3A_2129 = tpu.memref_squeeze %gather3A_2128 : memref<1x16x64xf32, #tpu.memory_space<vmem>> -> memref<16x64xf32, #tpu.memory_space<vmem>>
      %gather3A_2130 = tpu.vector_load_idx %gather3A_2129[%iota3A, %broadcast_in_dim3A_2118] : memref<16x64xf32, #tpu.memory_space<vmem>>[vector<16xi32>, vector<16xi32>], vector<16xf32>,
      %sub3A_2131 = arith.subf %gather3A_2124, %gather3A_2130 : vector<16xf32>
      %mul3A_2132 = arith.mulf %sub3A_2131, %sub3A_2131 : vector<16xf32>
      %add3A_2133 = arith.addf %add3A_2116, %mul3A_2132 : vector<16xf32>
      %broadcast_in_dim3A_2134 = arith.constant 52 : i32
      %broadcast_in_dim3A_2135 = vector.broadcast %broadcast_in_dim3A_2134 : i32 to vector<16xi32>
      %gather3A_2136 = arith.constant 1 : i32
      %gather3A_2137 = arith.constant 0 : i32
      %gather3A_2138 = arith.constant 0 : i32
      %gather3A_2139 = tpu.memref_slice %arg10[%gather3A_2136, %gather3A_2137, %gather3A_2138] : memref<2x16x64xf32, #tpu.memory_space<vmem>> -> memref<1x16x64xf32, #tpu.memory_space<vmem>>
      %gather3A_2140 = tpu.memref_squeeze %gather3A_2139 : memref<1x16x64xf32, #tpu.memory_space<vmem>> -> memref<16x64xf32, #tpu.memory_space<vmem>>
      %gather3A_2141 = tpu.vector_load_idx %gather3A_2140[%iota3A, %broadcast_in_dim3A_2135] : memref<16x64xf32, #tpu.memory_space<vmem>>[vector<16xi32>, vector<16xi32>], vector<16xf32>,
      %gather3A_2142 = arith.constant 1 : i32
      %gather3A_2143 = arith.constant 0 : i32
      %gather3A_2144 = arith.constant 0 : i32
      %gather3A_2145 = tpu.memref_slice %arg11[%gather3A_2142, %gather3A_2143, %gather3A_2144] : memref<2x16x64xf32, #tpu.memory_space<vmem>> -> memref<1x16x64xf32, #tpu.memory_space<vmem>>
      %gather3A_2146 = tpu.memref_squeeze %gather3A_2145 : memref<1x16x64xf32, #tpu.memory_space<vmem>> -> memref<16x64xf32, #tpu.memory_space<vmem>>
      %gather3A_2147 = tpu.vector_load_idx %gather3A_2146[%iota3A, %broadcast_in_dim3A_2135] : memref<16x64xf32, #tpu.memory_space<vmem>>[vector<16xi32>, vector<16xi32>], vector<16xf32>,
      %sub3A_2148 = arith.subf %gather3A_2141, %gather3A_2147 : vector<16xf32>
      %mul3A_2149 = arith.mulf %sub3A_2148, %sub3A_2148 : vector<16xf32>
      %add3A_2150 = arith.addf %add3A_2133, %mul3A_2149 : vector<16xf32>
      %broadcast_in_dim3A_2151 = arith.constant 53 : i32
      %broadcast_in_dim3A_2152 = vector.broadcast %broadcast_in_dim3A_2151 : i32 to vector<16xi32>
      %gather3A_2153 = arith.constant 1 : i32
      %gather3A_2154 = arith.constant 0 : i32
      %gather3A_2155 = arith.constant 0 : i32
      %gather3A_2156 = tpu.memref_slice %arg10[%gather3A_2153, %gather3A_2154, %gather3A_2155] : memref<2x16x64xf32, #tpu.memory_space<vmem>> -> memref<1x16x64xf32, #tpu.memory_space<vmem>>
      %gather3A_2157 = tpu.memref_squeeze %gather3A_2156 : memref<1x16x64xf32, #tpu.memory_space<vmem>> -> memref<16x64xf32, #tpu.memory_space<vmem>>
      %gather3A_2158 = tpu.vector_load_idx %gather3A_2157[%iota3A, %broadcast_in_dim3A_2152] : memref<16x64xf32, #tpu.memory_space<vmem>>[vector<16xi32>, vector<16xi32>], vector<16xf32>,
      %gather3A_2159 = arith.constant 1 : i32
      %gather3A_2160 = arith.constant 0 : i32
      %gather3A_2161 = arith.constant 0 : i32
      %gather3A_2162 = tpu.memref_slice %arg11[%gather3A_2159, %gather3A_2160, %gather3A_2161] : memref<2x16x64xf32, #tpu.memory_space<vmem>> -> memref<1x16x64xf32, #tpu.memory_space<vmem>>
      %gather3A_2163 = tpu.memref_squeeze %gather3A_2162 : memref<1x16x64xf32, #tpu.memory_space<vmem>> -> memref<16x64xf32, #tpu.memory_space<vmem>>
      %gather3A_2164 = tpu.vector_load_idx %gather3A_2163[%iota3A, %broadcast_in_dim3A_2152] : memref<16x64xf32, #tpu.memory_space<vmem>>[vector<16xi32>, vector<16xi32>], vector<16xf32>,
      %sub3A_2165 = arith.subf %gather3A_2158, %gather3A_2164 : vector<16xf32>
      %mul3A_2166 = arith.mulf %sub3A_2165, %sub3A_2165 : vector<16xf32>
      %add3A_2167 = arith.addf %add3A_2150, %mul3A_2166 : vector<16xf32>
      %broadcast_in_dim3A_2168 = arith.constant 54 : i32
      %broadcast_in_dim3A_2169 = vector.broadcast %broadcast_in_dim3A_2168 : i32 to vector<16xi32>
      %gather3A_2170 = arith.constant 1 : i32
      %gather3A_2171 = arith.constant 0 : i32
      %gather3A_2172 = arith.constant 0 : i32
      %gather3A_2173 = tpu.memref_slice %arg10[%gather3A_2170, %gather3A_2171, %gather3A_2172] : memref<2x16x64xf32, #tpu.memory_space<vmem>> -> memref<1x16x64xf32, #tpu.memory_space<vmem>>
      %gather3A_2174 = tpu.memref_squeeze %gather3A_2173 : memref<1x16x64xf32, #tpu.memory_space<vmem>> -> memref<16x64xf32, #tpu.memory_space<vmem>>
      %gather3A_2175 = tpu.vector_load_idx %gather3A_2174[%iota3A, %broadcast_in_dim3A_2169] : memref<16x64xf32, #tpu.memory_space<vmem>>[vector<16xi32>, vector<16xi32>], vector<16xf32>,
      %gather3A_2176 = arith.constant 1 : i32
      %gather3A_2177 = arith.constant 0 : i32
      %gather3A_2178 = arith.constant 0 : i32
      %gather3A_2179 = tpu.memref_slice %arg11[%gather3A_2176, %gather3A_2177, %gather3A_2178] : memref<2x16x64xf32, #tpu.memory_space<vmem>> -> memref<1x16x64xf32, #tpu.memory_space<vmem>>
      %gather3A_2180 = tpu.memref_squeeze %gather3A_2179 : memref<1x16x64xf32, #tpu.memory_space<vmem>> -> memref<16x64xf32, #tpu.memory_space<vmem>>
      %gather3A_2181 = tpu.vector_load_idx %gather3A_2180[%iota3A, %broadcast_in_dim3A_2169] : memref<16x64xf32, #tpu.memory_space<vmem>>[vector<16xi32>, vector<16xi32>], vector<16xf32>,
      %sub3A_2182 = arith.subf %gather3A_2175, %gather3A_2181 : vector<16xf32>
      %mul3A_2183 = arith.mulf %sub3A_2182, %sub3A_2182 : vector<16xf32>
      %add3A_2184 = arith.addf %add3A_2167, %mul3A_2183 : vector<16xf32>
      %broadcast_in_dim3A_2185 = arith.constant 55 : i32
      %broadcast_in_dim3A_2186 = vector.broadcast %broadcast_in_dim3A_2185 : i32 to vector<16xi32>
      %gather3A_2187 = arith.constant 1 : i32
      %gather3A_2188 = arith.constant 0 : i32
      %gather3A_2189 = arith.constant 0 : i32
      %gather3A_2190 = tpu.memref_slice %arg10[%gather3A_2187, %gather3A_2188, %gather3A_2189] : memref<2x16x64xf32, #tpu.memory_space<vmem>> -> memref<1x16x64xf32, #tpu.memory_space<vmem>>
      %gather3A_2191 = tpu.memref_squeeze %gather3A_2190 : memref<1x16x64xf32, #tpu.memory_space<vmem>> -> memref<16x64xf32, #tpu.memory_space<vmem>>
      %gather3A_2192 = tpu.vector_load_idx %gather3A_2191[%iota3A, %broadcast_in_dim3A_2186] : memref<16x64xf32, #tpu.memory_space<vmem>>[vector<16xi32>, vector<16xi32>], vector<16xf32>,
      %gather3A_2193 = arith.constant 1 : i32
      %gather3A_2194 = arith.constant 0 : i32
      %gather3A_2195 = arith.constant 0 : i32
      %gather3A_2196 = tpu.memref_slice %arg11[%gather3A_2193, %gather3A_2194, %gather3A_2195] : memref<2x16x64xf32, #tpu.memory_space<vmem>> -> memref<1x16x64xf32, #tpu.memory_space<vmem>>
      %gather3A_2197 = tpu.memref_squeeze %gather3A_2196 : memref<1x16x64xf32, #tpu.memory_space<vmem>> -> memref<16x64xf32, #tpu.memory_space<vmem>>
      %gather3A_2198 = tpu.vector_load_idx %gather3A_2197[%iota3A, %broadcast_in_dim3A_2186] : memref<16x64xf32, #tpu.memory_space<vmem>>[vector<16xi32>, vector<16xi32>], vector<16xf32>,
      %sub3A_2199 = arith.subf %gather3A_2192, %gather3A_2198 : vector<16xf32>
      %mul3A_2200 = arith.mulf %sub3A_2199, %sub3A_2199 : vector<16xf32>
      %add3A_2201 = arith.addf %add3A_2184, %mul3A_2200 : vector<16xf32>
      %broadcast_in_dim3A_2202 = arith.constant 56 : i32
      %broadcast_in_dim3A_2203 = vector.broadcast %broadcast_in_dim3A_2202 : i32 to vector<16xi32>
      %gather3A_2204 = arith.constant 1 : i32
      %gather3A_2205 = arith.constant 0 : i32
      %gather3A_2206 = arith.constant 0 : i32
      %gather3A_2207 = tpu.memref_slice %arg10[%gather3A_2204, %gather3A_2205, %gather3A_2206] : memref<2x16x64xf32, #tpu.memory_space<vmem>> -> memref<1x16x64xf32, #tpu.memory_space<vmem>>
      %gather3A_2208 = tpu.memref_squeeze %gather3A_2207 : memref<1x16x64xf32, #tpu.memory_space<vmem>> -> memref<16x64xf32, #tpu.memory_space<vmem>>
      %gather3A_2209 = tpu.vector_load_idx %gather3A_2208[%iota3A, %broadcast_in_dim3A_2203] : memref<16x64xf32, #tpu.memory_space<vmem>>[vector<16xi32>, vector<16xi32>], vector<16xf32>,
      %gather3A_2210 = arith.constant 1 : i32
      %gather3A_2211 = arith.constant 0 : i32
      %gather3A_2212 = arith.constant 0 : i32
      %gather3A_2213 = tpu.memref_slice %arg11[%gather3A_2210, %gather3A_2211, %gather3A_2212] : memref<2x16x64xf32, #tpu.memory_space<vmem>> -> memref<1x16x64xf32, #tpu.memory_space<vmem>>
      %gather3A_2214 = tpu.memref_squeeze %gather3A_2213 : memref<1x16x64xf32, #tpu.memory_space<vmem>> -> memref<16x64xf32, #tpu.memory_space<vmem>>
      %gather3A_2215 = tpu.vector_load_idx %gather3A_2214[%iota3A, %broadcast_in_dim3A_2203] : memref<16x64xf32, #tpu.memory_space<vmem>>[vector<16xi32>, vector<16xi32>], vector<16xf32>,
      %sub3A_2216 = arith.subf %gather3A_2209, %gather3A_2215 : vector<16xf32>
      %mul3A_2217 = arith.mulf %sub3A_2216, %sub3A_2216 : vector<16xf32>
      %add3A_2218 = arith.addf %add3A_2201, %mul3A_2217 : vector<16xf32>
      %broadcast_in_dim3A_2219 = arith.constant 57 : i32
      %broadcast_in_dim3A_2220 = vector.broadcast %broadcast_in_dim3A_2219 : i32 to vector<16xi32>
      %gather3A_2221 = arith.constant 1 : i32
      %gather3A_2222 = arith.constant 0 : i32
      %gather3A_2223 = arith.constant 0 : i32
      %gather3A_2224 = tpu.memref_slice %arg10[%gather3A_2221, %gather3A_2222, %gather3A_2223] : memref<2x16x64xf32, #tpu.memory_space<vmem>> -> memref<1x16x64xf32, #tpu.memory_space<vmem>>
      %gather3A_2225 = tpu.memref_squeeze %gather3A_2224 : memref<1x16x64xf32, #tpu.memory_space<vmem>> -> memref<16x64xf32, #tpu.memory_space<vmem>>
      %gather3A_2226 = tpu.vector_load_idx %gather3A_2225[%iota3A, %broadcast_in_dim3A_2220] : memref<16x64xf32, #tpu.memory_space<vmem>>[vector<16xi32>, vector<16xi32>], vector<16xf32>,
      %gather3A_2227 = arith.constant 1 : i32
      %gather3A_2228 = arith.constant 0 : i32
      %gather3A_2229 = arith.constant 0 : i32
      %gather3A_2230 = tpu.memref_slice %arg11[%gather3A_2227, %gather3A_2228, %gather3A_2229] : memref<2x16x64xf32, #tpu.memory_space<vmem>> -> memref<1x16x64xf32, #tpu.memory_space<vmem>>
      %gather3A_2231 = tpu.memref_squeeze %gather3A_2230 : memref<1x16x64xf32, #tpu.memory_space<vmem>> -> memref<16x64xf32, #tpu.memory_space<vmem>>
      %gather3A_2232 = tpu.vector_load_idx %gather3A_2231[%iota3A, %broadcast_in_dim3A_2220] : memref<16x64xf32, #tpu.memory_space<vmem>>[vector<16xi32>, vector<16xi32>], vector<16xf32>,
      %sub3A_2233 = arith.subf %gather3A_2226, %gather3A_2232 : vector<16xf32>
      %mul3A_2234 = arith.mulf %sub3A_2233, %sub3A_2233 : vector<16xf32>
      %add3A_2235 = arith.addf %add3A_2218, %mul3A_2234 : vector<16xf32>
      %broadcast_in_dim3A_2236 = arith.constant 58 : i32
      %broadcast_in_dim3A_2237 = vector.broadcast %broadcast_in_dim3A_2236 : i32 to vector<16xi32>
      %gather3A_2238 = arith.constant 1 : i32
      %gather3A_2239 = arith.constant 0 : i32
      %gather3A_2240 = arith.constant 0 : i32
      %gather3A_2241 = tpu.memref_slice %arg10[%gather3A_2238, %gather3A_2239, %gather3A_2240] : memref<2x16x64xf32, #tpu.memory_space<vmem>> -> memref<1x16x64xf32, #tpu.memory_space<vmem>>
      %gather3A_2242 = tpu.memref_squeeze %gather3A_2241 : memref<1x16x64xf32, #tpu.memory_space<vmem>> -> memref<16x64xf32, #tpu.memory_space<vmem>>
      %gather3A_2243 = tpu.vector_load_idx %gather3A_2242[%iota3A, %broadcast_in_dim3A_2237] : memref<16x64xf32, #tpu.memory_space<vmem>>[vector<16xi32>, vector<16xi32>], vector<16xf32>,
      %gather3A_2244 = arith.constant 1 : i32
      %gather3A_2245 = arith.constant 0 : i32
      %gather3A_2246 = arith.constant 0 : i32
      %gather3A_2247 = tpu.memref_slice %arg11[%gather3A_2244, %gather3A_2245, %gather3A_2246] : memref<2x16x64xf32, #tpu.memory_space<vmem>> -> memref<1x16x64xf32, #tpu.memory_space<vmem>>
      %gather3A_2248 = tpu.memref_squeeze %gather3A_2247 : memref<1x16x64xf32, #tpu.memory_space<vmem>> -> memref<16x64xf32, #tpu.memory_space<vmem>>
      %gather3A_2249 = tpu.vector_load_idx %gather3A_2248[%iota3A, %broadcast_in_dim3A_2237] : memref<16x64xf32, #tpu.memory_space<vmem>>[vector<16xi32>, vector<16xi32>], vector<16xf32>,
      %sub3A_2250 = arith.subf %gather3A_2243, %gather3A_2249 : vector<16xf32>
      %mul3A_2251 = arith.mulf %sub3A_2250, %sub3A_2250 : vector<16xf32>
      %add3A_2252 = arith.addf %add3A_2235, %mul3A_2251 : vector<16xf32>
      %broadcast_in_dim3A_2253 = arith.constant 59 : i32
      %broadcast_in_dim3A_2254 = vector.broadcast %broadcast_in_dim3A_2253 : i32 to vector<16xi32>
      %gather3A_2255 = arith.constant 1 : i32
      %gather3A_2256 = arith.constant 0 : i32
      %gather3A_2257 = arith.constant 0 : i32
      %gather3A_2258 = tpu.memref_slice %arg10[%gather3A_2255, %gather3A_2256, %gather3A_2257] : memref<2x16x64xf32, #tpu.memory_space<vmem>> -> memref<1x16x64xf32, #tpu.memory_space<vmem>>
      %gather3A_2259 = tpu.memref_squeeze %gather3A_2258 : memref<1x16x64xf32, #tpu.memory_space<vmem>> -> memref<16x64xf32, #tpu.memory_space<vmem>>
      %gather3A_2260 = tpu.vector_load_idx %gather3A_2259[%iota3A, %broadcast_in_dim3A_2254] : memref<16x64xf32, #tpu.memory_space<vmem>>[vector<16xi32>, vector<16xi32>], vector<16xf32>,
      %gather3A_2261 = arith.constant 1 : i32
      %gather3A_2262 = arith.constant 0 : i32
      %gather3A_2263 = arith.constant 0 : i32
      %gather3A_2264 = tpu.memref_slice %arg11[%gather3A_2261, %gather3A_2262, %gather3A_2263] : memref<2x16x64xf32, #tpu.memory_space<vmem>> -> memref<1x16x64xf32, #tpu.memory_space<vmem>>
      %gather3A_2265 = tpu.memref_squeeze %gather3A_2264 : memref<1x16x64xf32, #tpu.memory_space<vmem>> -> memref<16x64xf32, #tpu.memory_space<vmem>>
      %gather3A_2266 = tpu.vector_load_idx %gather3A_2265[%iota3A, %broadcast_in_dim3A_2254] : memref<16x64xf32, #tpu.memory_space<vmem>>[vector<16xi32>, vector<16xi32>], vector<16xf32>,
      %sub3A_2267 = arith.subf %gather3A_2260, %gather3A_2266 : vector<16xf32>
      %mul3A_2268 = arith.mulf %sub3A_2267, %sub3A_2267 : vector<16xf32>
      %add3A_2269 = arith.addf %add3A_2252, %mul3A_2268 : vector<16xf32>
      %broadcast_in_dim3A_2270 = arith.constant 60 : i32
      %broadcast_in_dim3A_2271 = vector.broadcast %broadcast_in_dim3A_2270 : i32 to vector<16xi32>
      %gather3A_2272 = arith.constant 1 : i32
      %gather3A_2273 = arith.constant 0 : i32
      %gather3A_2274 = arith.constant 0 : i32
      %gather3A_2275 = tpu.memref_slice %arg10[%gather3A_2272, %gather3A_2273, %gather3A_2274] : memref<2x16x64xf32, #tpu.memory_space<vmem>> -> memref<1x16x64xf32, #tpu.memory_space<vmem>>
      %gather3A_2276 = tpu.memref_squeeze %gather3A_2275 : memref<1x16x64xf32, #tpu.memory_space<vmem>> -> memref<16x64xf32, #tpu.memory_space<vmem>>
      %gather3A_2277 = tpu.vector_load_idx %gather3A_2276[%iota3A, %broadcast_in_dim3A_2271] : memref<16x64xf32, #tpu.memory_space<vmem>>[vector<16xi32>, vector<16xi32>], vector<16xf32>,
      %gather3A_2278 = arith.constant 1 : i32
      %gather3A_2279 = arith.constant 0 : i32
      %gather3A_2280 = arith.constant 0 : i32
      %gather3A_2281 = tpu.memref_slice %arg11[%gather3A_2278, %gather3A_2279, %gather3A_2280] : memref<2x16x64xf32, #tpu.memory_space<vmem>> -> memref<1x16x64xf32, #tpu.memory_space<vmem>>
      %gather3A_2282 = tpu.memref_squeeze %gather3A_2281 : memref<1x16x64xf32, #tpu.memory_space<vmem>> -> memref<16x64xf32, #tpu.memory_space<vmem>>
      %gather3A_2283 = tpu.vector_load_idx %gather3A_2282[%iota3A, %broadcast_in_dim3A_2271] : memref<16x64xf32, #tpu.memory_space<vmem>>[vector<16xi32>, vector<16xi32>], vector<16xf32>,
      %sub3A_2284 = arith.subf %gather3A_2277, %gather3A_2283 : vector<16xf32>
      %mul3A_2285 = arith.mulf %sub3A_2284, %sub3A_2284 : vector<16xf32>
      %add3A_2286 = arith.addf %add3A_2269, %mul3A_2285 : vector<16xf32>
      %broadcast_in_dim3A_2287 = arith.constant 61 : i32
      %broadcast_in_dim3A_2288 = vector.broadcast %broadcast_in_dim3A_2287 : i32 to vector<16xi32>
      %gather3A_2289 = arith.constant 1 : i32
      %gather3A_2290 = arith.constant 0 : i32
      %gather3A_2291 = arith.constant 0 : i32
      %gather3A_2292 = tpu.memref_slice %arg10[%gather3A_2289, %gather3A_2290, %gather3A_2291] : memref<2x16x64xf32, #tpu.memory_space<vmem>> -> memref<1x16x64xf32, #tpu.memory_space<vmem>>
      %gather3A_2293 = tpu.memref_squeeze %gather3A_2292 : memref<1x16x64xf32, #tpu.memory_space<vmem>> -> memref<16x64xf32, #tpu.memory_space<vmem>>
      %gather3A_2294 = tpu.vector_load_idx %gather3A_2293[%iota3A, %broadcast_in_dim3A_2288] : memref<16x64xf32, #tpu.memory_space<vmem>>[vector<16xi32>, vector<16xi32>], vector<16xf32>,
      %gather3A_2295 = arith.constant 1 : i32
      %gather3A_2296 = arith.constant 0 : i32
      %gather3A_2297 = arith.constant 0 : i32
      %gather3A_2298 = tpu.memref_slice %arg11[%gather3A_2295, %gather3A_2296, %gather3A_2297] : memref<2x16x64xf32, #tpu.memory_space<vmem>> -> memref<1x16x64xf32, #tpu.memory_space<vmem>>
      %gather3A_2299 = tpu.memref_squeeze %gather3A_2298 : memref<1x16x64xf32, #tpu.memory_space<vmem>> -> memref<16x64xf32, #tpu.memory_space<vmem>>
      %gather3A_2300 = tpu.vector_load_idx %gather3A_2299[%iota3A, %broadcast_in_dim3A_2288] : memref<16x64xf32, #tpu.memory_space<vmem>>[vector<16xi32>, vector<16xi32>], vector<16xf32>,
      %sub3A_2301 = arith.subf %gather3A_2294, %gather3A_2300 : vector<16xf32>
      %mul3A_2302 = arith.mulf %sub3A_2301, %sub3A_2301 : vector<16xf32>
      %add3A_2303 = arith.addf %add3A_2286, %mul3A_2302 : vector<16xf32>
      %broadcast_in_dim3A_2304 = arith.constant 62 : i32
      %broadcast_in_dim3A_2305 = vector.broadcast %broadcast_in_dim3A_2304 : i32 to vector<16xi32>
      %gather3A_2306 = arith.constant 1 : i32
      %gather3A_2307 = arith.constant 0 : i32
      %gather3A_2308 = arith.constant 0 : i32
      %gather3A_2309 = tpu.memref_slice %arg10[%gather3A_2306, %gather3A_2307, %gather3A_2308] : memref<2x16x64xf32, #tpu.memory_space<vmem>> -> memref<1x16x64xf32, #tpu.memory_space<vmem>>
      %gather3A_2310 = tpu.memref_squeeze %gather3A_2309 : memref<1x16x64xf32, #tpu.memory_space<vmem>> -> memref<16x64xf32, #tpu.memory_space<vmem>>
      %gather3A_2311 = tpu.vector_load_idx %gather3A_2310[%iota3A, %broadcast_in_dim3A_2305] : memref<16x64xf32, #tpu.memory_space<vmem>>[vector<16xi32>, vector<16xi32>], vector<16xf32>,
      %gather3A_2312 = arith.constant 1 : i32
      %gather3A_2313 = arith.constant 0 : i32
      %gather3A_2314 = arith.constant 0 : i32
      %gather3A_2315 = tpu.memref_slice %arg11[%gather3A_2312, %gather3A_2313, %gather3A_2314] : memref<2x16x64xf32, #tpu.memory_space<vmem>> -> memref<1x16x64xf32, #tpu.memory_space<vmem>>
      %gather3A_2316 = tpu.memref_squeeze %gather3A_2315 : memref<1x16x64xf32, #tpu.memory_space<vmem>> -> memref<16x64xf32, #tpu.memory_space<vmem>>
      %gather3A_2317 = tpu.vector_load_idx %gather3A_2316[%iota3A, %broadcast_in_dim3A_2305] : memref<16x64xf32, #tpu.memory_space<vmem>>[vector<16xi32>, vector<16xi32>], vector<16xf32>,
      %sub3A_2318 = arith.subf %gather3A_2311, %gather3A_2317 : vector<16xf32>
      %mul3A_2319 = arith.mulf %sub3A_2318, %sub3A_2318 : vector<16xf32>
      %add3A_2320 = arith.addf %add3A_2303, %mul3A_2319 : vector<16xf32>
      %broadcast_in_dim3A_2321 = arith.constant 63 : i32
      %broadcast_in_dim3A_2322 = vector.broadcast %broadcast_in_dim3A_2321 : i32 to vector<16xi32>
      %gather3A_2323 = arith.constant 1 : i32
      %gather3A_2324 = arith.constant 0 : i32
      %gather3A_2325 = arith.constant 0 : i32
      %gather3A_2326 = tpu.memref_slice %arg10[%gather3A_2323, %gather3A_2324, %gather3A_2325] : memref<2x16x64xf32, #tpu.memory_space<vmem>> -> memref<1x16x64xf32, #tpu.memory_space<vmem>>
      %gather3A_2327 = tpu.memref_squeeze %gather3A_2326 : memref<1x16x64xf32, #tpu.memory_space<vmem>> -> memref<16x64xf32, #tpu.memory_space<vmem>>
      %gather3A_2328 = tpu.vector_load_idx %gather3A_2327[%iota3A, %broadcast_in_dim3A_2322] : memref<16x64xf32, #tpu.memory_space<vmem>>[vector<16xi32>, vector<16xi32>], vector<16xf32>,
      %gather3A_2329 = arith.constant 1 : i32
      %gather3A_2330 = arith.constant 0 : i32
      %gather3A_2331 = arith.constant 0 : i32
      %gather3A_2332 = tpu.memref_slice %arg11[%gather3A_2329, %gather3A_2330, %gather3A_2331] : memref<2x16x64xf32, #tpu.memory_space<vmem>> -> memref<1x16x64xf32, #tpu.memory_space<vmem>>
      %gather3A_2333 = tpu.memref_squeeze %gather3A_2332 : memref<1x16x64xf32, #tpu.memory_space<vmem>> -> memref<16x64xf32, #tpu.memory_space<vmem>>
      %gather3A_2334 = tpu.vector_load_idx %gather3A_2333[%iota3A, %broadcast_in_dim3A_2322] : memref<16x64xf32, #tpu.memory_space<vmem>>[vector<16xi32>, vector<16xi32>], vector<16xf32>,
      %sub3A_2335 = arith.subf %gather3A_2328, %gather3A_2334 : vector<16xf32>
      %mul3A_2336 = arith.mulf %sub3A_2335, %sub3A_2335 : vector<16xf32>
      %add3A_2337 = arith.addf %add3A_2320, %mul3A_2336 : vector<16xf32>
      %mul3A_2338 = arith.constant 16 : i32
      %mul3A_2339 = arith.muli %add3A_1221, %mul3A_2338 : i32
      %multiple_of3A_2340 = tpu.assume_multiple %mul3A_2339, 16 : i32
      %mul3A_2341 = arith.mulf %exp3A, %add3A_2337 : vector<16xf32>
      %sub3A_2342 = arith.subf %mul3A_2341, %get3A_14 : vector<16xf32>
      %exp3A_2343 = math.exp %sub3A_2342 : vector<16xf32>
      %add3A_2344 = arith.constant 1.000000e+00 : f32
      %add3A_2345 = vector.broadcast %add3A_2344 : f32 to vector<16xf32>
      %add3A_2346 = arith.addf %add3A_2345, %exp3A_2343 : vector<16xf32>
      %div3A_2347 = arith.constant 1.000000e+00 : f32
      %div3A_2348 = vector.broadcast %div3A_2347 : f32 to vector<16xf32>
      %div3A_2349 = arith.divf %div3A_2348, %add3A_2346 : vector<16xf32>
      %swap3A_2350 = arith.index_cast %multiple_of3A_2340 : i32 to index
      %swap3A_2351 = tpu.vector_load %arg13[%swap3A_2350] {strides = array<i32>} : memref<320xf32, #tpu.memory_space<vmem>>, vector<16xf32>,
      tpu.vector_store %arg13[%swap3A_2350], %div3A_2349 {strides = array<i32>} : memref<320xf32, #tpu.memory_space<vmem>>, vector<16xf32>,
      %mul3A_2352 = arith.mulf %exp3A_10, %add3A_2337 : vector<16xf32>
      %sub3A_2353 = arith.subf %mul3A_2352, %get3A_18 : vector<16xf32>
      %exp3A_2354 = math.exp %sub3A_2353 : vector<16xf32>
      %add3A_2355 = arith.constant 1.000000e+00 : f32
      %add3A_2356 = vector.broadcast %add3A_2355 : f32 to vector<16xf32>
      %add3A_2357 = arith.addf %add3A_2356, %exp3A_2354 : vector<16xf32>
      %div3A_2358 = arith.constant 1.000000e+00 : f32
      %div3A_2359 = vector.broadcast %div3A_2358 : f32 to vector<16xf32>
      %div3A_2360 = arith.divf %div3A_2359, %add3A_2357 : vector<16xf32>
      %swap3A_2361 = arith.index_cast %multiple_of3A_2340 : i32 to index
      %swap3A_2362 = tpu.vector_load %arg14[%swap3A_2361] {strides = array<i32>} : memref<320xf32, #tpu.memory_space<vmem>>, vector<16xf32>,
      tpu.vector_store %arg14[%swap3A_2361], %div3A_2360 {strides = array<i32>} : memref<320xf32, #tpu.memory_space<vmem>>, vector<16xf32>,
      %add3A_2363 = arith.constant 2 : i32
      %add3A_2364 = arith.addi %add3A_1221, %add3A_2363 : i32
      %lt3A_2365 = arith.constant 20 : i32
      %lt3A_2366 = arith.cmpi slt, %add3A_2364, %lt3A_2365 : i32
      %convert_element_type3A_2367 = arith.extui %lt3A_2366 : i1 to i32
      %cond3A_2368 = arith.constant 0 : i32
      %cond3A_2369 = arith.cmpi ne, %convert_element_type3A_2367, %cond3A_2368 : i32
      scf.if %cond3A_2369 {
        %add3A_2370 = arith.constant 2 : i32
        %add3A_2371 = arith.addi %add3A_1221, %add3A_2370 : i32
        %mul3A_2372 = arith.constant 16 : i32
        %mul3A_2373 = arith.muli %add3A_2371, %mul3A_2372 : i32
        %multiple_of3A_2374 = tpu.assume_multiple %mul3A_2373, 16 : i32
        %dma_start3A_2375 = arith.constant 1 : i32
        %dma_start3A_2376 = arith.constant 1 : i32
        %dma_start3A_2377 = arith.constant 0 : i32
        %dma_start3A_2378 = arith.constant 0 : i32
        %dma_start3A_2379 = tpu.memref_slice %arg10[%dma_start3A_2375, %dma_start3A_2377, %dma_start3A_2378] : memref<2x16x64xf32, #tpu.memory_space<vmem>> -> memref<1x16x64xf32, #tpu.memory_space<vmem>>
        %dma_start3A_2380 = tpu.memref_squeeze %dma_start3A_2379 : memref<1x16x64xf32, #tpu.memory_space<vmem>> -> memref<16x64xf32, #tpu.memory_space<vmem>>
        %dma_start3A_2381 = tpu.memref_slice %arg8[%multiple_of3A_2374] : memref<320xi32, #tpu.memory_space<vmem>> -> memref<16xi32, #tpu.memory_space<vmem>>
        %dma_start3A_2382 = arith.constant 0 : i32
        %dma_start3A_2383 = arith.constant 0 : i32
        %dma_start3A_2384 = tpu.memref_slice %arg2[%dma_start3A_2382, %dma_start3A_2383] : memref<10000x64xf32, #tpu.memory_space<hbm>> -> memref<10000x64xf32, #tpu.memory_space<hbm>>
        %dma_start3A_2385 = tpu.memref_slice %arg15[%dma_start3A_2376] : memref<2x!tpu.dma_semaphore, #tpu.memory_space<semaphore_mem>> -> memref<1x!tpu.dma_semaphore, #tpu.memory_space<semaphore_mem>>
        %dma_start3A_2386 = tpu.memref_squeeze %dma_start3A_2385 : memref<1x!tpu.dma_semaphore, #tpu.memory_space<semaphore_mem>> -> memref<!tpu.dma_semaphore, #tpu.memory_space<semaphore_mem>>
        tpu.enqueue_indirect_dma source(%dma_start3A_2384 : memref<10000x64xf32, #tpu.memory_space<hbm>>) target(%dma_start3A_2380 : memref<16x64xf32, #tpu.memory_space<vmem>>) offsets(%dma_start3A_2381 : memref<16xi32, #tpu.memory_space<vmem>>) semaphore(%dma_start3A_2386 : memref<!tpu.dma_semaphore, #tpu.memory_space<semaphore_mem>>)
        %dma_start3A_2387 = arith.constant 1 : i32
        %dma_start3A_2388 = arith.constant 1 : i32
        %dma_start3A_2389 = arith.constant 0 : i32
        %dma_start3A_2390 = arith.constant 0 : i32
        %dma_start3A_2391 = tpu.memref_slice %arg11[%dma_start3A_2387, %dma_start3A_2389, %dma_start3A_2390] : memref<2x16x64xf32, #tpu.memory_space<vmem>> -> memref<1x16x64xf32, #tpu.memory_space<vmem>>
        %dma_start3A_2392 = tpu.memref_squeeze %dma_start3A_2391 : memref<1x16x64xf32, #tpu.memory_space<vmem>> -> memref<16x64xf32, #tpu.memory_space<vmem>>
        %dma_start3A_2393 = tpu.memref_slice %arg9[%multiple_of3A_2374] : memref<320xi32, #tpu.memory_space<vmem>> -> memref<16xi32, #tpu.memory_space<vmem>>
        %dma_start3A_2394 = arith.constant 0 : i32
        %dma_start3A_2395 = arith.constant 0 : i32
        %dma_start3A_2396 = tpu.memref_slice %arg2[%dma_start3A_2394, %dma_start3A_2395] : memref<10000x64xf32, #tpu.memory_space<hbm>> -> memref<10000x64xf32, #tpu.memory_space<hbm>>
        %dma_start3A_2397 = tpu.memref_slice %arg16[%dma_start3A_2388] : memref<2x!tpu.dma_semaphore, #tpu.memory_space<semaphore_mem>> -> memref<1x!tpu.dma_semaphore, #tpu.memory_space<semaphore_mem>>
        %dma_start3A_2398 = tpu.memref_squeeze %dma_start3A_2397 : memref<1x!tpu.dma_semaphore, #tpu.memory_space<semaphore_mem>> -> memref<!tpu.dma_semaphore, #tpu.memory_space<semaphore_mem>>
        tpu.enqueue_indirect_dma source(%dma_start3A_2396 : memref<10000x64xf32, #tpu.memory_space<hbm>>) target(%dma_start3A_2392 : memref<16x64xf32, #tpu.memory_space<vmem>>) offsets(%dma_start3A_2393 : memref<16xi32, #tpu.memory_space<vmem>>) semaphore(%dma_start3A_2398 : memref<!tpu.dma_semaphore, #tpu.memory_space<semaphore_mem>>)
      } else {
      }
    }
    %scan3A_73 = arith.constant 10 : i32
    "tpu.region"() ({
      %run_scoped3A = tpu.sem_alloc : memref<!tpu.dma_semaphore, #tpu.memory_space<semaphore_mem>>
      %dma_start3A_74 = tpu.memref_slice %arg6[%multiple_of3A] : memref<10240xf32, #tpu.memory_space<hbm>> -> memref<320xf32, #tpu.memory_space<hbm>>
      %dma_start3A_75 = tpu.memref_slice %arg6[%multiple_of3A] : memref<10240xf32, #tpu.memory_space<hbm>> -> memref<320xf32, #tpu.memory_space<hbm>>
      tpu.enqueue_dma source(%arg13 : memref<320xf32, #tpu.memory_space<vmem>>) target(%dma_start3A_75 : memref<320xf32, #tpu.memory_space<hbm>>) target_semaphore(%run_scoped3A : memref<!tpu.dma_semaphore, #tpu.memory_space<semaphore_mem>>)
      %dma_wait3A = tpu.memref_slice %arg6[%multiple_of3A] : memref<10240xf32, #tpu.memory_space<hbm>> -> memref<320xf32, #tpu.memory_space<hbm>>
      %dma_wait3A_76 = tpu.memref_slice %arg6[%multiple_of3A] : memref<10240xf32, #tpu.memory_space<hbm>> -> memref<320xf32, #tpu.memory_space<hbm>>
      tpu.wait_dma2 semaphore(%run_scoped3A : memref<!tpu.dma_semaphore, #tpu.memory_space<semaphore_mem>>) src(%arg13 : memref<320xf32, #tpu.memory_space<vmem>>) dst(%dma_wait3A_76 : memref<320xf32, #tpu.memory_space<hbm>>)
      tpu.yield
    }) : () -> ()
    "tpu.region"() ({
      %run_scoped3A = tpu.sem_alloc : memref<!tpu.dma_semaphore, #tpu.memory_space<semaphore_mem>>
      %dma_start3A_74 = tpu.memref_slice %arg7[%multiple_of3A] : memref<10240xf32, #tpu.memory_space<hbm>> -> memref<320xf32, #tpu.memory_space<hbm>>
      %dma_start3A_75 = tpu.memref_slice %arg7[%multiple_of3A] : memref<10240xf32, #tpu.memory_space<hbm>> -> memref<320xf32, #tpu.memory_space<hbm>>
      tpu.enqueue_dma source(%arg14 : memref<320xf32, #tpu.memory_space<vmem>>) target(%dma_start3A_75 : memref<320xf32, #tpu.memory_space<hbm>>) target_semaphore(%run_scoped3A : memref<!tpu.dma_semaphore, #tpu.memory_space<semaphore_mem>>)
      %dma_wait3A = tpu.memref_slice %arg7[%multiple_of3A] : memref<10240xf32, #tpu.memory_space<hbm>> -> memref<320xf32, #tpu.memory_space<hbm>>
      %dma_wait3A_76 = tpu.memref_slice %arg7[%multiple_of3A] : memref<10240xf32, #tpu.memory_space<hbm>> -> memref<320xf32, #tpu.memory_space<hbm>>
      tpu.wait_dma2 semaphore(%run_scoped3A : memref<!tpu.dma_semaphore, #tpu.memory_space<semaphore_mem>>) src(%arg14 : memref<320xf32, #tpu.memory_space<vmem>>) dst(%dma_wait3A_76 : memref<320xf32, #tpu.memory_space<hbm>>)
      tpu.yield
    }) : () -> ()
    return
  }
}

module attributes {stable_mosaic.version = 14 : i64} {
  func.func @body(%arg0: i32, %arg1: memref<2x1000x16xf32, #tpu.memory_space<vmem>>, %arg2: memref<1000x128xf32, #tpu.memory_space<vmem>>, %arg3: memref<128x128xf32, #tpu.memory_space<vmem>>, %arg4: memref<1000x128xf32, #tpu.memory_space<vmem>>, %arg5: memref<1000x1xf32, #tpu.memory_space<vmem>>) attributes {dimension_semantics = [#tpu.dimension_semantics<arbitrary>], iteration_bounds = array<i64: 10>, scalar_prefetch = 0 : i64, scratch_operands = 0 : i64, tpu.core_type = #tpu.core_type<tc>, window_params = [{transform_indices = @transform_0, window_bounds = array<i64: 2, 1000, 16>}, {transform_indices = @transform_1, window_bounds = array<i64: 1000, 128>}, {pipeline_mode = #tpu.pipeline_mode<synchronous>, transform_indices = @transform_2, window_bounds = array<i64: 128, 128>}, {transform_indices = @transform_3, window_bounds = array<i64: 1000, 128>}, {transform_indices = @transform_4, window_bounds = array<i64: 1000, 1>}]} {
    %get3A = arith.constant 0 : index
    %get3A_0 = arith.constant 0 : index
    %get3A_1 = arith.constant 0 : index
    %get3A_2 = vector.load %arg1[%get3A, %get3A_0, %get3A_1] : memref<2x1000x16xf32, #tpu.memory_space<vmem>>, vector<1x1000x16xf32>
    %get3A_3 = vector.shape_cast %get3A_2 : vector<1x1000x16xf32> to vector<1000x16xf32>
    %get3A_4 = arith.constant 1 : index
    %get3A_5 = arith.constant 0 : index
    %get3A_6 = arith.constant 0 : index
    %get3A_7 = vector.load %arg1[%get3A_4, %get3A_5, %get3A_6] : memref<2x1000x16xf32, #tpu.memory_space<vmem>>, vector<1x1000x16xf32>
    %get3A_8 = vector.shape_cast %get3A_7 : vector<1x1000x16xf32> to vector<1000x16xf32>
    %add3A = arith.addf %get3A_3, %get3A_8 : vector<1000x16xf32>
    %slice3A = vector.extract_strided_slice %add3A {offsets = [0, 0], sizes = [1000, 1], strides = [1, 1]} : vector<1000x16xf32> to vector<1000x1xf32>
    %add3A_9 = arith.constant 1.000000e+00 : f32
    %add3A_10 = vector.broadcast %add3A_9 : f32 to vector<1000x1xf32>
    %add3A_11 = arith.addf %slice3A, %add3A_10 : vector<1000x1xf32>
    %rsqrt3A = math.rsqrt %add3A_11 : vector<1000x1xf32>
    %swap3A = arith.constant 0 : index
    %swap3A_12 = arith.constant 0 : index
    %swap3A_13 = vector.load %arg5[%swap3A, %swap3A_12] : memref<1000x1xf32, #tpu.memory_space<vmem>>, vector<1000x1xf32>
    tpu.vector_store %arg5[%swap3A, %swap3A_12], %rsqrt3A {strides = array<i32>} : memref<1000x1xf32, #tpu.memory_space<vmem>>, vector<1000x1xf32>,
    %get3A_14 = arith.constant 0 : index
    %get3A_15 = arith.constant 0 : index
    %get3A_16 = vector.load %arg2[%get3A_14, %get3A_15] : memref<1000x128xf32, #tpu.memory_space<vmem>>, vector<1000x128xf32>
    %get3A_17 = arith.constant 0 : index
    %get3A_18 = arith.constant 0 : index
    %get3A_19 = vector.load %arg3[%get3A_17, %get3A_18] : memref<128x128xf32, #tpu.memory_space<vmem>>, vector<128x128xf32>
    %dot_general3A = arith.constant dense<0.000000e+00> : vector<1000x128xf32>
    %dot_general3A_20 = tpu.matmul %get3A_16, %get3A_19, %dot_general3A {dimension_numbers = #tpu.dot_dimension_numbers<[1], [0], [0], [1], [0, 0, 1, 1], [], []>, transpose_lhs_hint = false} : vector<1000x128xf32>, vector<128x128xf32>, vector<1000x128xf32> -> vector<1000x128xf32>
    %mul3A = vector.broadcast %rsqrt3A : vector<1000x1xf32> to vector<1000x128xf32>
    %mul3A_21 = arith.mulf %mul3A, %dot_general3A_20 : vector<1000x128xf32>
    %swap3A_22 = arith.constant 0 : index
    %swap3A_23 = arith.constant 0 : index
    %swap3A_24 = vector.load %arg4[%swap3A_22, %swap3A_23] : memref<1000x128xf32, #tpu.memory_space<vmem>>, vector<1000x128xf32>
    tpu.vector_store %arg4[%swap3A_22, %swap3A_23], %mul3A_21 {strides = array<i32>} : memref<1000x128xf32, #tpu.memory_space<vmem>>, vector<1000x128xf32>,
    return
  }
  func.func @transform_0(%arg0: i32) -> (i32, i32, i32) {
    %c0_i32 = arith.constant 0 : i32
    %c0_i32_0 = arith.constant 0 : i32
    %c0_i32_1 = arith.constant 0 : i32
    return %c0_i32, %arg0, %c0_i32_0 : i32, i32, i32
  }
  func.func @transform_1(%arg0: i32) -> (i32, i32) {
    %c0_i32 = arith.constant 0 : i32
    %c0_i32_0 = arith.constant 0 : i32
    return %arg0, %c0_i32 : i32, i32
  }
  func.func @transform_2(%arg0: i32) -> (i32, i32) {
    %c0_i32 = arith.constant 0 : i32
    %c0_i32_0 = arith.constant 0 : i32
    %c0_i32_1 = arith.constant 0 : i32
    return %c0_i32, %c0_i32_0 : i32, i32
  }
  func.func @transform_3(%arg0: i32) -> (i32, i32) {
    %c0_i32 = arith.constant 0 : i32
    %c0_i32_0 = arith.constant 0 : i32
    return %arg0, %c0_i32 : i32, i32
  }
  func.func @transform_4(%arg0: i32) -> (i32, i32) {
    %c0_i32 = arith.constant 0 : i32
    %c0_i32_0 = arith.constant 0 : i32
    return %arg0, %c0_i32 : i32, i32
  }
}

module attributes {stable_mosaic.version = 14 : i64} {
  func.func @body(%arg0: i32, %arg1: memref<1x1000x64xf32, #tpu.memory_space<vmem>>, %arg2: memref<1x1000x64xf32, #tpu.memory_space<vmem>>, %arg3: memref<1000x128xf32, #tpu.memory_space<vmem>>, %arg4: memref<1000x1xf32, #tpu.memory_space<vmem>>, %arg5: memref<1x128xf32, #tpu.memory_space<vmem>>, %arg6: memref<128x64xf32, #tpu.memory_space<vmem>>, %arg7: memref<1000x64xf32, #tpu.memory_space<vmem>>) attributes {dimension_semantics = [#tpu.dimension_semantics<arbitrary>], iteration_bounds = array<i64: 10>, scalar_prefetch = 0 : i64, scratch_operands = 0 : i64, tpu.core_type = #tpu.core_type<tc>, window_params = [{transform_indices = @transform_0, window_bounds = array<i64: 1, 1000, 64>}, {transform_indices = @transform_1, window_bounds = array<i64: 1, 1000, 64>}, {transform_indices = @transform_2, window_bounds = array<i64: 1000, 128>}, {transform_indices = @transform_3, window_bounds = array<i64: 1000, 1>}, {pipeline_mode = #tpu.pipeline_mode<synchronous>, transform_indices = @transform_4, window_bounds = array<i64: 1, 128>}, {pipeline_mode = #tpu.pipeline_mode<synchronous>, transform_indices = @transform_5, window_bounds = array<i64: 128, 64>}, {transform_indices = @transform_6, window_bounds = array<i64: 1000, 64>}]} {
    %get3A = arith.constant 0 : index
    %get3A_0 = arith.constant 0 : index
    %get3A_1 = vector.load %arg4[%get3A, %get3A_0] : memref<1000x1xf32, #tpu.memory_space<vmem>>, vector<1000x1xf32>
    %get3A_2 = arith.constant 0 : index
    %get3A_3 = arith.constant 0 : index
    %get3A_4 = arith.constant 0 : index
    %get3A_5 = vector.load %arg1[%get3A_2, %get3A_3, %get3A_4] : memref<1x1000x64xf32, #tpu.memory_space<vmem>>, vector<1x1000x64xf32>
    %get3A_6 = vector.shape_cast %get3A_5 : vector<1x1000x64xf32> to vector<1000x64xf32>
    %get3A_7 = arith.constant 0 : index
    %get3A_8 = arith.constant 0 : index
    %get3A_9 = arith.constant 0 : index
    %get3A_10 = vector.load %arg2[%get3A_7, %get3A_8, %get3A_9] : memref<1x1000x64xf32, #tpu.memory_space<vmem>>, vector<1x1000x64xf32>
    %get3A_11 = vector.shape_cast %get3A_10 : vector<1x1000x64xf32> to vector<1000x64xf32>
    %concatenate3A = tpu.concatenate %get3A_6, %get3A_11 in 1 : vector<1000x64xf32>, vector<1000x64xf32> -> vector<1000x128xf32>
    %get3A_12 = arith.constant 0 : index
    %get3A_13 = arith.constant 0 : index
    %get3A_14 = vector.load %arg3[%get3A_12, %get3A_13] : memref<1000x128xf32, #tpu.memory_space<vmem>>, vector<1000x128xf32>
    %add3A = arith.addf %concatenate3A, %get3A_14 : vector<1000x128xf32>
    %mul3A = vector.broadcast %get3A_1 : vector<1000x1xf32> to vector<1000x128xf32>
    %mul3A_15 = arith.mulf %mul3A, %add3A : vector<1000x128xf32>
    %get3A_16 = arith.constant 0 : index
    %get3A_17 = arith.constant 0 : index
    %get3A_18 = vector.load %arg5[%get3A_16, %get3A_17] : memref<1x128xf32, #tpu.memory_space<vmem>>, vector<1x128xf32>
    %add3A_19 = vector.broadcast %get3A_18 : vector<1x128xf32> to vector<1000x128xf32>
    %add3A_20 = arith.addf %mul3A_15, %add3A_19 : vector<1000x128xf32>
    %max3A = arith.constant 0.000000e+00 : f32
    %max3A_21 = vector.broadcast %max3A : f32 to vector<1000x128xf32>
    %max3A_22 = arith.maximumf %add3A_20, %max3A_21 : vector<1000x128xf32>
    %get3A_23 = arith.constant 0 : index
    %get3A_24 = arith.constant 0 : index
    %get3A_25 = vector.load %arg6[%get3A_23, %get3A_24] : memref<128x64xf32, #tpu.memory_space<vmem>>, vector<128x64xf32>
    %dot_general3A = arith.constant dense<0.000000e+00> : vector<1000x64xf32>
    %dot_general3A_26 = tpu.matmul %max3A_22, %get3A_25, %dot_general3A {dimension_numbers = #tpu.dot_dimension_numbers<[1], [0], [0], [1], [0, 0, 1, 1], [], []>, transpose_lhs_hint = false} : vector<1000x128xf32>, vector<128x64xf32>, vector<1000x64xf32> -> vector<1000x64xf32>
    %mul3A_27 = vector.broadcast %get3A_1 : vector<1000x1xf32> to vector<1000x64xf32>
    %mul3A_28 = arith.mulf %mul3A_27, %dot_general3A_26 : vector<1000x64xf32>
    %swap3A = arith.constant 0 : index
    %swap3A_29 = arith.constant 0 : index
    %swap3A_30 = vector.load %arg7[%swap3A, %swap3A_29] : memref<1000x64xf32, #tpu.memory_space<vmem>>, vector<1000x64xf32>
    tpu.vector_store %arg7[%swap3A, %swap3A_29], %mul3A_28 {strides = array<i32>} : memref<1000x64xf32, #tpu.memory_space<vmem>>, vector<1000x64xf32>,
    return
  }
  func.func @transform_0(%arg0: i32) -> (i32, i32, i32) {
    %c0_i32 = arith.constant 0 : i32
    %c0_i32_0 = arith.constant 0 : i32
    %c0_i32_1 = arith.constant 0 : i32
    return %c0_i32, %arg0, %c0_i32_0 : i32, i32, i32
  }
  func.func @transform_1(%arg0: i32) -> (i32, i32, i32) {
    %c1_i32 = arith.constant 1 : i32
    %c0_i32 = arith.constant 0 : i32
    %c0_i32_0 = arith.constant 0 : i32
    return %c1_i32, %arg0, %c0_i32 : i32, i32, i32
  }
  func.func @transform_2(%arg0: i32) -> (i32, i32) {
    %c0_i32 = arith.constant 0 : i32
    %c0_i32_0 = arith.constant 0 : i32
    return %arg0, %c0_i32 : i32, i32
  }
  func.func @transform_3(%arg0: i32) -> (i32, i32) {
    %c0_i32 = arith.constant 0 : i32
    %c0_i32_0 = arith.constant 0 : i32
    return %arg0, %c0_i32 : i32, i32
  }
  func.func @transform_4(%arg0: i32) -> (i32, i32) {
    %c0_i32 = arith.constant 0 : i32
    %c0_i32_0 = arith.constant 0 : i32
    %c0_i32_1 = arith.constant 0 : i32
    return %c0_i32, %c0_i32_0 : i32, i32
  }
  func.func @transform_5(%arg0: i32) -> (i32, i32) {
    %c0_i32 = arith.constant 0 : i32
    %c0_i32_0 = arith.constant 0 : i32
    %c0_i32_1 = arith.constant 0 : i32
    return %c0_i32, %c0_i32_0 : i32, i32
  }
  func.func @transform_6(%arg0: i32) -> (i32, i32) {
    %c0_i32 = arith.constant 0 : i32
    %c0_i32_0 = arith.constant 0 : i32
    return %arg0, %c0_i32 : i32, i32
  }
}

module attributes {stable_mosaic.version = 14 : i64} {
  func.func @body(%arg0: i32, %arg1: memref<1x1000x64xf32, #tpu.memory_space<vmem>>, %arg2: memref<1x1000x64xf32, #tpu.memory_space<vmem>>, %arg3: memref<1000x64xf32, #tpu.memory_space<vmem>>, %arg4: memref<1000x1xf32, #tpu.memory_space<vmem>>, %arg5: memref<1x64xf32, #tpu.memory_space<vmem>>, %arg6: memref<1000x64xf32, #tpu.memory_space<vmem>>) attributes {dimension_semantics = [#tpu.dimension_semantics<arbitrary>], iteration_bounds = array<i64: 10>, scalar_prefetch = 0 : i64, scratch_operands = 0 : i64, tpu.core_type = #tpu.core_type<tc>, window_params = [{transform_indices = @transform_0, window_bounds = array<i64: 1, 1000, 64>}, {transform_indices = @transform_1, window_bounds = array<i64: 1, 1000, 64>}, {transform_indices = @transform_2, window_bounds = array<i64: 1000, 64>}, {transform_indices = @transform_3, window_bounds = array<i64: 1000, 1>}, {pipeline_mode = #tpu.pipeline_mode<synchronous>, transform_indices = @transform_4, window_bounds = array<i64: 1, 64>}, {transform_indices = @transform_5, window_bounds = array<i64: 1000, 64>}]} {
    %get3A = arith.constant 0 : index
    %get3A_0 = arith.constant 0 : index
    %get3A_1 = vector.load %arg4[%get3A, %get3A_0] : memref<1000x1xf32, #tpu.memory_space<vmem>>, vector<1000x1xf32>
    %get3A_2 = arith.constant 0 : index
    %get3A_3 = arith.constant 0 : index
    %get3A_4 = arith.constant 0 : index
    %get3A_5 = vector.load %arg1[%get3A_2, %get3A_3, %get3A_4] : memref<1x1000x64xf32, #tpu.memory_space<vmem>>, vector<1x1000x64xf32>
    %get3A_6 = vector.shape_cast %get3A_5 : vector<1x1000x64xf32> to vector<1000x64xf32>
    %get3A_7 = arith.constant 0 : index
    %get3A_8 = arith.constant 0 : index
    %get3A_9 = arith.constant 0 : index
    %get3A_10 = vector.load %arg2[%get3A_7, %get3A_8, %get3A_9] : memref<1x1000x64xf32, #tpu.memory_space<vmem>>, vector<1x1000x64xf32>
    %get3A_11 = vector.shape_cast %get3A_10 : vector<1x1000x64xf32> to vector<1000x64xf32>
    %add3A = arith.addf %get3A_6, %get3A_11 : vector<1000x64xf32>
    %get3A_12 = arith.constant 0 : index
    %get3A_13 = arith.constant 0 : index
    %get3A_14 = vector.load %arg3[%get3A_12, %get3A_13] : memref<1000x64xf32, #tpu.memory_space<vmem>>, vector<1000x64xf32>
    %add3A_15 = arith.addf %add3A, %get3A_14 : vector<1000x64xf32>
    %mul3A = vector.broadcast %get3A_1 : vector<1000x1xf32> to vector<1000x64xf32>
    %mul3A_16 = arith.mulf %mul3A, %add3A_15 : vector<1000x64xf32>
    %get3A_17 = arith.constant 0 : index
    %get3A_18 = arith.constant 0 : index
    %get3A_19 = vector.load %arg5[%get3A_17, %get3A_18] : memref<1x64xf32, #tpu.memory_space<vmem>>, vector<1x64xf32>
    %add3A_20 = vector.broadcast %get3A_19 : vector<1x64xf32> to vector<1000x64xf32>
    %add3A_21 = arith.addf %mul3A_16, %add3A_20 : vector<1000x64xf32>
    %swap3A = arith.constant 0 : index
    %swap3A_22 = arith.constant 0 : index
    %swap3A_23 = vector.load %arg6[%swap3A, %swap3A_22] : memref<1000x64xf32, #tpu.memory_space<vmem>>, vector<1000x64xf32>
    tpu.vector_store %arg6[%swap3A, %swap3A_22], %add3A_21 {strides = array<i32>} : memref<1000x64xf32, #tpu.memory_space<vmem>>, vector<1000x64xf32>,
    return
  }
  func.func @transform_0(%arg0: i32) -> (i32, i32, i32) {
    %c0_i32 = arith.constant 0 : i32
    %c0_i32_0 = arith.constant 0 : i32
    %c0_i32_1 = arith.constant 0 : i32
    return %c0_i32, %arg0, %c0_i32_0 : i32, i32, i32
  }
  func.func @transform_1(%arg0: i32) -> (i32, i32, i32) {
    %c1_i32 = arith.constant 1 : i32
    %c0_i32 = arith.constant 0 : i32
    %c0_i32_0 = arith.constant 0 : i32
    return %c1_i32, %arg0, %c0_i32 : i32, i32, i32
  }
  func.func @transform_2(%arg0: i32) -> (i32, i32) {
    %c0_i32 = arith.constant 0 : i32
    %c0_i32_0 = arith.constant 0 : i32
    return %arg0, %c0_i32 : i32, i32
  }
  func.func @transform_3(%arg0: i32) -> (i32, i32) {
    %c0_i32 = arith.constant 0 : i32
    %c0_i32_0 = arith.constant 0 : i32
    return %arg0, %c0_i32 : i32, i32
  }
  func.func @transform_4(%arg0: i32) -> (i32, i32) {
    %c0_i32 = arith.constant 0 : i32
    %c0_i32_0 = arith.constant 0 : i32
    %c0_i32_1 = arith.constant 0 : i32
    return %c0_i32, %c0_i32_0 : i32, i32
  }
  func.func @transform_5(%arg0: i32) -> (i32, i32) {
    %c0_i32 = arith.constant 0 : i32
    %c0_i32_0 = arith.constant 0 : i32
    return %arg0, %c0_i32 : i32, i32
  }
}

</mosaic_0001>

<sc_bundles>
// kernel: kernel.12.cloned.1.call-start
scs
__scs_entry_jumppad:
0x0: {  	(pc) =	sbr.rel $0x88, $3  }
0x1: {  	(tag) =	ssettag $0x0;
	lr =	simm.s32 $0x1  }
0x2: {  	[smem:$0x3F95] =	sst lr;
	_ =	strace $0xD0000000  }
0x3: {  	_ = 	snop  }
0x4: {  	_ = 	snop  }
0x5: {  	_ = 	snop  }
0x6: {  	_ = 	snop  }
0x7: {  	_ = 	snop  }
__scs_overlays_trampoline_lowered:
0x8: {  	[smem:$0x3FA4] =	sst s0  }
0x9: {  	[smem:$0x3FA5] =	sst s1  }
0xa: {  	[smem:$0x3FA6] =	sst s2  }
0xb: {  	[smem:$0x3FA7] =	sst s3  }
0xc: {  	[smem:$0x3FA8] =	sst s4  }
0xd: {  	[smem:$0x3FA9] =	sst s5  }
0xe: {  	[smem:$0x3FAA] =	sst s6  }
0xf: {  	[smem:$0x3FAB] =	sst s7  }
0x10: {  	[smem:$0x3FAC] =	sst s8  }
0x11: {  	[smem:$0x3FAD] =	sst s9;
	s0 =	simm.s32 @!p0 $0x0  }
0x12: {  	s1 =	sld [smem:$0x3F93];
	s0 =	simm.s32 @p0 $0x1  }
0x13: {  	[smem:$0x3FAE] =	sst s0;
	s0 =	simm.s32 @!p1 $0x0  }
0x14: {  	s2 =	sld [smem:$0x3F92];
	s0 =	simm.s32 @p1 $0x1  }
0x15: {  	[smem:$0x3FAF] =	sst s0;
	s0 =	simm.s32 @!p2 $0x0  }
0x16: {  	s3 =	sld [smem:$0x3FDB];
	s0 =	simm.s32 @p2 $0x1  }
0x17: {  	s4 =	simm.s32 $0x1BF5;
	[smem:$0x3FB1] =	sst s0  }
0x18: {  	s0 =	sld [smem:$0x3F94];
	_ =	swait.ge [sflag:s4], $0x0  }
0x19: {  	s7 =	sld [smem:$0x3F95]  }
0x1a: {  	s8 =	sadd.s32 $0xFFFFE003, lr  }
0x1b: {  	s9 =	sadd.s32 $0xFFFFFEF7, lr;
	s5 =	simm.s32 $0xFFFFFFFF;
	p2 =	slt.u32 s8, $0xFFFFF086  }
0x1c: {  	p1 =	slt.u32 s9, $0xF7A;
	s5 =	simm.s32 @!p2 $0x0  }
0x1d: {  	s5 =	simm.s32 @p1 $0x1;
	p0 =	seq.s32 s7, s2  }
0x1e: {  	s7 =	smul.u32 @!p0 $0xF7A, s2;
	p2 =	seq.s32 @!p0 s5, $0x0  }
0x1f: {  	s9 =	smul.u32 $0xF7A, s1;
	s8 =	simm.s32 @!p0 $0x1BF5;
	p2 =	por !p2, p0  }
0x20: {  	[sflag:s8] =	ssyncset.s32 @!p0 $0xFFFFF086;
	s6 =	sadd.s32 @!p0 s3, s7;
	s7 =	simm.s32 @!p0 $0x108  }
0x21: {  	s3 =	sadd.s32 s3, s9;
	s6 =	sadd.s32 @!p0 $0x88, s6;
	s7 =	simm.s32 @p2 $0x1082  }
0x22: {  	[simem:s7], [sflag:s8] =	dma.local @!p0 [hbm:s6], $0xF7A  }
0x23: {  	s9 =	sor.u32 $0xD0000000, s2;
	s6 =	simm.s32 $0x108;
	_ =	swait.ge @!p0 [sflag:s8], $0x0  }
0x24: {  	s3 =	sadd.s32 $0x88, s3;
	s6 =	simm.s32 @!p1 $0x1082;
	[sflag:s4] =	ssyncset.s32 $0xFFFFF086  }
0x25: {  	[simem:s6], [sflag:s4] =	dma.local [hbm:s3], $0xF7A  }
0x26: {  	[smem:$0x3F95] =	sst s1;
	(tag) =	ssettag s2;
	_ =	strace s9  }
0x27: {  	s1 =	sld [smem:$0x3FA5]  }
0x28: {  	s2 =	sld [smem:$0x3FA6]  }
0x29: {  	s4 =	sld [smem:$0x3FA8]  }
0x2a: {  	p0 =	seq.s32 s5, $0x0;
	s5 =	sld [smem:$0x3FA9]  }
0x2b: {  	s6 =	sld [smem:$0x3FAA]  }
0x2c: {  	s7 =	sld [smem:$0x3FAB]  }
0x2d: {  	s3 =	simm.s32 $0x108;
	s8 =	sld [smem:$0x3FAC]  }
0x2e: {  	s3 =	simm.s32 @!p0 $0x1082;
	s9 =	sld [smem:$0x3FAD]  }
0x2f: {  	lr =	sadd.s32 s0, s3;
	s0 =	sld [smem:$0x3FA4]  }
0x30: {  	s3 =	sld [smem:$0x3FA7]  }
0x31: {  	[smem:$0x3FB0] =	sst s10  }
0x32: {  	s10 =	sld [smem:$0x3FAE];
	_ =	sdelay $0x3  }
0x33: {  	p0 =	seq.s32 s10, $0x1;
	s10 =	sld [smem:$0x3FB0];
	_ =	sdelay $0x3  }
0x34: {  	[smem:$0x3FB0] =	sst s10  }
0x35: {  	s10 =	sld [smem:$0x3FAF];
	_ =	sdelay $0x3  }
0x36: {  	p1 =	seq.s32 s10, $0x1;
	s10 =	sld [smem:$0x3FB0];
	_ =	sdelay $0x3  }
0x37: {  	[smem:$0x3FB0] =	sst s10  }
0x38: {  	s10 =	sld [smem:$0x3FB1]  }
0x39: {  	_ = 	snop;
	(pc) =	sbr.ind lr, $3  }
0x3a: {  	_ = 	snop  }
0x3b: {  	_ = 	snop  }
0x3c: {  	p2 =	seq.s32 s10, $0x1;
	s10 =	sld [smem:$0x3FB0]  }
0x3d: {  	_ =	shalt  }
0x3e: {  	_ =	shalt  }
0x3f: {  	_ =	shalt  }
0x40: {  	_ =	shalt  }
0x41: {  	_ =	shalt  }
0x42: {  	_ =	shalt  }
0x43: {  	_ =	shalt  }
0x44: {  	_ =	shalt  }
0x45: {  	_ =	shalt  }
0x46: {  	_ =	shalt  }
0x47: {  	_ =	shalt  }
0x48: {  	_ =	shalt  }
0x49: {  	_ =	shalt  }
0x4a: {  	_ =	shalt  }
0x4b: {  	_ =	shalt  }
0x4c: {  	_ =	shalt  }
0x4d: {  	_ =	shalt  }
0x4e: {  	_ =	shalt  }
0x4f: {  	_ =	shalt  }
0x50: {  	_ =	shalt  }
0x51: {  	_ =	shalt  }
0x52: {  	_ =	shalt  }
0x53: {  	_ =	shalt  }
0x54: {  	_ =	shalt  }
0x55: {  	_ =	shalt  }
0x56: {  	_ =	shalt  }
0x57: {  	_ =	shalt  }
0x58: {  	_ =	shalt  }
0x59: {  	_ =	shalt  }
0x5a: {  	_ =	shalt  }
0x5b: {  	_ =	shalt  }
0x5c: {  	_ =	shalt  }
0x5d: {  	_ =	shalt  }
0x5e: {  	_ =	shalt  }
0x5f: {  	_ =	shalt  }
0x60: {  	_ =	shalt  }
0x61: {  	_ =	shalt  }
0x62: {  	_ =	shalt  }
0x63: {  	_ =	shalt  }
0x64: {  	_ =	shalt  }
0x65: {  	_ =	shalt  }
0x66: {  	_ =	shalt  }
0x67: {  	_ =	shalt  }
0x68: {  	_ =	shalt  }
0x69: {  	_ =	shalt  }
0x6a: {  	_ =	shalt  }
0x6b: {  	_ =	shalt  }
0x6c: {  	_ =	shalt  }
0x6d: {  	_ =	shalt  }
0x6e: {  	_ =	shalt  }
0x6f: {  	_ =	shalt  }
0x70: {  	_ =	shalt  }
0x71: {  	_ =	shalt  }
0x72: {  	_ =	shalt  }
0x73: {  	_ =	shalt  }
0x74: {  	_ =	shalt  }
0x75: {  	_ =	shalt  }
0x76: {  	_ =	shalt  }
0x77: {  	_ =	shalt  }
0x78: {  	_ =	shalt  }
0x79: {  	_ =	shalt  }
0x7a: {  	_ =	shalt  }
0x7b: {  	_ =	shalt  }
0x7c: {  	_ =	shalt  }
0x7d: {  	_ =	shalt  }
0x7e: {  	_ =	shalt  }
0x7f: {  	_ =	shalt  }
0x80: {  	_ =	shalt  }
0x81: {  	_ =	shalt  }
0x82: {  	_ =	shalt  }
0x83: {  	_ =	shalt  }
0x84: {  	_ =	shalt  }
0x85: {  	_ =	shalt  }
0x86: {  	_ =	shalt  }
0x87: {  	_ =	shalt  }
.Lfunc_end0:
.L_simem_size_0:
called_computation.1_lowered:
.L_overlay_start_0:
0x88: {  	s2 =	sld [smem:$0x3FD9]  }
0x89: {  	s3 =	sld [smem:$0x3FFE];
	_ =	sdelay $0x1  }
0x8a: {  	s1 =	srdreg.scid  }
0x8b: {  	s0 =	sand.u32 $0x1, s1  }
0x8c: {  	s16 =	sshll.u32 s0, $0xA;
	s2 =	sadd.s32 s3, s2  }
0x8d: {  	s2 =	sadd.s32 s2, s16  }
0x8e: {  	[smem:$0x3FBC] =	sst s2  }
0x8f: {  	_ = 	snop  }
0x90: {  	(tm) =	ssettm $0x1  }
0x91: {  	s17 =	sld [smem:$0x3FFB];
	_ =	sdelay $0x3  }
0x92: {  	_ =	strace s17  }
0x93: {  	s2 =	sld [smem:$0x3FFC];
	_ =	sdelay $0x3  }
0x94: {  	_ =	strace s2  }
0x95: {  	s2 =	sld [smem:$0x3FFD];
	_ =	sdelay $0x3  }
0x96: {  	_ =	strace s2  }
0x97: {  	_ =	strace $0x8FFFFFFF  }
0x98: {  	s18 =	sld [smem:$0x3FDB];
	_ =	sdelay $0x1  }
0x99: {  	s19 =	simm.s32 $_scs_section_size  }
0x9a: {  	s4 =	simm.s32 $_size__tile_overlayer_lowered;
	s5 =	simm.s32 $_tile_overlayer_lowered  }
0x9b: {  	s22 =	simm.s32 $0x1BFF;
	s21 =	sshll.u32 s5, $0x1;
	s2 =	sadd.s32 s19, s18  }
0x9c: {  	s6 =	simm.s32 $0x0;
	s20 =	sshll.u32 s4, $0x1;
	s4 =	sadd.s32 s21, s2  }
0x9d: {  	[timem:s6], [sflag:s22] =	dma.local [hbm:s4], s20  }
0x9e: {  	_ =	swait.ge [sflag:s22], s20  }
0x9f: {  	s3 =	ssub.s32 $0x0, s20;
	[sflag:s22] =	ssyncset.done $0x0  }
0xa0: {  	[sflag:s22] =	ssyncadd.s32 s3;
	_ =	sdelay $0x1  }
0xa1: {  	s23 =	simm.s32 $0x1B8B  }
0xa2: {  	_ =	swait.ge [sflag:s23], $0x1  }
0xa3: {  	[sflag:s23] =	ssyncset.done $0x0  }
0xa4: {  	s25 =	simm.s32 $0x1B8E;
	s24 =	sld [smem:$0x3FFE];
	[sflag:s23] =	ssyncadd.s32 $0xFFFFFFFF  }
0xa5: {  	s26 =	simm.s32 $execute0_lowered;
	[smem:$0x3FD2] =	sst s25  }
0xa6: {  	s4 =	sshll.u32 s26, $0x1;
	_ =	strace $0x80000049;
	[dreg:$0x1] =	wrdreg $0xFFFFFFFF  }
0xa7: {  	s28 =	simm.s32 $_size_execute0_lowered;
	s2 =	sadd.s32 s2, s4;
	[dreg:$0x0] =	wrdreg $0x0  }
0xa8: {  	s4 =	sshll.u32 s28, $0x1;
	[dreg:$0x2] =	wrdreg s2  }
0xa9: {  	[dreg:$0x3] =	wrdreg s4  }
0xaa: {  	[dreg:$0x4] =	wrdreg $0xC0  }
0xab: {  	_ =	task [dreg:s6], $0x5FFFF  }
0xac: {  	[dreg:$0x1] =	wrdreg $0xFFFFFFFF  }
0xad: {  	[dreg:$0x0] =	wrdreg $0x60  }
0xae: {  	[dreg:$0x2] =	wrdreg s24  }
0xaf: {  	[dreg:$0x3] =	wrdreg $0x120000  }
0xb0: {  	[dreg:$0x4] =	wrdreg $0x9  }
0xb1: {  	_ =	task.clear_ibuf [dreg:s6], $0x5FFFF;
	_ =	strace $0x90000049  }
0xb2: {  	s29 =	simm.s32 $0x9;
	_ =	strace $0x8000004B  }
0xb3: {  	_ =	swait.ge [sflag:s29], $0x1  }
0xb4: {  	[sflag:s29] =	ssyncadd.s32 $0xFFFFFFFF  }
0xb5: {  	_ =	strace $0x9000004B  }
0xb6: {  	_ =	sfence  }
0xb7: {  	s30 =	sld [smem:$0x0];
	_ =	sdelay $0x2  }
0xb8: {  	s31 =	sshll.u32 s1, $0xD;
	s1 =	sshrl.u32 s1, $0x2  }
0xb9: {  	s3 =	sand.u32 $0x4000, s31;
	s1 =	sadd.s32 s1, s30  }
0xba: {  	s0 =	sor.u32 s3, s0;
	s1 =	sshll.u32 s1, $0x11  }
0xbb: {  	s0 =	sor.u32 s1, s0  }
0xbc: {  	s0 =	sadd.s32 $0x8F2B, s0  }
0xbd: {  	[sflag:s0] =	ssyncadd.remote.s32 $0x1  }
0xbe: {  	_ =	sfence.sel $0xFFFF  }
0xbf: {  	[dreg:$0x0] =	wrdreg $0xFFFFFFFF;
	(pc) =	sbr.abs _section_cstart, $3  }
0xc0: {  	[dreg:$0x1] =	wrdreg $0xFFFFFFFF  }
0xc1: {  	_ =	task.clear_ibuf [dreg:s6], $0x2FFFF;
	_ =	strace $0x9FFFFFFF  }
0xc2: {  	(tm) =	ssettm $0x7FFFFFFF  }
0xc3: {  	_ =	shalt  }
tec
execute0_lowered:
.L_overlay_start_1:
0x0: {  	(tag) =	ssettag $0x1  }
0x1: {  	s0 =	rddreg [dreg:$0x0]  }
0x2: {  	s2 =	rddreg [dreg:$0x1];
	s11 =	stileid.u32  }
0x3: {  	s4 =	srdreg.scid;
	s3 =	simm.s32 $0x0;
	s12 =	simm.s32 $0x9  }
0x4: {  	s14 =	simm.s32 $0x80;
	s15 =	simm.s32 $0xA000;
	s16 =	simm.s32 $0xC000  }
0x5: {  	s18 =	simm.s32 $0xE000;
	s20 =	simm.s32 $0x10000;
	s21 =	simm.s32 $0x1  }
0x6: {  	s22 =	simm.s32 $0x5;
	s23 =	simm.s32 $0x2;
	s24 =	simm.s32 $0x6  }
0x7: {  	s25 =	simm.s32 $0x3;
	s28 =	simm.s32 $0x4;
	s1 =	smul.u32 $0xA00, s11  }
0x8: {  	s29 =	simm.s32 $0x8;
	s31 =	simm.s32 $0x9E80;
	s5 =	smul.u32 $0x9E00, s11  }
0x9: {  	s13 =	sand.u32 $0x1, s4;
	[smem:$0x7FF] =	sst s3;
	s4 =	sadd.s32 $0x25A00, s0  }
0xa: {  	s26 =	sshll.u32 s11, $0x6;
	s6 =	smul.u32 $0x9E000, s13;
	_ =	strace $0x8000004A  }
0xb: {  	s8 =	ssub.s32 $0x2, s13;
	v0 =	vmov s13;
	s13 =	simm.s32 $0x0;
	s1 =	sadd.s32 s1, s0  }
0xc: {  	s7 =	sshrl.u32 s5, $0x3;
	s9 =	sshrl.u32 s8, $0x1;
	s30 =	sadd.s32 s5, s2  }
0xd: {  	s6 =	sadd.s32 s5, s6;
	s7 =	sadd.s32 s7, s0;
	s10 =	ssub.s32 s8, s9  }
0xe: {  	s8 =	sadd.s32 $0x2C00, s1;
	s11 =	sshrl.u32 s30, $0x3;
	s6 =	sshrl.u32 s6, $0x3  }
0xf: {  	s5 =	sadd.s32 $0x4CC00, s7;
	s7 =	sadd.s32 $0x1BA00, s1;
	s10 =	smax.u32 s10, $0x1  }
0x10: {  	s1 =	simm.s32 $0x9F80;
	s0 =	sadd.s32 s6, s0;
	s6 =	sor.u32 $0x1C09, s26  }
0x11: {  	s26 =	simm.s32 $0x7;
	s9 =	sadd.s32 $0x60800, s0;
	s0 =	simm.s32 $0x9F00  }
.LBB2_1:
0x12: {  	[spmem:s11], [sflag:s6] =	dma.local [hbm:s5], $0x13C0  }
0x13: {  	_ =	swait.ge [sflag:s12], $0x13C0  }
0x14: {  	[sflag:s12] =	ssyncset.done $0x0  }
0x15: {  	[sflag:s12] =	ssyncadd.s32 $0xFFFFEC40  }
0x16: {  	[tilespmem:s3], [sflag:$0x9] =	stream.linear.gather [hbm4b:s7+s3], $0x5000, $0x38;
	[tilespmem:$0x1BE00] =	vst v63  }
0x17: {  	_ =	swait.ge [sflag:s12], $0x5000  }
0x18: {  	[sflag:s12] =	ssyncset.done $0x0  }
0x19: {  	s17 =	simm.s32 $0x5000;
	[sflag:s12] =	ssyncadd.s32 $0xFFFFB000  }
0x1a: {  	[tilespmem:s17], [sflag:$0x9] =	stream.linear.gather [hbm4b:s8+s3], $0x5000, $0x38;
	[tilespmem:$0x1BE00] =	vst v63  }
0x1b: {  	_ =	swait.ge [sflag:s12], $0x5000  }
0x1c: {  	[sflag:s12] =	ssyncset.done $0x0  }
0x1d: {  	s17 =	simm.s32 $0x0;
	[sflag:s12] =	ssyncadd.s32 $0xFFFFB000  }
0x1e: {  	v2 =	vld [tilespmem:s17+$0x0]  }
0x1f: {  	v3 =	vld [tilespmem:s17+$0x10]  }
0x20: {  	v5 =	vld [tilespmem:s17+$0x20]  }
0x21: {  	v4 =	vld [tilespmem:s17+$0x30]  }
0x22: {  	v1 =	vld [tilespmem:s17+$0x40]  }
0x23: {  	v6 =	vshll.u32 v2, $0x1;
	v2 =	vld [tilespmem:s17+$0x50]  }
0x24: {  	s19 =	simm.s32 $0x200;
	v7 =	vshll.u32 v3, $0x1;
	v3 =	vld [tilespmem:s17+$0x60];
	v6 =	vor.u32 v0, v6  }
.LBB2_2:
0x25: {  	s30 =	sshra.s32 s19, $0x2;
	p0 =	sne.s32 s19, $0x13E00;
	[tilespmem:s17+$0x0] =	vst v6;
	v6 =	vor.u32 v0, v7;
	v5 =	vshll.u32 v5, $0x1;
	v7 =	vld [tilespmem:s17+$0x70]  }
0x26: {  	v8 =	vld [tilespmem:s30+$0x0];
	[tilespmem:s17+$0x10] =	vst v6;
	v5 =	vor.u32 v0, v5;
	v4 =	vshll.u32 v4, $0x1  }
0x27: {  	v9 =	vld [tilespmem:s30+$0x10];
	[tilespmem:s17+$0x20] =	vst v5;
	v4 =	vor.u32 v0, v4;
	v1 =	vshll.u32 v1, $0x1  }
.Ltmp0:
0x28: {  	v5 =	vld [tilespmem:s30+$0x20];
	[tilespmem:s17+$0x30] =	vst v4;
	v1 =	vor.u32 v0, v1;
	v2 =	vshll.u32 v2, $0x1;
	(pc) =	sbr.rel @p0 .LBB2_2-.Ltmp0, $4  }
0x29: {  	v4 =	vld [tilespmem:s30+$0x30];
	[tilespmem:s17+$0x40] =	vst v1;
	v2 =	vor.u32 v0, v2;
	v3 =	vshll.u32 v3, $0x1  }
0x2a: {  	v1 =	vld [tilespmem:s30+$0x40];
	[tilespmem:s17+$0x50] =	vst v2;
	v3 =	vor.u32 v0, v3;
	v6 =	vshll.u32 v7, $0x1  }
0x2b: {  	v7 =	vshll.u32 v8, $0x1;
	v2 =	vld [tilespmem:s30+$0x50];
	[tilespmem:s17+$0x60] =	vst v3;
	v8 =	vor.u32 v0, v6  }
0x2c: {  	s19 =	sadd.s32 $0x200, s19;
	v6 =	vor.u32 v0, v7;
	v7 =	vshll.u32 v9, $0x1;
	v3 =	vld [tilespmem:s30+$0x60];
	[tilespmem:s17+$0x70] =	vst v8;
	s17 =	smov.u32 s30  }
0x2d: {  	[tilespmem:s17+$0x0] =	vst v6;
	v62 =	vor.u32 v0, v7;
	v5 =	vshll.u32 v5, $0x1;
	v63 =	vld [tilespmem:s17+$0x70]  }
0x2e: {  	[tilespmem:s17+$0x10] =	vst v62;
	v5 =	vor.u32 v0, v5;
	v4 =	vshll.u32 v4, $0x1  }
0x2f: {  	[tilespmem:s17+$0x20] =	vst v5;
	v4 =	vor.u32 v0, v4;
	v1 =	vshll.u32 v1, $0x1  }
0x30: {  	[tilespmem:s17+$0x30] =	vst v4;
	v1 =	vor.u32 v0, v1;
	v2 =	vshll.u32 v2, $0x1  }
0x31: {  	[tilespmem:s17+$0x40] =	vst v1;
	v1 =	vor.u32 v0, v2;
	v2 =	vshll.u32 v3, $0x1  }
0x32: {  	[tilespmem:s17+$0x50] =	vst v1;
	v1 =	vor.u32 v0, v2;
	v2 =	vshll.u32 v63, $0x1  }
0x33: {  	[tilespmem:s17+$0x60] =	vst v1;
	v1 =	vor.u32 v0, v2  }
0x34: {  	[tilespmem:s17+$0x70] =	vst v1  }
0x35: {  	s19 =	simm.s32 $0x0;
	[bflag:$0x0] =	sbarrier.arrive $0xFFFF  }
0x36: {  	[tilespmem:s15], [sflag:$0x1] =	stream.indirect.gather [hbm4b:s4+s14], $0x40, s19, s14, $0xb8;
	[tilespmem:$0x1BE00] =	vst v63  }
0x37: {  	_ = 	snop  }
0x38: {  	[tilespmem:s16], [sflag:$0x2] =	stream.indirect.gather [hbm4b:s4+s14], $0x40, s14, s14, $0xb8;
	[tilespmem:$0x1BE00] =	vst v63  }
0x39: {  	s30 =	simm.s32 $0x100  }
0x3a: {  	[tilespmem:s18], [sflag:$0x3] =	stream.indirect.gather [hbm4b:s4+s14], $0x40, s30, s14, $0xb8;
	[tilespmem:$0x1BE00] =	vst v63  }
0x3b: {  	s19 =	simm.s32 $0x180  }
0x3c: {  	[tilespmem:s20], [sflag:$0x4] =	stream.indirect.gather [hbm4b:s4+s14], $0x40, s19, s14, $0xb8;
	[tilespmem:$0x1BE00] =	vst v63  }
0x3d: {  	_ =	swait.ge [sflag:s21], $0x2000  }
0x3e: {  	[sflag:s21] =	ssyncset.done $0x0  }
0x3f: {  	s30 =	simm.s32 $0x5000;
	[sflag:s21] =	ssyncadd.s32 $0xFFFFE000  }
0x40: {  	[spmem:s2] =	stream.indirect.scatter.add.f32 [tilespmem:s15], [sflag:$0x5], $0x40, s30, s14, $0xb8;
	[tilespmem:$0x1BE00] =	vst v63  }
0x41: {  	_ =	swait.ge [sflag:s22], $0x2000  }
0x42: {  	[sflag:s22] =	ssyncset.done $0x0  }
0x43: {  	s19 =	simm.s32 $0x200;
	[sflag:s22] =	ssyncadd.s32 $0xFFFFE000  }
0x44: {  	[tilespmem:s15], [sflag:$0x1] =	stream.indirect.gather [hbm4b:s4+s14], $0x40, s19, s14, $0xb8;
	[tilespmem:$0x1BE00] =	vst v63  }
0x45: {  	_ =	swait.ge [sflag:s23], $0x2000  }
0x46: {  	[sflag:s23] =	ssyncset.done $0x0  }
0x47: {  	s30 =	simm.s32 $0x5080;
	[sflag:s23] =	ssyncadd.s32 $0xFFFFE000  }
0x48: {  	[spmem:s2] =	stream.indirect.scatter.add.f32 [tilespmem:s16], [sflag:$0x6], $0x40, s30, s14, $0xb8;
	[tilespmem:$0x1BE00] =	vst v63  }
0x49: {  	_ =	swait.ge [sflag:s24], $0x2000  }
0x4a: {  	[sflag:s24] =	ssyncset.done $0x0  }
0x4b: {  	s19 =	simm.s32 $0x280;
	[sflag:s24] =	ssyncadd.s32 $0xFFFFE000  }
0x4c: {  	[tilespmem:s16], [sflag:$0x2] =	stream.indirect.gather [hbm4b:s4+s14], $0x40, s19, s14, $0xb8;
	[tilespmem:$0x1BE00] =	vst v63  }
0x4d: {  	_ =	swait.ge [sflag:s25], $0x2000  }
0x4e: {  	[sflag:s25] =	ssyncset.done $0x0  }
0x4f: {  	s30 =	simm.s32 $0x5100;
	[sflag:s25] =	ssyncadd.s32 $0xFFFFE000  }
0x50: {  	[spmem:s2] =	stream.indirect.scatter.add.f32 [tilespmem:s18], [sflag:$0x7], $0x40, s30, s14, $0xb8;
	[tilespmem:$0x1BE00] =	vst v63  }
0x51: {  	_ =	swait.ge [sflag:s26], $0x2000  }
0x52: {  	[sflag:s26] =	ssyncset.done $0x0  }
0x53: {  	s19 =	simm.s32 $0x300;
	[sflag:s26] =	ssyncadd.s32 $0xFFFFE000  }
0x54: {  	[tilespmem:s18], [sflag:$0x3] =	stream.indirect.gather [hbm4b:s4+s14], $0x40, s19, s14, $0xb8;
	[tilespmem:$0x1BE00] =	vst v63  }
0x55: {  	_ =	swait.ge [sflag:s28], $0x2000  }
0x56: {  	[sflag:s28] =	ssyncset.done $0x0  }
0x57: {  	s30 =	simm.s32 $0x5180;
	[sflag:s28] =	ssyncadd.s32 $0xFFFFE000  }
0x58: {  	[spmem:s2] =	stream.indirect.scatter.add.f32 [tilespmem:s20], [sflag:$0x8], $0x40, s30, s14, $0xb8;
	[tilespmem:$0x1BE00] =	vst v63  }
0x59: {  	_ =	swait.ge [sflag:s29], $0x2000  }
0x5a: {  	[sflag:s29] =	ssyncset.done $0x0  }
0x5b: {  	s17 =	simm.s32 $0x800;
	s19 =	simm.s32 $0x380;
	[sflag:s29] =	ssyncadd.s32 $0xFFFFE000  }
.LBB2_4:
0x5c: {  	[tilespmem:s20], [sflag:$0x4] =	stream.indirect.gather [hbm4b:s4+s14], $0x40, s19, s14, $0xb8;
	[tilespmem:$0x1BE00] =	vst v63  }
0x5d: {  	s19 =	smov.u32 s17  }
0x5e: {  	p0 =	sne.s32 s17, $0x13000;
	s17 =	sadd.s32 $0x800, s17;
	_ =	swait.ge [sflag:s21], $0x2000  }
0x5f: {  	s19 =	sshra.s32 s19, $0x2;
	[sflag:s21] =	ssyncset.done $0x0  }
0x60: {  	s30 =	sadd.s32 $0x5000, s19;
	[sflag:s21] =	ssyncadd.s32 $0xFFFFE000  }
0x61: {  	[spmem:s2] =	stream.indirect.scatter.add.f32 [tilespmem:s15], [sflag:$0x5], $0x40, s30, s14, $0xb8;
	[tilespmem:$0x1BE00] =	vst v63  }
0x62: {  	_ =	swait.ge [sflag:s22], $0x2000  }
0x63: {  	[sflag:s22] =	ssyncset.done $0x0  }
0x64: {  	s30 =	sadd.s32 $0x200, s19;
	[sflag:s22] =	ssyncadd.s32 $0xFFFFE000  }
0x65: {  	[tilespmem:s15], [sflag:$0x1] =	stream.indirect.gather [hbm4b:s4+s14], $0x40, s30, s14, $0xb8;
	[tilespmem:$0x1BE00] =	vst v63  }
0x66: {  	_ =	swait.ge [sflag:s23], $0x2000  }
0x67: {  	[sflag:s23] =	ssyncset.done $0x0  }
0x68: {  	s30 =	sadd.s32 $0x5080, s19;
	[sflag:s23] =	ssyncadd.s32 $0xFFFFE000  }
0x69: {  	[spmem:s2] =	stream.indirect.scatter.add.f32 [tilespmem:s16], [sflag:$0x6], $0x40, s30, s14, $0xb8;
	[tilespmem:$0x1BE00] =	vst v63  }
0x6a: {  	_ =	swait.ge [sflag:s24], $0x2000  }
0x6b: {  	[sflag:s24] =	ssyncset.done $0x0  }
0x6c: {  	s30 =	sadd.s32 $0x280, s19;
	[sflag:s24] =	ssyncadd.s32 $0xFFFFE000  }
0x6d: {  	[tilespmem:s16], [sflag:$0x2] =	stream.indirect.gather [hbm4b:s4+s14], $0x40, s30, s14, $0xb8;
	[tilespmem:$0x1BE00] =	vst v63  }
0x6e: {  	_ =	swait.ge [sflag:s25], $0x2000  }
0x6f: {  	[sflag:s25] =	ssyncset.done $0x0  }
0x70: {  	s30 =	sadd.s32 $0x5100, s19;
	[sflag:s25] =	ssyncadd.s32 $0xFFFFE000  }
0x71: {  	[spmem:s2] =	stream.indirect.scatter.add.f32 [tilespmem:s18], [sflag:$0x7], $0x40, s30, s14, $0xb8;
	[tilespmem:$0x1BE00] =	vst v63  }
0x72: {  	_ =	swait.ge [sflag:s26], $0x2000  }
0x73: {  	[sflag:s26] =	ssyncset.done $0x0  }
0x74: {  	s30 =	sadd.s32 $0x300, s19;
	[sflag:s26] =	ssyncadd.s32 $0xFFFFE000  }
0x75: {  	[tilespmem:s18], [sflag:$0x3] =	stream.indirect.gather [hbm4b:s4+s14], $0x40, s30, s14, $0xb8;
	[tilespmem:$0x1BE00] =	vst v63  }
0x76: {  	_ =	swait.ge [sflag:s28], $0x2000  }
0x77: {  	[sflag:s28] =	ssyncset.done $0x0  }
.Ltmp1:
0x78: {  	s30 =	sadd.s32 $0x5180, s19;
	[sflag:s28] =	ssyncadd.s32 $0xFFFFE000;
	(pc) =	sbr.rel @p0 .LBB2_4-.Ltmp1, $4  }
0x79: {  	[spmem:s2] =	stream.indirect.scatter.add.f32 [tilespmem:s20], [sflag:$0x8], $0x40, s30, s14, $0xb8;
	[tilespmem:$0x1BE00] =	vst v63  }
0x7a: {  	_ =	swait.ge [sflag:s29], $0x2000  }
0x7b: {  	[sflag:s29] =	ssyncset.done $0x0  }
0x7c: {  	s19 =	sadd.s32 $0x380, s19;
	[sflag:s29] =	ssyncadd.s32 $0xFFFFE000  }
0x7d: {  	[tilespmem:s20], [sflag:$0x4] =	stream.indirect.gather [hbm4b:s4+s14], $0x40, s19, s14, $0xb8;
	[tilespmem:$0x1BE00] =	vst v63  }
0x7e: {  	_ =	swait.ge [sflag:s21], $0x2000  }
0x7f: {  	[sflag:s21] =	ssyncset.done $0x0  }
0x80: {  	s17 =	simm.s32 $0x9E00;
	[sflag:s21] =	ssyncadd.s32 $0xFFFFE000  }
0x81: {  	[spmem:s2] =	stream.indirect.scatter.add.f32 [tilespmem:s15], [sflag:$0x5], $0x40, s17, s14, $0xb8;
	[tilespmem:$0x1BE00] =	vst v63  }
0x82: {  	_ =	swait.ge [sflag:s23], $0x2000  }
0x83: {  	[sflag:s23] =	ssyncset.done $0x0  }
0x84: {  	[sflag:s23] =	ssyncadd.s32 $0xFFFFE000  }
0x85: {  	[spmem:s2] =	stream.indirect.scatter.add.f32 [tilespmem:s16], [sflag:$0x6], $0x40, s31, s14, $0xb8;
	[tilespmem:$0x1BE00] =	vst v63  }
0x86: {  	_ =	swait.ge [sflag:s25], $0x2000  }
0x87: {  	[sflag:s25] =	ssyncset.done $0x0  }
0x88: {  	[sflag:s25] =	ssyncadd.s32 $0xFFFFE000  }
0x89: {  	[spmem:s2] =	stream.indirect.scatter.add.f32 [tilespmem:s18], [sflag:$0x7], $0x40, s0, s14, $0xb8;
	[tilespmem:$0x1BE00] =	vst v63  }
0x8a: {  	_ =	swait.ge [sflag:s28], $0x2000  }
0x8b: {  	[sflag:s28] =	ssyncset.done $0x0  }
0x8c: {  	[sflag:s28] =	ssyncadd.s32 $0xFFFFE000  }
0x8d: {  	[spmem:s2] =	stream.indirect.scatter.add.f32 [tilespmem:s20], [sflag:$0x8], $0x40, s1, s14, $0xb8;
	[tilespmem:$0x1BE00] =	vst v63  }
0x8e: {  	_ =	swait.ge [sflag:s22], $0x2000  }
0x8f: {  	[sflag:s22] =	ssyncset.done $0x0  }
0x90: {  	[sflag:s22] =	ssyncadd.s32 $0xFFFFE000  }
0x91: {  	_ =	swait.ge [sflag:s24], $0x2000  }
0x92: {  	[sflag:s24] =	ssyncset.done $0x0  }
0x93: {  	[sflag:s24] =	ssyncadd.s32 $0xFFFFE000  }
0x94: {  	_ =	swait.ge [sflag:s26], $0x2000  }
0x95: {  	[sflag:s26] =	ssyncset.done $0x0  }
0x96: {  	[sflag:s26] =	ssyncadd.s32 $0xFFFFE000  }
0x97: {  	_ =	swait.ge [sflag:s29], $0x2000  }
0x98: {  	s13 =	sadd.s32 $0x1, s13;
	[sflag:s29] =	ssyncset.done $0x0  }
0x99: {  	p0 =	sne.s32 s13, s10;
	[sflag:s29] =	ssyncadd.s32 $0xFFFFE000  }
.Ltmp2:
0x9a: {  	[bflag:$0x0] =	sbarrier.arrive $0xFFFF;
	(pc) =	sbr.rel @p0 .LBB2_1-.Ltmp2, $4  }
0x9b: {  	[hbm:s9], [sflag:s6] =	dma.local [spmem:s11], $0x13C0  }
0x9c: {  	_ =	swait.ge [sflag:s12], $0x13C0  }
0x9d: {  	[sflag:s12] =	ssyncset.done $0x0  }
0x9e: {  	[sflag:s12] =	ssyncadd.s32 $0xFFFFEC40  }
0x9f: {  	_ =	sfence.sel $0x180000  }
0xa0: {  	[bflag:$0x0] =	sbarrier.arrive $0xFFFF  }
0xa1: {  	_ =	strace $0x9000004A  }
0xa2: {  	s0 =	stileid.u32;
	[bflag:$0x2] =	sbarrier.arrive $0xFFFF  }
0xa3: {  	p0 =	sne.s32 s0, $0x0;
	s0 =	rddreg [dreg:$0x2]  }
0xa4: {  	s0 =	sadd.s32 @!p0 $0x100000, s0  }
0xa5: {  	[sflag:s0] =	ssyncadd.tile.s32 @!p0 $0x1;
	_ =	shalt  }
.Lfunc_end2:
_tile_overlayer_lowered:
.L_overlay_start_2:
0xa6: {  	(tag) =	ssettag $0x2  }
0xa7: {  	s0 =	rddreg [dreg:$0x0];
	s2 =	stileid.u32  }
0xa8: {  	s1 =	rddreg [dreg:$0x1];
	p0 =	sne.s32 s2, $0x0  }
0xa9: {  	s3 =	rddreg [dreg:$0x2];
	[bflag:$0x3] =	sbarrier.arrive $0xFFFF;
	s2 =	simm.s32 @!p0 $0x1C09  }
0xaa: {  	[timem:s3], [sflag:s2] =	dma.local @!p0 [hbm:s0], s1  }
0xab: {  	s0 =	simm.s32 @!p0 $0x9  }
0xac: {  	_ =	swait.ge @!p0 [sflag:s0], s1  }
0xad: {  	s1 =	ssub.s32 @!p0 $0x0, s1;
	[sflag:s0] =	ssyncset.done @!p0 $0x0  }
0xae: {  	[sflag:s0] =	ssyncadd.s32 @!p0 s1  }
0xaf: {  	[bflag:$0x3] =	sbarrier.arrive $0xFFFF  }
0xb0: {  	_ =	shalt  }

// kernel: kernel.15.cloned.1.call-start
scs
__scs_entry_jumppad:
0x0: {  	(pc) =	sbr.rel $0x88, $3  }
0x1: {  	(tag) =	ssettag $0x0;
	lr =	simm.s32 $0x1  }
0x2: {  	[smem:$0x3F95] =	sst lr;
	_ =	strace $0xD0000000  }
0x3: {  	_ = 	snop  }
0x4: {  	_ = 	snop  }
0x5: {  	_ = 	snop  }
0x6: {  	_ = 	snop  }
0x7: {  	_ = 	snop  }
__scs_overlays_trampoline_lowered:
0x8: {  	[smem:$0x3FA4] =	sst s0  }
0x9: {  	[smem:$0x3FA5] =	sst s1  }
0xa: {  	[smem:$0x3FA6] =	sst s2  }
0xb: {  	[smem:$0x3FA7] =	sst s3  }
0xc: {  	[smem:$0x3FA8] =	sst s4  }
0xd: {  	[smem:$0x3FA9] =	sst s5  }
0xe: {  	[smem:$0x3FAA] =	sst s6  }
0xf: {  	[smem:$0x3FAB] =	sst s7  }
0x10: {  	[smem:$0x3FAC] =	sst s8  }
0x11: {  	[smem:$0x3FAD] =	sst s9;
	s0 =	simm.s32 @!p0 $0x0  }
0x12: {  	s1 =	sld [smem:$0x3F93];
	s0 =	simm.s32 @p0 $0x1  }
0x13: {  	[smem:$0x3FAE] =	sst s0;
	s0 =	simm.s32 @!p1 $0x0  }
0x14: {  	s2 =	sld [smem:$0x3F92];
	s0 =	simm.s32 @p1 $0x1  }
0x15: {  	[smem:$0x3FAF] =	sst s0;
	s0 =	simm.s32 @!p2 $0x0  }
0x16: {  	s3 =	sld [smem:$0x3FDB];
	s0 =	simm.s32 @p2 $0x1  }
0x17: {  	s4 =	simm.s32 $0x1BF5;
	[smem:$0x3FB1] =	sst s0  }
0x18: {  	s0 =	sld [smem:$0x3F94];
	_ =	swait.ge [sflag:s4], $0x0  }
0x19: {  	s7 =	sld [smem:$0x3F95]  }
0x1a: {  	s8 =	sadd.s32 $0xFFFFE003, lr  }
0x1b: {  	s9 =	sadd.s32 $0xFFFFFEF7, lr;
	s5 =	simm.s32 $0xFFFFFFFF;
	p2 =	slt.u32 s8, $0xFFFFF086  }
0x1c: {  	p1 =	slt.u32 s9, $0xF7A;
	s5 =	simm.s32 @!p2 $0x0  }
0x1d: {  	s5 =	simm.s32 @p1 $0x1;
	p0 =	seq.s32 s7, s2  }
0x1e: {  	s7 =	smul.u32 @!p0 $0xF7A, s2;
	p2 =	seq.s32 @!p0 s5, $0x0  }
0x1f: {  	s9 =	smul.u32 $0xF7A, s1;
	s8 =	simm.s32 @!p0 $0x1BF5;
	p2 =	por !p2, p0  }
0x20: {  	[sflag:s8] =	ssyncset.s32 @!p0 $0xFFFFF086;
	s6 =	sadd.s32 @!p0 s3, s7;
	s7 =	simm.s32 @!p0 $0x108  }
0x21: {  	s3 =	sadd.s32 s3, s9;
	s6 =	sadd.s32 @!p0 $0x88, s6;
	s7 =	simm.s32 @p2 $0x1082  }
0x22: {  	[simem:s7], [sflag:s8] =	dma.local @!p0 [hbm:s6], $0xF7A  }
0x23: {  	s9 =	sor.u32 $0xD0000000, s2;
	s6 =	simm.s32 $0x108;
	_ =	swait.ge @!p0 [sflag:s8], $0x0  }
0x24: {  	s3 =	sadd.s32 $0x88, s3;
	s6 =	simm.s32 @!p1 $0x1082;
	[sflag:s4] =	ssyncset.s32 $0xFFFFF086  }
0x25: {  	[simem:s6], [sflag:s4] =	dma.local [hbm:s3], $0xF7A  }
0x26: {  	[smem:$0x3F95] =	sst s1;
	(tag) =	ssettag s2;
	_ =	strace s9  }
0x27: {  	s1 =	sld [smem:$0x3FA5]  }
0x28: {  	s2 =	sld [smem:$0x3FA6]  }
0x29: {  	s4 =	sld [smem:$0x3FA8]  }
0x2a: {  	p0 =	seq.s32 s5, $0x0;
	s5 =	sld [smem:$0x3FA9]  }
0x2b: {  	s6 =	sld [smem:$0x3FAA]  }
0x2c: {  	s7 =	sld [smem:$0x3FAB]  }
0x2d: {  	s3 =	simm.s32 $0x108;
	s8 =	sld [smem:$0x3FAC]  }
0x2e: {  	s3 =	simm.s32 @!p0 $0x1082;
	s9 =	sld [smem:$0x3FAD]  }
0x2f: {  	lr =	sadd.s32 s0, s3;
	s0 =	sld [smem:$0x3FA4]  }
0x30: {  	s3 =	sld [smem:$0x3FA7]  }
0x31: {  	[smem:$0x3FB0] =	sst s10  }
0x32: {  	s10 =	sld [smem:$0x3FAE];
	_ =	sdelay $0x3  }
0x33: {  	p0 =	seq.s32 s10, $0x1;
	s10 =	sld [smem:$0x3FB0];
	_ =	sdelay $0x3  }
0x34: {  	[smem:$0x3FB0] =	sst s10  }
0x35: {  	s10 =	sld [smem:$0x3FAF];
	_ =	sdelay $0x3  }
0x36: {  	p1 =	seq.s32 s10, $0x1;
	s10 =	sld [smem:$0x3FB0];
	_ =	sdelay $0x3  }
0x37: {  	[smem:$0x3FB0] =	sst s10  }
0x38: {  	s10 =	sld [smem:$0x3FB1]  }
0x39: {  	_ = 	snop;
	(pc) =	sbr.ind lr, $3  }
0x3a: {  	_ = 	snop  }
0x3b: {  	_ = 	snop  }
0x3c: {  	p2 =	seq.s32 s10, $0x1;
	s10 =	sld [smem:$0x3FB0]  }
0x3d: {  	_ =	shalt  }
0x3e: {  	_ =	shalt  }
0x3f: {  	_ =	shalt  }
0x40: {  	_ =	shalt  }
0x41: {  	_ =	shalt  }
0x42: {  	_ =	shalt  }
0x43: {  	_ =	shalt  }
0x44: {  	_ =	shalt  }
0x45: {  	_ =	shalt  }
0x46: {  	_ =	shalt  }
0x47: {  	_ =	shalt  }
0x48: {  	_ =	shalt  }
0x49: {  	_ =	shalt  }
0x4a: {  	_ =	shalt  }
0x4b: {  	_ =	shalt  }
0x4c: {  	_ =	shalt  }
0x4d: {  	_ =	shalt  }
0x4e: {  	_ =	shalt  }
0x4f: {  	_ =	shalt  }
0x50: {  	_ =	shalt  }
0x51: {  	_ =	shalt  }
0x52: {  	_ =	shalt  }
0x53: {  	_ =	shalt  }
0x54: {  	_ =	shalt  }
0x55: {  	_ =	shalt  }
0x56: {  	_ =	shalt  }
0x57: {  	_ =	shalt  }
0x58: {  	_ =	shalt  }
0x59: {  	_ =	shalt  }
0x5a: {  	_ =	shalt  }
0x5b: {  	_ =	shalt  }
0x5c: {  	_ =	shalt  }
0x5d: {  	_ =	shalt  }
0x5e: {  	_ =	shalt  }
0x5f: {  	_ =	shalt  }
0x60: {  	_ =	shalt  }
0x61: {  	_ =	shalt  }
0x62: {  	_ =	shalt  }
0x63: {  	_ =	shalt  }
0x64: {  	_ =	shalt  }
0x65: {  	_ =	shalt  }
0x66: {  	_ =	shalt  }
0x67: {  	_ =	shalt  }
0x68: {  	_ =	shalt  }
0x69: {  	_ =	shalt  }
0x6a: {  	_ =	shalt  }
0x6b: {  	_ =	shalt  }
0x6c: {  	_ =	shalt  }
0x6d: {  	_ =	shalt  }
0x6e: {  	_ =	shalt  }
0x6f: {  	_ =	shalt  }
0x70: {  	_ =	shalt  }
0x71: {  	_ =	shalt  }
0x72: {  	_ =	shalt  }
0x73: {  	_ =	shalt  }
0x74: {  	_ =	shalt  }
0x75: {  	_ =	shalt  }
0x76: {  	_ =	shalt  }
0x77: {  	_ =	shalt  }
0x78: {  	_ =	shalt  }
0x79: {  	_ =	shalt  }
0x7a: {  	_ =	shalt  }
0x7b: {  	_ =	shalt  }
0x7c: {  	_ =	shalt  }
0x7d: {  	_ =	shalt  }
0x7e: {  	_ =	shalt  }
0x7f: {  	_ =	shalt  }
0x80: {  	_ =	shalt  }
0x81: {  	_ =	shalt  }
0x82: {  	_ =	shalt  }
0x83: {  	_ =	shalt  }
0x84: {  	_ =	shalt  }
0x85: {  	_ =	shalt  }
0x86: {  	_ =	shalt  }
0x87: {  	_ =	shalt  }
.Lfunc_end0:
.L_simem_size_0:
called_computation.2_lowered:
.L_overlay_start_0:
0x88: {  	s2 =	sld [smem:$0x3FD9]  }
0x89: {  	s3 =	sld [smem:$0x3FFE];
	_ =	sdelay $0x1  }
0x8a: {  	s1 =	srdreg.scid  }
0x8b: {  	s0 =	sand.u32 $0x1, s1  }
0x8c: {  	s16 =	sshll.u32 s0, $0xA;
	s2 =	sadd.s32 s3, s2  }
0x8d: {  	s2 =	sadd.s32 s2, s16  }
0x8e: {  	[smem:$0x3FBC] =	sst s2  }
0x8f: {  	_ = 	snop  }
0x90: {  	(tm) =	ssettm $0x1  }
0x91: {  	s17 =	sld [smem:$0x3FFB];
	_ =	sdelay $0x3  }
0x92: {  	_ =	strace s17  }
0x93: {  	s2 =	sld [smem:$0x3FFC];
	_ =	sdelay $0x3  }
0x94: {  	_ =	strace s2  }
0x95: {  	s2 =	sld [smem:$0x3FFD];
	_ =	sdelay $0x3  }
0x96: {  	_ =	strace s2  }
0x97: {  	_ =	strace $0x8FFFFFFF  }
0x98: {  	s18 =	sld [smem:$0x3FDB];
	_ =	sdelay $0x1  }
0x99: {  	s19 =	simm.s32 $_scs_section_size  }
0x9a: {  	s4 =	simm.s32 $_size__tile_overlayer_lowered;
	s5 =	simm.s32 $_tile_overlayer_lowered  }
0x9b: {  	s22 =	simm.s32 $0x1BFF;
	s21 =	sshll.u32 s5, $0x1;
	s2 =	sadd.s32 s19, s18  }
0x9c: {  	s6 =	simm.s32 $0x0;
	s20 =	sshll.u32 s4, $0x1;
	s4 =	sadd.s32 s21, s2  }
0x9d: {  	[timem:s6], [sflag:s22] =	dma.local [hbm:s4], s20  }
0x9e: {  	_ =	swait.ge [sflag:s22], s20  }
0x9f: {  	s3 =	ssub.s32 $0x0, s20;
	[sflag:s22] =	ssyncset.done $0x0  }
0xa0: {  	[sflag:s22] =	ssyncadd.s32 s3;
	_ =	sdelay $0x1  }
0xa1: {  	s23 =	simm.s32 $0x1B8B  }
0xa2: {  	_ =	swait.ge [sflag:s23], $0x1  }
0xa3: {  	[sflag:s23] =	ssyncset.done $0x0  }
0xa4: {  	s25 =	simm.s32 $0x1B8E;
	s24 =	sld [smem:$0x3FFE];
	[sflag:s23] =	ssyncadd.s32 $0xFFFFFFFF  }
0xa5: {  	s26 =	simm.s32 $execute0_lowered;
	[smem:$0x3FD2] =	sst s25  }
0xa6: {  	s4 =	sshll.u32 s26, $0x1;
	_ =	strace $0x8000004C;
	[dreg:$0x1] =	wrdreg $0xFFFFFFFF  }
0xa7: {  	s28 =	simm.s32 $_size_execute0_lowered;
	s2 =	sadd.s32 s2, s4;
	[dreg:$0x0] =	wrdreg $0x0  }
0xa8: {  	s4 =	sshll.u32 s28, $0x1;
	[dreg:$0x2] =	wrdreg s2  }
0xa9: {  	[dreg:$0x3] =	wrdreg s4  }
0xaa: {  	[dreg:$0x4] =	wrdreg $0xC0  }
0xab: {  	_ =	task [dreg:s6], $0x5FFFF  }
0xac: {  	[dreg:$0x1] =	wrdreg $0xFFFFFFFF  }
0xad: {  	[dreg:$0x0] =	wrdreg $0x60  }
0xae: {  	[dreg:$0x2] =	wrdreg s24  }
0xaf: {  	[dreg:$0x3] =	wrdreg $0xD0000  }
0xb0: {  	[dreg:$0x4] =	wrdreg $0x9  }
0xb1: {  	_ =	task.clear_ibuf [dreg:s6], $0x5FFFF;
	_ =	strace $0x9000004C  }
0xb2: {  	s29 =	simm.s32 $0x9;
	_ =	strace $0x8000004E  }
0xb3: {  	_ =	swait.ge [sflag:s29], $0x1  }
0xb4: {  	[sflag:s29] =	ssyncadd.s32 $0xFFFFFFFF  }
0xb5: {  	_ =	strace $0x9000004E  }
0xb6: {  	_ =	sfence  }
0xb7: {  	s30 =	sld [smem:$0x0];
	_ =	sdelay $0x2  }
0xb8: {  	s31 =	sshll.u32 s1, $0xD;
	s1 =	sshrl.u32 s1, $0x2  }
0xb9: {  	s3 =	sand.u32 $0x4000, s31;
	s1 =	sadd.s32 s1, s30  }
0xba: {  	s0 =	sor.u32 s3, s0;
	s1 =	sshll.u32 s1, $0x11  }
0xbb: {  	s0 =	sor.u32 s1, s0  }
0xbc: {  	s0 =	sadd.s32 $0x8F2B, s0  }
0xbd: {  	[sflag:s0] =	ssyncadd.remote.s32 $0x1  }
0xbe: {  	_ =	sfence.sel $0xFFFF  }
0xbf: {  	[dreg:$0x0] =	wrdreg $0xFFFFFFFF;
	(pc) =	sbr.abs _section_cstart, $3  }
0xc0: {  	[dreg:$0x1] =	wrdreg $0xFFFFFFFF  }
0xc1: {  	_ =	task.clear_ibuf [dreg:s6], $0x2FFFF;
	_ =	strace $0x9FFFFFFF  }
0xc2: {  	(tm) =	ssettm $0x7FFFFFFF  }
0xc3: {  	_ =	shalt  }
tec
execute0_lowered:
.L_overlay_start_1:
0x0: {  	(tag) =	ssettag $0x1  }
0x1: {  	s0 =	srdreg.scid;
	s5 =	rddreg [dreg:$0x0]  }
0x2: {  	s11 =	stileid.u32;
	s2 =	rddreg [dreg:$0x1];
	s3 =	simm.s32 $0x0  }
0x3: {  	s12 =	simm.s32 $0x9;
	s14 =	simm.s32 $0x80;
	s15 =	simm.s32 $0x5000  }
0x4: {  	s16 =	simm.s32 $0x7000;
	s18 =	simm.s32 $0x9000;
	s20 =	simm.s32 $0xB000  }
0x5: {  	s21 =	simm.s32 $0x1;
	s22 =	simm.s32 $0x5;
	s23 =	simm.s32 $0x2  }
0x6: {  	s24 =	simm.s32 $0x6;
	s25 =	simm.s32 $0x3;
	s28 =	simm.s32 $0x4  }
0x7: {  	s29 =	simm.s32 $0x8;
	s31 =	simm.s32 $0x4E80;
	s13 =	simm.s32 $0x0  }
0x8: {  	s0 =	sand.u32 $0x1, s0;
	s1 =	sshll.u32 s11, $0x1;
	s6 =	smul.u32 $0x9E00, s11  }
0x9: {  	[smem:$0x7FF] =	sst s3;
	s4 =	sadd.s32 $0x25A00, s5;
	s26 =	sshll.u32 s11, $0x6  }
0xa: {  	s1 =	sor.u32 s0, s1;
	s7 =	smul.u32 $0x9E000, s0;
	_ =	strace $0x8000004D  }
0xb: {  	s0 =	ssub.s32 $0x2, s0;
	s1 =	smul.u32 $0x500, s1;
	s8 =	sshrl.u32 s6, $0x3  }
0xc: {  	s9 =	sshrl.u32 s0, $0x1;
	s30 =	sadd.s32 s6, s2;
	s7 =	sadd.s32 s6, s7  }
0xd: {  	s8 =	sadd.s32 s8, s5;
	s0 =	ssub.s32 s0, s9;
	s6 =	sor.u32 $0x1C09, s26  }
0xe: {  	s11 =	sshrl.u32 s30, $0x3;
	s26 =	simm.s32 $0x7;
	s7 =	sshrl.u32 s7, $0x3  }
0xf: {  	s1 =	sadd.s32 s1, s5;
	s10 =	sadd.s32 s7, s5;
	s5 =	sadd.s32 $0x4CC00, s8  }
0x10: {  	s7 =	sadd.s32 $0x1BA00, s1;
	s8 =	sadd.s32 $0x2C00, s1;
	s1 =	simm.s32 $0x4F00  }
0x11: {  	s9 =	sadd.s32 $0x60800, s10;
	s10 =	smax.u32 s0, $0x1;
	s0 =	simm.s32 $0x4F80  }
.LBB2_1:
0x12: {  	[spmem:s11], [sflag:s6] =	dma.local [hbm:s5], $0x13C0  }
0x13: {  	_ =	swait.ge [sflag:s12], $0x13C0  }
0x14: {  	[sflag:s12] =	ssyncset.done $0x0  }
0x15: {  	[sflag:s12] =	ssyncadd.s32 $0xFFFFEC40  }
0x16: {  	[tilespmem:s3], [sflag:$0x9] =	stream.linear.gather [hbm4b:s7+s3], $0x2800, $0x38;
	[tilespmem:$0x16E00] =	vst v63  }
0x17: {  	_ =	swait.ge [sflag:s12], $0x2800  }
0x18: {  	[sflag:s12] =	ssyncset.done $0x0  }
0x19: {  	s17 =	simm.s32 $0x2800;
	[sflag:s12] =	ssyncadd.s32 $0xFFFFD800  }
0x1a: {  	[tilespmem:s17], [sflag:$0x9] =	stream.linear.gather [hbm4b:s8+s3], $0x2800, $0x38;
	[tilespmem:$0x16E00] =	vst v63  }
0x1b: {  	_ =	swait.ge [sflag:s12], $0x2800  }
0x1c: {  	[sflag:s12] =	ssyncset.done $0x0  }
0x1d: {  	[sflag:s12] =	ssyncadd.s32 $0xFFFFD800  }
0x1e: {  	[bflag:$0x0] =	sbarrier.arrive $0xFFFF  }
0x1f: {  	[tilespmem:s15], [sflag:$0x1] =	stream.indirect.gather [hbm4b:s4+s14], $0x40, s3, s14, $0xb8;
	[tilespmem:$0x16E00] =	vst v63  }
0x20: {  	_ = 	snop  }
0x21: {  	[tilespmem:s16], [sflag:$0x2] =	stream.indirect.gather [hbm4b:s4+s14], $0x40, s14, s14, $0xb8;
	[tilespmem:$0x16E00] =	vst v63  }
0x22: {  	s30 =	simm.s32 $0x100  }
0x23: {  	[tilespmem:s18], [sflag:$0x3] =	stream.indirect.gather [hbm4b:s4+s14], $0x40, s30, s14, $0xb8;
	[tilespmem:$0x16E00] =	vst v63  }
0x24: {  	s19 =	simm.s32 $0x180  }
0x25: {  	[tilespmem:s20], [sflag:$0x4] =	stream.indirect.gather [hbm4b:s4+s14], $0x40, s19, s14, $0xb8;
	[tilespmem:$0x16E00] =	vst v63  }
0x26: {  	_ =	swait.ge [sflag:s21], $0x2000  }
0x27: {  	[sflag:s21] =	ssyncset.done $0x0  }
0x28: {  	s30 =	simm.s32 $0x2800;
	[sflag:s21] =	ssyncadd.s32 $0xFFFFE000  }
0x29: {  	[spmem:s2] =	stream.indirect.scatter.add.f32 [tilespmem:s15], [sflag:$0x5], $0x40, s30, s14, $0xb8;
	[tilespmem:$0x16E00] =	vst v63  }
0x2a: {  	_ =	swait.ge [sflag:s22], $0x2000  }
0x2b: {  	[sflag:s22] =	ssyncset.done $0x0  }
0x2c: {  	s19 =	simm.s32 $0x200;
	[sflag:s22] =	ssyncadd.s32 $0xFFFFE000  }
0x2d: {  	[tilespmem:s15], [sflag:$0x1] =	stream.indirect.gather [hbm4b:s4+s14], $0x40, s19, s14, $0xb8;
	[tilespmem:$0x16E00] =	vst v63  }
0x2e: {  	_ =	swait.ge [sflag:s23], $0x2000  }
0x2f: {  	[sflag:s23] =	ssyncset.done $0x0  }
0x30: {  	s30 =	simm.s32 $0x2880;
	[sflag:s23] =	ssyncadd.s32 $0xFFFFE000  }
0x31: {  	[spmem:s2] =	stream.indirect.scatter.add.f32 [tilespmem:s16], [sflag:$0x6], $0x40, s30, s14, $0xb8;
	[tilespmem:$0x16E00] =	vst v63  }
0x32: {  	_ =	swait.ge [sflag:s24], $0x2000  }
0x33: {  	[sflag:s24] =	ssyncset.done $0x0  }
0x34: {  	s19 =	simm.s32 $0x280;
	[sflag:s24] =	ssyncadd.s32 $0xFFFFE000  }
0x35: {  	[tilespmem:s16], [sflag:$0x2] =	stream.indirect.gather [hbm4b:s4+s14], $0x40, s19, s14, $0xb8;
	[tilespmem:$0x16E00] =	vst v63  }
0x36: {  	_ =	swait.ge [sflag:s25], $0x2000  }
0x37: {  	[sflag:s25] =	ssyncset.done $0x0  }
0x38: {  	s30 =	simm.s32 $0x2900;
	[sflag:s25] =	ssyncadd.s32 $0xFFFFE000  }
0x39: {  	[spmem:s2] =	stream.indirect.scatter.add.f32 [tilespmem:s18], [sflag:$0x7], $0x40, s30, s14, $0xb8;
	[tilespmem:$0x16E00] =	vst v63  }
0x3a: {  	_ =	swait.ge [sflag:s26], $0x2000  }
0x3b: {  	[sflag:s26] =	ssyncset.done $0x0  }
0x3c: {  	s19 =	simm.s32 $0x300;
	[sflag:s26] =	ssyncadd.s32 $0xFFFFE000  }
0x3d: {  	[tilespmem:s18], [sflag:$0x3] =	stream.indirect.gather [hbm4b:s4+s14], $0x40, s19, s14, $0xb8;
	[tilespmem:$0x16E00] =	vst v63  }
0x3e: {  	_ =	swait.ge [sflag:s28], $0x2000  }
0x3f: {  	[sflag:s28] =	ssyncset.done $0x0  }
0x40: {  	s30 =	simm.s32 $0x2980;
	[sflag:s28] =	ssyncadd.s32 $0xFFFFE000  }
0x41: {  	[spmem:s2] =	stream.indirect.scatter.add.f32 [tilespmem:s20], [sflag:$0x8], $0x40, s30, s14, $0xb8;
	[tilespmem:$0x16E00] =	vst v63  }
0x42: {  	_ =	swait.ge [sflag:s29], $0x2000  }
0x43: {  	[sflag:s29] =	ssyncset.done $0x0  }
0x44: {  	s17 =	simm.s32 $0x800;
	s19 =	simm.s32 $0x380;
	[sflag:s29] =	ssyncadd.s32 $0xFFFFE000  }
.LBB2_2:
0x45: {  	[tilespmem:s20], [sflag:$0x4] =	stream.indirect.gather [hbm4b:s4+s14], $0x40, s19, s14, $0xb8;
	[tilespmem:$0x16E00] =	vst v63  }
0x46: {  	s19 =	smov.u32 s17  }
0x47: {  	p0 =	sne.s32 s17, $0x9000;
	s17 =	sadd.s32 $0x800, s17;
	_ =	swait.ge [sflag:s21], $0x2000  }
0x48: {  	s19 =	sshra.s32 s19, $0x2;
	[sflag:s21] =	ssyncset.done $0x0  }
0x49: {  	s30 =	sadd.s32 $0x2800, s19;
	[sflag:s21] =	ssyncadd.s32 $0xFFFFE000  }
0x4a: {  	[spmem:s2] =	stream.indirect.scatter.add.f32 [tilespmem:s15], [sflag:$0x5], $0x40, s30, s14, $0xb8;
	[tilespmem:$0x16E00] =	vst v63  }
0x4b: {  	_ =	swait.ge [sflag:s22], $0x2000  }
0x4c: {  	[sflag:s22] =	ssyncset.done $0x0  }
0x4d: {  	s30 =	sadd.s32 $0x200, s19;
	[sflag:s22] =	ssyncadd.s32 $0xFFFFE000  }
0x4e: {  	[tilespmem:s15], [sflag:$0x1] =	stream.indirect.gather [hbm4b:s4+s14], $0x40, s30, s14, $0xb8;
	[tilespmem:$0x16E00] =	vst v63  }
0x4f: {  	_ =	swait.ge [sflag:s23], $0x2000  }
0x50: {  	[sflag:s23] =	ssyncset.done $0x0  }
0x51: {  	s30 =	sadd.s32 $0x2880, s19;
	[sflag:s23] =	ssyncadd.s32 $0xFFFFE000  }
0x52: {  	[spmem:s2] =	stream.indirect.scatter.add.f32 [tilespmem:s16], [sflag:$0x6], $0x40, s30, s14, $0xb8;
	[tilespmem:$0x16E00] =	vst v63  }
0x53: {  	_ =	swait.ge [sflag:s24], $0x2000  }
0x54: {  	[sflag:s24] =	ssyncset.done $0x0  }
0x55: {  	s30 =	sadd.s32 $0x280, s19;
	[sflag:s24] =	ssyncadd.s32 $0xFFFFE000  }
0x56: {  	[tilespmem:s16], [sflag:$0x2] =	stream.indirect.gather [hbm4b:s4+s14], $0x40, s30, s14, $0xb8;
	[tilespmem:$0x16E00] =	vst v63  }
0x57: {  	_ =	swait.ge [sflag:s25], $0x2000  }
0x58: {  	[sflag:s25] =	ssyncset.done $0x0  }
0x59: {  	s30 =	sadd.s32 $0x2900, s19;
	[sflag:s25] =	ssyncadd.s32 $0xFFFFE000  }
0x5a: {  	[spmem:s2] =	stream.indirect.scatter.add.f32 [tilespmem:s18], [sflag:$0x7], $0x40, s30, s14, $0xb8;
	[tilespmem:$0x16E00] =	vst v63  }
0x5b: {  	_ =	swait.ge [sflag:s26], $0x2000  }
0x5c: {  	[sflag:s26] =	ssyncset.done $0x0  }
0x5d: {  	s30 =	sadd.s32 $0x300, s19;
	[sflag:s26] =	ssyncadd.s32 $0xFFFFE000  }
0x5e: {  	[tilespmem:s18], [sflag:$0x3] =	stream.indirect.gather [hbm4b:s4+s14], $0x40, s30, s14, $0xb8;
	[tilespmem:$0x16E00] =	vst v63  }
0x5f: {  	_ =	swait.ge [sflag:s28], $0x2000  }
0x60: {  	[sflag:s28] =	ssyncset.done $0x0  }
.Ltmp0:
0x61: {  	s30 =	sadd.s32 $0x2980, s19;
	[sflag:s28] =	ssyncadd.s32 $0xFFFFE000;
	(pc) =	sbr.rel @p0 .LBB2_2-.Ltmp0, $4  }
0x62: {  	[spmem:s2] =	stream.indirect.scatter.add.f32 [tilespmem:s20], [sflag:$0x8], $0x40, s30, s14, $0xb8;
	[tilespmem:$0x16E00] =	vst v63  }
0x63: {  	_ =	swait.ge [sflag:s29], $0x2000  }
0x64: {  	[sflag:s29] =	ssyncset.done $0x0  }
0x65: {  	s19 =	sadd.s32 $0x380, s19;
	[sflag:s29] =	ssyncadd.s32 $0xFFFFE000  }
0x66: {  	[tilespmem:s20], [sflag:$0x4] =	stream.indirect.gather [hbm4b:s4+s14], $0x40, s19, s14, $0xb8;
	[tilespmem:$0x16E00] =	vst v63  }
0x67: {  	_ =	swait.ge [sflag:s21], $0x2000  }
0x68: {  	[sflag:s21] =	ssyncset.done $0x0  }
0x69: {  	s17 =	simm.s32 $0x4E00;
	[sflag:s21] =	ssyncadd.s32 $0xFFFFE000  }
0x6a: {  	[spmem:s2] =	stream.indirect.scatter.add.f32 [tilespmem:s15], [sflag:$0x5], $0x40, s17, s14, $0xb8;
	[tilespmem:$0x16E00] =	vst v63  }
0x6b: {  	_ =	swait.ge [sflag:s23], $0x2000  }
0x6c: {  	[sflag:s23] =	ssyncset.done $0x0  }
0x6d: {  	[sflag:s23] =	ssyncadd.s32 $0xFFFFE000  }
0x6e: {  	[spmem:s2] =	stream.indirect.scatter.add.f32 [tilespmem:s16], [sflag:$0x6], $0x40, s31, s14, $0xb8;
	[tilespmem:$0x16E00] =	vst v63  }
0x6f: {  	_ =	swait.ge [sflag:s25], $0x2000  }
0x70: {  	[sflag:s25] =	ssyncset.done $0x0  }
0x71: {  	[sflag:s25] =	ssyncadd.s32 $0xFFFFE000  }
0x72: {  	[spmem:s2] =	stream.indirect.scatter.add.f32 [tilespmem:s18], [sflag:$0x7], $0x40, s1, s14, $0xb8;
	[tilespmem:$0x16E00] =	vst v63  }
0x73: {  	_ =	swait.ge [sflag:s28], $0x2000  }
0x74: {  	[sflag:s28] =	ssyncset.done $0x0  }
0x75: {  	[sflag:s28] =	ssyncadd.s32 $0xFFFFE000  }
0x76: {  	[spmem:s2] =	stream.indirect.scatter.add.f32 [tilespmem:s20], [sflag:$0x8], $0x40, s0, s14, $0xb8;
	[tilespmem:$0x16E00] =	vst v63  }
0x77: {  	_ =	swait.ge [sflag:s22], $0x2000  }
0x78: {  	[sflag:s22] =	ssyncset.done $0x0  }
0x79: {  	[sflag:s22] =	ssyncadd.s32 $0xFFFFE000  }
0x7a: {  	_ =	swait.ge [sflag:s24], $0x2000  }
0x7b: {  	[sflag:s24] =	ssyncset.done $0x0  }
0x7c: {  	[sflag:s24] =	ssyncadd.s32 $0xFFFFE000  }
0x7d: {  	_ =	swait.ge [sflag:s26], $0x2000  }
0x7e: {  	[sflag:s26] =	ssyncset.done $0x0  }
0x7f: {  	[sflag:s26] =	ssyncadd.s32 $0xFFFFE000  }
0x80: {  	_ =	swait.ge [sflag:s29], $0x2000  }
0x81: {  	s13 =	sadd.s32 $0x1, s13;
	[sflag:s29] =	ssyncset.done $0x0  }
0x82: {  	p0 =	sne.s32 s13, s10;
	[sflag:s29] =	ssyncadd.s32 $0xFFFFE000  }
.Ltmp1:
0x83: {  	[bflag:$0x0] =	sbarrier.arrive $0xFFFF;
	(pc) =	sbr.rel @p0 .LBB2_1-.Ltmp1, $4  }
0x84: {  	[hbm:s9], [sflag:s6] =	dma.local [spmem:s11], $0x13C0  }
0x85: {  	_ =	swait.ge [sflag:s12], $0x13C0  }
0x86: {  	[sflag:s12] =	ssyncset.done $0x0  }
0x87: {  	[sflag:s12] =	ssyncadd.s32 $0xFFFFEC40  }
0x88: {  	_ =	sfence.sel $0x180000  }
0x89: {  	[bflag:$0x0] =	sbarrier.arrive $0xFFFF  }
0x8a: {  	_ =	strace $0x9000004D  }
0x8b: {  	s0 =	stileid.u32;
	[bflag:$0x2] =	sbarrier.arrive $0xFFFF  }
0x8c: {  	p0 =	sne.s32 s0, $0x0;
	s0 =	rddreg [dreg:$0x2]  }
0x8d: {  	s0 =	sadd.s32 @!p0 $0x100000, s0  }
0x8e: {  	[sflag:s0] =	ssyncadd.tile.s32 @!p0 $0x1;
	_ =	shalt  }
.Lfunc_end2:
_tile_overlayer_lowered:
.L_overlay_start_2:
0x8f: {  	(tag) =	ssettag $0x2  }
0x90: {  	s0 =	rddreg [dreg:$0x0];
	s2 =	stileid.u32  }
0x91: {  	s1 =	rddreg [dreg:$0x1];
	p0 =	sne.s32 s2, $0x0  }
0x92: {  	s3 =	rddreg [dreg:$0x2];
	[bflag:$0x3] =	sbarrier.arrive $0xFFFF;
	s2 =	simm.s32 @!p0 $0x1C09  }
0x93: {  	[timem:s3], [sflag:s2] =	dma.local @!p0 [hbm:s0], s1  }
0x94: {  	s0 =	simm.s32 @!p0 $0x9  }
0x95: {  	_ =	swait.ge @!p0 [sflag:s0], s1  }
0x96: {  	s1 =	ssub.s32 @!p0 $0x0, s1;
	[sflag:s0] =	ssyncset.done @!p0 $0x0  }
0x97: {  	[sflag:s0] =	ssyncadd.s32 @!p0 s1  }
0x98: {  	[bflag:$0x3] =	sbarrier.arrive $0xFFFF  }
0x99: {  	_ =	shalt  }

// kernel: kernel.18.cloned.1.call-start
scs
__scs_entry_jumppad:
0x0: {  	(pc) =	sbr.rel $0x88, $3  }
0x1: {  	(tag) =	ssettag $0x0;
	lr =	simm.s32 $0x1  }
0x2: {  	[smem:$0x3F95] =	sst lr;
	_ =	strace $0xD0000000  }
0x3: {  	_ = 	snop  }
0x4: {  	_ = 	snop  }
0x5: {  	_ = 	snop  }
0x6: {  	_ = 	snop  }
0x7: {  	_ = 	snop  }
__scs_overlays_trampoline_lowered:
0x8: {  	[smem:$0x3FA4] =	sst s0  }
0x9: {  	[smem:$0x3FA5] =	sst s1  }
0xa: {  	[smem:$0x3FA6] =	sst s2  }
0xb: {  	[smem:$0x3FA7] =	sst s3  }
0xc: {  	[smem:$0x3FA8] =	sst s4  }
0xd: {  	[smem:$0x3FA9] =	sst s5  }
0xe: {  	[smem:$0x3FAA] =	sst s6  }
0xf: {  	[smem:$0x3FAB] =	sst s7  }
0x10: {  	[smem:$0x3FAC] =	sst s8  }
0x11: {  	[smem:$0x3FAD] =	sst s9;
	s0 =	simm.s32 @!p0 $0x0  }
0x12: {  	s1 =	sld [smem:$0x3F93];
	s0 =	simm.s32 @p0 $0x1  }
0x13: {  	[smem:$0x3FAE] =	sst s0;
	s0 =	simm.s32 @!p1 $0x0  }
0x14: {  	s2 =	sld [smem:$0x3F92];
	s0 =	simm.s32 @p1 $0x1  }
0x15: {  	[smem:$0x3FAF] =	sst s0;
	s0 =	simm.s32 @!p2 $0x0  }
0x16: {  	s3 =	sld [smem:$0x3FDB];
	s0 =	simm.s32 @p2 $0x1  }
0x17: {  	s4 =	simm.s32 $0x1BF5;
	[smem:$0x3FB1] =	sst s0  }
0x18: {  	s0 =	sld [smem:$0x3F94];
	_ =	swait.ge [sflag:s4], $0x0  }
0x19: {  	s7 =	sld [smem:$0x3F95]  }
0x1a: {  	s8 =	sadd.s32 $0xFFFFE003, lr  }
0x1b: {  	s9 =	sadd.s32 $0xFFFFFEF7, lr;
	s5 =	simm.s32 $0xFFFFFFFF;
	p2 =	slt.u32 s8, $0xFFFFF086  }
0x1c: {  	p1 =	slt.u32 s9, $0xF7A;
	s5 =	simm.s32 @!p2 $0x0  }
0x1d: {  	s5 =	simm.s32 @p1 $0x1;
	p0 =	seq.s32 s7, s2  }
0x1e: {  	s7 =	smul.u32 @!p0 $0xF7A, s2;
	p2 =	seq.s32 @!p0 s5, $0x0  }
0x1f: {  	s9 =	smul.u32 $0xF7A, s1;
	s8 =	simm.s32 @!p0 $0x1BF5;
	p2 =	por !p2, p0  }
0x20: {  	[sflag:s8] =	ssyncset.s32 @!p0 $0xFFFFF086;
	s6 =	sadd.s32 @!p0 s3, s7;
	s7 =	simm.s32 @!p0 $0x108  }
0x21: {  	s3 =	sadd.s32 s3, s9;
	s6 =	sadd.s32 @!p0 $0x88, s6;
	s7 =	simm.s32 @p2 $0x1082  }
0x22: {  	[simem:s7], [sflag:s8] =	dma.local @!p0 [hbm:s6], $0xF7A  }
0x23: {  	s9 =	sor.u32 $0xD0000000, s2;
	s6 =	simm.s32 $0x108;
	_ =	swait.ge @!p0 [sflag:s8], $0x0  }
0x24: {  	s3 =	sadd.s32 $0x88, s3;
	s6 =	simm.s32 @!p1 $0x1082;
	[sflag:s4] =	ssyncset.s32 $0xFFFFF086  }
0x25: {  	[simem:s6], [sflag:s4] =	dma.local [hbm:s3], $0xF7A  }
0x26: {  	[smem:$0x3F95] =	sst s1;
	(tag) =	ssettag s2;
	_ =	strace s9  }
0x27: {  	s1 =	sld [smem:$0x3FA5]  }
0x28: {  	s2 =	sld [smem:$0x3FA6]  }
0x29: {  	s4 =	sld [smem:$0x3FA8]  }
0x2a: {  	p0 =	seq.s32 s5, $0x0;
	s5 =	sld [smem:$0x3FA9]  }
0x2b: {  	s6 =	sld [smem:$0x3FAA]  }
0x2c: {  	s7 =	sld [smem:$0x3FAB]  }
0x2d: {  	s3 =	simm.s32 $0x108;
	s8 =	sld [smem:$0x3FAC]  }
0x2e: {  	s3 =	simm.s32 @!p0 $0x1082;
	s9 =	sld [smem:$0x3FAD]  }
0x2f: {  	lr =	sadd.s32 s0, s3;
	s0 =	sld [smem:$0x3FA4]  }
0x30: {  	s3 =	sld [smem:$0x3FA7]  }
0x31: {  	[smem:$0x3FB0] =	sst s10  }
0x32: {  	s10 =	sld [smem:$0x3FAE];
	_ =	sdelay $0x3  }
0x33: {  	p0 =	seq.s32 s10, $0x1;
	s10 =	sld [smem:$0x3FB0];
	_ =	sdelay $0x3  }
0x34: {  	[smem:$0x3FB0] =	sst s10  }
0x35: {  	s10 =	sld [smem:$0x3FAF];
	_ =	sdelay $0x3  }
0x36: {  	p1 =	seq.s32 s10, $0x1;
	s10 =	sld [smem:$0x3FB0];
	_ =	sdelay $0x3  }
0x37: {  	[smem:$0x3FB0] =	sst s10  }
0x38: {  	s10 =	sld [smem:$0x3FB1]  }
0x39: {  	_ = 	snop;
	(pc) =	sbr.ind lr, $3  }
0x3a: {  	_ = 	snop  }
0x3b: {  	_ = 	snop  }
0x3c: {  	p2 =	seq.s32 s10, $0x1;
	s10 =	sld [smem:$0x3FB0]  }
0x3d: {  	_ =	shalt  }
0x3e: {  	_ =	shalt  }
0x3f: {  	_ =	shalt  }
0x40: {  	_ =	shalt  }
0x41: {  	_ =	shalt  }
0x42: {  	_ =	shalt  }
0x43: {  	_ =	shalt  }
0x44: {  	_ =	shalt  }
0x45: {  	_ =	shalt  }
0x46: {  	_ =	shalt  }
0x47: {  	_ =	shalt  }
0x48: {  	_ =	shalt  }
0x49: {  	_ =	shalt  }
0x4a: {  	_ =	shalt  }
0x4b: {  	_ =	shalt  }
0x4c: {  	_ =	shalt  }
0x4d: {  	_ =	shalt  }
0x4e: {  	_ =	shalt  }
0x4f: {  	_ =	shalt  }
0x50: {  	_ =	shalt  }
0x51: {  	_ =	shalt  }
0x52: {  	_ =	shalt  }
0x53: {  	_ =	shalt  }
0x54: {  	_ =	shalt  }
0x55: {  	_ =	shalt  }
0x56: {  	_ =	shalt  }
0x57: {  	_ =	shalt  }
0x58: {  	_ =	shalt  }
0x59: {  	_ =	shalt  }
0x5a: {  	_ =	shalt  }
0x5b: {  	_ =	shalt  }
0x5c: {  	_ =	shalt  }
0x5d: {  	_ =	shalt  }
0x5e: {  	_ =	shalt  }
0x5f: {  	_ =	shalt  }
0x60: {  	_ =	shalt  }
0x61: {  	_ =	shalt  }
0x62: {  	_ =	shalt  }
0x63: {  	_ =	shalt  }
0x64: {  	_ =	shalt  }
0x65: {  	_ =	shalt  }
0x66: {  	_ =	shalt  }
0x67: {  	_ =	shalt  }
0x68: {  	_ =	shalt  }
0x69: {  	_ =	shalt  }
0x6a: {  	_ =	shalt  }
0x6b: {  	_ =	shalt  }
0x6c: {  	_ =	shalt  }
0x6d: {  	_ =	shalt  }
0x6e: {  	_ =	shalt  }
0x6f: {  	_ =	shalt  }
0x70: {  	_ =	shalt  }
0x71: {  	_ =	shalt  }
0x72: {  	_ =	shalt  }
0x73: {  	_ =	shalt  }
0x74: {  	_ =	shalt  }
0x75: {  	_ =	shalt  }
0x76: {  	_ =	shalt  }
0x77: {  	_ =	shalt  }
0x78: {  	_ =	shalt  }
0x79: {  	_ =	shalt  }
0x7a: {  	_ =	shalt  }
0x7b: {  	_ =	shalt  }
0x7c: {  	_ =	shalt  }
0x7d: {  	_ =	shalt  }
0x7e: {  	_ =	shalt  }
0x7f: {  	_ =	shalt  }
0x80: {  	_ =	shalt  }
0x81: {  	_ =	shalt  }
0x82: {  	_ =	shalt  }
0x83: {  	_ =	shalt  }
0x84: {  	_ =	shalt  }
0x85: {  	_ =	shalt  }
0x86: {  	_ =	shalt  }
0x87: {  	_ =	shalt  }
.Lfunc_end0:
.L_simem_size_0:
called_computation.3_lowered:
.L_overlay_start_0:
0x88: {  	s2 =	sld [smem:$0x3FD9]  }
0x89: {  	s3 =	sld [smem:$0x3FFE];
	_ =	sdelay $0x1  }
0x8a: {  	s1 =	srdreg.scid  }
0x8b: {  	s0 =	sand.u32 $0x1, s1  }
0x8c: {  	s14 =	sshll.u32 s0, $0xA;
	s2 =	sadd.s32 s3, s2  }
0x8d: {  	s2 =	sadd.s32 s2, s14  }
0x8e: {  	[smem:$0x3FBC] =	sst s2  }
0x8f: {  	_ = 	snop  }
0x90: {  	s2 =	sld [smem:$0x3FD0];
	_ =	sdelay $0x2  }
0x91: {  	s15 =	simm.s32 $0xA;
	s4 =	simm.s32 $0x10  }
0x92: {  	[smem:s4], [sflag:s15] =	dma.local [hbm:s2], $0x1  }
0x93: {  	_ =	swait.eq [sflag:s15], $0x1  }
0x94: {  	[sflag:s15] =	ssyncset.done $0x0  }
0x95: {  	s16 =	sld [smem:$0x10];
	[sflag:s15] =	ssyncadd.s32 $0xFFFFFFFF  }
0x96: {  	s17 =	sld [smem:$0x11];
	(tm) =	ssettm $0x1  }
0x97: {  	s18 =	sld [smem:$0x3FFB];
	_ =	sdelay $0x3  }
0x98: {  	_ =	strace s18  }
0x99: {  	s4 =	sld [smem:$0x3FFC];
	_ =	sdelay $0x3  }
0x9a: {  	_ =	strace s4  }
0x9b: {  	s4 =	sld [smem:$0x3FFD];
	_ =	sdelay $0x3  }
0x9c: {  	_ =	strace s4  }
0x9d: {  	_ =	strace $0x8FFFFFFF  }
0x9e: {  	s19 =	sld [smem:$0x3FDB];
	_ =	sdelay $0x1  }
0x9f: {  	s5 =	simm.s32 $_scs_section_size  }
0xa0: {  	s6 =	simm.s32 $_size__tile_overlayer_lowered;
	s7 =	simm.s32 $_tile_overlayer_lowered  }
0xa1: {  	s22 =	simm.s32 $0x1BFF;
	s21 =	sshll.u32 s7, $0x1;
	s4 =	sadd.s32 s5, s19  }
0xa2: {  	s8 =	simm.s32 $0x0;
	s20 =	sshll.u32 s6, $0x1;
	s6 =	sadd.s32 s21, s4  }
0xa3: {  	[timem:s8], [sflag:s22] =	dma.local [hbm:s6], s20  }
0xa4: {  	_ =	swait.ge [sflag:s22], s20  }
0xa5: {  	s5 =	ssub.s32 $0x0, s20;
	[sflag:s22] =	ssyncset.done $0x0  }
0xa6: {  	[sflag:s22] =	ssyncadd.s32 s5;
	_ =	sdelay $0x1  }
0xa7: {  	s23 =	simm.s32 $0x1B8B  }
0xa8: {  	_ =	swait.ge [sflag:s23], $0x1  }
0xa9: {  	[sflag:s23] =	ssyncset.done $0x0  }
0xaa: {  	s25 =	simm.s32 $0x1B8E;
	s24 =	sld [smem:$0x3FFE];
	[sflag:s23] =	ssyncadd.s32 $0xFFFFFFFF  }
0xab: {  	s26 =	simm.s32 $execute0_lowered;
	[smem:$0x3FD2] =	sst s25  }
0xac: {  	s6 =	sshll.u32 s26, $0x1;
	_ =	strace $0x8000004F;
	[dreg:$0x1] =	wrdreg $0xFFFFFFFF  }
0xad: {  	s28 =	simm.s32 $_size_execute0_lowered;
	s4 =	sadd.s32 s4, s6;
	[dreg:$0x0] =	wrdreg $0x0  }
0xae: {  	s6 =	sshll.u32 s28, $0x1;
	[dreg:$0x2] =	wrdreg s4  }
0xaf: {  	[dreg:$0x3] =	wrdreg s6  }
0xb0: {  	[dreg:$0x4] =	wrdreg $0xC0  }
0xb1: {  	_ =	task [dreg:s8], $0x5FFFF  }
0xb2: {  	[dreg:$0x1] =	wrdreg $0xFFFFFFFF  }
0xb3: {  	[dreg:$0x0] =	wrdreg $0x60  }
0xb4: {  	[dreg:$0x2] =	wrdreg s24  }
0xb5: {  	[dreg:$0x3] =	wrdreg s16  }
0xb6: {  	[dreg:$0x4] =	wrdreg s17  }
0xb7: {  	[dreg:$0x5] =	wrdreg $0x9  }
0xb8: {  	_ =	task.clear_ibuf [dreg:s8], $0x6FFFF;
	_ =	strace $0x9000004F  }
0xb9: {  	s29 =	simm.s32 $0x9;
	_ =	strace $0x80000051  }
0xba: {  	_ =	swait.ge [sflag:s29], $0x1  }
0xbb: {  	[sflag:s29] =	ssyncadd.s32 $0xFFFFFFFF  }
0xbc: {  	_ =	strace $0x90000051  }
0xbd: {  	_ =	sfence  }
0xbe: {  	s30 =	sld [smem:$0x0];
	_ =	sdelay $0x2  }
0xbf: {  	s31 =	sshll.u32 s1, $0xD;
	s1 =	sshrl.u32 s1, $0x2  }
0xc0: {  	s3 =	sand.u32 $0x4000, s31;
	s1 =	sadd.s32 s1, s30  }
0xc1: {  	s0 =	sor.u32 s3, s0;
	s1 =	sshll.u32 s1, $0x11  }
0xc2: {  	s0 =	sor.u32 s1, s0  }
0xc3: {  	s0 =	sadd.s32 $0x8F2B, s0  }
0xc4: {  	[sflag:s0] =	ssyncadd.remote.s32 $0x1  }
0xc5: {  	_ =	sfence.sel $0xFFFF  }
0xc6: {  	[dreg:$0x0] =	wrdreg $0xFFFFFFFF;
	(pc) =	sbr.abs _section_cstart, $3  }
0xc7: {  	[dreg:$0x1] =	wrdreg $0xFFFFFFFF  }
0xc8: {  	_ =	task.clear_ibuf [dreg:s8], $0x2FFFF;
	_ =	strace $0x9FFFFFFF  }
0xc9: {  	(tm) =	ssettm $0x7FFFFFFF  }
tec
execute0_lowered:
.L_overlay_start_1:
0x0: {  	(tag) =	ssettag $0x1  }
0x1: {  	v0 =	vlaneseq.u32  }
0x2: {  	v2 =	vmul.u32 $0x40, v0;
	_ =	sdelay $0x1  }
0x3: {  	v1 =	vor.u32 $0x1, v2  }
0x4: {  	v7 =	vor.u32 $0x2, v2;
	[tilespmem:$0x1FC40] =	vst v1  }
0x5: {  	v8 =	vor.u32 $0x3, v2;
	[tilespmem:$0x1FC50] =	vst v7  }
0x6: {  	v9 =	vor.u32 $0x4, v2;
	[tilespmem:$0x1FC60] =	vst v8  }
0x7: {  	v10 =	vor.u32 $0x5, v2;
	[tilespmem:$0x1FC70] =	vst v9  }
0x8: {  	v11 =	vor.u32 $0x6, v2;
	[tilespmem:$0x1FC80] =	vst v10  }
0x9: {  	v12 =	vor.u32 $0x7, v2;
	[tilespmem:$0x1FC90] =	vst v11  }
0xa: {  	v13 =	vor.u32 $0x8, v2;
	[tilespmem:$0x1FCA0] =	vst v12  }
0xb: {  	v14 =	vor.u32 $0x9, v2;
	[tilespmem:$0x1FCB0] =	vst v13  }
0xc: {  	v15 =	vor.u32 $0xA, v2;
	[tilespmem:$0x1FCC0] =	vst v14  }
0xd: {  	v16 =	vor.u32 $0xB, v2;
	[tilespmem:$0x1FCD0] =	vst v15  }
0xe: {  	v17 =	vor.u32 $0xC, v2;
	[tilespmem:$0x1FCE0] =	vst v16  }
0xf: {  	v18 =	vor.u32 $0xD, v2;
	[tilespmem:$0x1FCF0] =	vst v17  }
0x10: {  	v19 =	vor.u32 $0xE, v2;
	[tilespmem:$0x1FD00] =	vst v18  }
0x11: {  	v20 =	vor.u32 $0xF, v2;
	[tilespmem:$0x1FD10] =	vst v19  }
0x12: {  	v21 =	vor.u32 $0x10, v2;
	[tilespmem:$0x1FD20] =	vst v20  }
0x13: {  	v22 =	vor.u32 $0x11, v2;
	[tilespmem:$0x1FD30] =	vst v21  }
0x14: {  	v23 =	vor.u32 $0x12, v2;
	[tilespmem:$0x1FD40] =	vst v22  }
0x15: {  	v24 =	vor.u32 $0x13, v2;
	[tilespmem:$0x1FD50] =	vst v23  }
0x16: {  	v25 =	vor.u32 $0x14, v2;
	[tilespmem:$0x1FD60] =	vst v24  }
0x17: {  	v26 =	vor.u32 $0x15, v2;
	[tilespmem:$0x1FD70] =	vst v25  }
0x18: {  	v27 =	vor.u32 $0x16, v2;
	[tilespmem:$0x1FD80] =	vst v26  }
0x19: {  	v28 =	vor.u32 $0x17, v2;
	[tilespmem:$0x1FD90] =	vst v27  }
0x1a: {  	v29 =	vor.u32 $0x18, v2;
	[tilespmem:$0x1FDA0] =	vst v28  }
0x1b: {  	v30 =	vor.u32 $0x19, v2;
	[tilespmem:$0x1FDB0] =	vst v29  }
0x1c: {  	v31 =	vor.u32 $0x1A, v2;
	[tilespmem:$0x1FDC0] =	vst v30  }
0x1d: {  	v32 =	vor.u32 $0x1B, v2;
	[tilespmem:$0x1FDD0] =	vst v31  }
0x1e: {  	v33 =	vor.u32 $0x1C, v2;
	[tilespmem:$0x1FDE0] =	vst v32  }
0x1f: {  	v34 =	vor.u32 $0x1D, v2;
	[tilespmem:$0x1FDF0] =	vst v33  }
0x20: {  	v35 =	vor.u32 $0x1E, v2;
	[tilespmem:$0x1FE00] =	vst v34  }
0x21: {  	s4 =	rddreg [dreg:$0x0];
	v36 =	vor.u32 $0x1F, v2;
	[tilespmem:$0x1FE10] =	vst v35  }
0x22: {  	s7 =	rddreg [dreg:$0x1];
	s2 =	simm.s32 $0x0;
	v37 =	vor.u32 $0x20, v2;
	[tilespmem:$0x1FE20] =	vst v36  }
0x23: {  	[smem:$0x7FF] =	sst s2;
	v38 =	vor.u32 $0x21, v2;
	[tilespmem:$0x1FE30] =	vst v37  }
0x24: {  	s8 =	rddreg [dreg:$0x2];
	v39 =	vor.u32 $0x22, v2;
	_ =	strace $0x80000050;
	[tilespmem:$0x1FE40] =	vst v38  }
0x25: {  	v40 =	vor.u32 $0x23, v2;
	[tilespmem:$0x1FE50] =	vst v39  }
0x26: {  	v41 =	vor.u32 $0x24, v2;
	[tilespmem:$0x1FE60] =	vst v40  }
0x27: {  	v42 =	vor.u32 $0x25, v2;
	[tilespmem:$0x1FE70] =	vst v41  }
0x28: {  	v43 =	vor.u32 $0x26, v2;
	[tilespmem:$0x1FE80] =	vst v42  }
0x29: {  	v44 =	vor.u32 $0x27, v2;
	[tilespmem:$0x1FE90] =	vst v43  }
0x2a: {  	v45 =	vor.u32 $0x28, v2;
	[tilespmem:$0x1FEA0] =	vst v44  }
0x2b: {  	v46 =	vor.u32 $0x29, v2;
	[tilespmem:$0x1FEB0] =	vst v45  }
0x2c: {  	v47 =	vor.u32 $0x2A, v2;
	[tilespmem:$0x1FEC0] =	vst v46  }
0x2d: {  	v48 =	vor.u32 $0x2B, v2;
	[tilespmem:$0x1FED0] =	vst v47  }
0x2e: {  	v49 =	vor.u32 $0x2C, v2;
	[tilespmem:$0x1FEE0] =	vst v48  }
0x2f: {  	v50 =	vor.u32 $0x2D, v2;
	[tilespmem:$0x1FEF0] =	vst v49  }
0x30: {  	v51 =	vor.u32 $0x2E, v2;
	[tilespmem:$0x1FF00] =	vst v50  }
0x31: {  	v52 =	vor.u32 $0x2F, v2;
	[tilespmem:$0x1FF10] =	vst v51  }
0x32: {  	v53 =	vor.u32 $0x30, v2;
	[tilespmem:$0x1FF20] =	vst v52  }
0x33: {  	v54 =	vor.u32 $0x31, v2;
	[tilespmem:$0x1FF30] =	vst v53  }
0x34: {  	s1 =	srdreg.scid;
	v55 =	vor.u32 $0x32, v2;
	[tilespmem:$0x1FF40] =	vst v54  }
0x35: {  	s0 =	stileid.u32;
	s12 =	simm.s32 $0x1280;
	s13 =	simm.s32 $0x10;
	v0 =	vor.u32 $0x33, v2;
	[tilespmem:$0x1FF50] =	vst v55  }
0x36: {  	s14 =	simm.s32 $0x280;
	s15 =	simm.s32 $0xA80;
	s16 =	simm.s32 $0x680;
	v56 =	vor.u32 $0x34, v2;
	[tilespmem:$0x1FF60] =	vst v0  }
0x37: {  	s17 =	simm.s32 $0x150;
	s18 =	simm.s32 $0xE80;
	s19 =	simm.s32 $0x1;
	v57 =	vor.u32 $0x35, v2;
	[tilespmem:$0x1FF70] =	vst v56  }
0x38: {  	s20 =	simm.s32 $0x3;
	s3 =	sand.u32 $0x1, s1;
	s5 =	sshll.u32 s0, $0x1;
	v58 =	vor.u32 $0x36, v2;
	[tilespmem:$0x1FF80] =	vst v57  }
0x39: {  	s21 =	simm.s32 $0x2;
	s22 =	simm.s32 $0x4;
	s5 =	sor.u32 s3, s5;
	v59 =	vor.u32 $0x37, v2;
	[tilespmem:$0x1FF90] =	vst v58  }
0x3a: {  	s23 =	simm.s32 $0x12C0;
	s31 =	ssub.s32 $0x2, s3;
	s9 =	smul.u32 $0x28, s5;
	v60 =	vor.u32 $0x38, v2;
	[tilespmem:$0x1FFA0] =	vst v59  }
.Ltmp0:
0x3b: {  	s24 =	simm.s32 $0x1400;
	s6 =	sshrl.u32 s31, $0x1;
	v61 =	vor.u32 $0x39, v2;
	[tilespmem:$0x1FFB0] =	vst v60;
	(pc) =	sbr.rel .LBB2_1-.Ltmp0, $4  }
0x3c: {  	s25 =	simm.s32 $0x0;
	s3 =	sadd.s32 $0xDA00, s4;
	v62 =	vor.u32 $0x3A, v2;
	s11 =	ssub.s32 s31, s6;
	[tilespmem:$0x1FFC0] =	vst v61  }
0x3d: {  	s10 =	sadd.s32 s9, s4;
	s4 =	sadd.s32 $0xD800, s4;
	s7 =	sadd.s32 s7, s9;
	[tilespmem:$0x1FFD0] =	vst v62  }
0x3e: {  	v63 =	vor.u32 $0x3B, v2;
	s8 =	sadd.s32 s8, s9;
	s9 =	smax.u32 s11, $0x1;
	s11 =	simm.s32 $0x140;
	[tilespmem:$0x1FFE0] =	vst v2  }
0x3f: {  	[tilespmem:$0x1FFF0] =	vst v63;
	s5 =	sadd.s32 $0xD200, s10;
	s6 =	sadd.s32 $0xCC00, s10;
	s10 =	simm.s32 $0x5  }
.LBB2_4:
0x40: {  	[hbm4b:s7+s2] =	stream.linear.scatter [tilespmem:s23], [sflag:$0x5], $0x140, $0x38;
	[tilespmem:$0x1540] =	vst v63  }
0x41: {  	s25 =	sadd.s32 $0x1, s25;
	_ =	swait.ge [sflag:s10], $0x140  }
0x42: {  	p0 =	sne.s32 s25, s9;
	[sflag:s10] =	ssyncset.done $0x0  }
.Ltmp1:
0x43: {  	[sflag:s10] =	ssyncadd.s32 $0xFFFFFEC0;
	(pc) =	sbr.rel @!p0 .LBB2_5-.Ltmp1, $4  }
0x44: {  	[hbm4b:s8+s2] =	stream.linear.scatter [tilespmem:s24], [sflag:$0x5], $0x140, $0x38;
	[tilespmem:$0x1540] =	vst v63  }
0x45: {  	_ =	swait.ge [sflag:s10], $0x140  }
0x46: {  	[sflag:s10] =	ssyncset.done $0x0  }
0x47: {  	[sflag:s10] =	ssyncadd.s32 $0xFFFFFEC0  }
.LBB2_1:
0x48: {  	[tilespmem:s2], [sflag:$0x5] =	stream.linear.gather [hbm4b:s5+s2], $0x140, $0x38;
	[tilespmem:$0x1540] =	vst v63  }
0x49: {  	_ =	swait.ge [sflag:s10], $0x140  }
0x4a: {  	[sflag:s10] =	ssyncset.done $0x0  }
0x4b: {  	[sflag:s10] =	ssyncadd.s32 $0xFFFFFEC0  }
0x4c: {  	[tilespmem:s11], [sflag:$0x5] =	stream.linear.gather [hbm4b:s6+s2], $0x140, $0x38;
	[tilespmem:$0x1540] =	vst v63  }
0x4d: {  	_ =	swait.ge [sflag:s10], $0x140  }
0x4e: {  	[sflag:s10] =	ssyncset.done $0x0  }
0x4f: {  	[sflag:s10] =	ssyncadd.s32 $0xFFFFFEC0  }
0x50: {  	[tilespmem:s12], [sflag:$0x5] =	stream.linear.gather [hbm4b:s4+s2], $0x40, $0x38;
	[tilespmem:$0x1540] =	vst v63  }
0x51: {  	_ =	swait.ge [sflag:s10], $0x40  }
0x52: {  	[sflag:s10] =	ssyncset.done $0x0  }
0x53: {  	[sflag:s10] =	ssyncadd.s32 $0xFFFFFFC0  }
0x54: {  	v60 =	vld [tilespmem:$0x1280]  }
0x55: {  	v61 =	vld [tilespmem:$0x1290];
	_ =	sdelay $0x3  }
0x56: {  	v60 =	vmul.f32 $1.442695020e+00, v60  }
0x57: {  	v61 =	vmul.f32 $1.442695020e+00, v61  }
0x58: {  	(erf) = vpow2.f32 v60  }
0x59: {  	v0 =	vld [tilespmem:$0x12A0];
	(erf) = vpow2.f32 v61;
	_ =	sdelay $0x1  }
0x5a: {  	v61 =	vld [tilespmem:$0x12B0];
	[tilespmem:s14], [sflag:$0x1] =	stream.indirect.gather [hbm4b:s3+s13], $0x40, s2, s13, $0xb8  }
0x5b: {  	_ = 	snop  }
0x5c: {  	[tilespmem:s15], [sflag:$0x3] =	stream.indirect.gather [hbm4b:s3+s13], $0x40, s11, s13, $0xb8;
	[tilespmem:$0x1540] =	vst v63  }
0x5d: {  	[tilespmem:$0x1FC00] =	vst v0  }
0x5e: {  	[tilespmem:s16], [sflag:$0x2] =	stream.indirect.gather [hbm4b:s3+s13], $0x40, s13, s13, $0xb8;
	[tilespmem:$0x1540] =	vst v63  }
0x5f: {  	[tilespmem:$0x1FC10] =	vst v61  }
0x60: {  	[tilespmem:s18], [sflag:$0x4] =	stream.indirect.gather [hbm4b:s3+s13], $0x40, s17, s13, $0xb8;
	v62 =	vpop (erf);
	[tilespmem:$0x1540] =	vst v63  }
0x61: {  	[tilespmem:$0x1FC20] =	vst v62;
	v63 =	vpop (erf)  }
0x62: {  	s26 =	simm.s32 $0x0;
	[tilespmem:$0x1FC30] =	vst v63  }
.LBB2_2:
0x63: {  	_ =	swait.ge [sflag:s19], $0x400  }
0x64: {  	[sflag:s19] =	ssyncset.done $0x0  }
0x65: {  	[sflag:s19] =	ssyncadd.s32 $0xFFFFFC00  }
0x66: {  	_ =	swait.ge [sflag:s20], $0x400  }
0x67: {  	v12 =	vld [tilespmem:$0x1FFE0]  }
0x68: {  	v0 =	vld [tilespmem:$0x1FC40]  }
0x69: {  	v18 =	vld [tilespmem:$0x1FC50]  }
0x6a: {  	v19 =	vld [tilespmem:$0x1FC60]  }
0x6b: {  	v21 =	vld [tilespmem:$0x1FC70]  }
0x6c: {  	v14 =	vld [tilespmem:$0x1FC80]  }
0x6d: {  	v15 =	vld [tilespmem:$0x1FC90]  }
0x6e: {  	[sflag:s20] =	ssyncset.done $0x0;
	v16 =	vld [tilespmem:$0x1FCA0]  }
0x6f: {  	v17 =	vld [tilespmem:$0x1FCB0];
	[sflag:s20] =	ssyncadd.s32 $0xFFFFFC00  }
0x70: {  	v60 =	vld.idx.msk [tilespmem:v12+s14+$0x0], $0xffff  }
0x71: {  	v61 =	vld.idx.msk [tilespmem:v12+s15+$0x0], $0xffff  }
0x72: {  	v62 =	vld.idx.msk [tilespmem:v0+s14+$0x0], $0xffff  }
0x73: {  	v63 =	vld.idx.msk [tilespmem:v0+s15+$0x0], $0xffff  }
0x74: {  	v1 =	vld.idx.msk [tilespmem:v18+s14+$0x0], $0xffff  }
0x75: {  	v2 =	vld.idx.msk [tilespmem:v18+s15+$0x0], $0xffff  }
0x76: {  	v3 =	vld.idx.msk [tilespmem:v19+s14+$0x0], $0xffff  }
0x77: {  	v4 =	vld.idx.msk [tilespmem:v19+s15+$0x0], $0xffff  }
0x78: {  	v22 =	vld.idx.msk [tilespmem:v21+s14+$0x0], $0xffff  }
0x79: {  	v23 =	vld.idx.msk [tilespmem:v21+s15+$0x0], $0xffff  }
0x7a: {  	v24 =	vld.idx.msk [tilespmem:v14+s14+$0x0], $0xffff  }
0x7b: {  	v5 =	vld.idx.msk [tilespmem:v14+s15+$0x0], $0xffff  }
0x7c: {  	v25 =	vld.idx.msk [tilespmem:v15+s14+$0x0], $0xffff  }
0x7d: {  	v26 =	vld.idx.msk [tilespmem:v15+s15+$0x0], $0xffff  }
0x7e: {  	v28 =	vld.idx.msk [tilespmem:v16+s14+$0x0], $0xffff  }
0x7f: {  	v29 =	vld.idx.msk [tilespmem:v16+s15+$0x0], $0xffff  }
0x80: {  	v31 =	vld.idx.msk [tilespmem:v17+s14+$0x0], $0xffff  }
0x81: {  	v32 =	vld.idx.msk [tilespmem:v17+s15+$0x0], $0xffff  }
0x82: {  	v18 =	vld [tilespmem:$0x1FCC0]  }
0x83: {  	v19 =	vld [tilespmem:$0x1FCD0]  }
0x84: {  	v21 =	vld [tilespmem:$0x1FCF0]  }
0x85: {  	v27 =	vsub.f32 v22, v23;
	v22 =	vld [tilespmem:$0x1FD00]  }
0x86: {  	v23 =	vld [tilespmem:$0x1FD10]  }
0x87: {  	v1 =	vsub.f32 v1, v2;
	v2 =	vsub.f32 v24, v5;
	v24 =	vld [tilespmem:$0x1FD20]  }
0x88: {  	v33 =	vsub.f32 v25, v26;
	v25 =	vld [tilespmem:$0x1FD30]  }
0x89: {  	v26 =	vld [tilespmem:$0x1FD40]  }
0x8a: {  	v37 =	vsub.f32 v28, v29;
	v28 =	vld [tilespmem:$0x1FD60]  }
0x8b: {  	v20 =	vsub.f32 v62, v63;
	v29 =	vld [tilespmem:$0x1FD70]  }
0x8c: {  	v41 =	vsub.f32 v31, v32;
	v31 =	vld [tilespmem:$0x1FD90]  }
0x8d: {  	v60 =	vsub.f32 v60, v61;
	v61 =	vmul.f32 v20, v20;
	v20 =	vld [tilespmem:$0x1FCE0]  }
0x8e: {  	v30 =	vmul.f32 v27, v27;
	v27 =	vld [tilespmem:$0x1FD50]  }
0x8f: {  	v34 =	vld.idx.msk [tilespmem:v18+s14+$0x0], $0xffff  }
0x90: {  	v35 =	vld.idx.msk [tilespmem:v18+s15+$0x0], $0xffff  }
0x91: {  	v38 =	vld.idx.msk [tilespmem:v19+s14+$0x0], $0xffff  }
0x92: {  	v39 =	vld.idx.msk [tilespmem:v19+s15+$0x0], $0xffff  }
0x93: {  	v46 =	vld.idx.msk [tilespmem:v21+s14+$0x0], $0xffff  }
0x94: {  	v47 =	vld.idx.msk [tilespmem:v21+s15+$0x0], $0xffff  }
0x95: {  	v50 =	vld.idx.msk [tilespmem:v22+s14+$0x0], $0xffff  }
0x96: {  	v51 =	vld.idx.msk [tilespmem:v22+s15+$0x0], $0xffff  }
0x97: {  	v54 =	vld.idx.msk [tilespmem:v23+s14+$0x0], $0xffff  }
0x98: {  	v55 =	vld.idx.msk [tilespmem:v23+s15+$0x0], $0xffff  }
0x99: {  	v60 =	vmul.f32 v60, v60;
	v58 =	vld.idx.msk [tilespmem:v24+s14+$0x0], $0xffff  }
0x9a: {  	v59 =	vld.idx.msk [tilespmem:v24+s15+$0x0], $0xffff  }
0x9b: {  	v3 =	vsub.f32 v3, v4;
	v1 =	vmul.f32 v1, v1;
	v60 =	vadd.f32 v61, v60;
	v8 =	vld.idx.msk [tilespmem:v25+s14+$0x0], $0xffff  }
0x9c: {  	v9 =	vld.idx.msk [tilespmem:v25+s15+$0x0], $0xffff  }
0x9d: {  	v3 =	vmul.f32 v3, v3;
	v1 =	vadd.f32 v1, v60;
	v13 =	vld.idx.msk [tilespmem:v26+s14+$0x0], $0xffff  }
0x9e: {  	v32 =	vld.idx.msk [tilespmem:v26+s15+$0x0], $0xffff  }
0x9f: {  	v1 =	vadd.f32 v3, v1;
	v49 =	vsub.f32 v38, v39;
	v39 =	vld.idx.msk [tilespmem:v28+s14+$0x0], $0xffff  }
0xa0: {  	v42 =	vld.idx.msk [tilespmem:v20+s14+$0x0], $0xffff  }
0xa1: {  	v2 =	vmul.f32 v2, v2;
	v1 =	vadd.f32 v30, v1;
	v43 =	vld.idx.msk [tilespmem:v20+s15+$0x0], $0xffff  }
0xa2: {  	v45 =	vsub.f32 v34, v35;
	v35 =	vld.idx.msk [tilespmem:v27+s14+$0x0], $0xffff  }
0xa3: {  	v36 =	vmul.f32 v33, v33;
	v30 =	vld [tilespmem:$0x1FD80];
	v1 =	vadd.f32 v2, v1  }
0xa4: {  	v7 =	vsub.f32 v50, v51;
	v51 =	vld.idx.msk [tilespmem:v31+s14+$0x0], $0xffff  }
0xa5: {  	v1 =	vadd.f32 v36, v1;
	v36 =	vld.idx.msk [tilespmem:v27+s15+$0x0], $0xffff  }
0xa6: {  	v34 =	vsub.f32 v58, v59;
	v53 =	vsub.f32 v42, v43;
	v43 =	vld.idx.msk [tilespmem:v29+s14+$0x0], $0xffff  }
0xa7: {  	v40 =	vmul.f32 v37, v37;
	v38 =	vsub.f32 v8, v9;
	v42 =	vsub.f32 v13, v32;
	v32 =	vld [tilespmem:$0x1FDA0]  }
0xa8: {  	v37 =	vmul.f32 v34, v34;
	v34 =	vld [tilespmem:$0x1FDC0]  }
0xa9: {  	v44 =	vmul.f32 v41, v41;
	v41 =	vmul.f32 v38, v38;
	v38 =	vld [tilespmem:$0x1FE00];
	v1 =	vadd.f32 v40, v1  }
0xaa: {  	v40 =	vld.idx.msk [tilespmem:v28+s15+$0x0], $0xffff  }
0xab: {  	v1 =	vadd.f32 v44, v1;
	v44 =	vld.idx.msk [tilespmem:v29+s15+$0x0], $0xffff  }
0xac: {  	v57 =	vsub.f32 v46, v47;
	v48 =	vmul.f32 v45, v45;
	v47 =	vld.idx.msk [tilespmem:v30+s14+$0x0], $0xffff  }
0xad: {  	v46 =	vsub.f32 v35, v36;
	v35 =	vld [tilespmem:$0x1FDD0]  }
0xae: {  	v52 =	vmul.f32 v49, v49;
	v36 =	vld [tilespmem:$0x1FDE0];
	v1 =	vadd.f32 v48, v1  }
0xaf: {  	v48 =	vld.idx.msk [tilespmem:v30+s15+$0x0], $0xffff  }
0xb0: {  	v56 =	vmul.f32 v53, v53;
	v50 =	vsub.f32 v39, v40;
	v39 =	vld [tilespmem:$0x1FE10];
	v1 =	vadd.f32 v52, v1  }
0xb1: {  	v11 =	vsub.f32 v54, v55;
	v52 =	vld.idx.msk [tilespmem:v31+s15+$0x0], $0xffff  }
0xb2: {  	v6 =	vmul.f32 v57, v57;
	v55 =	vld.idx.msk [tilespmem:v32+s14+$0x0], $0xffff;
	v1 =	vadd.f32 v56, v1  }
0xb3: {  	v33 =	vmul.f32 v11, v11;
	v11 =	vld.idx.msk [tilespmem:v34+s14+$0x0], $0xffff  }
0xb4: {  	v10 =	vmul.f32 v7, v7;
	v54 =	vsub.f32 v43, v44;
	v13 =	vld.idx.msk [tilespmem:v34+s15+$0x0], $0xffff;
	v1 =	vadd.f32 v6, v1  }
0xb5: {  	v56 =	vld.idx.msk [tilespmem:v32+s15+$0x0], $0xffff  }
0xb6: {  	v57 =	vmul.f32 v54, v54;
	v54 =	vld.idx.msk [tilespmem:v38+s14+$0x0], $0xffff;
	v1 =	vadd.f32 v10, v1  }
0xb7: {  	v45 =	vmul.f32 v42, v42;
	v42 =	vld.idx.msk [tilespmem:v35+s14+$0x0], $0xffff  }
0xb8: {  	v1 =	vadd.f32 v33, v1;
	v33 =	vld [tilespmem:$0x1FDB0]  }
0xb9: {  	v43 =	vld.idx.msk [tilespmem:v35+s15+$0x0], $0xffff  }
0xba: {  	v49 =	vmul.f32 v46, v46;
	v46 =	vld.idx.msk [tilespmem:v36+s14+$0x0], $0xffff;
	v1 =	vadd.f32 v37, v1  }
0xbb: {  	v58 =	vsub.f32 v47, v48;
	v47 =	vld.idx.msk [tilespmem:v36+s15+$0x0], $0xffff  }
0xbc: {  	v37 =	vld [tilespmem:$0x1FDF0];
	v1 =	vadd.f32 v41, v1  }
0xbd: {  	v9 =	vmul.f32 v58, v58;
	v58 =	vld.idx.msk [tilespmem:v39+s14+$0x0], $0xffff;
	v41 =	vsub.f32 v55, v56  }
0xbe: {  	v55 =	vld.idx.msk [tilespmem:v38+s15+$0x0], $0xffff;
	v1 =	vadd.f32 v45, v1  }
0xbf: {  	v44 =	vmul.f32 v41, v41;
	v41 =	vld [tilespmem:$0x1FE30]  }
0xc0: {  	v53 =	vmul.f32 v50, v50;
	v1 =	vadd.f32 v49, v1;
	v59 =	vld.idx.msk [tilespmem:v33+s14+$0x0], $0xffff  }
0xc1: {  	v8 =	vld.idx.msk [tilespmem:v33+s15+$0x0], $0xffff  }
0xc2: {  	v1 =	vadd.f32 v53, v1;
	v53 =	vsub.f32 v42, v43;
	v42 =	vld [tilespmem:$0x1FE40]  }
0xc3: {  	v43 =	vld [tilespmem:$0x1FE50]  }
0xc4: {  	v50 =	vld.idx.msk [tilespmem:v37+s14+$0x0], $0xffff  }
0xc5: {  	v10 =	vsub.f32 v51, v52;
	v51 =	vld.idx.msk [tilespmem:v37+s15+$0x0], $0xffff;
	v1 =	vadd.f32 v57, v1  }
0xc6: {  	v45 =	vsub.f32 v59, v8;
	v59 =	vld.idx.msk [tilespmem:v39+s15+$0x0], $0xffff  }
0xc7: {  	v40 =	vmul.f32 v10, v10;
	v49 =	vsub.f32 v11, v13;
	v1 =	vadd.f32 v9, v1;
	v13 =	vld.idx.msk [tilespmem:v41+s14+$0x0], $0xffff  }
0xc8: {  	v48 =	vmul.f32 v45, v45;
	v45 =	vld.idx.msk [tilespmem:v41+s15+$0x0], $0xffff  }
0xc9: {  	v1 =	vadd.f32 v40, v1;
	v40 =	vld [tilespmem:$0x1FE20]  }
0xca: {  	v52 =	vmul.f32 v49, v49;
	v49 =	vld.idx.msk [tilespmem:v42+s15+$0x0], $0xffff  }
0xcb: {  	v56 =	vmul.f32 v53, v53;
	v1 =	vadd.f32 v44, v1;
	v53 =	vld.idx.msk [tilespmem:v43+s15+$0x0], $0xffff  }
0xcc: {  	v57 =	vsub.f32 v46, v47;
	v44 =	vld [tilespmem:$0x1FE60]  }
0xcd: {  	v47 =	vsub.f32 v58, v59;
	v1 =	vadd.f32 v48, v1;
	v48 =	vld.idx.msk [tilespmem:v42+s14+$0x0], $0xffff  }
0xce: {  	v11 =	vsub.f32 v54, v55;
	v55 =	vsub.f32 v13, v45;
	v45 =	vld [tilespmem:$0x1FE70]  }
0xcf: {  	v7 =	vsub.f32 v50, v51;
	v50 =	vmul.f32 v47, v47;
	v47 =	vld [tilespmem:$0x1FE90];
	v1 =	vadd.f32 v52, v1  }
0xd0: {  	v52 =	vld.idx.msk [tilespmem:v43+s14+$0x0], $0xffff  }
0xd1: {  	v6 =	vmul.f32 v57, v57;
	v1 =	vadd.f32 v56, v1;
	v8 =	vld.idx.msk [tilespmem:v40+s14+$0x0], $0xffff  }
0xd2: {  	v9 =	vld.idx.msk [tilespmem:v40+s15+$0x0], $0xffff  }
0xd3: {  	v10 =	vmul.f32 v7, v7;
	v59 =	vsub.f32 v48, v49;
	v48 =	vld [tilespmem:$0x1FEA0];
	v1 =	vadd.f32 v6, v1  }
0xd4: {  	v49 =	vld [tilespmem:$0x1FEB0]  }
0xd5: {  	v46 =	vmul.f32 v11, v11;
	v56 =	vld.idx.msk [tilespmem:v44+s14+$0x0], $0xffff;
	v1 =	vadd.f32 v10, v1  }
0xd6: {  	v57 =	vld.idx.msk [tilespmem:v44+s15+$0x0], $0xffff  }
0xd7: {  	v1 =	vadd.f32 v46, v1;
	v46 =	vld [tilespmem:$0x1FE80]  }
0xd8: {  	v58 =	vmul.f32 v55, v55;
	v55 =	vld.idx.msk [tilespmem:v47+s14+$0x0], $0xffff;
	v51 =	vsub.f32 v8, v9  }
0xd9: {  	v8 =	vld.idx.msk [tilespmem:v45+s14+$0x0], $0xffff  }
0xda: {  	v9 =	vld.idx.msk [tilespmem:v45+s15+$0x0], $0xffff;
	v54 =	vmul.f32 v51, v51;
	v1 =	vadd.f32 v50, v1  }
0xdb: {  	v51 =	vld [tilespmem:$0x1FED0]  }
0xdc: {  	v50 =	vld [tilespmem:$0x1FEC0];
	v1 =	vadd.f32 v54, v1  }
0xdd: {  	v11 =	vsub.f32 v52, v53;
	v10 =	vmul.f32 v59, v59;
	v59 =	vld.idx.msk [tilespmem:v48+s14+$0x0], $0xffff  }
0xde: {  	v54 =	vsub.f32 v56, v57;
	v56 =	vld.idx.msk [tilespmem:v47+s15+$0x0], $0xffff;
	v1 =	vadd.f32 v58, v1  }
0xdf: {  	v13 =	vld.idx.msk [tilespmem:v46+s14+$0x0], $0xffff  }
0xe0: {  	v53 =	vmul.f32 v11, v11;
	v52 =	vld.idx.msk [tilespmem:v46+s15+$0x0], $0xffff;
	v1 =	vadd.f32 v10, v1  }
0xe1: {  	v11 =	vld.idx.msk [tilespmem:v49+s14+$0x0], $0xffff  }
0xe2: {  	v1 =	vadd.f32 v53, v1;
	v53 =	vld [tilespmem:$0x1FEF0]  }
0xe3: {  	v57 =	vmul.f32 v54, v54;
	v58 =	vsub.f32 v8, v9;
	v8 =	vld.idx.msk [tilespmem:v48+s15+$0x0], $0xffff  }
0xe4: {  	v55 =	vsub.f32 v55, v56;
	v56 =	vld.idx.msk [tilespmem:v50+s14+$0x0], $0xffff  }
0xe5: {  	v9 =	vmul.f32 v58, v58;
	v1 =	vadd.f32 v57, v1;
	v57 =	vld.idx.msk [tilespmem:v50+s15+$0x0], $0xffff;
	v10 =	vsub.f32 v13, v52  }
0xe6: {  	v13 =	vld.idx.msk [tilespmem:v49+s15+$0x0], $0xffff  }
0xe7: {  	v52 =	vld [tilespmem:$0x1FEE0];
	v1 =	vadd.f32 v9, v1;
	v54 =	vmul.f32 v10, v10  }
0xe8: {  	v4 =	vld.idx.msk [tilespmem:v51+s14+$0x0], $0xffff  }
0xe9: {  	v58 =	vmul.f32 v55, v55;
	v1 =	vadd.f32 v54, v1;
	v54 =	vld [tilespmem:$0x1FF00]  }
0xea: {  	v59 =	vsub.f32 v59, v8;
	v56 =	vsub.f32 v56, v57;
	v57 =	vld.idx.msk [tilespmem:v53+s14+$0x0], $0xffff  }
0xeb: {  	v1 =	vadd.f32 v58, v1;
	v58 =	vld.idx.msk [tilespmem:v53+s15+$0x0], $0xffff  }
0xec: {  	v61 =	vld.idx.msk [tilespmem:v51+s15+$0x0], $0xffff;
	v8 =	vmul.f32 v59, v59;
	v9 =	vsub.f32 v11, v13  }
0xed: {  	v55 =	vld [tilespmem:$0x1FF10]  }
0xee: {  	v13 =	vmul.f32 v9, v9;
	v1 =	vadd.f32 v8, v1  }
0xef: {  	v10 =	vld.idx.msk [tilespmem:v52+s14+$0x0], $0xffff  }
0xf0: {  	v1 =	vadd.f32 v13, v1;
	v13 =	vsub.f32 v57, v58;
	v57 =	vld [tilespmem:$0x1FF30]  }
0xf1: {  	v11 =	vld.idx.msk [tilespmem:v52+s15+$0x0], $0xffff  }
0xf2: {  	v8 =	vsub.f32 v4, v61;
	v4 =	vld.idx.msk [tilespmem:v54+s14+$0x0], $0xffff  }
0xf3: {  	v61 =	vld.idx.msk [tilespmem:v54+s15+$0x0], $0xffff  }
0xf4: {  	v59 =	vmul.f32 v56, v56;
	v56 =	vld [tilespmem:$0x1FF20]  }
0xf5: {  	v62 =	vld.idx.msk [tilespmem:v55+s14+$0x0], $0xffff  }
0xf6: {  	v63 =	vld.idx.msk [tilespmem:v55+s15+$0x0], $0xffff;
	v9 =	vmul.f32 v8, v8;
	v1 =	vadd.f32 v59, v1;
	v10 =	vsub.f32 v10, v11  }
0xf7: {  	v58 =	vld [tilespmem:$0x1FF40]  }
0xf8: {  	v1 =	vadd.f32 v9, v1;
	v11 =	vmul.f32 v10, v10;
	v9 =	vsub.f32 v4, v61;
	v4 =	vld.idx.msk [tilespmem:v57+s14+$0x0], $0xffff  }
0xf9: {  	v61 =	vld.idx.msk [tilespmem:v57+s15+$0x0], $0xffff  }
0xfa: {  	v59 =	vld [tilespmem:$0x1FF50];
	v8 =	vmul.f32 v13, v13;
	v1 =	vadd.f32 v11, v1;
	_ =	sdelay $0x1  }
0xfb: {  	v5 =	vld.idx.msk [tilespmem:v56+s14+$0x0], $0xffff;
	v11 =	vsub.f32 v62, v63;
	v1 =	vadd.f32 v8, v1;
	v10 =	vmul.f32 v9, v9  }
0xfc: {  	v60 =	vld.idx.msk [tilespmem:v56+s15+$0x0], $0xffff  }
0xfd: {  	v13 =	vmul.f32 v11, v11;
	v11 =	vld [tilespmem:$0x1FF60];
	v1 =	vadd.f32 v10, v1;
	v10 =	vsub.f32 v4, v61  }
0xfe: {  	v62 =	vld.idx.msk [tilespmem:v58+s14+$0x0], $0xffff  }
0xff: {  	v1 =	vadd.f32 v13, v1;
	v13 =	vmul.f32 v10, v10;
	v10 =	vld [tilespmem:$0x1FF80]  }
0x100: {  	v63 =	vld.idx.msk [tilespmem:v58+s15+$0x0], $0xffff  }
0x101: {  	v8 =	vsub.f32 v5, v60;
	v5 =	vld.idx.msk [tilespmem:v59+s14+$0x0], $0xffff  }
0x102: {  	v60 =	vld.idx.msk [tilespmem:v59+s15+$0x0], $0xffff  }
0x103: {  	v9 =	vmul.f32 v8, v8  }
0x104: {  	v7 =	vld [tilespmem:$0x1FF70]  }
0x105: {  	v6 =	vsub.f32 v62, v63;
	v1 =	vadd.f32 v9, v1;
	v4 =	vld.idx.msk [tilespmem:v11+s14+$0x0], $0xffff  }
0x106: {  	v61 =	vld.idx.msk [tilespmem:v11+s15+$0x0], $0xffff  }
0x107: {  	v9 =	vsub.f32 v5, v60;
	v8 =	vmul.f32 v6, v6;
	v1 =	vadd.f32 v13, v1;
	v5 =	vld.idx.msk [tilespmem:v10+s14+$0x0], $0xffff  }
0x108: {  	v60 =	vld.idx.msk [tilespmem:v10+s15+$0x0], $0xffff  }
0x109: {  	v11 =	vmul.f32 v9, v9;
	v1 =	vadd.f32 v8, v1;
	v8 =	vld [tilespmem:$0x1FF90];
	_ =	sdelay $0x1  }
0x10a: {  	v13 =	vsub.f32 v4, v61;
	v1 =	vadd.f32 v11, v1;
	v11 =	vld [tilespmem:$0x1FFA0]  }
0x10b: {  	v62 =	vld.idx.msk [tilespmem:v7+s14+$0x0], $0xffff  }
0x10c: {  	v9 =	vmul.f32 v13, v13;
	v13 =	vsub.f32 v5, v60;
	v60 =	vld [tilespmem:$0x1FFB0]  }
0x10d: {  	v63 =	vld.idx.msk [tilespmem:v7+s15+$0x0], $0xffff;
	_ =	sdelay $0x2  }
0x10e: {  	v4 =	vld.idx.msk [tilespmem:v8+s14+$0x0], $0xffff  }
0x10f: {  	v61 =	vld.idx.msk [tilespmem:v8+s15+$0x0], $0xffff  }
0x110: {  	v10 =	vsub.f32 v62, v63;
	v62 =	vld.idx.msk [tilespmem:v11+s14+$0x0], $0xffff  }
0x111: {  	v63 =	vld.idx.msk [tilespmem:v11+s15+$0x0], $0xffff  }
0x112: {  	v11 =	vld.idx.msk [tilespmem:v60+s14+$0x0], $0xffff  }
0x113: {  	v1 =	vadd.f32 v9, v1;
	v6 =	vld.idx.msk [tilespmem:v60+s15+$0x0], $0xffff  }
0x114: {  	v2 =	vmul.f32 v10, v10;
	v10 =	vmul.f32 v13, v13;
	v13 =	vsub.f32 v4, v61;
	v61 =	vld [tilespmem:$0x1FFC0];
	_ =	sdelay $0x1  }
0x115: {  	v1 =	vadd.f32 v2, v1;
	v2 =	vmul.f32 v13, v13;
	v13 =	vld [tilespmem:$0x1FFD0];
	_ =	sdelay $0x1  }
0x116: {  	v3 =	vsub.f32 v11, v6;
	v11 =	vld [tilespmem:$0x1FFF0];
	_ =	sdelay $0x3  }
0x117: {  	v4 =	vld.idx.msk [tilespmem:v61+s14+$0x0], $0xffff  }
0x118: {  	v0 =	vor.u32 $0x3C, v12;
	v7 =	vld.idx.msk [tilespmem:v61+s15+$0x0], $0xffff  }
0x119: {  	v1 =	vadd.f32 v10, v1;
	v63 =	vsub.f32 v62, v63;
	v8 =	vld.idx.msk [tilespmem:v13+s14+$0x0], $0xffff  }
0x11a: {  	v5 =	vor.u32 $0x3D, v12;
	v9 =	vld.idx.msk [tilespmem:v13+s15+$0x0], $0xffff  }
0x11b: {  	v1 =	vadd.f32 v2, v1;
	v2 =	vmul.f32 v63, v63;
	v10 =	vld.idx.msk [tilespmem:v11+s14+$0x0], $0xffff  }
0x11c: {  	v62 =	vor.u32 $0x3E, v12;
	v6 =	vld.idx.msk [tilespmem:v11+s15+$0x0], $0xffff  }
0x11d: {  	v1 =	vadd.f32 v2, v1;
	v2 =	vmul.f32 v3, v3;
	v3 =	vsub.f32 v4, v7;
	v4 =	vld.idx.msk [tilespmem:v0+s14+$0x0], $0xffff  }
0x11e: {  	v63 =	vor.u32 $0x3F, v12;
	v7 =	vld.idx.msk [tilespmem:v0+s15+$0x0], $0xffff  }
0x11f: {  	v1 =	vadd.f32 v2, v1;
	v2 =	vmul.f32 v3, v3;
	v3 =	vsub.f32 v8, v9;
	v8 =	vld.idx.msk [tilespmem:v5+s14+$0x0], $0xffff  }
0x120: {  	[tilespmem:$0x1FBF0] =	vst v5;
	v9 =	vld.idx.msk [tilespmem:v5+s15+$0x0], $0xffff  }
0x121: {  	v5 =	vld.idx.msk [tilespmem:v62+s14+$0x0], $0xffff;
	v1 =	vadd.f32 v2, v1;
	v2 =	vmul.f32 v3, v3;
	v10 =	vsub.f32 v10, v6  }
0x122: {  	v6 =	vld.idx.msk [tilespmem:v62+s15+$0x0], $0xffff  }
0x123: {  	v1 =	vadd.f32 v2, v1;
	v2 =	vmul.f32 v10, v10;
	v10 =	vsub.f32 v4, v7;
	v4 =	vld.idx.msk [tilespmem:v63+s14+$0x0], $0xffff  }
0x124: {  	v7 =	vld.idx.msk [tilespmem:v63+s15+$0x0], $0xffff  }
0x125: {  	v8 =	vsub.f32 v8, v9;
	v1 =	vadd.f32 v2, v1;
	v10 =	vmul.f32 v10, v10;
	_ =	sdelay $0x1  }
0x126: {  	v9 =	vmul.f32 v8, v8;
	v1 =	vadd.f32 v10, v1;
	v10 =	vsub.f32 v5, v6;
	_ =	sdelay $0x1  }
0x127: {  	v8 =	vsub.f32 v4, v7;
	v1 =	vadd.f32 v9, v1;
	v6 =	vmul.f32 v10, v10  }
0x128: {  	v10 =	vld [tilespmem:$0x1FC20]  }
0x129: {  	v9 =	vmul.f32 v8, v8;
	v1 =	vadd.f32 v6, v1;
	_ =	sdelay $0x1  }
0x12a: {  	v1 =	vadd.f32 v9, v1;
	_ =	sdelay $0x1  }
0x12b: {  	v2 =	vmul.f32 v1, v10;
	v10 =	vld [tilespmem:$0x1FC00];
	_ =	sdelay $0x4  }
0x12c: {  	v2 =	vsub.f32 v2, v10;
	_ =	sdelay $0x1  }
0x12d: {  	v2 =	vmul.f32 $1.442695020e+00, v2;
	_ =	sdelay $0x1  }
0x12e: {  	(erf) = vpow2.f32 v2;
	_ =	sdelay $0x1  }
0x12f: {  	v4 =	vld [tilespmem:$0x1FC30];
	_ =	sdelay $0x1  }
0x130: {  	v5 =	vld [tilespmem:$0x1FC10];
	_ =	sdelay $0x2  }
0x131: {  	v1 =	vmul.f32 v1, v4;
	_ =	sdelay $0x1  }
0x132: {  	v1 =	vsub.f32 v1, v5;
	v2 =	vpop (erf)  }
0x133: {  	v2 =	vadd.f32 $1.000000000e+00, v2  }
0x134: {  	v1 =	vmul.f32 $1.442695020e+00, v1  }
0x135: {  	(erf) = vrcp.f32 v2  }
0x136: {  	(erf) = vpow2.f32 v1;
	_ =	sdelay $0x7  }
0x137: {  	v6 =	vpop (erf)  }
0x138: {  	v7 =	vpop (erf)  }
0x139: {  	v2 =	vadd.f32 $1.000000000e+00, v7;
	_ =	sdelay $0x1  }
0x13a: {  	(erf) = vrcp.f32 v2;
	_ =	sdelay $0x7  }
0x13b: {  	s28 =	sshra.s32 s26, $0x2;
	p0 =	seq.s32 s26, $0x480  }
0x13c: {  	s29 =	sshra.s32 @!p0 s26, $0x2;
	[tilespmem:s28+$0x12C0] =	vst v6;
	v8 =	vpop (erf)  }
0x13d: {  	s31 =	simm.s32 @!p0 $0x10;
	s1 =	simm.s32 @!p0 $0x280;
	s30 =	sadd.s32 @!p0 $0x20, s29;
	[tilespmem:s28+$0x1400] =	vst v8  }
0x13e: {  	[tilespmem:s1], [sflag:$0x1] =	stream.indirect.gather @!p0 [hbm4b:s3+s31], $0x40, s30, s31, $0xb8;
	[tilespmem:$0x1540] =	vst v63  }
0x13f: {  	[tilespmem:$0x1FBE0] =	vst v0;
	s1 =	sadd.s32 @!p0 $0x160, s29;
	s29 =	simm.s32 @!p0 $0xA80  }
0x140: {  	[tilespmem:s29], [sflag:$0x3] =	stream.indirect.gather @!p0 [hbm4b:s3+s31], $0x40, s1, s31, $0xb8;
	[tilespmem:$0x1540] =	vst v63  }
0x141: {  	_ =	swait.ge [sflag:s21], $0x400  }
0x142: {  	[sflag:s21] =	ssyncset.done $0x0  }
0x143: {  	[sflag:s21] =	ssyncadd.s32 $0xFFFFFC00  }
0x144: {  	_ =	swait.ge [sflag:s22], $0x400  }
0x145: {  	v9 =	vld [tilespmem:$0x1FC40];
	_ =	sdelay $0x3  }
0x146: {  	[sflag:s22] =	ssyncset.done $0x0  }
0x147: {  	v8 =	vld [tilespmem:$0x1FC50];
	[sflag:s22] =	ssyncadd.s32 $0xFFFFFC00  }
0x148: {  	v1 =	vld.idx.msk [tilespmem:v12+s16+$0x0], $0xffff  }
0x149: {  	v2 =	vld.idx.msk [tilespmem:v12+s18+$0x0], $0xffff  }
0x14a: {  	v3 =	vld.idx.msk [tilespmem:v9+s16+$0x0], $0xffff  }
0x14b: {  	v12 =	vld.idx.msk [tilespmem:v9+s18+$0x0], $0xffff  }
0x14c: {  	v9 =	vld [tilespmem:$0x1FC60];
	_ =	sdelay $0x5  }
0x14d: {  	v5 =	vld.idx.msk [tilespmem:v8+s16+$0x0], $0xffff  }
0x14e: {  	v6 =	vld.idx.msk [tilespmem:v8+s18+$0x0], $0xffff  }
0x14f: {  	v7 =	vld.idx.msk [tilespmem:v9+s16+$0x0], $0xffff  }
0x150: {  	v8 =	vld.idx.msk [tilespmem:v9+s18+$0x0], $0xffff  }
0x151: {  	v9 =	vld [tilespmem:$0x1FC70];
	_ =	sdelay $0x7  }
0x152: {  	v1 =	vsub.f32 v1, v2;
	v12 =	vsub.f32 v3, v12;
	v3 =	vld.idx.msk [tilespmem:v9+s16+$0x0], $0xffff  }
0x153: {  	v4 =	vld.idx.msk [tilespmem:v9+s18+$0x0], $0xffff  }
0x154: {  	v1 =	vmul.f32 v1, v1;
	v5 =	vsub.f32 v5, v6;
	v6 =	vld.idx.msk [tilespmem:v14+s16+$0x0], $0xffff;
	v2 =	vmul.f32 v12, v12  }
0x155: {  	v9 =	vld.idx.msk [tilespmem:v14+s18+$0x0], $0xffff  }
0x156: {  	v12 =	vmul.f32 v5, v5;
	v1 =	vadd.f32 v2, v1;
	v14 =	vsub.f32 v7, v8;
	v7 =	vld.idx.msk [tilespmem:v15+s16+$0x0], $0xffff  }
0x157: {  	v8 =	vld.idx.msk [tilespmem:v15+s18+$0x0], $0xffff  }
0x158: {  	v5 =	vld.idx.msk [tilespmem:v16+s18+$0x0], $0xffff;
	v1 =	vadd.f32 v12, v1;
	v15 =	vmul.f32 v14, v14;
	v3 =	vsub.f32 v3, v4  }
0x159: {  	v4 =	vld.idx.msk [tilespmem:v16+s16+$0x0], $0xffff  }
0x15a: {  	v14 =	vld.idx.msk [tilespmem:v17+s18+$0x0], $0xffff;
	v1 =	vadd.f32 v15, v1;
	v16 =	vmul.f32 v3, v3  }
0x15b: {  	v12 =	vsub.f32 v6, v9;
	v6 =	vld.idx.msk [tilespmem:v17+s16+$0x0], $0xffff  }
0x15c: {  	v1 =	vadd.f32 v16, v1;
	v16 =	vsub.f32 v7, v8;
	v7 =	vld.idx.msk [tilespmem:v18+s16+$0x0], $0xffff  }
0x15d: {  	v8 =	vld.idx.msk [tilespmem:v18+s18+$0x0], $0xffff  }
0x15e: {  	v15 =	vmul.f32 v12, v12;
	v18 =	vsub.f32 v4, v5;
	v4 =	vld.idx.msk [tilespmem:v19+s16+$0x0], $0xffff  }
0x15f: {  	v5 =	vld.idx.msk [tilespmem:v19+s18+$0x0], $0xffff  }
0x160: {  	v1 =	vadd.f32 v15, v1;
	v15 =	vld.idx.msk [tilespmem:v20+s16+$0x0], $0xffff  }
0x161: {  	v17 =	vmul.f32 v16, v16;
	v16 =	vld.idx.msk [tilespmem:v20+s18+$0x0], $0xffff  }
0x162: {  	v14 =	vsub.f32 v6, v14;
	v19 =	vld.idx.msk [tilespmem:v21+s18+$0x0], $0xffff  }
0x163: {  	v12 =	vmul.f32 v18, v18;
	v1 =	vadd.f32 v17, v1;
	v18 =	vsub.f32 v7, v8;
	v7 =	vld.idx.msk [tilespmem:v21+s16+$0x0], $0xffff  }
0x164: {  	v21 =	vsub.f32 v4, v5;
	v4 =	vld.idx.msk [tilespmem:v22+s16+$0x0], $0xffff  }
0x165: {  	v17 =	vmul.f32 v14, v14;
	v1 =	vadd.f32 v12, v1;
	v12 =	vld.idx.msk [tilespmem:v22+s18+$0x0], $0xffff  }
0x166: {  	v15 =	vsub.f32 v15, v16;
	v16 =	vld.idx.msk [tilespmem:v23+s16+$0x0], $0xffff  }
0x167: {  	v20 =	vmul.f32 v18, v18;
	v1 =	vadd.f32 v17, v1;
	v17 =	vld.idx.msk [tilespmem:v23+s18+$0x0], $0xffff  }
0x168: {  	v14 =	vmul.f32 v21, v21;
	v21 =	vld.idx.msk [tilespmem:v24+s18+$0x0], $0xffff  }
0x169: {  	v1 =	vadd.f32 v20, v1;
	v20 =	vld.idx.msk [tilespmem:v24+s16+$0x0], $0xffff  }
0x16a: {  	v24 =	vld.idx.msk [tilespmem:v25+s16+$0x0], $0xffff  }
0x16b: {  	v23 =	vsub.f32 v4, v12;
	v12 =	vld.idx.msk [tilespmem:v25+s18+$0x0], $0xffff  }
0x16c: {  	v25 =	vld.idx.msk [tilespmem:v28+s18+$0x0], $0xffff  }
0x16d: {  	v18 =	vmul.f32 v15, v15;
	v19 =	vsub.f32 v7, v19;
	v15 =	vsub.f32 v16, v17;
	v16 =	vld.idx.msk [tilespmem:v26+s16+$0x0], $0xffff  }
0x16e: {  	v17 =	vld.idx.msk [tilespmem:v26+s18+$0x0], $0xffff  }
0x16f: {  	v1 =	vadd.f32 v14, v1;
	v22 =	vmul.f32 v19, v19;
	v19 =	vsub.f32 v20, v21;
	v20 =	vld.idx.msk [tilespmem:v27+s16+$0x0], $0xffff  }
0x170: {  	v21 =	vld.idx.msk [tilespmem:v27+s18+$0x0], $0xffff  }
0x171: {  	v1 =	vadd.f32 v18, v1;
	v18 =	vmul.f32 v15, v15;
	v15 =	vld.idx.msk [tilespmem:v30+s16+$0x0], $0xffff  }
0x172: {  	v14 =	vmul.f32 v23, v23;
	v23 =	vsub.f32 v24, v12;
	v24 =	vld.idx.msk [tilespmem:v28+s16+$0x0], $0xffff  }
0x173: {  	v1 =	vadd.f32 v22, v1;
	v28 =	vld.idx.msk [tilespmem:v29+s16+$0x0], $0xffff  }
0x174: {  	v29 =	vld.idx.msk [tilespmem:v29+s18+$0x0], $0xffff  }
0x175: {  	v22 =	vmul.f32 v19, v19;
	v19 =	vld.idx.msk [tilespmem:v31+s16+$0x0], $0xffff;
	v1 =	vadd.f32 v14, v1  }
0x176: {  	v27 =	vsub.f32 v16, v17;
	v16 =	vld.idx.msk [tilespmem:v30+s18+$0x0], $0xffff  }
0x177: {  	v26 =	vmul.f32 v23, v23;
	v23 =	vld.idx.msk [tilespmem:v32+s16+$0x0], $0xffff;
	v1 =	vadd.f32 v18, v1  }
0x178: {  	v14 =	vsub.f32 v20, v21;
	v20 =	vld.idx.msk [tilespmem:v31+s18+$0x0], $0xffff  }
0x179: {  	v12 =	vmul.f32 v27, v27;
	v27 =	vld.idx.msk [tilespmem:v33+s16+$0x0], $0xffff;
	v1 =	vadd.f32 v22, v1  }
0x17a: {  	v31 =	vld.idx.msk [tilespmem:v34+s16+$0x0], $0xffff  }
0x17b: {  	v18 =	vsub.f32 v24, v25;
	v24 =	vld.idx.msk [tilespmem:v32+s18+$0x0], $0xffff;
	v1 =	vadd.f32 v26, v1  }
0x17c: {  	v32 =	vld.idx.msk [tilespmem:v34+s18+$0x0], $0xffff  }
0x17d: {  	v17 =	vmul.f32 v14, v14;
	v22 =	vsub.f32 v28, v29;
	v28 =	vld.idx.msk [tilespmem:v33+s18+$0x0], $0xffff;
	v1 =	vadd.f32 v12, v1  }
0x17e: {  	v14 =	vld.idx.msk [tilespmem:v35+s18+$0x0], $0xffff  }
0x17f: {  	v21 =	vmul.f32 v18, v18;
	v18 =	vld.idx.msk [tilespmem:v36+s18+$0x0], $0xffff;
	v1 =	vadd.f32 v17, v1  }
0x180: {  	v25 =	vmul.f32 v22, v22;
	v26 =	vsub.f32 v15, v16;
	v22 =	vld.idx.msk [tilespmem:v37+s18+$0x0], $0xffff  }
0x181: {  	v30 =	vsub.f32 v19, v20;
	v12 =	vld.idx.msk [tilespmem:v35+s16+$0x0], $0xffff;
	v1 =	vadd.f32 v21, v1  }
0x182: {  	v29 =	vmul.f32 v26, v26;
	v26 =	vld.idx.msk [tilespmem:v38+s18+$0x0], $0xffff  }
0x183: {  	v34 =	vsub.f32 v23, v24;
	v33 =	vmul.f32 v30, v30;
	v30 =	vld.idx.msk [tilespmem:v39+s18+$0x0], $0xffff;
	v1 =	vadd.f32 v25, v1  }
0x184: {  	v20 =	vsub.f32 v31, v32;
	v17 =	vld.idx.msk [tilespmem:v36+s16+$0x0], $0xffff  }
0x185: {  	v16 =	vsub.f32 v27, v28;
	v15 =	vmul.f32 v34, v34;
	v34 =	vld.idx.msk [tilespmem:v40+s18+$0x0], $0xffff;
	v1 =	vadd.f32 v29, v1  }
0x186: {  	v23 =	vmul.f32 v20, v20;
	v20 =	vld.idx.msk [tilespmem:v44+s16+$0x0], $0xffff  }
0x187: {  	v19 =	vmul.f32 v16, v16;
	v16 =	vld.idx.msk [tilespmem:v43+s16+$0x0], $0xffff;
	v1 =	vadd.f32 v33, v1  }
0x188: {  	v21 =	vld.idx.msk [tilespmem:v37+s16+$0x0], $0xffff  }
0x189: {  	v37 =	vld.idx.msk [tilespmem:v41+s16+$0x0], $0xffff;
	v1 =	vadd.f32 v15, v1  }
0x18a: {  	v24 =	vsub.f32 v12, v14;
	v12 =	vld.idx.msk [tilespmem:v42+s18+$0x0], $0xffff  }
0x18b: {  	v25 =	vld.idx.msk [tilespmem:v38+s16+$0x0], $0xffff;
	v1 =	vadd.f32 v19, v1  }
0x18c: {  	v38 =	vld.idx.msk [tilespmem:v41+s18+$0x0], $0xffff  }
0x18d: {  	v41 =	vld.idx.msk [tilespmem:v42+s16+$0x0], $0xffff;
	v27 =	vmul.f32 v24, v24;
	v28 =	vsub.f32 v17, v18;
	v1 =	vadd.f32 v23, v1  }
0x18e: {  	v29 =	vld.idx.msk [tilespmem:v39+s16+$0x0], $0xffff  }
0x18f: {  	v17 =	vld.idx.msk [tilespmem:v43+s18+$0x0], $0xffff;
	v31 =	vmul.f32 v28, v28;
	v32 =	vsub.f32 v21, v22;
	v1 =	vadd.f32 v27, v1  }
0x190: {  	v33 =	vld.idx.msk [tilespmem:v40+s16+$0x0], $0xffff  }
0x191: {  	v24 =	vld.idx.msk [tilespmem:v45+s16+$0x0], $0xffff;
	v35 =	vmul.f32 v32, v32;
	v36 =	vsub.f32 v25, v26;
	v1 =	vadd.f32 v31, v1  }
0x192: {  	v21 =	vld.idx.msk [tilespmem:v44+s18+$0x0], $0xffff  }
0x193: {  	v28 =	vld.idx.msk [tilespmem:v46+s16+$0x0], $0xffff;
	v39 =	vmul.f32 v36, v36;
	v40 =	vsub.f32 v29, v30;
	v1 =	vadd.f32 v35, v1  }
0x194: {  	v44 =	vld.idx.msk [tilespmem:v50+s16+$0x0], $0xffff  }
0x195: {  	v25 =	vld.idx.msk [tilespmem:v45+s18+$0x0], $0xffff;
	v14 =	vmul.f32 v40, v40;
	v15 =	vsub.f32 v33, v34;
	v1 =	vadd.f32 v39, v1  }
0x196: {  	v32 =	vld.idx.msk [tilespmem:v47+s16+$0x0], $0xffff  }
0x197: {  	v45 =	vld.idx.msk [tilespmem:v50+s18+$0x0], $0xffff;
	v19 =	vsub.f32 v37, v38;
	v18 =	vmul.f32 v15, v15;
	v1 =	vadd.f32 v14, v1  }
0x198: {  	v29 =	vld.idx.msk [tilespmem:v46+s18+$0x0], $0xffff  }
0x199: {  	v36 =	vld.idx.msk [tilespmem:v48+s16+$0x0], $0xffff;
	v22 =	vmul.f32 v19, v19;
	v23 =	vsub.f32 v41, v12;
	v1 =	vadd.f32 v18, v1  }
0x19a: {  	v37 =	vld.idx.msk [tilespmem:v48+s18+$0x0], $0xffff  }
0x19b: {  	v48 =	vld.idx.msk [tilespmem:v51+s16+$0x0], $0xffff;
	v26 =	vmul.f32 v23, v23;
	v27 =	vsub.f32 v16, v17;
	v1 =	vadd.f32 v22, v1  }
0x19c: {  	v33 =	vld.idx.msk [tilespmem:v47+s18+$0x0], $0xffff  }
0x19d: {  	v40 =	vld.idx.msk [tilespmem:v49+s16+$0x0], $0xffff;
	v30 =	vmul.f32 v27, v27;
	v31 =	vsub.f32 v20, v21;
	v1 =	vadd.f32 v26, v1  }
0x19e: {  	v41 =	vld.idx.msk [tilespmem:v49+s18+$0x0], $0xffff  }
0x19f: {  	v49 =	vld.idx.msk [tilespmem:v51+s18+$0x0], $0xffff;
	v34 =	vmul.f32 v31, v31;
	v35 =	vsub.f32 v24, v25;
	v1 =	vadd.f32 v30, v1  }
0x1a0: {  	v12 =	vld.idx.msk [tilespmem:v52+s16+$0x0], $0xffff  }
0x1a1: {  	v17 =	vld.idx.msk [tilespmem:v53+s16+$0x0], $0xffff;
	v38 =	vmul.f32 v35, v35;
	v39 =	vsub.f32 v28, v29;
	v1 =	vadd.f32 v34, v1  }
0x1a2: {  	v16 =	vsub.f32 v44, v45;
	v45 =	vld [tilespmem:$0x1FF60];
	v47 =	vsub.f32 v36, v37  }
0x1a3: {  	v37 =	vld.idx.msk [tilespmem:v58+s16+$0x0], $0xffff;
	v43 =	vsub.f32 v32, v33;
	v42 =	vmul.f32 v39, v39;
	v1 =	vadd.f32 v38, v1  }
0x1a4: {  	v21 =	vld.idx.msk [tilespmem:v54+s16+$0x0], $0xffff  }
0x1a5: {  	v33 =	vld.idx.msk [tilespmem:v57+s16+$0x0], $0xffff;
	v46 =	vmul.f32 v43, v43;
	v1 =	vadd.f32 v42, v1  }
0x1a6: {  	v51 =	vsub.f32 v40, v41;
	v41 =	vld.idx.msk [tilespmem:v59+s16+$0x0], $0xffff  }
0x1a7: {  	v50 =	vmul.f32 v47, v47;
	v25 =	vld.idx.msk [tilespmem:v55+s16+$0x0], $0xffff;
	v1 =	vadd.f32 v46, v1  }
0x1a8: {  	v14 =	vld.idx.msk [tilespmem:v52+s18+$0x0], $0xffff  }
0x1a9: {  	v15 =	vmul.f32 v51, v51;
	v29 =	vld.idx.msk [tilespmem:v56+s16+$0x0], $0xffff;
	v1 =	vadd.f32 v50, v1  }
0x1aa: {  	v18 =	vld.idx.msk [tilespmem:v53+s18+$0x0], $0xffff  }
0x1ab: {  	v19 =	vmul.f32 v16, v16;
	v20 =	vsub.f32 v48, v49;
	v47 =	vld.idx.msk [tilespmem:v45+s18+$0x0], $0xffff;
	v1 =	vadd.f32 v15, v1  }
0x1ac: {  	v22 =	vld.idx.msk [tilespmem:v54+s18+$0x0], $0xffff  }
0x1ad: {  	v23 =	vmul.f32 v20, v20;
	v24 =	vsub.f32 v12, v14;
	v12 =	vld [tilespmem:$0x1FF90];
	v1 =	vadd.f32 v19, v1  }
0x1ae: {  	v26 =	vld.idx.msk [tilespmem:v55+s18+$0x0], $0xffff  }
0x1af: {  	v55 =	vld [tilespmem:$0x1FF80];
	v27 =	vmul.f32 v24, v24;
	v28 =	vsub.f32 v17, v18;
	v1 =	vadd.f32 v23, v1  }
0x1b0: {  	v30 =	vld.idx.msk [tilespmem:v56+s18+$0x0], $0xffff  }
0x1b1: {  	v31 =	vmul.f32 v28, v28;
	v32 =	vsub.f32 v21, v22;
	v50 =	vld [tilespmem:$0x1FF70];
	v1 =	vadd.f32 v27, v1  }
0x1b2: {  	v34 =	vld.idx.msk [tilespmem:v57+s18+$0x0], $0xffff  }
0x1b3: {  	v18 =	vld [tilespmem:$0x1FFA0];
	v35 =	vmul.f32 v32, v32;
	v36 =	vsub.f32 v25, v26;
	v1 =	vadd.f32 v31, v1  }
0x1b4: {  	v38 =	vld.idx.msk [tilespmem:v58+s18+$0x0], $0xffff  }
0x1b5: {  	v24 =	vld.idx.msk [tilespmem:v60+s18+$0x0], $0xffff;
	v39 =	vmul.f32 v36, v36;
	v40 =	vsub.f32 v29, v30;
	v1 =	vadd.f32 v35, v1  }
0x1b6: {  	v42 =	vld.idx.msk [tilespmem:v59+s18+$0x0], $0xffff  }
0x1b7: {  	v28 =	vld.idx.msk [tilespmem:v61+s18+$0x0], $0xffff;
	v43 =	vmul.f32 v40, v40;
	v44 =	vsub.f32 v33, v34;
	v1 =	vadd.f32 v39, v1  }
0x1b8: {  	v46 =	vld.idx.msk [tilespmem:v45+s16+$0x0], $0xffff  }
0x1b9: {  	v48 =	vmul.f32 v44, v44;
	v49 =	vsub.f32 v37, v38;
	v51 =	vld.idx.msk [tilespmem:v50+s16+$0x0], $0xffff;
	v1 =	vadd.f32 v43, v1  }
0x1ba: {  	v52 =	vld.idx.msk [tilespmem:v50+s18+$0x0], $0xffff  }
0x1bb: {  	v56 =	vld.idx.msk [tilespmem:v55+s16+$0x0], $0xffff;
	v53 =	vmul.f32 v49, v49;
	v54 =	vsub.f32 v41, v42;
	v1 =	vadd.f32 v48, v1  }
0x1bc: {  	v57 =	vld.idx.msk [tilespmem:v55+s18+$0x0], $0xffff  }
0x1bd: {  	v14 =	vld.idx.msk [tilespmem:v12+s16+$0x0], $0xffff;
	v58 =	vmul.f32 v54, v54;
	v59 =	vsub.f32 v46, v47;
	v1 =	vadd.f32 v53, v1  }
0x1be: {  	v15 =	vld.idx.msk [tilespmem:v12+s18+$0x0], $0xffff  }
0x1bf: {  	v20 =	vld.idx.msk [tilespmem:v18+s18+$0x0], $0xffff;
	v16 =	vmul.f32 v59, v59;
	v17 =	vsub.f32 v51, v52;
	v1 =	vadd.f32 v58, v1  }
0x1c0: {  	v19 =	vld.idx.msk [tilespmem:v18+s16+$0x0], $0xffff  }
0x1c1: {  	v22 =	vsub.f32 v56, v57;
	v39 =	vld [tilespmem:$0x1FBE0];
	v21 =	vmul.f32 v17, v17;
	v1 =	vadd.f32 v16, v1  }
0x1c2: {  	v23 =	vld.idx.msk [tilespmem:v60+s16+$0x0], $0xffff  }
0x1c3: {  	v44 =	vld [tilespmem:$0x1FBF0];
	v25 =	vmul.f32 v22, v22;
	v26 =	vsub.f32 v14, v15;
	v1 =	vadd.f32 v21, v1  }
0x1c4: {  	v27 =	vld.idx.msk [tilespmem:v61+s16+$0x0], $0xffff  }
0x1c5: {  	v32 =	vld.idx.msk [tilespmem:v13+s18+$0x0], $0xffff;
	v29 =	vmul.f32 v26, v26;
	v30 =	vsub.f32 v19, v20;
	v1 =	vadd.f32 v25, v1  }
0x1c6: {  	v31 =	vld.idx.msk [tilespmem:v13+s16+$0x0], $0xffff  }
0x1c7: {  	v36 =	vld.idx.msk [tilespmem:v11+s18+$0x0], $0xffff;
	v33 =	vmul.f32 v30, v30;
	v34 =	vsub.f32 v23, v24;
	v1 =	vadd.f32 v29, v1  }
0x1c8: {  	v35 =	vld.idx.msk [tilespmem:v11+s16+$0x0], $0xffff  }
0x1c9: {  	v37 =	vmul.f32 v34, v34;
	v38 =	vsub.f32 v27, v28;
	v40 =	vld.idx.msk [tilespmem:v39+s16+$0x0], $0xffff;
	v1 =	vadd.f32 v33, v1  }
0x1ca: {  	v41 =	vld.idx.msk [tilespmem:v39+s18+$0x0], $0xffff  }
0x1cb: {  	v45 =	vld.idx.msk [tilespmem:v44+s16+$0x0], $0xffff;
	v42 =	vmul.f32 v38, v38;
	v43 =	vsub.f32 v31, v32;
	v1 =	vadd.f32 v37, v1  }
0x1cc: {  	v46 =	vld.idx.msk [tilespmem:v44+s18+$0x0], $0xffff  }
0x1cd: {  	v49 =	vld.idx.msk [tilespmem:v62+s16+$0x0], $0xffff;
	v47 =	vmul.f32 v43, v43;
	v48 =	vsub.f32 v35, v36;
	v1 =	vadd.f32 v42, v1  }
0x1ce: {  	v50 =	vld.idx.msk [tilespmem:v62+s18+$0x0], $0xffff  }
0x1cf: {  	v54 =	vld.idx.msk [tilespmem:v63+s18+$0x0], $0xffff;
	v51 =	vmul.f32 v48, v48;
	v52 =	vsub.f32 v40, v41;
	v1 =	vadd.f32 v47, v1  }
0x1d0: {  	v53 =	vld.idx.msk [tilespmem:v63+s16+$0x0], $0xffff  }
0x1d1: {  	v55 =	vsub.f32 v45, v46;
	v3 =	vmul.f32 v52, v52;
	v1 =	vadd.f32 v51, v1;
	_ =	sdelay $0x1  }
0x1d2: {  	v56 =	vsub.f32 v49, v50;
	v2 =	vmul.f32 v55, v55;
	v1 =	vadd.f32 v3, v1;
	_ =	sdelay $0x1  }
0x1d3: {  	v57 =	vsub.f32 v53, v54;
	v3 =	vmul.f32 v56, v56;
	v1 =	vadd.f32 v2, v1  }
0x1d4: {  	v58 =	vld [tilespmem:$0x1FC20]  }
0x1d5: {  	v2 =	vmul.f32 v57, v57;
	v1 =	vadd.f32 v3, v1;
	_ =	sdelay $0x1  }
0x1d6: {  	v1 =	vadd.f32 v2, v1;
	_ =	sdelay $0x1  }
0x1d7: {  	v2 =	vmul.f32 v1, v58;
	_ =	sdelay $0x1  }
0x1d8: {  	v2 =	vsub.f32 v2, v10;
	_ =	sdelay $0x1  }
0x1d9: {  	v2 =	vmul.f32 $1.442695020e+00, v2;
	_ =	sdelay $0x1  }
0x1da: {  	(erf) = vpow2.f32 v2;
	_ =	sdelay $0x1  }
0x1db: {  	v59 =	vld [tilespmem:$0x1FC30];
	_ =	sdelay $0x1  }
0x1dc: {  	v60 =	vld [tilespmem:$0x1FC10];
	_ =	sdelay $0x2  }
0x1dd: {  	v1 =	vmul.f32 v1, v59;
	_ =	sdelay $0x1  }
0x1de: {  	v1 =	vsub.f32 v1, v60;
	v2 =	vpop (erf)  }
0x1df: {  	v2 =	vadd.f32 $1.000000000e+00, v2  }
0x1e0: {  	v1 =	vmul.f32 $1.442695020e+00, v1  }
0x1e1: {  	(erf) = vrcp.f32 v2  }
0x1e2: {  	(erf) = vpow2.f32 v1;
	_ =	sdelay $0x7  }
0x1e3: {  	v61 =	vpop (erf)  }
0x1e4: {  	v62 =	vpop (erf)  }
0x1e5: {  	v2 =	vadd.f32 $1.000000000e+00, v62;
	_ =	sdelay $0x1  }
0x1e6: {  	(erf) = vrcp.f32 v2;
	_ =	sdelay $0x5  }
.Ltmp2:
0x1e7: {  	_ = 	snop;
	(pc) =	sbr.rel @p0 .LBB2_4-.Ltmp2, $3  }
0x1e8: {  	_ =	sdelay $0x1  }
0x1e9: {  	[tilespmem:s28+$0x12D0] =	vst v61;
	v63 =	vpop (erf)  }
0x1ea: {  	[tilespmem:s28+$0x1410] =	vst v63  }
.Ltmp3:
0x1eb: {  	(pc) =	sbr.rel .LBB2_2-.Ltmp3, $4  }
0x1ec: {  	s1 =	sadd.s32 $0x30, s28  }
0x1ed: {  	[tilespmem:s16], [sflag:$0x2] =	stream.indirect.gather [hbm4b:s3+s13], $0x40, s1, s13, $0xb8;
	[tilespmem:$0x1540] =	vst v63  }
0x1ee: {  	s31 =	sadd.s32 $0x170, s28;
	s26 =	sadd.s32 $0x80, s26  }
0x1ef: {  	[tilespmem:s18], [sflag:$0x4] =	stream.indirect.gather [hbm4b:s3+s13], $0x40, s31, s13, $0xb8;
	[tilespmem:$0x1540] =	vst v63  }
.LBB2_5:
0x1f0: {  	_ =	sfence.sel $0x180000  }
0x1f1: {  	[bflag:$0x0] =	sbarrier.arrive $0xFFFF  }
0x1f2: {  	_ =	strace $0x90000050  }
0x1f3: {  	[bflag:$0x2] =	sbarrier.arrive $0xFFFF  }
0x1f4: {  	p0 =	sne.s32 s0, $0x0;
	s0 =	rddreg [dreg:$0x3]  }
0x1f5: {  	s0 =	sadd.s32 @!p0 $0x100000, s0  }
0x1f6: {  	[sflag:s0] =	ssyncadd.tile.s32 @!p0 $0x1;
	_ =	shalt  }
.Lfunc_end2:
_tile_overlayer_lowered:
.L_overlay_start_2:
0x1f7: {  	(tag) =	ssettag $0x2  }
0x1f8: {  	s0 =	rddreg [dreg:$0x0];
	s2 =	stileid.u32  }
0x1f9: {  	s1 =	rddreg [dreg:$0x1];
	p0 =	sne.s32 s2, $0x0  }
0x1fa: {  	s3 =	rddreg [dreg:$0x2];
	[bflag:$0x3] =	sbarrier.arrive $0xFFFF;
	s2 =	simm.s32 @!p0 $0x1C05  }
0x1fb: {  	[timem:s3], [sflag:s2] =	dma.local @!p0 [hbm:s0], s1  }
0x1fc: {  	s0 =	simm.s32 @!p0 $0x5  }
0x1fd: {  	_ =	swait.ge @!p0 [sflag:s0], s1  }
0x1fe: {  	s1 =	ssub.s32 @!p0 $0x0, s1;
	[sflag:s0] =	ssyncset.done @!p0 $0x0  }
0x1ff: {  	[sflag:s0] =	ssyncadd.s32 @!p0 s1  }
0x200: {  	[bflag:$0x3] =	sbarrier.arrive $0xFFFF  }
0x201: {  	_ =	shalt  }

// kernel: kernel.9.cloned.1.call-start
scs
__scs_entry_jumppad:
0x0: {  	(pc) =	sbr.rel $0x88, $3  }
0x1: {  	(tag) =	ssettag $0x0;
	lr =	simm.s32 $0x1  }
0x2: {  	[smem:$0x3F95] =	sst lr;
	_ =	strace $0xD0000000  }
0x3: {  	_ = 	snop  }
0x4: {  	_ = 	snop  }
0x5: {  	_ = 	snop  }
0x6: {  	_ = 	snop  }
0x7: {  	_ = 	snop  }
__scs_overlays_trampoline_lowered:
0x8: {  	[smem:$0x3FA4] =	sst s0  }
0x9: {  	[smem:$0x3FA5] =	sst s1  }
0xa: {  	[smem:$0x3FA6] =	sst s2  }
0xb: {  	[smem:$0x3FA7] =	sst s3  }
0xc: {  	[smem:$0x3FA8] =	sst s4  }
0xd: {  	[smem:$0x3FA9] =	sst s5  }
0xe: {  	[smem:$0x3FAA] =	sst s6  }
0xf: {  	[smem:$0x3FAB] =	sst s7  }
0x10: {  	[smem:$0x3FAC] =	sst s8  }
0x11: {  	[smem:$0x3FAD] =	sst s9;
	s0 =	simm.s32 @!p0 $0x0  }
0x12: {  	s1 =	sld [smem:$0x3F93];
	s0 =	simm.s32 @p0 $0x1  }
0x13: {  	[smem:$0x3FAE] =	sst s0;
	s0 =	simm.s32 @!p1 $0x0  }
0x14: {  	s2 =	sld [smem:$0x3F92];
	s0 =	simm.s32 @p1 $0x1  }
0x15: {  	[smem:$0x3FAF] =	sst s0;
	s0 =	simm.s32 @!p2 $0x0  }
0x16: {  	s3 =	sld [smem:$0x3FDB];
	s0 =	simm.s32 @p2 $0x1  }
0x17: {  	s4 =	simm.s32 $0x1BF5;
	[smem:$0x3FB1] =	sst s0  }
0x18: {  	s0 =	sld [smem:$0x3F94];
	_ =	swait.ge [sflag:s4], $0x0  }
0x19: {  	s7 =	sld [smem:$0x3F95]  }
0x1a: {  	s8 =	sadd.s32 $0xFFFFE003, lr  }
0x1b: {  	s9 =	sadd.s32 $0xFFFFFEF7, lr;
	s5 =	simm.s32 $0xFFFFFFFF;
	p2 =	slt.u32 s8, $0xFFFFF086  }
0x1c: {  	p1 =	slt.u32 s9, $0xF7A;
	s5 =	simm.s32 @!p2 $0x0  }
0x1d: {  	s5 =	simm.s32 @p1 $0x1;
	p0 =	seq.s32 s7, s2  }
0x1e: {  	s7 =	smul.u32 @!p0 $0xF7A, s2;
	p2 =	seq.s32 @!p0 s5, $0x0  }
0x1f: {  	s9 =	smul.u32 $0xF7A, s1;
	s8 =	simm.s32 @!p0 $0x1BF5;
	p2 =	por !p2, p0  }
0x20: {  	[sflag:s8] =	ssyncset.s32 @!p0 $0xFFFFF086;
	s6 =	sadd.s32 @!p0 s3, s7;
	s7 =	simm.s32 @!p0 $0x108  }
0x21: {  	s3 =	sadd.s32 s3, s9;
	s6 =	sadd.s32 @!p0 $0x88, s6;
	s7 =	simm.s32 @p2 $0x1082  }
0x22: {  	[simem:s7], [sflag:s8] =	dma.local @!p0 [hbm:s6], $0xF7A  }
0x23: {  	s9 =	sor.u32 $0xD0000000, s2;
	s6 =	simm.s32 $0x108;
	_ =	swait.ge @!p0 [sflag:s8], $0x0  }
0x24: {  	s3 =	sadd.s32 $0x88, s3;
	s6 =	simm.s32 @!p1 $0x1082;
	[sflag:s4] =	ssyncset.s32 $0xFFFFF086  }
0x25: {  	[simem:s6], [sflag:s4] =	dma.local [hbm:s3], $0xF7A  }
0x26: {  	[smem:$0x3F95] =	sst s1;
	(tag) =	ssettag s2;
	_ =	strace s9  }
0x27: {  	s1 =	sld [smem:$0x3FA5]  }
0x28: {  	s2 =	sld [smem:$0x3FA6]  }
0x29: {  	s4 =	sld [smem:$0x3FA8]  }
0x2a: {  	p0 =	seq.s32 s5, $0x0;
	s5 =	sld [smem:$0x3FA9]  }
0x2b: {  	s6 =	sld [smem:$0x3FAA]  }
0x2c: {  	s7 =	sld [smem:$0x3FAB]  }
0x2d: {  	s3 =	simm.s32 $0x108;
	s8 =	sld [smem:$0x3FAC]  }
0x2e: {  	s3 =	simm.s32 @!p0 $0x1082;
	s9 =	sld [smem:$0x3FAD]  }
0x2f: {  	lr =	sadd.s32 s0, s3;
	s0 =	sld [smem:$0x3FA4]  }
0x30: {  	s3 =	sld [smem:$0x3FA7]  }
0x31: {  	[smem:$0x3FB0] =	sst s10  }
0x32: {  	s10 =	sld [smem:$0x3FAE];
	_ =	sdelay $0x3  }
0x33: {  	p0 =	seq.s32 s10, $0x1;
	s10 =	sld [smem:$0x3FB0];
	_ =	sdelay $0x3  }
0x34: {  	[smem:$0x3FB0] =	sst s10  }
0x35: {  	s10 =	sld [smem:$0x3FAF];
	_ =	sdelay $0x3  }
0x36: {  	p1 =	seq.s32 s10, $0x1;
	s10 =	sld [smem:$0x3FB0];
	_ =	sdelay $0x3  }
0x37: {  	[smem:$0x3FB0] =	sst s10  }
0x38: {  	s10 =	sld [smem:$0x3FB1]  }
0x39: {  	_ = 	snop;
	(pc) =	sbr.ind lr, $3  }
0x3a: {  	_ = 	snop  }
0x3b: {  	_ = 	snop  }
0x3c: {  	p2 =	seq.s32 s10, $0x1;
	s10 =	sld [smem:$0x3FB0]  }
0x3d: {  	_ =	shalt  }
0x3e: {  	_ =	shalt  }
0x3f: {  	_ =	shalt  }
0x40: {  	_ =	shalt  }
0x41: {  	_ =	shalt  }
0x42: {  	_ =	shalt  }
0x43: {  	_ =	shalt  }
0x44: {  	_ =	shalt  }
0x45: {  	_ =	shalt  }
0x46: {  	_ =	shalt  }
0x47: {  	_ =	shalt  }
0x48: {  	_ =	shalt  }
0x49: {  	_ =	shalt  }
0x4a: {  	_ =	shalt  }
0x4b: {  	_ =	shalt  }
0x4c: {  	_ =	shalt  }
0x4d: {  	_ =	shalt  }
0x4e: {  	_ =	shalt  }
0x4f: {  	_ =	shalt  }
0x50: {  	_ =	shalt  }
0x51: {  	_ =	shalt  }
0x52: {  	_ =	shalt  }
0x53: {  	_ =	shalt  }
0x54: {  	_ =	shalt  }
0x55: {  	_ =	shalt  }
0x56: {  	_ =	shalt  }
0x57: {  	_ =	shalt  }
0x58: {  	_ =	shalt  }
0x59: {  	_ =	shalt  }
0x5a: {  	_ =	shalt  }
0x5b: {  	_ =	shalt  }
0x5c: {  	_ =	shalt  }
0x5d: {  	_ =	shalt  }
0x5e: {  	_ =	shalt  }
0x5f: {  	_ =	shalt  }
0x60: {  	_ =	shalt  }
0x61: {  	_ =	shalt  }
0x62: {  	_ =	shalt  }
0x63: {  	_ =	shalt  }
0x64: {  	_ =	shalt  }
0x65: {  	_ =	shalt  }
0x66: {  	_ =	shalt  }
0x67: {  	_ =	shalt  }
0x68: {  	_ =	shalt  }
0x69: {  	_ =	shalt  }
0x6a: {  	_ =	shalt  }
0x6b: {  	_ =	shalt  }
0x6c: {  	_ =	shalt  }
0x6d: {  	_ =	shalt  }
0x6e: {  	_ =	shalt  }
0x6f: {  	_ =	shalt  }
0x70: {  	_ =	shalt  }
0x71: {  	_ =	shalt  }
0x72: {  	_ =	shalt  }
0x73: {  	_ =	shalt  }
0x74: {  	_ =	shalt  }
0x75: {  	_ =	shalt  }
0x76: {  	_ =	shalt  }
0x77: {  	_ =	shalt  }
0x78: {  	_ =	shalt  }
0x79: {  	_ =	shalt  }
0x7a: {  	_ =	shalt  }
0x7b: {  	_ =	shalt  }
0x7c: {  	_ =	shalt  }
0x7d: {  	_ =	shalt  }
0x7e: {  	_ =	shalt  }
0x7f: {  	_ =	shalt  }
0x80: {  	_ =	shalt  }
0x81: {  	_ =	shalt  }
0x82: {  	_ =	shalt  }
0x83: {  	_ =	shalt  }
0x84: {  	_ =	shalt  }
0x85: {  	_ =	shalt  }
0x86: {  	_ =	shalt  }
0x87: {  	_ =	shalt  }
.Lfunc_end0:
.L_simem_size_0:
called_computation_lowered:
.L_overlay_start_0:
0x88: {  	s2 =	sld [smem:$0x3FD9]  }
0x89: {  	s3 =	sld [smem:$0x3FFE];
	_ =	sdelay $0x1  }
0x8a: {  	s1 =	srdreg.scid  }
0x8b: {  	s0 =	sand.u32 $0x1, s1  }
0x8c: {  	s14 =	sshll.u32 s0, $0xA;
	s2 =	sadd.s32 s3, s2  }
0x8d: {  	s2 =	sadd.s32 s2, s14  }
0x8e: {  	[smem:$0x3FBC] =	sst s2  }
0x8f: {  	_ = 	snop  }
0x90: {  	s2 =	sld [smem:$0x3FD0];
	_ =	sdelay $0x2  }
0x91: {  	s15 =	simm.s32 $0xA;
	s4 =	simm.s32 $0x10  }
0x92: {  	[smem:s4], [sflag:s15] =	dma.local [hbm:s2], $0x1  }
0x93: {  	_ =	swait.eq [sflag:s15], $0x1  }
0x94: {  	[sflag:s15] =	ssyncset.done $0x0  }
0x95: {  	[sflag:s15] =	ssyncadd.s32 $0xFFFFFFFF  }
0x96: {  	s16 =	sld [smem:$0x11];
	(tm) =	ssettm $0x1  }
0x97: {  	s17 =	sld [smem:$0x3FFB];
	_ =	sdelay $0x3  }
0x98: {  	_ =	strace s17  }
0x99: {  	s3 =	sld [smem:$0x3FFC];
	_ =	sdelay $0x3  }
0x9a: {  	_ =	strace s3  }
0x9b: {  	s3 =	sld [smem:$0x3FFD];
	_ =	sdelay $0x3  }
0x9c: {  	_ =	strace s3  }
0x9d: {  	_ =	strace $0x8FFFFFFF  }
0x9e: {  	s18 =	sld [smem:$0x3FDB];
	_ =	sdelay $0x1  }
0x9f: {  	s19 =	simm.s32 $_scs_section_size  }
0xa0: {  	s5 =	simm.s32 $_size__tile_overlayer_lowered;
	s6 =	simm.s32 $_tile_overlayer_lowered  }
0xa1: {  	s22 =	simm.s32 $0x1BFF;
	s21 =	sshll.u32 s6, $0x1;
	s3 =	sadd.s32 s19, s18  }
0xa2: {  	s7 =	simm.s32 $0x0;
	s20 =	sshll.u32 s5, $0x1;
	s5 =	sadd.s32 s21, s3  }
0xa3: {  	[timem:s7], [sflag:s22] =	dma.local [hbm:s5], s20  }
0xa4: {  	_ =	swait.ge [sflag:s22], s20  }
0xa5: {  	s4 =	ssub.s32 $0x0, s20;
	[sflag:s22] =	ssyncset.done $0x0  }
0xa6: {  	[sflag:s22] =	ssyncadd.s32 s4;
	_ =	sdelay $0x1  }
0xa7: {  	s23 =	simm.s32 $0x1B8B  }
0xa8: {  	_ =	swait.ge [sflag:s23], $0x1  }
0xa9: {  	[sflag:s23] =	ssyncset.done $0x0  }
0xaa: {  	s25 =	simm.s32 $0x1B8E;
	s24 =	sld [smem:$0x3FFE];
	[sflag:s23] =	ssyncadd.s32 $0xFFFFFFFF  }
0xab: {  	s26 =	simm.s32 $execute0_lowered;
	[smem:$0x3FD2] =	sst s25  }
0xac: {  	s5 =	sshll.u32 s26, $0x1;
	_ =	strace $0x80000046;
	[dreg:$0x1] =	wrdreg $0xFFFFFFFF  }
0xad: {  	s28 =	simm.s32 $_size_execute0_lowered;
	s3 =	sadd.s32 s3, s5;
	[dreg:$0x0] =	wrdreg $0x0  }
0xae: {  	s5 =	sshll.u32 s28, $0x1;
	[dreg:$0x2] =	wrdreg s3  }
0xaf: {  	[dreg:$0x3] =	wrdreg s5  }
0xb0: {  	[dreg:$0x4] =	wrdreg $0xC0  }
0xb1: {  	_ =	task [dreg:s7], $0x5FFFF  }
0xb2: {  	[dreg:$0x1] =	wrdreg $0xFFFFFFFF  }
0xb3: {  	[dreg:$0x0] =	wrdreg $0x60  }
0xb4: {  	[dreg:$0x2] =	wrdreg s24  }
0xb5: {  	[dreg:$0x3] =	wrdreg s16  }
0xb6: {  	[dreg:$0x4] =	wrdreg $0x30000  }
0xb7: {  	[dreg:$0x5] =	wrdreg $0x9  }
0xb8: {  	_ =	task.clear_ibuf [dreg:s7], $0x6FFFF;
	_ =	strace $0x90000046  }
0xb9: {  	s29 =	simm.s32 $0x9;
	_ =	strace $0x80000048  }
0xba: {  	_ =	swait.ge [sflag:s29], $0x1  }
0xbb: {  	[sflag:s29] =	ssyncadd.s32 $0xFFFFFFFF  }
0xbc: {  	_ =	strace $0x90000048  }
0xbd: {  	_ =	sfence  }
0xbe: {  	s30 =	sld [smem:$0x0];
	_ =	sdelay $0x2  }
0xbf: {  	s31 =	sshll.u32 s1, $0xD;
	s1 =	sshrl.u32 s1, $0x2  }
0xc0: {  	s3 =	sand.u32 $0x4000, s31;
	s1 =	sadd.s32 s1, s30  }
0xc1: {  	s0 =	sor.u32 s3, s0;
	s1 =	sshll.u32 s1, $0x11  }
0xc2: {  	s0 =	sor.u32 s1, s0  }
0xc3: {  	s0 =	sadd.s32 $0x8F2B, s0  }
0xc4: {  	[sflag:s0] =	ssyncadd.remote.s32 $0x1  }
0xc5: {  	_ =	sfence.sel $0xFFFF  }
0xc6: {  	[dreg:$0x0] =	wrdreg $0xFFFFFFFF;
	(pc) =	sbr.abs _section_cstart, $3  }
0xc7: {  	[dreg:$0x1] =	wrdreg $0xFFFFFFFF  }
0xc8: {  	_ =	task.clear_ibuf [dreg:s7], $0x2FFFF;
	_ =	strace $0x9FFFFFFF  }
0xc9: {  	(tm) =	ssettm $0x7FFFFFFF  }
tec
execute0_lowered:
.L_overlay_start_1:
0x0: {  	(tag) =	ssettag $0x1  }
0x1: {  	s1 =	srdreg.scid;
	s5 =	rddreg [dreg:$0x0]  }
0x2: {  	s0 =	stileid.u32;
	s2 =	rddreg [dreg:$0x1]  }
0x3: {  	s3 =	rddreg [dreg:$0x2];
	s4 =	simm.s32 $0x0;
	s13 =	simm.s32 $0x80  }
0x4: {  	s14 =	simm.s32 $0x1;
	s15 =	simm.s32 $0x0;
	s6 =	sand.u32 $0x1, s1  }
0x5: {  	s30 =	sshll.u32 s0, $0x1;
	s8 =	smul.u32 $0x2780, s0;
	[smem:$0x7FF] =	sst s4  }
0x6: {  	s31 =	sshll.u32 s0, $0x6;
	s1 =	sor.u32 s6, s30;
	s9 =	smul.u32 $0x27800, s6  }
0x7: {  	s6 =	ssub.s32 $0x2, s6;
	s7 =	smul.u32 $0x500, s1;
	s1 =	rddreg [dreg:$0x3]  }
0x8: {  	_ =	strace $0x80000047;
	s10 =	sshrl.u32 s8, $0x3;
	s11 =	sshrl.u32 s6, $0x1  }
0x9: {  	s12 =	sadd.s32 s8, s3;
	s9 =	sadd.s32 s8, s9;
	s10 =	sadd.s32 s10, s5  }
0xa: {  	s11 =	ssub.s32 s6, s11;
	s6 =	sor.u32 $0x1C02, s31;
	s9 =	sshrl.u32 s9, $0x3  }
0xb: {  	s7 =	sadd.s32 s7, s5;
	s9 =	sadd.s32 s9, s5;
	s5 =	sadd.s32 $0xCC00, s10  }
0xc: {  	s7 =	sadd.s32 $0x2C00, s7;
	s10 =	sshrl.u32 s12, $0x3;
	s12 =	simm.s32 $0x2800  }
0xd: {  	s8 =	sadd.s32 $0x11C00, s9;
	s9 =	smax.u32 s11, $0x1;
	s11 =	simm.s32 $0x2  }
.LBB2_1:
0xe: {  	[spmem:s10], [sflag:s6] =	dma.local [hbm:s5], $0x4F0  }
0xf: {  	_ =	swait.ge [sflag:s11], $0x4F0  }
0x10: {  	[sflag:s11] =	ssyncset.done $0x0  }
0x11: {  	[sflag:s11] =	ssyncadd.s32 $0xFFFFFB10  }
0x12: {  	[tilespmem:s4], [sflag:$0x2] =	stream.linear.gather [hbm4b:s7+s4], $0x2800, $0x38;
	[tilespmem:$0x5780] =	vst v63  }
0x13: {  	_ =	swait.ge [sflag:s11], $0x2800  }
0x14: {  	[sflag:s11] =	ssyncset.done $0x0  }
0x15: {  	[sflag:s11] =	ssyncadd.s32 $0xFFFFD800  }
0x16: {  	[tilespmem:s12], [sflag:$0x2] =	stream.linear.gather [hbm4b:s2+s4], $0x800, $0x38;
	[tilespmem:$0x5780] =	vst v63  }
0x17: {  	_ =	swait.ge [sflag:s11], $0x800  }
0x18: {  	[sflag:s11] =	ssyncset.done $0x0  }
0x19: {  	[sflag:s11] =	ssyncadd.s32 $0xFFFFF800  }
0x1a: {  	s16 =	simm.s32 $0x0;
	[bflag:$0x0] =	sbarrier.arrive $0xFFFF  }
.LBB2_2:
0x1b: {  	p0 =	sne.s32 s16, $0x9E00  }
.Ltmp0:
0x1c: {  	_ = 	snop;
	(pc) =	sbr.rel @p0 .LBB2_2-.Ltmp0, $3  }
0x1d: {  	_ =	sdelay $0x1  }
0x1e: {  	s17 =	sshra.s32 s16, $0x2;
	s16 =	sadd.s32 $0x200, s16  }
0x1f: {  	[spmem:s3] =	stream.indirect.scatter.add.f32 [tilespmem:s12], [sflag:$0x1], $0x10, s17, s13, $0xb8;
	[tilespmem:$0x5780] =	vst v63  }
0x20: {  	_ =	swait.ge [sflag:s14], $0x800  }
0x21: {  	s16 =	simm.s32 $0x4F;
	[sflag:s14] =	ssyncset.done $0x0  }
.LBB2_4:
0x22: {  	p0 =	sne.s32 s16, $0x1;
	s16 =	sadd.s32 $0xFFFFFFFF, s16;
	[sflag:s14] =	ssyncadd.s32 $0xFFFFF800  }
.Ltmp1:
0x23: {  	(pc) =	sbr.rel @p0 .LBB2_4-.Ltmp1, $3  }
0x24: {  	_ =	sdelay $0x1  }
0x25: {  	_ =	swait.ge [sflag:s14], $0x800  }
0x26: {  	[sflag:s14] =	ssyncset.done $0x0  }
0x27: {  	s15 =	sadd.s32 $0x1, s15  }
0x28: {  	[sflag:s14] =	ssyncadd.s32 $0xFFFFF800;
	p0 =	sne.s32 s15, s9  }
.Ltmp2:
0x29: {  	[bflag:$0x0] =	sbarrier.arrive $0xFFFF;
	(pc) =	sbr.rel @p0 .LBB2_1-.Ltmp2, $4  }
0x2a: {  	[hbm:s8], [sflag:s6] =	dma.local [spmem:s10], $0x4F0  }
0x2b: {  	_ =	swait.ge [sflag:s11], $0x4F0  }
0x2c: {  	[sflag:s11] =	ssyncset.done $0x0  }
0x2d: {  	[sflag:s11] =	ssyncadd.s32 $0xFFFFFB10  }
0x2e: {  	_ =	sfence.sel $0x180000  }
0x2f: {  	[bflag:$0x0] =	sbarrier.arrive $0xFFFF  }
0x30: {  	p0 =	sne.s32 s0, $0x0;
	_ =	strace $0x90000047  }
0x31: {  	s0 =	sadd.s32 @!p0 $0x100000, s1;
	[bflag:$0x2] =	sbarrier.arrive $0xFFFF  }
0x32: {  	[sflag:s0] =	ssyncadd.tile.s32 @!p0 $0x1;
	_ =	shalt  }
.Lfunc_end2:
_tile_overlayer_lowered:
.L_overlay_start_2:
0x33: {  	(tag) =	ssettag $0x2  }
0x34: {  	s0 =	rddreg [dreg:$0x0];
	s2 =	stileid.u32  }
0x35: {  	s1 =	rddreg [dreg:$0x1];
	p0 =	sne.s32 s2, $0x0  }
0x36: {  	s3 =	rddreg [dreg:$0x2];
	[bflag:$0x3] =	sbarrier.arrive $0xFFFF;
	s2 =	simm.s32 @!p0 $0x1C02  }
0x37: {  	[timem:s3], [sflag:s2] =	dma.local @!p0 [hbm:s0], s1  }
0x38: {  	s0 =	simm.s32 @!p0 $0x2  }
0x39: {  	_ =	swait.ge @!p0 [sflag:s0], s1  }
0x3a: {  	s1 =	ssub.s32 @!p0 $0x0, s1;
	[sflag:s0] =	ssyncset.done @!p0 $0x0  }
0x3b: {  	[sflag:s0] =	ssyncadd.s32 @!p0 s1  }
0x3c: {  	[bflag:$0x3] =	sbarrier.arrive $0xFFFF  }
0x3d: {  	_ =	shalt  }

</sc_bundles>
